<compile_context>
chip_gen: v7x
topology: tpu7x:2x2x1
jax: 0.10.2.dev20260603
libtpu: 0.0.44.dev20260713+nightly
codegen_flags: <defaults>
</compile_context>

<pallas_src>
import functools

import jax
import jax.numpy as jnp
from jax import lax
from jax.experimental import pallas as pl
from jax.experimental.pallas import tpu as pltpu
from jax.experimental.pallas import tpu_sc as plsc

H = 128
PD = 27
LD = 13
KNN = 16
NG = 16
LAYERS = 3
B = 256
NP_ = 8000
NL = 2000
N = NP_ + NL
NPAD = 10240
NEPAD = NPAD * KNN
KROWS = 128
KGRID = NPAD // KROWS
MROWS = 256
MEDGE = MROWS * KNN
MGRID = NPAD // MROWS

_GAMMA = 1.0 / (2.0 * (30.0 / NG) ** 2)


def _embed_body(fp_ref, wp_ref, bp_ref, fl_ref, wl_ref, bl_ref, hp_ref, hl_ref):
    hp_ref[...] = jnp.dot(fp_ref[...], wp_ref[...],
                          preferred_element_type=jnp.float32) + bp_ref[...]
    hl_ref[...] = jnp.dot(fl_ref[...], wl_ref[...],
                          preferred_element_type=jnp.float32) + bl_ref[...]


def _embed(feat_p, Wp, bp, feat_l, Wl, bl):
    return pl.pallas_call(
        _embed_body,
        out_shape=(jax.ShapeDtypeStruct((NP_, H), jnp.float32),
                   jax.ShapeDtypeStruct((NL, H), jnp.float32)),
    )(feat_p, Wp, bp.reshape(1, H), feat_l, Wl, bl.reshape(1, H))


WWIN = 512


def _knn_body(pos8_ref, posT_ref, sq_ref, brow_ref, bcol_ref, cnt_ref,
              idx_ref, d2_ref, sc_ref, sw_ref):
    pid = pl.program_id(0)
    pc = pos8_ref[...]
    rowsq = jnp.sum(pc * pc, axis=1, keepdims=True)
    grow = pid * KROWS + lax.broadcasted_iota(jnp.int32, (KROWS, 1), 0)
    bc = bcol_ref[...].reshape(KROWS, 1)
    br = brow_ref[...]

    bc_min = jnp.min(jnp.where(bc >= 0, bc, jnp.int32(2 ** 30)))
    bc_max = jnp.max(bc)
    col1 = lax.broadcasted_iota(jnp.int32, (1, NPAD), 1)
    lo = jnp.min(jnp.where(br == bc_min, col1, NPAD))
    hi = jnp.max(jnp.where(br == bc_max, col1 + 1, 0))
    lo_al = pl.multiple_of(jnp.clip((lo // 128) * 128, 0, NPAD - WWIN), 128)
    bidx = lax.broadcasted_iota(jnp.int32, (1, B), 1)
    inrange = (bidx >= bc_min) & (bidx <= bc_max)
    minseg = jnp.min(jnp.where(inrange, cnt_ref[...], jnp.int32(2 ** 30)))
    fast = (minseg >= KNN + 1) & (hi - lo_al <= WWIN)

    @pl.when(fast)
    def _fast():
        pcw = posT_ref[:, pl.ds(lo_al, WWIN)]
        d2 = rowsq + sq_ref[:, pl.ds(lo_al, WWIN)] - 2.0 * jnp.dot(
            pc, pcw, preferred_element_type=jnp.float32)
        colw = lo_al + lax.broadcasted_iota(jnp.int32, (KROWS, WWIN), 1)
        pen = jnp.where(brow_ref[:, pl.ds(lo_al, WWIN)] != bc, 1e9, 0.0)
        pen = pen + jnp.where(colw == grow, 1e9, 0.0)
        sw_ref[...] = d2 + pen
        for j in range(KNN):
            s = sw_ref[...]
            m = jnp.min(s, axis=1, keepdims=True)
            idx = jnp.min(jnp.where(s == m, colw, NPAD), axis=1, keepdims=True)
            idx_ref[:, j:j + 1] = idx
            d2_ref[:, j:j + 1] = m
            sw_ref[...] = jnp.where(colw == idx, jnp.inf, s)

    @pl.when(jnp.logical_not(fast))
    def _slow():
        dot = jnp.dot(pc, posT_ref[...], preferred_element_type=jnp.float32)
        d2 = rowsq + sq_ref[...] - 2.0 * dot
        col = lax.broadcasted_iota(jnp.int32, (KROWS, NPAD), 1)
        pen = jnp.where(br != bc, 1e9, 0.0)
        pen = pen + jnp.where(col == grow, 1e9, 0.0)
        sc_ref[...] = d2 + pen
        for j in range(KNN):
            s = sc_ref[...]
            m = jnp.min(s, axis=1, keepdims=True)
            idx = jnp.min(jnp.where(s == m, col, NPAD), axis=1, keepdims=True)
            idx_ref[:, j:j + 1] = idx
            psel = jnp.where(m < 5e8, 0.0, jnp.where(m < 1.5e9, 1e9, 2e9))
            d2_ref[:, j:j + 1] = m - psel
            sc_ref[...] = jnp.where(col == idx, jnp.inf, s)


def _knn(pos8, posT, sq_row, batch_row, batch_col, counts):
    return pl.pallas_call(
        _knn_body,
        grid=(KGRID,),
        in_specs=[
            pl.BlockSpec((KROWS, 8), lambda i: (i, 0)),
            pl.BlockSpec((8, NPAD), lambda i: (0, 0)),
            pl.BlockSpec((1, NPAD), lambda i: (0, 0)),
            pl.BlockSpec((1, NPAD), lambda i: (0, 0)),
            pl.BlockSpec((KROWS, 1), lambda i: (i, 0)),
            pl.BlockSpec((1, B), lambda i: (0, 0)),
        ],
        out_specs=(pl.BlockSpec((KROWS, KNN), lambda i: (i, 0)),
                   pl.BlockSpec((KROWS, KNN), lambda i: (i, 0))),
        out_shape=(jax.ShapeDtypeStruct((NPAD, KNN), jnp.int32),
                   jax.ShapeDtypeStruct((NPAD, KNN), jnp.float32)),
        scratch_shapes=[pltpu.VMEM((KROWS, NPAD), jnp.float32),
                        pltpu.VMEM((KROWS, WWIN), jnp.float32)],
    )(pos8, posT, sq_row, batch_row, batch_col, counts)


def _sc_gather(idx, table):
    D = table.shape[1]
    info = plsc.get_sparse_core_info()
    nc, ns = info.num_cores, info.num_subcores
    nw = nc * ns
    per_w = NEPAD // nw
    nch = per_w // KROWS

    nring = 5
    nrounds = nch // nring

    @functools.partial(
        pl.kernel,
        mesh=plsc.VectorSubcoreMesh(core_axis_name="c", subcore_axis_name="s"),
        out_type=jax.ShapeDtypeStruct((NEPAD, D), jnp.float32),
        scratch_types=[
            pltpu.VMEM((per_w,), jnp.int32),
            pltpu.VMEM((nring, KROWS, D), jnp.float32),
            pltpu.SemaphoreType.DMA,
            pltpu.SemaphoreType.DMA,
        ],
    )
    def gk(idx_hbm, tab_hbm, out_hbm, idx_v, rows_v, gsem, wsem):
        wid = lax.axis_index("s") * nc + lax.axis_index("c")
        base = wid * per_w
        pltpu.sync_copy(idx_hbm.at[pl.ds(base, per_w)], idx_v)

        def round_body(r, carry):
            offs = [(r * nring + b) * KROWS for b in range(nring)]
            hg = [pltpu.async_copy(
                tab_hbm.at[idx_v.at[pl.ds(offs[b], KROWS)]],
                rows_v.at[b], gsem) for b in range(nring)]
            hw = []
            for b in range(nring):
                hg[b].wait()
                hw.append(pltpu.async_copy(rows_v.at[b],
                                           out_hbm.at[pl.ds(base + offs[b],
                                                            KROWS)],
                                           wsem))
            for b in range(nring):
                hw[b].wait()
            return carry

        lax.fori_loop(0, nrounds, round_body, 0)

    return gk(idx, table)


def _mp_body(h_ref, ysrc_ref, d2_ref, w2_ref, bm_ref, wu_ref,
             bu_ref, wn_ref, bn_ref, hout_ref, ynext_ref):
    d2 = jnp.maximum(d2_ref[...], 0.0)
    d3 = jnp.sqrt(d2 + 1e-8).reshape(MROWS, KNN, 1)
    centers = lax.broadcasted_iota(jnp.int32, (1, 1, NG), 2).astype(jnp.float32) * 2.0
    rbf = jnp.exp(-_GAMMA * (d3 - centers) ** 2).reshape(MEDGE, NG)
    rw = jnp.dot(rbf, w2_ref[...], preferred_element_type=jnp.float32)
    m = jnp.maximum(ysrc_ref[...] + rw + bm_ref[...], 0.0)
    agg = jnp.sum(m.reshape(MROWS, KNN, H), axis=1)
    upd = jnp.maximum(
        jnp.dot(agg, wu_ref[...], preferred_element_type=jnp.float32)
        + bu_ref[...], 0.0)
    hout = h_ref[...] + upd
    hout_ref[...] = hout
    ynext_ref[...] = jnp.dot(hout, wn_ref[...],
                             preferred_element_type=jnp.float32) + bn_ref[...]


def _mp_layer(h, y_src, d2sel, W2, bm, Wu, bu, Wn, bn):
    return pl.pallas_call(
        _mp_body,
        grid=(MGRID,),
        in_specs=[
            pl.BlockSpec((MROWS, H), lambda i: (i, 0)),
            pl.BlockSpec((MEDGE, H), lambda i: (i, 0)),
            pl.BlockSpec((MROWS, KNN), lambda i: (i, 0)),
            pl.BlockSpec((NG, H), lambda i: (0, 0)),
            pl.BlockSpec((1, H), lambda i: (0, 0)),
            pl.BlockSpec((H, H), lambda i: (0, 0)),
            pl.BlockSpec((1, H), lambda i: (0, 0)),
            pl.BlockSpec((H, H), lambda i: (0, 0)),
            pl.BlockSpec((1, H), lambda i: (0, 0)),
        ],
        out_specs=(pl.BlockSpec((MROWS, H), lambda i: (i, 0)),
                   pl.BlockSpec((MROWS, H), lambda i: (i, 0))),
        out_shape=(jax.ShapeDtypeStruct((NPAD, H), jnp.float32),
                   jax.ShapeDtypeStruct((NPAD, H), jnp.float32)),
    )(h, y_src, d2sel, W2, bm, Wu, bu, Wn, bn)


def _y0_body(h_ref, w_ref, y_ref):
    y_ref[...] = jnp.dot(h_ref[...], w_ref[...],
                         preferred_element_type=jnp.float32)


def _y0(h, W1):
    return pl.pallas_call(
        _y0_body,
        grid=(MGRID,),
        in_specs=[pl.BlockSpec((MROWS, H), lambda i: (i, 0)),
                  pl.BlockSpec((H, H), lambda i: (0, 0))],
        out_specs=pl.BlockSpec((MROWS, H), lambda i: (i, 0)),
        out_shape=jax.ShapeDtypeStruct((NPAD, H), jnp.float32),
    )(h, W1)


def kernel(protein_pos, protein_atom_feature, ligand_pos, ligand_atom_feature,
           batch_protein, batch_ligand, Wp, bp, Wl, bl, W_msg, b_msg,
           W_upd, b_upd, Wf, bf):
    bpn = batch_protein.astype(jnp.int32)
    bln = batch_ligand.astype(jnp.int32)

    h_p, h_l = _embed(protein_atom_feature, Wp, bp, ligand_atom_feature, Wl, bl)

    dest_p = jnp.arange(NP_, dtype=jnp.int32) + jnp.searchsorted(
        bln, bpn, side="left").astype(jnp.int32)
    dest_l = jnp.searchsorted(bpn, bln, side="right").astype(jnp.int32) + \
        jnp.arange(NL, dtype=jnp.int32)
    dest = jnp.concatenate([dest_p, dest_l], 0)

    pos_all = jnp.concatenate([protein_pos, ligand_pos], 0)
    h_all = jnp.concatenate([h_p, h_l], 0)
    batch_all = jnp.concatenate([bpn, bln], 0)
    mask_all = jnp.concatenate([jnp.ones((NP_,), bool), jnp.zeros((NL,), bool)], 0)

    pos_ctx = jnp.zeros((N, 3), jnp.float32).at[dest].set(pos_all)
    h_ctx = jnp.zeros((N, H), jnp.float32).at[dest].set(h_all)
    batch_ctx = jnp.zeros((N,), jnp.int32).at[dest].set(batch_all)
    protein_mask = jnp.zeros((N,), bool).at[dest].set(mask_all)

    pos8 = jnp.zeros((NPAD, 8), jnp.float32).at[:N, :3].set(pos_ctx)
    posT = pos8.T.reshape(8, NPAD)
    sq = jnp.sum(pos_ctx * pos_ctx, axis=1)
    sq_row = jnp.full((1, NPAD), 3e9, jnp.float32).at[0, :N].set(sq)
    bpad = jnp.full((NPAD,), -1, jnp.int32).at[:N].set(batch_ctx)
    batch_row = bpad.reshape(1, NPAD)
    batch_col = bpad.reshape(NPAD, 1)
    hpad = jnp.zeros((NPAD, H), jnp.float32).at[:N].set(h_ctx)

    counts = jnp.zeros((B,), jnp.int32).at[batch_ctx].add(1).reshape(1, B)
    knn_idx, d2sel = _knn(pos8, posT, sq_row, batch_row, batch_col, counts)
    src = knn_idx.reshape(-1)

    h = hpad
    y = _y0(h, W_msg[0, :H, :])
    Wf_pad = jnp.zeros((H, H), jnp.float32).at[:, :1].set(Wf)
    bf_pad = jnp.zeros((1, H), jnp.float32).at[0, :1].set(bf)
    zrow = jnp.zeros((1, H), jnp.float32)
    for l in range(LAYERS):
        y_src = _sc_gather(src, y)
        if l + 1 < LAYERS:
            Wn, bn = W_msg[l + 1, :H, :], zrow
        else:
            Wn, bn = Wf_pad, bf_pad
        h, y = _mp_layer(h, y_src, d2sel,
                         W_msg[l, H:, :], b_msg[l].reshape(1, H),
                         W_upd[l], b_upd[l].reshape(1, H), Wn, bn)

    focal_pred = y[:N, :1]
    return focal_pred, protein_mask, h[:N]

# --- scband reference (transcript-rebuilt; emitter-appended) ---
"""Pipeline reference for scband-flag-82257213653327 (READ-ONLY COPY).

The authoritative reference and input builder live on the scoring server;
editing this copy changes nothing except your own understanding.
"""

import jax, jax.numpy as jnp
import numpy as np

H = 128
PD = 27
LD = 13
KNN = 16
NG = 16
LAYERS = 3
B = 256
NP_ = 8000
NL = 2000


def _lin_init(key, fan_in, fan_out):
    return jax.random.normal(key, (fan_in, fan_out), dtype=jnp.float32) / np.sqrt(fan_in)


def setup_inputs(seed: int = 0) -> dict:
    key = jax.random.key(seed)
    ks = jax.random.split(key, 16)
    inp = {}
    inp["protein_pos"] = jax.random.normal(ks[0], (NP_, 3), dtype=jnp.float32) * 10.0
    inp["protein_atom_feature"] = jax.random.normal(ks[1], (NP_, PD), dtype=jnp.float32)
    inp["ligand_pos"] = jax.random.normal(ks[2], (NL, 3), dtype=jnp.float32) * 10.0
    inp["ligand_atom_feature"] = jax.random.normal(ks[3], (NL, LD), dtype=jnp.float32)
    inp["batch_protein"] = jnp.sort(jax.random.randint(ks[4], (NP_,), 0, B))
    inp["batch_ligand"] = jnp.sort(jax.random.randint(ks[5], (NL,), 0, B))
    inp["Wp"] = _lin_init(ks[6], PD, H)
    inp["bp"] = jnp.zeros((H,), jnp.float32)
    inp["Wl"] = _lin_init(ks[7], LD, H)
    inp["bl"] = jnp.zeros((H,), jnp.float32)
    inp["W_msg"] = jax.random.normal(ks[8], (LAYERS, H + NG, H), dtype=jnp.float32) / np.sqrt(H + NG)
    inp["b_msg"] = jnp.zeros((LAYERS, H), jnp.float32)
    inp["W_upd"] = jax.random.normal(ks[9], (LAYERS, H, H), dtype=jnp.float32) / np.sqrt(H)
    inp["b_upd"] = jnp.zeros((LAYERS, H), jnp.float32)
    inp["Wf"] = _lin_init(ks[10], H, 1)
    inp["bf"] = jnp.zeros((1,), jnp.float32)
    return inp


def _forward(protein_pos, protein_atom_feature, ligand_pos, ligand_atom_feature,
             Wp, bp, Wl, bl, W_msg, b_msg, W_upd, b_upd, Wf, bf,
             batch_protein, batch_ligand):
    # atom embeddings
    h_protein = protein_atom_feature @ Wp + bp
    h_ligand = ligand_atom_feature @ Wl + bl
    # compose_context_stable: stable sort by (batch, protein-before-ligand)
    batch_all = jnp.concatenate([batch_protein, batch_ligand], 0).astype(jnp.int32)
    is_lig = jnp.concatenate([jnp.zeros((NP_,), jnp.int32), jnp.ones((NL,), jnp.int32)], 0)
    order = jnp.argsort(batch_all * 2 + is_lig)
    h_ctx = jnp.concatenate([h_protein, h_ligand], 0)[order]
    pos_ctx = jnp.concatenate([protein_pos, ligand_pos], 0)[order]
    batch_ctx = batch_all[order]
    protein_mask = jnp.concatenate([jnp.ones((NP_,), bool), jnp.zeros((NL,), bool)], 0)[order]
    N = NP_ + NL
    # knn graph within each batch element (chunked to bound memory)
    C = 1000
    nch = N // C
    sq_all = jnp.sum(pos_ctx ** 2, -1)

    def knn_fn(t):
        pc, bc, ic = t
        d2 = jnp.sum(pc ** 2, -1)[:, None] + sq_all[None, :] - 2.0 * (pc @ pos_ctx.T)
        pen = jnp.where(bc[:, None] != batch_ctx[None, :], 1e9, 0.0)
        pen = pen + jnp.where(ic[:, None] == jnp.arange(N)[None, :], 1e9, 0.0)
        _, idx = jax.lax.top_k(-(d2 + pen), KNN)
        return idx

    knn_idx = jax.lax.map(knn_fn, (pos_ctx.reshape(nch, C, 3), batch_ctx.reshape(nch, C), jnp.arange(N).reshape(nch, C)))
    src = knn_idx.reshape(-1)
    dst = jnp.repeat(jnp.arange(N), KNN)
    # edge distance expansion (gaussian RBF)
    d = jnp.sqrt(jnp.sum((pos_ctx[dst] - pos_ctx[src]) ** 2, -1) + 1e-8)
    centers = jnp.linspace(0.0, 30.0, NG)
    gamma = 1.0 / (2.0 * (30.0 / NG) ** 2)
    rbf = jnp.exp(-gamma * (d[:, None] - centers[None, :]) ** 2)
    # message passing encoder
    h = h_ctx
    for l in range(LAYERS):
        m = jax.nn.relu(jnp.concatenate([h[src], rbf], -1) @ W_msg[l] + b_msg[l])
        agg = jax.ops.segment_sum(m, dst, num_segments=N)
        h = h + jax.nn.relu(agg @ W_upd[l] + b_upd[l])
    focal_pred = h @ Wf + bf
    return focal_pred, protein_mask, h


def reference(protein_pos, protein_atom_feature, ligand_pos, ligand_atom_feature,
              batch_protein, batch_ligand,
              Wp, bp, Wl, bl, W_msg, b_msg, W_upd, b_upd, Wf, bf):
    return _forward(protein_pos, protein_atom_feature, ligand_pos, ligand_atom_feature,
                    Wp, bp, Wl, bl, W_msg, b_msg, W_upd, b_upd, Wf, bf,
                    batch_protein, batch_ligand)

if __name__ == "__main__":
    import jax
    _d = setup_inputs()
    print(jax.jit(kernel)(*tuple(_d.values())))

</pallas_src>

<mosaic_0001>
#map = affine_map<(d0, d1) -> (0)>
#map1 = affine_map<(d0, d1) -> (0, 0)>
module attributes {stable_mosaic.version = 14 : i64} {
  func.func @gk(%arg0: i32, %arg1: i32, %arg2: memref<163840xi32, #tpu.memory_space<hbm>>, %arg3: memref<10240x128xf32, #tpu.memory_space<hbm>>, %arg4: memref<163840x128xf32, #tpu.memory_space<hbm>>, %arg5: memref<5120xi32, #tpu.memory_space<vmem>>, %arg6: memref<5x128x128xf32, #tpu.memory_space<vmem>>, %arg7: memref<!tpu.dma_semaphore, #tpu.memory_space<semaphore_mem>>, %arg8: memref<!tpu.dma_semaphore, #tpu.memory_space<semaphore_mem>>) attributes {dimension_semantics = [#tpu.dimension_semantics<core_parallel>, #tpu.dimension_semantics<subcore_parallel>], iteration_bounds = array<i64: 2, 16>, scalar_prefetch = 0 : i64, scratch_operands = 4 : i64, tpu.core_type = #tpu.core_type<sc_vector_subcore>, window_params = [{transform_indices = #map}, {transform_indices = #map1}, {transform_indices = #map1}]} {
    %mul3A = arith.constant 2 : i32
    %mul3A_0 = arith.muli %arg1, %mul3A : i32
    %add3A = arith.addi %mul3A_0, %arg0 : i32
    %mul3A_1 = arith.constant 5120 : i32
    %mul3A_2 = arith.muli %add3A, %mul3A_1 : i32
    "tpu.region"() ({
      %run_scoped3A = tpu.sem_alloc : memref<!tpu.dma_semaphore, #tpu.memory_space<semaphore_mem>>
      %dma_start3A = tpu.memref_slice %arg2[%mul3A_2] : memref<163840xi32, #tpu.memory_space<hbm>> -> memref<5120xi32, #tpu.memory_space<hbm>>
      %dma_start3A_8 = tpu.memref_slice %arg2[%mul3A_2] : memref<163840xi32, #tpu.memory_space<hbm>> -> memref<5120xi32, #tpu.memory_space<hbm>>
      tpu.enqueue_dma source(%dma_start3A_8 : memref<5120xi32, #tpu.memory_space<hbm>>) target(%arg5 : memref<5120xi32, #tpu.memory_space<vmem>>) target_semaphore(%run_scoped3A : memref<!tpu.dma_semaphore, #tpu.memory_space<semaphore_mem>>)
      %dma_wait3A = tpu.memref_slice %arg2[%mul3A_2] : memref<163840xi32, #tpu.memory_space<hbm>> -> memref<5120xi32, #tpu.memory_space<hbm>>
      %dma_wait3A_9 = tpu.memref_slice %arg2[%mul3A_2] : memref<163840xi32, #tpu.memory_space<hbm>> -> memref<5120xi32, #tpu.memory_space<hbm>>
      tpu.wait_dma2 semaphore(%run_scoped3A : memref<!tpu.dma_semaphore, #tpu.memory_space<semaphore_mem>>) src(%dma_wait3A_9 : memref<5120xi32, #tpu.memory_space<hbm>>) dst(%arg5 : memref<5120xi32, #tpu.memory_space<vmem>>)
      tpu.yield
    }) : () -> ()
    %scan3A = arith.constant 0 : i32
    %scan3A_3 = arith.constant 0 : i32
    %scan3A_4 = arith.constant 8 : i32
    %scan3A_5 = arith.addi %scan3A_3, %scan3A_4 : i32
    %scan3A_6 = arith.constant 1 : i32
    scf.for %scan3A_8 = %scan3A_3 to %scan3A_5 step %scan3A_6  : i32 {
      %mul3A_9 = arith.constant 5 : i32
      %mul3A_10 = arith.muli %scan3A_8, %mul3A_9 : i32
      %add3A_11 = arith.constant 0 : i32
      %add3A_12 = arith.addi %mul3A_10, %add3A_11 : i32
      %mul3A_13 = arith.constant 128 : i32
      %mul3A_14 = arith.muli %add3A_12, %mul3A_13 : i32
      %mul3A_15 = arith.constant 5 : i32
      %mul3A_16 = arith.muli %scan3A_8, %mul3A_15 : i32
      %add3A_17 = arith.constant 1 : i32
      %add3A_18 = arith.addi %mul3A_16, %add3A_17 : i32
      %mul3A_19 = arith.constant 128 : i32
      %mul3A_20 = arith.muli %add3A_18, %mul3A_19 : i32
      %mul3A_21 = arith.constant 5 : i32
      %mul3A_22 = arith.muli %scan3A_8, %mul3A_21 : i32
      %add3A_23 = arith.constant 2 : i32
      %add3A_24 = arith.addi %mul3A_22, %add3A_23 : i32
      %mul3A_25 = arith.constant 128 : i32
      %mul3A_26 = arith.muli %add3A_24, %mul3A_25 : i32
      %mul3A_27 = arith.constant 5 : i32
      %mul3A_28 = arith.muli %scan3A_8, %mul3A_27 : i32
      %add3A_29 = arith.constant 3 : i32
      %add3A_30 = arith.addi %mul3A_28, %add3A_29 : i32
      %mul3A_31 = arith.constant 128 : i32
      %mul3A_32 = arith.muli %add3A_30, %mul3A_31 : i32
      %mul3A_33 = arith.constant 5 : i32
      %mul3A_34 = arith.muli %scan3A_8, %mul3A_33 : i32
      %add3A_35 = arith.constant 4 : i32
      %add3A_36 = arith.addi %mul3A_34, %add3A_35 : i32
      %mul3A_37 = arith.constant 128 : i32
      %mul3A_38 = arith.muli %add3A_36, %mul3A_37 : i32
      %dma_start3A = arith.constant 0 : i32
      %dma_start3A_39 = arith.constant 0 : i32
      %dma_start3A_40 = arith.constant 0 : i32
      %dma_start3A_41 = tpu.memref_slice %arg6[%dma_start3A, %dma_start3A_39, %dma_start3A_40] : memref<5x128x128xf32, #tpu.memory_space<vmem>> -> memref<1x128x128xf32, #tpu.memory_space<vmem>>
      %dma_start3A_42 = tpu.memref_squeeze %dma_start3A_41 : memref<1x128x128xf32, #tpu.memory_space<vmem>> -> memref<128x128xf32, #tpu.memory_space<vmem>>
      %dma_start3A_43 = tpu.memref_slice %arg5[%mul3A_14] : memref<5120xi32, #tpu.memory_space<vmem>> -> memref<128xi32, #tpu.memory_space<vmem>>
      %dma_start3A_44 = arith.constant 0 : i32
      %dma_start3A_45 = arith.constant 0 : i32
      %dma_start3A_46 = tpu.memref_slice %arg3[%dma_start3A_44, %dma_start3A_45] : memref<10240x128xf32, #tpu.memory_space<hbm>> -> memref<10240x128xf32, #tpu.memory_space<hbm>>
      tpu.enqueue_indirect_dma source(%dma_start3A_46 : memref<10240x128xf32, #tpu.memory_space<hbm>>) target(%dma_start3A_42 : memref<128x128xf32, #tpu.memory_space<vmem>>) offsets(%dma_start3A_43 : memref<128xi32, #tpu.memory_space<vmem>>) semaphore(%arg7 : memref<!tpu.dma_semaphore, #tpu.memory_space<semaphore_mem>>)
      %dma_start3A_47 = arith.constant 1 : i32
      %dma_start3A_48 = arith.constant 0 : i32
      %dma_start3A_49 = arith.constant 0 : i32
      %dma_start3A_50 = tpu.memref_slice %arg6[%dma_start3A_47, %dma_start3A_48, %dma_start3A_49] : memref<5x128x128xf32, #tpu.memory_space<vmem>> -> memref<1x128x128xf32, #tpu.memory_space<vmem>>
      %dma_start3A_51 = tpu.memref_squeeze %dma_start3A_50 : memref<1x128x128xf32, #tpu.memory_space<vmem>> -> memref<128x128xf32, #tpu.memory_space<vmem>>
      %dma_start3A_52 = tpu.memref_slice %arg5[%mul3A_20] : memref<5120xi32, #tpu.memory_space<vmem>> -> memref<128xi32, #tpu.memory_space<vmem>>
      %dma_start3A_53 = arith.constant 0 : i32
      %dma_start3A_54 = arith.constant 0 : i32
      %dma_start3A_55 = tpu.memref_slice %arg3[%dma_start3A_53, %dma_start3A_54] : memref<10240x128xf32, #tpu.memory_space<hbm>> -> memref<10240x128xf32, #tpu.memory_space<hbm>>
      tpu.enqueue_indirect_dma source(%dma_start3A_55 : memref<10240x128xf32, #tpu.memory_space<hbm>>) target(%dma_start3A_51 : memref<128x128xf32, #tpu.memory_space<vmem>>) offsets(%dma_start3A_52 : memref<128xi32, #tpu.memory_space<vmem>>) semaphore(%arg7 : memref<!tpu.dma_semaphore, #tpu.memory_space<semaphore_mem>>)
      %dma_start3A_56 = arith.constant 2 : i32
      %dma_start3A_57 = arith.constant 0 : i32
      %dma_start3A_58 = arith.constant 0 : i32
      %dma_start3A_59 = tpu.memref_slice %arg6[%dma_start3A_56, %dma_start3A_57, %dma_start3A_58] : memref<5x128x128xf32, #tpu.memory_space<vmem>> -> memref<1x128x128xf32, #tpu.memory_space<vmem>>
      %dma_start3A_60 = tpu.memref_squeeze %dma_start3A_59 : memref<1x128x128xf32, #tpu.memory_space<vmem>> -> memref<128x128xf32, #tpu.memory_space<vmem>>
      %dma_start3A_61 = tpu.memref_slice %arg5[%mul3A_26] : memref<5120xi32, #tpu.memory_space<vmem>> -> memref<128xi32, #tpu.memory_space<vmem>>
      %dma_start3A_62 = arith.constant 0 : i32
      %dma_start3A_63 = arith.constant 0 : i32
      %dma_start3A_64 = tpu.memref_slice %arg3[%dma_start3A_62, %dma_start3A_63] : memref<10240x128xf32, #tpu.memory_space<hbm>> -> memref<10240x128xf32, #tpu.memory_space<hbm>>
      tpu.enqueue_indirect_dma source(%dma_start3A_64 : memref<10240x128xf32, #tpu.memory_space<hbm>>) target(%dma_start3A_60 : memref<128x128xf32, #tpu.memory_space<vmem>>) offsets(%dma_start3A_61 : memref<128xi32, #tpu.memory_space<vmem>>) semaphore(%arg7 : memref<!tpu.dma_semaphore, #tpu.memory_space<semaphore_mem>>)
      %dma_start3A_65 = arith.constant 3 : i32
      %dma_start3A_66 = arith.constant 0 : i32
      %dma_start3A_67 = arith.constant 0 : i32
      %dma_start3A_68 = tpu.memref_slice %arg6[%dma_start3A_65, %dma_start3A_66, %dma_start3A_67] : memref<5x128x128xf32, #tpu.memory_space<vmem>> -> memref<1x128x128xf32, #tpu.memory_space<vmem>>
      %dma_start3A_69 = tpu.memref_squeeze %dma_start3A_68 : memref<1x128x128xf32, #tpu.memory_space<vmem>> -> memref<128x128xf32, #tpu.memory_space<vmem>>
      %dma_start3A_70 = tpu.memref_slice %arg5[%mul3A_32] : memref<5120xi32, #tpu.memory_space<vmem>> -> memref<128xi32, #tpu.memory_space<vmem>>
      %dma_start3A_71 = arith.constant 0 : i32
      %dma_start3A_72 = arith.constant 0 : i32
      %dma_start3A_73 = tpu.memref_slice %arg3[%dma_start3A_71, %dma_start3A_72] : memref<10240x128xf32, #tpu.memory_space<hbm>> -> memref<10240x128xf32, #tpu.memory_space<hbm>>
      tpu.enqueue_indirect_dma source(%dma_start3A_73 : memref<10240x128xf32, #tpu.memory_space<hbm>>) target(%dma_start3A_69 : memref<128x128xf32, #tpu.memory_space<vmem>>) offsets(%dma_start3A_70 : memref<128xi32, #tpu.memory_space<vmem>>) semaphore(%arg7 : memref<!tpu.dma_semaphore, #tpu.memory_space<semaphore_mem>>)
      %dma_start3A_74 = arith.constant 4 : i32
      %dma_start3A_75 = arith.constant 0 : i32
      %dma_start3A_76 = arith.constant 0 : i32
      %dma_start3A_77 = tpu.memref_slice %arg6[%dma_start3A_74, %dma_start3A_75, %dma_start3A_76] : memref<5x128x128xf32, #tpu.memory_space<vmem>> -> memref<1x128x128xf32, #tpu.memory_space<vmem>>
      %dma_start3A_78 = tpu.memref_squeeze %dma_start3A_77 : memref<1x128x128xf32, #tpu.memory_space<vmem>> -> memref<128x128xf32, #tpu.memory_space<vmem>>
      %dma_start3A_79 = tpu.memref_slice %arg5[%mul3A_38] : memref<5120xi32, #tpu.memory_space<vmem>> -> memref<128xi32, #tpu.memory_space<vmem>>
      %dma_start3A_80 = arith.constant 0 : i32
      %dma_start3A_81 = arith.constant 0 : i32
      %dma_start3A_82 = tpu.memref_slice %arg3[%dma_start3A_80, %dma_start3A_81] : memref<10240x128xf32, #tpu.memory_space<hbm>> -> memref<10240x128xf32, #tpu.memory_space<hbm>>
      tpu.enqueue_indirect_dma source(%dma_start3A_82 : memref<10240x128xf32, #tpu.memory_space<hbm>>) target(%dma_start3A_78 : memref<128x128xf32, #tpu.memory_space<vmem>>) offsets(%dma_start3A_79 : memref<128xi32, #tpu.memory_space<vmem>>) semaphore(%arg7 : memref<!tpu.dma_semaphore, #tpu.memory_space<semaphore_mem>>)
      %dma_wait3A = arith.constant 0 : i32
      %dma_wait3A_83 = arith.constant 0 : i32
      %dma_wait3A_84 = arith.constant 0 : i32
      %dma_wait3A_85 = tpu.memref_slice %arg6[%dma_wait3A, %dma_wait3A_83, %dma_wait3A_84] : memref<5x128x128xf32, #tpu.memory_space<vmem>> -> memref<1x128x128xf32, #tpu.memory_space<vmem>>
      %dma_wait3A_86 = tpu.memref_squeeze %dma_wait3A_85 : memref<1x128x128xf32, #tpu.memory_space<vmem>> -> memref<128x128xf32, #tpu.memory_space<vmem>>
      %dma_wait3A_87 = tpu.memref_slice %arg5[%mul3A_14] : memref<5120xi32, #tpu.memory_space<vmem>> -> memref<128xi32, #tpu.memory_space<vmem>>
      %dma_wait3A_88 = arith.constant 0 : i32
      %dma_wait3A_89 = arith.constant 0 : i32
      %dma_wait3A_90 = tpu.memref_slice %arg3[%dma_wait3A_88, %dma_wait3A_89] : memref<10240x128xf32, #tpu.memory_space<hbm>> -> memref<10240x128xf32, #tpu.memory_space<hbm>>
      tpu.wait_indirect_dma semaphore(%arg7 : memref<!tpu.dma_semaphore, #tpu.memory_space<semaphore_mem>>) src(%dma_wait3A_90 : memref<10240x128xf32, #tpu.memory_space<hbm>>) dst(%dma_wait3A_86 : memref<128x128xf32, #tpu.memory_space<vmem>>)
      %add3A_91 = arith.addi %mul3A_2, %mul3A_14 : i32
      %dma_start3A_92 = arith.constant 0 : i32
      %dma_start3A_93 = arith.constant 0 : i32
      %dma_start3A_94 = arith.constant 0 : i32
      %dma_start3A_95 = tpu.memref_slice %arg6[%dma_start3A_92, %dma_start3A_93, %dma_start3A_94] : memref<5x128x128xf32, #tpu.memory_space<vmem>> -> memref<1x128x128xf32, #tpu.memory_space<vmem>>
      %dma_start3A_96 = tpu.memref_squeeze %dma_start3A_95 : memref<1x128x128xf32, #tpu.memory_space<vmem>> -> memref<128x128xf32, #tpu.memory_space<vmem>>
      %dma_start3A_97 = arith.constant 0 : i32
      %dma_start3A_98 = tpu.memref_slice %arg4[%add3A_91, %dma_start3A_97] : memref<163840x128xf32, #tpu.memory_space<hbm>> -> memref<128x128xf32, #tpu.memory_space<hbm>>
      %dma_start3A_99 = arith.constant 0 : i32
      %dma_start3A_100 = tpu.memref_slice %arg4[%add3A_91, %dma_start3A_99] : memref<163840x128xf32, #tpu.memory_space<hbm>> -> memref<128x128xf32, #tpu.memory_space<hbm>>
      %dma_start3A_101 = arith.constant 0 : i32
      %dma_start3A_102 = arith.constant 0 : i32
      %dma_start3A_103 = tpu.memref_slice %arg6[%dma_start3A_92, %dma_start3A_101, %dma_start3A_102] : memref<5x128x128xf32, #tpu.memory_space<vmem>> -> memref<1x128x128xf32, #tpu.memory_space<vmem>>
      %dma_start3A_104 = tpu.memref_squeeze %dma_start3A_103 : memref<1x128x128xf32, #tpu.memory_space<vmem>> -> memref<128x128xf32, #tpu.memory_space<vmem>>
      tpu.enqueue_dma source(%dma_start3A_104 : memref<128x128xf32, #tpu.memory_space<vmem>>) target(%dma_start3A_100 : memref<128x128xf32, #tpu.memory_space<hbm>>) target_semaphore(%arg8 : memref<!tpu.dma_semaphore, #tpu.memory_space<semaphore_mem>>)
      %dma_wait3A_105 = arith.constant 1 : i32
      %dma_wait3A_106 = arith.constant 0 : i32
      %dma_wait3A_107 = arith.constant 0 : i32
      %dma_wait3A_108 = tpu.memref_slice %arg6[%dma_wait3A_105, %dma_wait3A_106, %dma_wait3A_107] : memref<5x128x128xf32, #tpu.memory_space<vmem>> -> memref<1x128x128xf32, #tpu.memory_space<vmem>>
      %dma_wait3A_109 = tpu.memref_squeeze %dma_wait3A_108 : memref<1x128x128xf32, #tpu.memory_space<vmem>> -> memref<128x128xf32, #tpu.memory_space<vmem>>
      %dma_wait3A_110 = tpu.memref_slice %arg5[%mul3A_20] : memref<5120xi32, #tpu.memory_space<vmem>> -> memref<128xi32, #tpu.memory_space<vmem>>
      %dma_wait3A_111 = arith.constant 0 : i32
      %dma_wait3A_112 = arith.constant 0 : i32
      %dma_wait3A_113 = tpu.memref_slice %arg3[%dma_wait3A_111, %dma_wait3A_112] : memref<10240x128xf32, #tpu.memory_space<hbm>> -> memref<10240x128xf32, #tpu.memory_space<hbm>>
      tpu.wait_indirect_dma semaphore(%arg7 : memref<!tpu.dma_semaphore, #tpu.memory_space<semaphore_mem>>) src(%dma_wait3A_113 : memref<10240x128xf32, #tpu.memory_space<hbm>>) dst(%dma_wait3A_109 : memref<128x128xf32, #tpu.memory_space<vmem>>)
      %add3A_114 = arith.addi %mul3A_2, %mul3A_20 : i32
      %dma_start3A_115 = arith.constant 1 : i32
      %dma_start3A_116 = arith.constant 0 : i32
      %dma_start3A_117 = arith.constant 0 : i32
      %dma_start3A_118 = tpu.memref_slice %arg6[%dma_start3A_115, %dma_start3A_116, %dma_start3A_117] : memref<5x128x128xf32, #tpu.memory_space<vmem>> -> memref<1x128x128xf32, #tpu.memory_space<vmem>>
      %dma_start3A_119 = tpu.memref_squeeze %dma_start3A_118 : memref<1x128x128xf32, #tpu.memory_space<vmem>> -> memref<128x128xf32, #tpu.memory_space<vmem>>
      %dma_start3A_120 = arith.constant 0 : i32
      %dma_start3A_121 = tpu.memref_slice %arg4[%add3A_114, %dma_start3A_120] : memref<163840x128xf32, #tpu.memory_space<hbm>> -> memref<128x128xf32, #tpu.memory_space<hbm>>
      %dma_start3A_122 = arith.constant 0 : i32
      %dma_start3A_123 = tpu.memref_slice %arg4[%add3A_114, %dma_start3A_122] : memref<163840x128xf32, #tpu.memory_space<hbm>> -> memref<128x128xf32, #tpu.memory_space<hbm>>
      %dma_start3A_124 = arith.constant 0 : i32
      %dma_start3A_125 = arith.constant 0 : i32
      %dma_start3A_126 = tpu.memref_slice %arg6[%dma_start3A_115, %dma_start3A_124, %dma_start3A_125] : memref<5x128x128xf32, #tpu.memory_space<vmem>> -> memref<1x128x128xf32, #tpu.memory_space<vmem>>
      %dma_start3A_127 = tpu.memref_squeeze %dma_start3A_126 : memref<1x128x128xf32, #tpu.memory_space<vmem>> -> memref<128x128xf32, #tpu.memory_space<vmem>>
      tpu.enqueue_dma source(%dma_start3A_127 : memref<128x128xf32, #tpu.memory_space<vmem>>) target(%dma_start3A_123 : memref<128x128xf32, #tpu.memory_space<hbm>>) target_semaphore(%arg8 : memref<!tpu.dma_semaphore, #tpu.memory_space<semaphore_mem>>)
      %dma_wait3A_128 = arith.constant 2 : i32
      %dma_wait3A_129 = arith.constant 0 : i32
      %dma_wait3A_130 = arith.constant 0 : i32
      %dma_wait3A_131 = tpu.memref_slice %arg6[%dma_wait3A_128, %dma_wait3A_129, %dma_wait3A_130] : memref<5x128x128xf32, #tpu.memory_space<vmem>> -> memref<1x128x128xf32, #tpu.memory_space<vmem>>
      %dma_wait3A_132 = tpu.memref_squeeze %dma_wait3A_131 : memref<1x128x128xf32, #tpu.memory_space<vmem>> -> memref<128x128xf32, #tpu.memory_space<vmem>>
      %dma_wait3A_133 = tpu.memref_slice %arg5[%mul3A_26] : memref<5120xi32, #tpu.memory_space<vmem>> -> memref<128xi32, #tpu.memory_space<vmem>>
      %dma_wait3A_134 = arith.constant 0 : i32
      %dma_wait3A_135 = arith.constant 0 : i32
      %dma_wait3A_136 = tpu.memref_slice %arg3[%dma_wait3A_134, %dma_wait3A_135] : memref<10240x128xf32, #tpu.memory_space<hbm>> -> memref<10240x128xf32, #tpu.memory_space<hbm>>
      tpu.wait_indirect_dma semaphore(%arg7 : memref<!tpu.dma_semaphore, #tpu.memory_space<semaphore_mem>>) src(%dma_wait3A_136 : memref<10240x128xf32, #tpu.memory_space<hbm>>) dst(%dma_wait3A_132 : memref<128x128xf32, #tpu.memory_space<vmem>>)
      %add3A_137 = arith.addi %mul3A_2, %mul3A_26 : i32
      %dma_start3A_138 = arith.constant 2 : i32
      %dma_start3A_139 = arith.constant 0 : i32
      %dma_start3A_140 = arith.constant 0 : i32
      %dma_start3A_141 = tpu.memref_slice %arg6[%dma_start3A_138, %dma_start3A_139, %dma_start3A_140] : memref<5x128x128xf32, #tpu.memory_space<vmem>> -> memref<1x128x128xf32, #tpu.memory_space<vmem>>
      %dma_start3A_142 = tpu.memref_squeeze %dma_start3A_141 : memref<1x128x128xf32, #tpu.memory_space<vmem>> -> memref<128x128xf32, #tpu.memory_space<vmem>>
      %dma_start3A_143 = arith.constant 0 : i32
      %dma_start3A_144 = tpu.memref_slice %arg4[%add3A_137, %dma_start3A_143] : memref<163840x128xf32, #tpu.memory_space<hbm>> -> memref<128x128xf32, #tpu.memory_space<hbm>>
      %dma_start3A_145 = arith.constant 0 : i32
      %dma_start3A_146 = tpu.memref_slice %arg4[%add3A_137, %dma_start3A_145] : memref<163840x128xf32, #tpu.memory_space<hbm>> -> memref<128x128xf32, #tpu.memory_space<hbm>>
      %dma_start3A_147 = arith.constant 0 : i32
      %dma_start3A_148 = arith.constant 0 : i32
      %dma_start3A_149 = tpu.memref_slice %arg6[%dma_start3A_138, %dma_start3A_147, %dma_start3A_148] : memref<5x128x128xf32, #tpu.memory_space<vmem>> -> memref<1x128x128xf32, #tpu.memory_space<vmem>>
      %dma_start3A_150 = tpu.memref_squeeze %dma_start3A_149 : memref<1x128x128xf32, #tpu.memory_space<vmem>> -> memref<128x128xf32, #tpu.memory_space<vmem>>
      tpu.enqueue_dma source(%dma_start3A_150 : memref<128x128xf32, #tpu.memory_space<vmem>>) target(%dma_start3A_146 : memref<128x128xf32, #tpu.memory_space<hbm>>) target_semaphore(%arg8 : memref<!tpu.dma_semaphore, #tpu.memory_space<semaphore_mem>>)
      %dma_wait3A_151 = arith.constant 3 : i32
      %dma_wait3A_152 = arith.constant 0 : i32
      %dma_wait3A_153 = arith.constant 0 : i32
      %dma_wait3A_154 = tpu.memref_slice %arg6[%dma_wait3A_151, %dma_wait3A_152, %dma_wait3A_153] : memref<5x128x128xf32, #tpu.memory_space<vmem>> -> memref<1x128x128xf32, #tpu.memory_space<vmem>>
      %dma_wait3A_155 = tpu.memref_squeeze %dma_wait3A_154 : memref<1x128x128xf32, #tpu.memory_space<vmem>> -> memref<128x128xf32, #tpu.memory_space<vmem>>
      %dma_wait3A_156 = tpu.memref_slice %arg5[%mul3A_32] : memref<5120xi32, #tpu.memory_space<vmem>> -> memref<128xi32, #tpu.memory_space<vmem>>
      %dma_wait3A_157 = arith.constant 0 : i32
      %dma_wait3A_158 = arith.constant 0 : i32
      %dma_wait3A_159 = tpu.memref_slice %arg3[%dma_wait3A_157, %dma_wait3A_158] : memref<10240x128xf32, #tpu.memory_space<hbm>> -> memref<10240x128xf32, #tpu.memory_space<hbm>>
      tpu.wait_indirect_dma semaphore(%arg7 : memref<!tpu.dma_semaphore, #tpu.memory_space<semaphore_mem>>) src(%dma_wait3A_159 : memref<10240x128xf32, #tpu.memory_space<hbm>>) dst(%dma_wait3A_155 : memref<128x128xf32, #tpu.memory_space<vmem>>)
      %add3A_160 = arith.addi %mul3A_2, %mul3A_32 : i32
      %dma_start3A_161 = arith.constant 3 : i32
      %dma_start3A_162 = arith.constant 0 : i32
      %dma_start3A_163 = arith.constant 0 : i32
      %dma_start3A_164 = tpu.memref_slice %arg6[%dma_start3A_161, %dma_start3A_162, %dma_start3A_163] : memref<5x128x128xf32, #tpu.memory_space<vmem>> -> memref<1x128x128xf32, #tpu.memory_space<vmem>>
      %dma_start3A_165 = tpu.memref_squeeze %dma_start3A_164 : memref<1x128x128xf32, #tpu.memory_space<vmem>> -> memref<128x128xf32, #tpu.memory_space<vmem>>
      %dma_start3A_166 = arith.constant 0 : i32
      %dma_start3A_167 = tpu.memref_slice %arg4[%add3A_160, %dma_start3A_166] : memref<163840x128xf32, #tpu.memory_space<hbm>> -> memref<128x128xf32, #tpu.memory_space<hbm>>
      %dma_start3A_168 = arith.constant 0 : i32
      %dma_start3A_169 = tpu.memref_slice %arg4[%add3A_160, %dma_start3A_168] : memref<163840x128xf32, #tpu.memory_space<hbm>> -> memref<128x128xf32, #tpu.memory_space<hbm>>
      %dma_start3A_170 = arith.constant 0 : i32
      %dma_start3A_171 = arith.constant 0 : i32
      %dma_start3A_172 = tpu.memref_slice %arg6[%dma_start3A_161, %dma_start3A_170, %dma_start3A_171] : memref<5x128x128xf32, #tpu.memory_space<vmem>> -> memref<1x128x128xf32, #tpu.memory_space<vmem>>
      %dma_start3A_173 = tpu.memref_squeeze %dma_start3A_172 : memref<1x128x128xf32, #tpu.memory_space<vmem>> -> memref<128x128xf32, #tpu.memory_space<vmem>>
      tpu.enqueue_dma source(%dma_start3A_173 : memref<128x128xf32, #tpu.memory_space<vmem>>) target(%dma_start3A_169 : memref<128x128xf32, #tpu.memory_space<hbm>>) target_semaphore(%arg8 : memref<!tpu.dma_semaphore, #tpu.memory_space<semaphore_mem>>)
      %dma_wait3A_174 = arith.constant 4 : i32
      %dma_wait3A_175 = arith.constant 0 : i32
      %dma_wait3A_176 = arith.constant 0 : i32
      %dma_wait3A_177 = tpu.memref_slice %arg6[%dma_wait3A_174, %dma_wait3A_175, %dma_wait3A_176] : memref<5x128x128xf32, #tpu.memory_space<vmem>> -> memref<1x128x128xf32, #tpu.memory_space<vmem>>
      %dma_wait3A_178 = tpu.memref_squeeze %dma_wait3A_177 : memref<1x128x128xf32, #tpu.memory_space<vmem>> -> memref<128x128xf32, #tpu.memory_space<vmem>>
      %dma_wait3A_179 = tpu.memref_slice %arg5[%mul3A_38] : memref<5120xi32, #tpu.memory_space<vmem>> -> memref<128xi32, #tpu.memory_space<vmem>>
      %dma_wait3A_180 = arith.constant 0 : i32
      %dma_wait3A_181 = arith.constant 0 : i32
      %dma_wait3A_182 = tpu.memref_slice %arg3[%dma_wait3A_180, %dma_wait3A_181] : memref<10240x128xf32, #tpu.memory_space<hbm>> -> memref<10240x128xf32, #tpu.memory_space<hbm>>
      tpu.wait_indirect_dma semaphore(%arg7 : memref<!tpu.dma_semaphore, #tpu.memory_space<semaphore_mem>>) src(%dma_wait3A_182 : memref<10240x128xf32, #tpu.memory_space<hbm>>) dst(%dma_wait3A_178 : memref<128x128xf32, #tpu.memory_space<vmem>>)
      %add3A_183 = arith.addi %mul3A_2, %mul3A_38 : i32
      %dma_start3A_184 = arith.constant 4 : i32
      %dma_start3A_185 = arith.constant 0 : i32
      %dma_start3A_186 = arith.constant 0 : i32
      %dma_start3A_187 = tpu.memref_slice %arg6[%dma_start3A_184, %dma_start3A_185, %dma_start3A_186] : memref<5x128x128xf32, #tpu.memory_space<vmem>> -> memref<1x128x128xf32, #tpu.memory_space<vmem>>
      %dma_start3A_188 = tpu.memref_squeeze %dma_start3A_187 : memref<1x128x128xf32, #tpu.memory_space<vmem>> -> memref<128x128xf32, #tpu.memory_space<vmem>>
      %dma_start3A_189 = arith.constant 0 : i32
      %dma_start3A_190 = tpu.memref_slice %arg4[%add3A_183, %dma_start3A_189] : memref<163840x128xf32, #tpu.memory_space<hbm>> -> memref<128x128xf32, #tpu.memory_space<hbm>>
      %dma_start3A_191 = arith.constant 0 : i32
      %dma_start3A_192 = tpu.memref_slice %arg4[%add3A_183, %dma_start3A_191] : memref<163840x128xf32, #tpu.memory_space<hbm>> -> memref<128x128xf32, #tpu.memory_space<hbm>>
      %dma_start3A_193 = arith.constant 0 : i32
      %dma_start3A_194 = arith.constant 0 : i32
      %dma_start3A_195 = tpu.memref_slice %arg6[%dma_start3A_184, %dma_start3A_193, %dma_start3A_194] : memref<5x128x128xf32, #tpu.memory_space<vmem>> -> memref<1x128x128xf32, #tpu.memory_space<vmem>>
      %dma_start3A_196 = tpu.memref_squeeze %dma_start3A_195 : memref<1x128x128xf32, #tpu.memory_space<vmem>> -> memref<128x128xf32, #tpu.memory_space<vmem>>
      tpu.enqueue_dma source(%dma_start3A_196 : memref<128x128xf32, #tpu.memory_space<vmem>>) target(%dma_start3A_192 : memref<128x128xf32, #tpu.memory_space<hbm>>) target_semaphore(%arg8 : memref<!tpu.dma_semaphore, #tpu.memory_space<semaphore_mem>>)
      %dma_wait3A_197 = arith.constant 0 : i32
      %dma_wait3A_198 = arith.constant 0 : i32
      %dma_wait3A_199 = arith.constant 0 : i32
      %dma_wait3A_200 = tpu.memref_slice %arg6[%dma_wait3A_197, %dma_wait3A_198, %dma_wait3A_199] : memref<5x128x128xf32, #tpu.memory_space<vmem>> -> memref<1x128x128xf32, #tpu.memory_space<vmem>>
      %dma_wait3A_201 = tpu.memref_squeeze %dma_wait3A_200 : memref<1x128x128xf32, #tpu.memory_space<vmem>> -> memref<128x128xf32, #tpu.memory_space<vmem>>
      %dma_wait3A_202 = arith.constant 0 : i32
      %dma_wait3A_203 = tpu.memref_slice %arg4[%add3A_91, %dma_wait3A_202] : memref<163840x128xf32, #tpu.memory_space<hbm>> -> memref<128x128xf32, #tpu.memory_space<hbm>>
      %dma_wait3A_204 = arith.constant 0 : i32
      %dma_wait3A_205 = tpu.memref_slice %arg4[%add3A_91, %dma_wait3A_204] : memref<163840x128xf32, #tpu.memory_space<hbm>> -> memref<128x128xf32, #tpu.memory_space<hbm>>
      %dma_wait3A_206 = arith.constant 0 : i32
      %dma_wait3A_207 = arith.constant 0 : i32
      %dma_wait3A_208 = tpu.memref_slice %arg6[%dma_wait3A_197, %dma_wait3A_206, %dma_wait3A_207] : memref<5x128x128xf32, #tpu.memory_space<vmem>> -> memref<1x128x128xf32, #tpu.memory_space<vmem>>
      %dma_wait3A_209 = tpu.memref_squeeze %dma_wait3A_208 : memref<1x128x128xf32, #tpu.memory_space<vmem>> -> memref<128x128xf32, #tpu.memory_space<vmem>>
      tpu.wait_dma2 semaphore(%arg8 : memref<!tpu.dma_semaphore, #tpu.memory_space<semaphore_mem>>) src(%dma_wait3A_209 : memref<128x128xf32, #tpu.memory_space<vmem>>) dst(%dma_wait3A_205 : memref<128x128xf32, #tpu.memory_space<hbm>>)
      %dma_wait3A_210 = arith.constant 1 : i32
      %dma_wait3A_211 = arith.constant 0 : i32
      %dma_wait3A_212 = arith.constant 0 : i32
      %dma_wait3A_213 = tpu.memref_slice %arg6[%dma_wait3A_210, %dma_wait3A_211, %dma_wait3A_212] : memref<5x128x128xf32, #tpu.memory_space<vmem>> -> memref<1x128x128xf32, #tpu.memory_space<vmem>>
      %dma_wait3A_214 = tpu.memref_squeeze %dma_wait3A_213 : memref<1x128x128xf32, #tpu.memory_space<vmem>> -> memref<128x128xf32, #tpu.memory_space<vmem>>
      %dma_wait3A_215 = arith.constant 0 : i32
      %dma_wait3A_216 = tpu.memref_slice %arg4[%add3A_114, %dma_wait3A_215] : memref<163840x128xf32, #tpu.memory_space<hbm>> -> memref<128x128xf32, #tpu.memory_space<hbm>>
      %dma_wait3A_217 = arith.constant 0 : i32
      %dma_wait3A_218 = tpu.memref_slice %arg4[%add3A_114, %dma_wait3A_217] : memref<163840x128xf32, #tpu.memory_space<hbm>> -> memref<128x128xf32, #tpu.memory_space<hbm>>
      %dma_wait3A_219 = arith.constant 0 : i32
      %dma_wait3A_220 = arith.constant 0 : i32
      %dma_wait3A_221 = tpu.memref_slice %arg6[%dma_wait3A_210, %dma_wait3A_219, %dma_wait3A_220] : memref<5x128x128xf32, #tpu.memory_space<vmem>> -> memref<1x128x128xf32, #tpu.memory_space<vmem>>
      %dma_wait3A_222 = tpu.memref_squeeze %dma_wait3A_221 : memref<1x128x128xf32, #tpu.memory_space<vmem>> -> memref<128x128xf32, #tpu.memory_space<vmem>>
      tpu.wait_dma2 semaphore(%arg8 : memref<!tpu.dma_semaphore, #tpu.memory_space<semaphore_mem>>) src(%dma_wait3A_222 : memref<128x128xf32, #tpu.memory_space<vmem>>) dst(%dma_wait3A_218 : memref<128x128xf32, #tpu.memory_space<hbm>>)
      %dma_wait3A_223 = arith.constant 2 : i32
      %dma_wait3A_224 = arith.constant 0 : i32
      %dma_wait3A_225 = arith.constant 0 : i32
      %dma_wait3A_226 = tpu.memref_slice %arg6[%dma_wait3A_223, %dma_wait3A_224, %dma_wait3A_225] : memref<5x128x128xf32, #tpu.memory_space<vmem>> -> memref<1x128x128xf32, #tpu.memory_space<vmem>>
      %dma_wait3A_227 = tpu.memref_squeeze %dma_wait3A_226 : memref<1x128x128xf32, #tpu.memory_space<vmem>> -> memref<128x128xf32, #tpu.memory_space<vmem>>
      %dma_wait3A_228 = arith.constant 0 : i32
      %dma_wait3A_229 = tpu.memref_slice %arg4[%add3A_137, %dma_wait3A_228] : memref<163840x128xf32, #tpu.memory_space<hbm>> -> memref<128x128xf32, #tpu.memory_space<hbm>>
      %dma_wait3A_230 = arith.constant 0 : i32
      %dma_wait3A_231 = tpu.memref_slice %arg4[%add3A_137, %dma_wait3A_230] : memref<163840x128xf32, #tpu.memory_space<hbm>> -> memref<128x128xf32, #tpu.memory_space<hbm>>
      %dma_wait3A_232 = arith.constant 0 : i32
      %dma_wait3A_233 = arith.constant 0 : i32
      %dma_wait3A_234 = tpu.memref_slice %arg6[%dma_wait3A_223, %dma_wait3A_232, %dma_wait3A_233] : memref<5x128x128xf32, #tpu.memory_space<vmem>> -> memref<1x128x128xf32, #tpu.memory_space<vmem>>
      %dma_wait3A_235 = tpu.memref_squeeze %dma_wait3A_234 : memref<1x128x128xf32, #tpu.memory_space<vmem>> -> memref<128x128xf32, #tpu.memory_space<vmem>>
      tpu.wait_dma2 semaphore(%arg8 : memref<!tpu.dma_semaphore, #tpu.memory_space<semaphore_mem>>) src(%dma_wait3A_235 : memref<128x128xf32, #tpu.memory_space<vmem>>) dst(%dma_wait3A_231 : memref<128x128xf32, #tpu.memory_space<hbm>>)
      %dma_wait3A_236 = arith.constant 3 : i32
      %dma_wait3A_237 = arith.constant 0 : i32
      %dma_wait3A_238 = arith.constant 0 : i32
      %dma_wait3A_239 = tpu.memref_slice %arg6[%dma_wait3A_236, %dma_wait3A_237, %dma_wait3A_238] : memref<5x128x128xf32, #tpu.memory_space<vmem>> -> memref<1x128x128xf32, #tpu.memory_space<vmem>>
      %dma_wait3A_240 = tpu.memref_squeeze %dma_wait3A_239 : memref<1x128x128xf32, #tpu.memory_space<vmem>> -> memref<128x128xf32, #tpu.memory_space<vmem>>
      %dma_wait3A_241 = arith.constant 0 : i32
      %dma_wait3A_242 = tpu.memref_slice %arg4[%add3A_160, %dma_wait3A_241] : memref<163840x128xf32, #tpu.memory_space<hbm>> -> memref<128x128xf32, #tpu.memory_space<hbm>>
      %dma_wait3A_243 = arith.constant 0 : i32
      %dma_wait3A_244 = tpu.memref_slice %arg4[%add3A_160, %dma_wait3A_243] : memref<163840x128xf32, #tpu.memory_space<hbm>> -> memref<128x128xf32, #tpu.memory_space<hbm>>
      %dma_wait3A_245 = arith.constant 0 : i32
      %dma_wait3A_246 = arith.constant 0 : i32
      %dma_wait3A_247 = tpu.memref_slice %arg6[%dma_wait3A_236, %dma_wait3A_245, %dma_wait3A_246] : memref<5x128x128xf32, #tpu.memory_space<vmem>> -> memref<1x128x128xf32, #tpu.memory_space<vmem>>
      %dma_wait3A_248 = tpu.memref_squeeze %dma_wait3A_247 : memref<1x128x128xf32, #tpu.memory_space<vmem>> -> memref<128x128xf32, #tpu.memory_space<vmem>>
      tpu.wait_dma2 semaphore(%arg8 : memref<!tpu.dma_semaphore, #tpu.memory_space<semaphore_mem>>) src(%dma_wait3A_248 : memref<128x128xf32, #tpu.memory_space<vmem>>) dst(%dma_wait3A_244 : memref<128x128xf32, #tpu.memory_space<hbm>>)
      %dma_wait3A_249 = arith.constant 4 : i32
      %dma_wait3A_250 = arith.constant 0 : i32
      %dma_wait3A_251 = arith.constant 0 : i32
      %dma_wait3A_252 = tpu.memref_slice %arg6[%dma_wait3A_249, %dma_wait3A_250, %dma_wait3A_251] : memref<5x128x128xf32, #tpu.memory_space<vmem>> -> memref<1x128x128xf32, #tpu.memory_space<vmem>>
      %dma_wait3A_253 = tpu.memref_squeeze %dma_wait3A_252 : memref<1x128x128xf32, #tpu.memory_space<vmem>> -> memref<128x128xf32, #tpu.memory_space<vmem>>
      %dma_wait3A_254 = arith.constant 0 : i32
      %dma_wait3A_255 = tpu.memref_slice %arg4[%add3A_183, %dma_wait3A_254] : memref<163840x128xf32, #tpu.memory_space<hbm>> -> memref<128x128xf32, #tpu.memory_space<hbm>>
      %dma_wait3A_256 = arith.constant 0 : i32
      %dma_wait3A_257 = tpu.memref_slice %arg4[%add3A_183, %dma_wait3A_256] : memref<163840x128xf32, #tpu.memory_space<hbm>> -> memref<128x128xf32, #tpu.memory_space<hbm>>
      %dma_wait3A_258 = arith.constant 0 : i32
      %dma_wait3A_259 = arith.constant 0 : i32
      %dma_wait3A_260 = tpu.memref_slice %arg6[%dma_wait3A_249, %dma_wait3A_258, %dma_wait3A_259] : memref<5x128x128xf32, #tpu.memory_space<vmem>> -> memref<1x128x128xf32, #tpu.memory_space<vmem>>
      %dma_wait3A_261 = tpu.memref_squeeze %dma_wait3A_260 : memref<1x128x128xf32, #tpu.memory_space<vmem>> -> memref<128x128xf32, #tpu.memory_space<vmem>>
      tpu.wait_dma2 semaphore(%arg8 : memref<!tpu.dma_semaphore, #tpu.memory_space<semaphore_mem>>) src(%dma_wait3A_261 : memref<128x128xf32, #tpu.memory_space<vmem>>) dst(%dma_wait3A_257 : memref<128x128xf32, #tpu.memory_space<hbm>>)
    }
    %scan3A_7 = arith.constant 8 : i32
    return
  }
}

#map = affine_map<(d0, d1) -> (0)>
#map1 = affine_map<(d0, d1) -> (0, 0)>
module attributes {stable_mosaic.version = 14 : i64} {
  func.func @gk(%arg0: i32, %arg1: i32, %arg2: memref<163840xi32, #tpu.memory_space<hbm>>, %arg3: memref<10240x128xf32, #tpu.memory_space<hbm>>, %arg4: memref<163840x128xf32, #tpu.memory_space<hbm>>, %arg5: memref<5120xi32, #tpu.memory_space<vmem>>, %arg6: memref<5x128x128xf32, #tpu.memory_space<vmem>>, %arg7: memref<!tpu.dma_semaphore, #tpu.memory_space<semaphore_mem>>, %arg8: memref<!tpu.dma_semaphore, #tpu.memory_space<semaphore_mem>>) attributes {dimension_semantics = [#tpu.dimension_semantics<core_parallel>, #tpu.dimension_semantics<subcore_parallel>], iteration_bounds = array<i64: 2, 16>, scalar_prefetch = 0 : i64, scratch_operands = 4 : i64, tpu.core_type = #tpu.core_type<sc_vector_subcore>, window_params = [{transform_indices = #map}, {transform_indices = #map1}, {transform_indices = #map1}]} {
    %mul3A = arith.constant 2 : i32
    %mul3A_0 = arith.muli %arg1, %mul3A : i32
    %add3A = arith.addi %mul3A_0, %arg0 : i32
    %mul3A_1 = arith.constant 5120 : i32
    %mul3A_2 = arith.muli %add3A, %mul3A_1 : i32
    "tpu.region"() ({
      %run_scoped3A = tpu.sem_alloc : memref<!tpu.dma_semaphore, #tpu.memory_space<semaphore_mem>>
      %dma_start3A = tpu.memref_slice %arg2[%mul3A_2] : memref<163840xi32, #tpu.memory_space<hbm>> -> memref<5120xi32, #tpu.memory_space<hbm>>
      %dma_start3A_8 = tpu.memref_slice %arg2[%mul3A_2] : memref<163840xi32, #tpu.memory_space<hbm>> -> memref<5120xi32, #tpu.memory_space<hbm>>
      tpu.enqueue_dma source(%dma_start3A_8 : memref<5120xi32, #tpu.memory_space<hbm>>) target(%arg5 : memref<5120xi32, #tpu.memory_space<vmem>>) target_semaphore(%run_scoped3A : memref<!tpu.dma_semaphore, #tpu.memory_space<semaphore_mem>>)
      %dma_wait3A = tpu.memref_slice %arg2[%mul3A_2] : memref<163840xi32, #tpu.memory_space<hbm>> -> memref<5120xi32, #tpu.memory_space<hbm>>
      %dma_wait3A_9 = tpu.memref_slice %arg2[%mul3A_2] : memref<163840xi32, #tpu.memory_space<hbm>> -> memref<5120xi32, #tpu.memory_space<hbm>>
      tpu.wait_dma2 semaphore(%run_scoped3A : memref<!tpu.dma_semaphore, #tpu.memory_space<semaphore_mem>>) src(%dma_wait3A_9 : memref<5120xi32, #tpu.memory_space<hbm>>) dst(%arg5 : memref<5120xi32, #tpu.memory_space<vmem>>)
      tpu.yield
    }) : () -> ()
    %scan3A = arith.constant 0 : i32
    %scan3A_3 = arith.constant 0 : i32
    %scan3A_4 = arith.constant 8 : i32
    %scan3A_5 = arith.addi %scan3A_3, %scan3A_4 : i32
    %scan3A_6 = arith.constant 1 : i32
    scf.for %scan3A_8 = %scan3A_3 to %scan3A_5 step %scan3A_6  : i32 {
      %mul3A_9 = arith.constant 5 : i32
      %mul3A_10 = arith.muli %scan3A_8, %mul3A_9 : i32
      %add3A_11 = arith.constant 0 : i32
      %add3A_12 = arith.addi %mul3A_10, %add3A_11 : i32
      %mul3A_13 = arith.constant 128 : i32
      %mul3A_14 = arith.muli %add3A_12, %mul3A_13 : i32
      %mul3A_15 = arith.constant 5 : i32
      %mul3A_16 = arith.muli %scan3A_8, %mul3A_15 : i32
      %add3A_17 = arith.constant 1 : i32
      %add3A_18 = arith.addi %mul3A_16, %add3A_17 : i32
      %mul3A_19 = arith.constant 128 : i32
      %mul3A_20 = arith.muli %add3A_18, %mul3A_19 : i32
      %mul3A_21 = arith.constant 5 : i32
      %mul3A_22 = arith.muli %scan3A_8, %mul3A_21 : i32
      %add3A_23 = arith.constant 2 : i32
      %add3A_24 = arith.addi %mul3A_22, %add3A_23 : i32
      %mul3A_25 = arith.constant 128 : i32
      %mul3A_26 = arith.muli %add3A_24, %mul3A_25 : i32
      %mul3A_27 = arith.constant 5 : i32
      %mul3A_28 = arith.muli %scan3A_8, %mul3A_27 : i32
      %add3A_29 = arith.constant 3 : i32
      %add3A_30 = arith.addi %mul3A_28, %add3A_29 : i32
      %mul3A_31 = arith.constant 128 : i32
      %mul3A_32 = arith.muli %add3A_30, %mul3A_31 : i32
      %mul3A_33 = arith.constant 5 : i32
      %mul3A_34 = arith.muli %scan3A_8, %mul3A_33 : i32
      %add3A_35 = arith.constant 4 : i32
      %add3A_36 = arith.addi %mul3A_34, %add3A_35 : i32
      %mul3A_37 = arith.constant 128 : i32
      %mul3A_38 = arith.muli %add3A_36, %mul3A_37 : i32
      %dma_start3A = arith.constant 0 : i32
      %dma_start3A_39 = arith.constant 0 : i32
      %dma_start3A_40 = arith.constant 0 : i32
      %dma_start3A_41 = tpu.memref_slice %arg6[%dma_start3A, %dma_start3A_39, %dma_start3A_40] : memref<5x128x128xf32, #tpu.memory_space<vmem>> -> memref<1x128x128xf32, #tpu.memory_space<vmem>>
      %dma_start3A_42 = tpu.memref_squeeze %dma_start3A_41 : memref<1x128x128xf32, #tpu.memory_space<vmem>> -> memref<128x128xf32, #tpu.memory_space<vmem>>
      %dma_start3A_43 = tpu.memref_slice %arg5[%mul3A_14] : memref<5120xi32, #tpu.memory_space<vmem>> -> memref<128xi32, #tpu.memory_space<vmem>>
      %dma_start3A_44 = arith.constant 0 : i32
      %dma_start3A_45 = arith.constant 0 : i32
      %dma_start3A_46 = tpu.memref_slice %arg3[%dma_start3A_44, %dma_start3A_45] : memref<10240x128xf32, #tpu.memory_space<hbm>> -> memref<10240x128xf32, #tpu.memory_space<hbm>>
      tpu.enqueue_indirect_dma source(%dma_start3A_46 : memref<10240x128xf32, #tpu.memory_space<hbm>>) target(%dma_start3A_42 : memref<128x128xf32, #tpu.memory_space<vmem>>) offsets(%dma_start3A_43 : memref<128xi32, #tpu.memory_space<vmem>>) semaphore(%arg7 : memref<!tpu.dma_semaphore, #tpu.memory_space<semaphore_mem>>)
      %dma_start3A_47 = arith.constant 1 : i32
      %dma_start3A_48 = arith.constant 0 : i32
      %dma_start3A_49 = arith.constant 0 : i32
      %dma_start3A_50 = tpu.memref_slice %arg6[%dma_start3A_47, %dma_start3A_48, %dma_start3A_49] : memref<5x128x128xf32, #tpu.memory_space<vmem>> -> memref<1x128x128xf32, #tpu.memory_space<vmem>>
      %dma_start3A_51 = tpu.memref_squeeze %dma_start3A_50 : memref<1x128x128xf32, #tpu.memory_space<vmem>> -> memref<128x128xf32, #tpu.memory_space<vmem>>
      %dma_start3A_52 = tpu.memref_slice %arg5[%mul3A_20] : memref<5120xi32, #tpu.memory_space<vmem>> -> memref<128xi32, #tpu.memory_space<vmem>>
      %dma_start3A_53 = arith.constant 0 : i32
      %dma_start3A_54 = arith.constant 0 : i32
      %dma_start3A_55 = tpu.memref_slice %arg3[%dma_start3A_53, %dma_start3A_54] : memref<10240x128xf32, #tpu.memory_space<hbm>> -> memref<10240x128xf32, #tpu.memory_space<hbm>>
      tpu.enqueue_indirect_dma source(%dma_start3A_55 : memref<10240x128xf32, #tpu.memory_space<hbm>>) target(%dma_start3A_51 : memref<128x128xf32, #tpu.memory_space<vmem>>) offsets(%dma_start3A_52 : memref<128xi32, #tpu.memory_space<vmem>>) semaphore(%arg7 : memref<!tpu.dma_semaphore, #tpu.memory_space<semaphore_mem>>)
      %dma_start3A_56 = arith.constant 2 : i32
      %dma_start3A_57 = arith.constant 0 : i32
      %dma_start3A_58 = arith.constant 0 : i32
      %dma_start3A_59 = tpu.memref_slice %arg6[%dma_start3A_56, %dma_start3A_57, %dma_start3A_58] : memref<5x128x128xf32, #tpu.memory_space<vmem>> -> memref<1x128x128xf32, #tpu.memory_space<vmem>>
      %dma_start3A_60 = tpu.memref_squeeze %dma_start3A_59 : memref<1x128x128xf32, #tpu.memory_space<vmem>> -> memref<128x128xf32, #tpu.memory_space<vmem>>
      %dma_start3A_61 = tpu.memref_slice %arg5[%mul3A_26] : memref<5120xi32, #tpu.memory_space<vmem>> -> memref<128xi32, #tpu.memory_space<vmem>>
      %dma_start3A_62 = arith.constant 0 : i32
      %dma_start3A_63 = arith.constant 0 : i32
      %dma_start3A_64 = tpu.memref_slice %arg3[%dma_start3A_62, %dma_start3A_63] : memref<10240x128xf32, #tpu.memory_space<hbm>> -> memref<10240x128xf32, #tpu.memory_space<hbm>>
      tpu.enqueue_indirect_dma source(%dma_start3A_64 : memref<10240x128xf32, #tpu.memory_space<hbm>>) target(%dma_start3A_60 : memref<128x128xf32, #tpu.memory_space<vmem>>) offsets(%dma_start3A_61 : memref<128xi32, #tpu.memory_space<vmem>>) semaphore(%arg7 : memref<!tpu.dma_semaphore, #tpu.memory_space<semaphore_mem>>)
      %dma_start3A_65 = arith.constant 3 : i32
      %dma_start3A_66 = arith.constant 0 : i32
      %dma_start3A_67 = arith.constant 0 : i32
      %dma_start3A_68 = tpu.memref_slice %arg6[%dma_start3A_65, %dma_start3A_66, %dma_start3A_67] : memref<5x128x128xf32, #tpu.memory_space<vmem>> -> memref<1x128x128xf32, #tpu.memory_space<vmem>>
      %dma_start3A_69 = tpu.memref_squeeze %dma_start3A_68 : memref<1x128x128xf32, #tpu.memory_space<vmem>> -> memref<128x128xf32, #tpu.memory_space<vmem>>
      %dma_start3A_70 = tpu.memref_slice %arg5[%mul3A_32] : memref<5120xi32, #tpu.memory_space<vmem>> -> memref<128xi32, #tpu.memory_space<vmem>>
      %dma_start3A_71 = arith.constant 0 : i32
      %dma_start3A_72 = arith.constant 0 : i32
      %dma_start3A_73 = tpu.memref_slice %arg3[%dma_start3A_71, %dma_start3A_72] : memref<10240x128xf32, #tpu.memory_space<hbm>> -> memref<10240x128xf32, #tpu.memory_space<hbm>>
      tpu.enqueue_indirect_dma source(%dma_start3A_73 : memref<10240x128xf32, #tpu.memory_space<hbm>>) target(%dma_start3A_69 : memref<128x128xf32, #tpu.memory_space<vmem>>) offsets(%dma_start3A_70 : memref<128xi32, #tpu.memory_space<vmem>>) semaphore(%arg7 : memref<!tpu.dma_semaphore, #tpu.memory_space<semaphore_mem>>)
      %dma_start3A_74 = arith.constant 4 : i32
      %dma_start3A_75 = arith.constant 0 : i32
      %dma_start3A_76 = arith.constant 0 : i32
      %dma_start3A_77 = tpu.memref_slice %arg6[%dma_start3A_74, %dma_start3A_75, %dma_start3A_76] : memref<5x128x128xf32, #tpu.memory_space<vmem>> -> memref<1x128x128xf32, #tpu.memory_space<vmem>>
      %dma_start3A_78 = tpu.memref_squeeze %dma_start3A_77 : memref<1x128x128xf32, #tpu.memory_space<vmem>> -> memref<128x128xf32, #tpu.memory_space<vmem>>
      %dma_start3A_79 = tpu.memref_slice %arg5[%mul3A_38] : memref<5120xi32, #tpu.memory_space<vmem>> -> memref<128xi32, #tpu.memory_space<vmem>>
      %dma_start3A_80 = arith.constant 0 : i32
      %dma_start3A_81 = arith.constant 0 : i32
      %dma_start3A_82 = tpu.memref_slice %arg3[%dma_start3A_80, %dma_start3A_81] : memref<10240x128xf32, #tpu.memory_space<hbm>> -> memref<10240x128xf32, #tpu.memory_space<hbm>>
      tpu.enqueue_indirect_dma source(%dma_start3A_82 : memref<10240x128xf32, #tpu.memory_space<hbm>>) target(%dma_start3A_78 : memref<128x128xf32, #tpu.memory_space<vmem>>) offsets(%dma_start3A_79 : memref<128xi32, #tpu.memory_space<vmem>>) semaphore(%arg7 : memref<!tpu.dma_semaphore, #tpu.memory_space<semaphore_mem>>)
      %dma_wait3A = arith.constant 0 : i32
      %dma_wait3A_83 = arith.constant 0 : i32
      %dma_wait3A_84 = arith.constant 0 : i32
      %dma_wait3A_85 = tpu.memref_slice %arg6[%dma_wait3A, %dma_wait3A_83, %dma_wait3A_84] : memref<5x128x128xf32, #tpu.memory_space<vmem>> -> memref<1x128x128xf32, #tpu.memory_space<vmem>>
      %dma_wait3A_86 = tpu.memref_squeeze %dma_wait3A_85 : memref<1x128x128xf32, #tpu.memory_space<vmem>> -> memref<128x128xf32, #tpu.memory_space<vmem>>
      %dma_wait3A_87 = tpu.memref_slice %arg5[%mul3A_14] : memref<5120xi32, #tpu.memory_space<vmem>> -> memref<128xi32, #tpu.memory_space<vmem>>
      %dma_wait3A_88 = arith.constant 0 : i32
      %dma_wait3A_89 = arith.constant 0 : i32
      %dma_wait3A_90 = tpu.memref_slice %arg3[%dma_wait3A_88, %dma_wait3A_89] : memref<10240x128xf32, #tpu.memory_space<hbm>> -> memref<10240x128xf32, #tpu.memory_space<hbm>>
      tpu.wait_indirect_dma semaphore(%arg7 : memref<!tpu.dma_semaphore, #tpu.memory_space<semaphore_mem>>) src(%dma_wait3A_90 : memref<10240x128xf32, #tpu.memory_space<hbm>>) dst(%dma_wait3A_86 : memref<128x128xf32, #tpu.memory_space<vmem>>)
      %add3A_91 = arith.addi %mul3A_2, %mul3A_14 : i32
      %dma_start3A_92 = arith.constant 0 : i32
      %dma_start3A_93 = arith.constant 0 : i32
      %dma_start3A_94 = arith.constant 0 : i32
      %dma_start3A_95 = tpu.memref_slice %arg6[%dma_start3A_92, %dma_start3A_93, %dma_start3A_94] : memref<5x128x128xf32, #tpu.memory_space<vmem>> -> memref<1x128x128xf32, #tpu.memory_space<vmem>>
      %dma_start3A_96 = tpu.memref_squeeze %dma_start3A_95 : memref<1x128x128xf32, #tpu.memory_space<vmem>> -> memref<128x128xf32, #tpu.memory_space<vmem>>
      %dma_start3A_97 = arith.constant 0 : i32
      %dma_start3A_98 = tpu.memref_slice %arg4[%add3A_91, %dma_start3A_97] : memref<163840x128xf32, #tpu.memory_space<hbm>> -> memref<128x128xf32, #tpu.memory_space<hbm>>
      %dma_start3A_99 = arith.constant 0 : i32
      %dma_start3A_100 = tpu.memref_slice %arg4[%add3A_91, %dma_start3A_99] : memref<163840x128xf32, #tpu.memory_space<hbm>> -> memref<128x128xf32, #tpu.memory_space<hbm>>
      %dma_start3A_101 = arith.constant 0 : i32
      %dma_start3A_102 = arith.constant 0 : i32
      %dma_start3A_103 = tpu.memref_slice %arg6[%dma_start3A_92, %dma_start3A_101, %dma_start3A_102] : memref<5x128x128xf32, #tpu.memory_space<vmem>> -> memref<1x128x128xf32, #tpu.memory_space<vmem>>
      %dma_start3A_104 = tpu.memref_squeeze %dma_start3A_103 : memref<1x128x128xf32, #tpu.memory_space<vmem>> -> memref<128x128xf32, #tpu.memory_space<vmem>>
      tpu.enqueue_dma source(%dma_start3A_104 : memref<128x128xf32, #tpu.memory_space<vmem>>) target(%dma_start3A_100 : memref<128x128xf32, #tpu.memory_space<hbm>>) target_semaphore(%arg8 : memref<!tpu.dma_semaphore, #tpu.memory_space<semaphore_mem>>)
      %dma_wait3A_105 = arith.constant 1 : i32
      %dma_wait3A_106 = arith.constant 0 : i32
      %dma_wait3A_107 = arith.constant 0 : i32
      %dma_wait3A_108 = tpu.memref_slice %arg6[%dma_wait3A_105, %dma_wait3A_106, %dma_wait3A_107] : memref<5x128x128xf32, #tpu.memory_space<vmem>> -> memref<1x128x128xf32, #tpu.memory_space<vmem>>
      %dma_wait3A_109 = tpu.memref_squeeze %dma_wait3A_108 : memref<1x128x128xf32, #tpu.memory_space<vmem>> -> memref<128x128xf32, #tpu.memory_space<vmem>>
      %dma_wait3A_110 = tpu.memref_slice %arg5[%mul3A_20] : memref<5120xi32, #tpu.memory_space<vmem>> -> memref<128xi32, #tpu.memory_space<vmem>>
      %dma_wait3A_111 = arith.constant 0 : i32
      %dma_wait3A_112 = arith.constant 0 : i32
      %dma_wait3A_113 = tpu.memref_slice %arg3[%dma_wait3A_111, %dma_wait3A_112] : memref<10240x128xf32, #tpu.memory_space<hbm>> -> memref<10240x128xf32, #tpu.memory_space<hbm>>
      tpu.wait_indirect_dma semaphore(%arg7 : memref<!tpu.dma_semaphore, #tpu.memory_space<semaphore_mem>>) src(%dma_wait3A_113 : memref<10240x128xf32, #tpu.memory_space<hbm>>) dst(%dma_wait3A_109 : memref<128x128xf32, #tpu.memory_space<vmem>>)
      %add3A_114 = arith.addi %mul3A_2, %mul3A_20 : i32
      %dma_start3A_115 = arith.constant 1 : i32
      %dma_start3A_116 = arith.constant 0 : i32
      %dma_start3A_117 = arith.constant 0 : i32
      %dma_start3A_118 = tpu.memref_slice %arg6[%dma_start3A_115, %dma_start3A_116, %dma_start3A_117] : memref<5x128x128xf32, #tpu.memory_space<vmem>> -> memref<1x128x128xf32, #tpu.memory_space<vmem>>
      %dma_start3A_119 = tpu.memref_squeeze %dma_start3A_118 : memref<1x128x128xf32, #tpu.memory_space<vmem>> -> memref<128x128xf32, #tpu.memory_space<vmem>>
      %dma_start3A_120 = arith.constant 0 : i32
      %dma_start3A_121 = tpu.memref_slice %arg4[%add3A_114, %dma_start3A_120] : memref<163840x128xf32, #tpu.memory_space<hbm>> -> memref<128x128xf32, #tpu.memory_space<hbm>>
      %dma_start3A_122 = arith.constant 0 : i32
      %dma_start3A_123 = tpu.memref_slice %arg4[%add3A_114, %dma_start3A_122] : memref<163840x128xf32, #tpu.memory_space<hbm>> -> memref<128x128xf32, #tpu.memory_space<hbm>>
      %dma_start3A_124 = arith.constant 0 : i32
      %dma_start3A_125 = arith.constant 0 : i32
      %dma_start3A_126 = tpu.memref_slice %arg6[%dma_start3A_115, %dma_start3A_124, %dma_start3A_125] : memref<5x128x128xf32, #tpu.memory_space<vmem>> -> memref<1x128x128xf32, #tpu.memory_space<vmem>>
      %dma_start3A_127 = tpu.memref_squeeze %dma_start3A_126 : memref<1x128x128xf32, #tpu.memory_space<vmem>> -> memref<128x128xf32, #tpu.memory_space<vmem>>
      tpu.enqueue_dma source(%dma_start3A_127 : memref<128x128xf32, #tpu.memory_space<vmem>>) target(%dma_start3A_123 : memref<128x128xf32, #tpu.memory_space<hbm>>) target_semaphore(%arg8 : memref<!tpu.dma_semaphore, #tpu.memory_space<semaphore_mem>>)
      %dma_wait3A_128 = arith.constant 2 : i32
      %dma_wait3A_129 = arith.constant 0 : i32
      %dma_wait3A_130 = arith.constant 0 : i32
      %dma_wait3A_131 = tpu.memref_slice %arg6[%dma_wait3A_128, %dma_wait3A_129, %dma_wait3A_130] : memref<5x128x128xf32, #tpu.memory_space<vmem>> -> memref<1x128x128xf32, #tpu.memory_space<vmem>>
      %dma_wait3A_132 = tpu.memref_squeeze %dma_wait3A_131 : memref<1x128x128xf32, #tpu.memory_space<vmem>> -> memref<128x128xf32, #tpu.memory_space<vmem>>
      %dma_wait3A_133 = tpu.memref_slice %arg5[%mul3A_26] : memref<5120xi32, #tpu.memory_space<vmem>> -> memref<128xi32, #tpu.memory_space<vmem>>
      %dma_wait3A_134 = arith.constant 0 : i32
      %dma_wait3A_135 = arith.constant 0 : i32
      %dma_wait3A_136 = tpu.memref_slice %arg3[%dma_wait3A_134, %dma_wait3A_135] : memref<10240x128xf32, #tpu.memory_space<hbm>> -> memref<10240x128xf32, #tpu.memory_space<hbm>>
      tpu.wait_indirect_dma semaphore(%arg7 : memref<!tpu.dma_semaphore, #tpu.memory_space<semaphore_mem>>) src(%dma_wait3A_136 : memref<10240x128xf32, #tpu.memory_space<hbm>>) dst(%dma_wait3A_132 : memref<128x128xf32, #tpu.memory_space<vmem>>)
      %add3A_137 = arith.addi %mul3A_2, %mul3A_26 : i32
      %dma_start3A_138 = arith.constant 2 : i32
      %dma_start3A_139 = arith.constant 0 : i32
      %dma_start3A_140 = arith.constant 0 : i32
      %dma_start3A_141 = tpu.memref_slice %arg6[%dma_start3A_138, %dma_start3A_139, %dma_start3A_140] : memref<5x128x128xf32, #tpu.memory_space<vmem>> -> memref<1x128x128xf32, #tpu.memory_space<vmem>>
      %dma_start3A_142 = tpu.memref_squeeze %dma_start3A_141 : memref<1x128x128xf32, #tpu.memory_space<vmem>> -> memref<128x128xf32, #tpu.memory_space<vmem>>
      %dma_start3A_143 = arith.constant 0 : i32
      %dma_start3A_144 = tpu.memref_slice %arg4[%add3A_137, %dma_start3A_143] : memref<163840x128xf32, #tpu.memory_space<hbm>> -> memref<128x128xf32, #tpu.memory_space<hbm>>
      %dma_start3A_145 = arith.constant 0 : i32
      %dma_start3A_146 = tpu.memref_slice %arg4[%add3A_137, %dma_start3A_145] : memref<163840x128xf32, #tpu.memory_space<hbm>> -> memref<128x128xf32, #tpu.memory_space<hbm>>
      %dma_start3A_147 = arith.constant 0 : i32
      %dma_start3A_148 = arith.constant 0 : i32
      %dma_start3A_149 = tpu.memref_slice %arg6[%dma_start3A_138, %dma_start3A_147, %dma_start3A_148] : memref<5x128x128xf32, #tpu.memory_space<vmem>> -> memref<1x128x128xf32, #tpu.memory_space<vmem>>
      %dma_start3A_150 = tpu.memref_squeeze %dma_start3A_149 : memref<1x128x128xf32, #tpu.memory_space<vmem>> -> memref<128x128xf32, #tpu.memory_space<vmem>>
      tpu.enqueue_dma source(%dma_start3A_150 : memref<128x128xf32, #tpu.memory_space<vmem>>) target(%dma_start3A_146 : memref<128x128xf32, #tpu.memory_space<hbm>>) target_semaphore(%arg8 : memref<!tpu.dma_semaphore, #tpu.memory_space<semaphore_mem>>)
      %dma_wait3A_151 = arith.constant 3 : i32
      %dma_wait3A_152 = arith.constant 0 : i32
      %dma_wait3A_153 = arith.constant 0 : i32
      %dma_wait3A_154 = tpu.memref_slice %arg6[%dma_wait3A_151, %dma_wait3A_152, %dma_wait3A_153] : memref<5x128x128xf32, #tpu.memory_space<vmem>> -> memref<1x128x128xf32, #tpu.memory_space<vmem>>
      %dma_wait3A_155 = tpu.memref_squeeze %dma_wait3A_154 : memref<1x128x128xf32, #tpu.memory_space<vmem>> -> memref<128x128xf32, #tpu.memory_space<vmem>>
      %dma_wait3A_156 = tpu.memref_slice %arg5[%mul3A_32] : memref<5120xi32, #tpu.memory_space<vmem>> -> memref<128xi32, #tpu.memory_space<vmem>>
      %dma_wait3A_157 = arith.constant 0 : i32
      %dma_wait3A_158 = arith.constant 0 : i32
      %dma_wait3A_159 = tpu.memref_slice %arg3[%dma_wait3A_157, %dma_wait3A_158] : memref<10240x128xf32, #tpu.memory_space<hbm>> -> memref<10240x128xf32, #tpu.memory_space<hbm>>
      tpu.wait_indirect_dma semaphore(%arg7 : memref<!tpu.dma_semaphore, #tpu.memory_space<semaphore_mem>>) src(%dma_wait3A_159 : memref<10240x128xf32, #tpu.memory_space<hbm>>) dst(%dma_wait3A_155 : memref<128x128xf32, #tpu.memory_space<vmem>>)
      %add3A_160 = arith.addi %mul3A_2, %mul3A_32 : i32
      %dma_start3A_161 = arith.constant 3 : i32
      %dma_start3A_162 = arith.constant 0 : i32
      %dma_start3A_163 = arith.constant 0 : i32
      %dma_start3A_164 = tpu.memref_slice %arg6[%dma_start3A_161, %dma_start3A_162, %dma_start3A_163] : memref<5x128x128xf32, #tpu.memory_space<vmem>> -> memref<1x128x128xf32, #tpu.memory_space<vmem>>
      %dma_start3A_165 = tpu.memref_squeeze %dma_start3A_164 : memref<1x128x128xf32, #tpu.memory_space<vmem>> -> memref<128x128xf32, #tpu.memory_space<vmem>>
      %dma_start3A_166 = arith.constant 0 : i32
      %dma_start3A_167 = tpu.memref_slice %arg4[%add3A_160, %dma_start3A_166] : memref<163840x128xf32, #tpu.memory_space<hbm>> -> memref<128x128xf32, #tpu.memory_space<hbm>>
      %dma_start3A_168 = arith.constant 0 : i32
      %dma_start3A_169 = tpu.memref_slice %arg4[%add3A_160, %dma_start3A_168] : memref<163840x128xf32, #tpu.memory_space<hbm>> -> memref<128x128xf32, #tpu.memory_space<hbm>>
      %dma_start3A_170 = arith.constant 0 : i32
      %dma_start3A_171 = arith.constant 0 : i32
      %dma_start3A_172 = tpu.memref_slice %arg6[%dma_start3A_161, %dma_start3A_170, %dma_start3A_171] : memref<5x128x128xf32, #tpu.memory_space<vmem>> -> memref<1x128x128xf32, #tpu.memory_space<vmem>>
      %dma_start3A_173 = tpu.memref_squeeze %dma_start3A_172 : memref<1x128x128xf32, #tpu.memory_space<vmem>> -> memref<128x128xf32, #tpu.memory_space<vmem>>
      tpu.enqueue_dma source(%dma_start3A_173 : memref<128x128xf32, #tpu.memory_space<vmem>>) target(%dma_start3A_169 : memref<128x128xf32, #tpu.memory_space<hbm>>) target_semaphore(%arg8 : memref<!tpu.dma_semaphore, #tpu.memory_space<semaphore_mem>>)
      %dma_wait3A_174 = arith.constant 4 : i32
      %dma_wait3A_175 = arith.constant 0 : i32
      %dma_wait3A_176 = arith.constant 0 : i32
      %dma_wait3A_177 = tpu.memref_slice %arg6[%dma_wait3A_174, %dma_wait3A_175, %dma_wait3A_176] : memref<5x128x128xf32, #tpu.memory_space<vmem>> -> memref<1x128x128xf32, #tpu.memory_space<vmem>>
      %dma_wait3A_178 = tpu.memref_squeeze %dma_wait3A_177 : memref<1x128x128xf32, #tpu.memory_space<vmem>> -> memref<128x128xf32, #tpu.memory_space<vmem>>
      %dma_wait3A_179 = tpu.memref_slice %arg5[%mul3A_38] : memref<5120xi32, #tpu.memory_space<vmem>> -> memref<128xi32, #tpu.memory_space<vmem>>
      %dma_wait3A_180 = arith.constant 0 : i32
      %dma_wait3A_181 = arith.constant 0 : i32
      %dma_wait3A_182 = tpu.memref_slice %arg3[%dma_wait3A_180, %dma_wait3A_181] : memref<10240x128xf32, #tpu.memory_space<hbm>> -> memref<10240x128xf32, #tpu.memory_space<hbm>>
      tpu.wait_indirect_dma semaphore(%arg7 : memref<!tpu.dma_semaphore, #tpu.memory_space<semaphore_mem>>) src(%dma_wait3A_182 : memref<10240x128xf32, #tpu.memory_space<hbm>>) dst(%dma_wait3A_178 : memref<128x128xf32, #tpu.memory_space<vmem>>)
      %add3A_183 = arith.addi %mul3A_2, %mul3A_38 : i32
      %dma_start3A_184 = arith.constant 4 : i32
      %dma_start3A_185 = arith.constant 0 : i32
      %dma_start3A_186 = arith.constant 0 : i32
      %dma_start3A_187 = tpu.memref_slice %arg6[%dma_start3A_184, %dma_start3A_185, %dma_start3A_186] : memref<5x128x128xf32, #tpu.memory_space<vmem>> -> memref<1x128x128xf32, #tpu.memory_space<vmem>>
      %dma_start3A_188 = tpu.memref_squeeze %dma_start3A_187 : memref<1x128x128xf32, #tpu.memory_space<vmem>> -> memref<128x128xf32, #tpu.memory_space<vmem>>
      %dma_start3A_189 = arith.constant 0 : i32
      %dma_start3A_190 = tpu.memref_slice %arg4[%add3A_183, %dma_start3A_189] : memref<163840x128xf32, #tpu.memory_space<hbm>> -> memref<128x128xf32, #tpu.memory_space<hbm>>
      %dma_start3A_191 = arith.constant 0 : i32
      %dma_start3A_192 = tpu.memref_slice %arg4[%add3A_183, %dma_start3A_191] : memref<163840x128xf32, #tpu.memory_space<hbm>> -> memref<128x128xf32, #tpu.memory_space<hbm>>
      %dma_start3A_193 = arith.constant 0 : i32
      %dma_start3A_194 = arith.constant 0 : i32
      %dma_start3A_195 = tpu.memref_slice %arg6[%dma_start3A_184, %dma_start3A_193, %dma_start3A_194] : memref<5x128x128xf32, #tpu.memory_space<vmem>> -> memref<1x128x128xf32, #tpu.memory_space<vmem>>
      %dma_start3A_196 = tpu.memref_squeeze %dma_start3A_195 : memref<1x128x128xf32, #tpu.memory_space<vmem>> -> memref<128x128xf32, #tpu.memory_space<vmem>>
      tpu.enqueue_dma source(%dma_start3A_196 : memref<128x128xf32, #tpu.memory_space<vmem>>) target(%dma_start3A_192 : memref<128x128xf32, #tpu.memory_space<hbm>>) target_semaphore(%arg8 : memref<!tpu.dma_semaphore, #tpu.memory_space<semaphore_mem>>)
      %dma_wait3A_197 = arith.constant 0 : i32
      %dma_wait3A_198 = arith.constant 0 : i32
      %dma_wait3A_199 = arith.constant 0 : i32
      %dma_wait3A_200 = tpu.memref_slice %arg6[%dma_wait3A_197, %dma_wait3A_198, %dma_wait3A_199] : memref<5x128x128xf32, #tpu.memory_space<vmem>> -> memref<1x128x128xf32, #tpu.memory_space<vmem>>
      %dma_wait3A_201 = tpu.memref_squeeze %dma_wait3A_200 : memref<1x128x128xf32, #tpu.memory_space<vmem>> -> memref<128x128xf32, #tpu.memory_space<vmem>>
      %dma_wait3A_202 = arith.constant 0 : i32
      %dma_wait3A_203 = tpu.memref_slice %arg4[%add3A_91, %dma_wait3A_202] : memref<163840x128xf32, #tpu.memory_space<hbm>> -> memref<128x128xf32, #tpu.memory_space<hbm>>
      %dma_wait3A_204 = arith.constant 0 : i32
      %dma_wait3A_205 = tpu.memref_slice %arg4[%add3A_91, %dma_wait3A_204] : memref<163840x128xf32, #tpu.memory_space<hbm>> -> memref<128x128xf32, #tpu.memory_space<hbm>>
      %dma_wait3A_206 = arith.constant 0 : i32
      %dma_wait3A_207 = arith.constant 0 : i32
      %dma_wait3A_208 = tpu.memref_slice %arg6[%dma_wait3A_197, %dma_wait3A_206, %dma_wait3A_207] : memref<5x128x128xf32, #tpu.memory_space<vmem>> -> memref<1x128x128xf32, #tpu.memory_space<vmem>>
      %dma_wait3A_209 = tpu.memref_squeeze %dma_wait3A_208 : memref<1x128x128xf32, #tpu.memory_space<vmem>> -> memref<128x128xf32, #tpu.memory_space<vmem>>
      tpu.wait_dma2 semaphore(%arg8 : memref<!tpu.dma_semaphore, #tpu.memory_space<semaphore_mem>>) src(%dma_wait3A_209 : memref<128x128xf32, #tpu.memory_space<vmem>>) dst(%dma_wait3A_205 : memref<128x128xf32, #tpu.memory_space<hbm>>)
      %dma_wait3A_210 = arith.constant 1 : i32
      %dma_wait3A_211 = arith.constant 0 : i32
      %dma_wait3A_212 = arith.constant 0 : i32
      %dma_wait3A_213 = tpu.memref_slice %arg6[%dma_wait3A_210, %dma_wait3A_211, %dma_wait3A_212] : memref<5x128x128xf32, #tpu.memory_space<vmem>> -> memref<1x128x128xf32, #tpu.memory_space<vmem>>
      %dma_wait3A_214 = tpu.memref_squeeze %dma_wait3A_213 : memref<1x128x128xf32, #tpu.memory_space<vmem>> -> memref<128x128xf32, #tpu.memory_space<vmem>>
      %dma_wait3A_215 = arith.constant 0 : i32
      %dma_wait3A_216 = tpu.memref_slice %arg4[%add3A_114, %dma_wait3A_215] : memref<163840x128xf32, #tpu.memory_space<hbm>> -> memref<128x128xf32, #tpu.memory_space<hbm>>
      %dma_wait3A_217 = arith.constant 0 : i32
      %dma_wait3A_218 = tpu.memref_slice %arg4[%add3A_114, %dma_wait3A_217] : memref<163840x128xf32, #tpu.memory_space<hbm>> -> memref<128x128xf32, #tpu.memory_space<hbm>>
      %dma_wait3A_219 = arith.constant 0 : i32
      %dma_wait3A_220 = arith.constant 0 : i32
      %dma_wait3A_221 = tpu.memref_slice %arg6[%dma_wait3A_210, %dma_wait3A_219, %dma_wait3A_220] : memref<5x128x128xf32, #tpu.memory_space<vmem>> -> memref<1x128x128xf32, #tpu.memory_space<vmem>>
      %dma_wait3A_222 = tpu.memref_squeeze %dma_wait3A_221 : memref<1x128x128xf32, #tpu.memory_space<vmem>> -> memref<128x128xf32, #tpu.memory_space<vmem>>
      tpu.wait_dma2 semaphore(%arg8 : memref<!tpu.dma_semaphore, #tpu.memory_space<semaphore_mem>>) src(%dma_wait3A_222 : memref<128x128xf32, #tpu.memory_space<vmem>>) dst(%dma_wait3A_218 : memref<128x128xf32, #tpu.memory_space<hbm>>)
      %dma_wait3A_223 = arith.constant 2 : i32
      %dma_wait3A_224 = arith.constant 0 : i32
      %dma_wait3A_225 = arith.constant 0 : i32
      %dma_wait3A_226 = tpu.memref_slice %arg6[%dma_wait3A_223, %dma_wait3A_224, %dma_wait3A_225] : memref<5x128x128xf32, #tpu.memory_space<vmem>> -> memref<1x128x128xf32, #tpu.memory_space<vmem>>
      %dma_wait3A_227 = tpu.memref_squeeze %dma_wait3A_226 : memref<1x128x128xf32, #tpu.memory_space<vmem>> -> memref<128x128xf32, #tpu.memory_space<vmem>>
      %dma_wait3A_228 = arith.constant 0 : i32
      %dma_wait3A_229 = tpu.memref_slice %arg4[%add3A_137, %dma_wait3A_228] : memref<163840x128xf32, #tpu.memory_space<hbm>> -> memref<128x128xf32, #tpu.memory_space<hbm>>
      %dma_wait3A_230 = arith.constant 0 : i32
      %dma_wait3A_231 = tpu.memref_slice %arg4[%add3A_137, %dma_wait3A_230] : memref<163840x128xf32, #tpu.memory_space<hbm>> -> memref<128x128xf32, #tpu.memory_space<hbm>>
      %dma_wait3A_232 = arith.constant 0 : i32
      %dma_wait3A_233 = arith.constant 0 : i32
      %dma_wait3A_234 = tpu.memref_slice %arg6[%dma_wait3A_223, %dma_wait3A_232, %dma_wait3A_233] : memref<5x128x128xf32, #tpu.memory_space<vmem>> -> memref<1x128x128xf32, #tpu.memory_space<vmem>>
      %dma_wait3A_235 = tpu.memref_squeeze %dma_wait3A_234 : memref<1x128x128xf32, #tpu.memory_space<vmem>> -> memref<128x128xf32, #tpu.memory_space<vmem>>
      tpu.wait_dma2 semaphore(%arg8 : memref<!tpu.dma_semaphore, #tpu.memory_space<semaphore_mem>>) src(%dma_wait3A_235 : memref<128x128xf32, #tpu.memory_space<vmem>>) dst(%dma_wait3A_231 : memref<128x128xf32, #tpu.memory_space<hbm>>)
      %dma_wait3A_236 = arith.constant 3 : i32
      %dma_wait3A_237 = arith.constant 0 : i32
      %dma_wait3A_238 = arith.constant 0 : i32
      %dma_wait3A_239 = tpu.memref_slice %arg6[%dma_wait3A_236, %dma_wait3A_237, %dma_wait3A_238] : memref<5x128x128xf32, #tpu.memory_space<vmem>> -> memref<1x128x128xf32, #tpu.memory_space<vmem>>
      %dma_wait3A_240 = tpu.memref_squeeze %dma_wait3A_239 : memref<1x128x128xf32, #tpu.memory_space<vmem>> -> memref<128x128xf32, #tpu.memory_space<vmem>>
      %dma_wait3A_241 = arith.constant 0 : i32
      %dma_wait3A_242 = tpu.memref_slice %arg4[%add3A_160, %dma_wait3A_241] : memref<163840x128xf32, #tpu.memory_space<hbm>> -> memref<128x128xf32, #tpu.memory_space<hbm>>
      %dma_wait3A_243 = arith.constant 0 : i32
      %dma_wait3A_244 = tpu.memref_slice %arg4[%add3A_160, %dma_wait3A_243] : memref<163840x128xf32, #tpu.memory_space<hbm>> -> memref<128x128xf32, #tpu.memory_space<hbm>>
      %dma_wait3A_245 = arith.constant 0 : i32
      %dma_wait3A_246 = arith.constant 0 : i32
      %dma_wait3A_247 = tpu.memref_slice %arg6[%dma_wait3A_236, %dma_wait3A_245, %dma_wait3A_246] : memref<5x128x128xf32, #tpu.memory_space<vmem>> -> memref<1x128x128xf32, #tpu.memory_space<vmem>>
      %dma_wait3A_248 = tpu.memref_squeeze %dma_wait3A_247 : memref<1x128x128xf32, #tpu.memory_space<vmem>> -> memref<128x128xf32, #tpu.memory_space<vmem>>
      tpu.wait_dma2 semaphore(%arg8 : memref<!tpu.dma_semaphore, #tpu.memory_space<semaphore_mem>>) src(%dma_wait3A_248 : memref<128x128xf32, #tpu.memory_space<vmem>>) dst(%dma_wait3A_244 : memref<128x128xf32, #tpu.memory_space<hbm>>)
      %dma_wait3A_249 = arith.constant 4 : i32
      %dma_wait3A_250 = arith.constant 0 : i32
      %dma_wait3A_251 = arith.constant 0 : i32
      %dma_wait3A_252 = tpu.memref_slice %arg6[%dma_wait3A_249, %dma_wait3A_250, %dma_wait3A_251] : memref<5x128x128xf32, #tpu.memory_space<vmem>> -> memref<1x128x128xf32, #tpu.memory_space<vmem>>
      %dma_wait3A_253 = tpu.memref_squeeze %dma_wait3A_252 : memref<1x128x128xf32, #tpu.memory_space<vmem>> -> memref<128x128xf32, #tpu.memory_space<vmem>>
      %dma_wait3A_254 = arith.constant 0 : i32
      %dma_wait3A_255 = tpu.memref_slice %arg4[%add3A_183, %dma_wait3A_254] : memref<163840x128xf32, #tpu.memory_space<hbm>> -> memref<128x128xf32, #tpu.memory_space<hbm>>
      %dma_wait3A_256 = arith.constant 0 : i32
      %dma_wait3A_257 = tpu.memref_slice %arg4[%add3A_183, %dma_wait3A_256] : memref<163840x128xf32, #tpu.memory_space<hbm>> -> memref<128x128xf32, #tpu.memory_space<hbm>>
      %dma_wait3A_258 = arith.constant 0 : i32
      %dma_wait3A_259 = arith.constant 0 : i32
      %dma_wait3A_260 = tpu.memref_slice %arg6[%dma_wait3A_249, %dma_wait3A_258, %dma_wait3A_259] : memref<5x128x128xf32, #tpu.memory_space<vmem>> -> memref<1x128x128xf32, #tpu.memory_space<vmem>>
      %dma_wait3A_261 = tpu.memref_squeeze %dma_wait3A_260 : memref<1x128x128xf32, #tpu.memory_space<vmem>> -> memref<128x128xf32, #tpu.memory_space<vmem>>
      tpu.wait_dma2 semaphore(%arg8 : memref<!tpu.dma_semaphore, #tpu.memory_space<semaphore_mem>>) src(%dma_wait3A_261 : memref<128x128xf32, #tpu.memory_space<vmem>>) dst(%dma_wait3A_257 : memref<128x128xf32, #tpu.memory_space<hbm>>)
    }
    %scan3A_7 = arith.constant 8 : i32
    return
  }
}

#map = affine_map<(d0, d1) -> (0)>
#map1 = affine_map<(d0, d1) -> (0, 0)>
module attributes {stable_mosaic.version = 14 : i64} {
  func.func @gk(%arg0: i32, %arg1: i32, %arg2: memref<163840xi32, #tpu.memory_space<hbm>>, %arg3: memref<10240x128xf32, #tpu.memory_space<hbm>>, %arg4: memref<163840x128xf32, #tpu.memory_space<hbm>>, %arg5: memref<5120xi32, #tpu.memory_space<vmem>>, %arg6: memref<5x128x128xf32, #tpu.memory_space<vmem>>, %arg7: memref<!tpu.dma_semaphore, #tpu.memory_space<semaphore_mem>>, %arg8: memref<!tpu.dma_semaphore, #tpu.memory_space<semaphore_mem>>) attributes {dimension_semantics = [#tpu.dimension_semantics<core_parallel>, #tpu.dimension_semantics<subcore_parallel>], iteration_bounds = array<i64: 2, 16>, scalar_prefetch = 0 : i64, scratch_operands = 4 : i64, tpu.core_type = #tpu.core_type<sc_vector_subcore>, window_params = [{transform_indices = #map}, {transform_indices = #map1}, {transform_indices = #map1}]} {
    %mul3A = arith.constant 2 : i32
    %mul3A_0 = arith.muli %arg1, %mul3A : i32
    %add3A = arith.addi %mul3A_0, %arg0 : i32
    %mul3A_1 = arith.constant 5120 : i32
    %mul3A_2 = arith.muli %add3A, %mul3A_1 : i32
    "tpu.region"() ({
      %run_scoped3A = tpu.sem_alloc : memref<!tpu.dma_semaphore, #tpu.memory_space<semaphore_mem>>
      %dma_start3A = tpu.memref_slice %arg2[%mul3A_2] : memref<163840xi32, #tpu.memory_space<hbm>> -> memref<5120xi32, #tpu.memory_space<hbm>>
      %dma_start3A_8 = tpu.memref_slice %arg2[%mul3A_2] : memref<163840xi32, #tpu.memory_space<hbm>> -> memref<5120xi32, #tpu.memory_space<hbm>>
      tpu.enqueue_dma source(%dma_start3A_8 : memref<5120xi32, #tpu.memory_space<hbm>>) target(%arg5 : memref<5120xi32, #tpu.memory_space<vmem>>) target_semaphore(%run_scoped3A : memref<!tpu.dma_semaphore, #tpu.memory_space<semaphore_mem>>)
      %dma_wait3A = tpu.memref_slice %arg2[%mul3A_2] : memref<163840xi32, #tpu.memory_space<hbm>> -> memref<5120xi32, #tpu.memory_space<hbm>>
      %dma_wait3A_9 = tpu.memref_slice %arg2[%mul3A_2] : memref<163840xi32, #tpu.memory_space<hbm>> -> memref<5120xi32, #tpu.memory_space<hbm>>
      tpu.wait_dma2 semaphore(%run_scoped3A : memref<!tpu.dma_semaphore, #tpu.memory_space<semaphore_mem>>) src(%dma_wait3A_9 : memref<5120xi32, #tpu.memory_space<hbm>>) dst(%arg5 : memref<5120xi32, #tpu.memory_space<vmem>>)
      tpu.yield
    }) : () -> ()
    %scan3A = arith.constant 0 : i32
    %scan3A_3 = arith.constant 0 : i32
    %scan3A_4 = arith.constant 8 : i32
    %scan3A_5 = arith.addi %scan3A_3, %scan3A_4 : i32
    %scan3A_6 = arith.constant 1 : i32
    scf.for %scan3A_8 = %scan3A_3 to %scan3A_5 step %scan3A_6  : i32 {
      %mul3A_9 = arith.constant 5 : i32
      %mul3A_10 = arith.muli %scan3A_8, %mul3A_9 : i32
      %add3A_11 = arith.constant 0 : i32
      %add3A_12 = arith.addi %mul3A_10, %add3A_11 : i32
      %mul3A_13 = arith.constant 128 : i32
      %mul3A_14 = arith.muli %add3A_12, %mul3A_13 : i32
      %mul3A_15 = arith.constant 5 : i32
      %mul3A_16 = arith.muli %scan3A_8, %mul3A_15 : i32
      %add3A_17 = arith.constant 1 : i32
      %add3A_18 = arith.addi %mul3A_16, %add3A_17 : i32
      %mul3A_19 = arith.constant 128 : i32
      %mul3A_20 = arith.muli %add3A_18, %mul3A_19 : i32
      %mul3A_21 = arith.constant 5 : i32
      %mul3A_22 = arith.muli %scan3A_8, %mul3A_21 : i32
      %add3A_23 = arith.constant 2 : i32
      %add3A_24 = arith.addi %mul3A_22, %add3A_23 : i32
      %mul3A_25 = arith.constant 128 : i32
      %mul3A_26 = arith.muli %add3A_24, %mul3A_25 : i32
      %mul3A_27 = arith.constant 5 : i32
      %mul3A_28 = arith.muli %scan3A_8, %mul3A_27 : i32
      %add3A_29 = arith.constant 3 : i32
      %add3A_30 = arith.addi %mul3A_28, %add3A_29 : i32
      %mul3A_31 = arith.constant 128 : i32
      %mul3A_32 = arith.muli %add3A_30, %mul3A_31 : i32
      %mul3A_33 = arith.constant 5 : i32
      %mul3A_34 = arith.muli %scan3A_8, %mul3A_33 : i32
      %add3A_35 = arith.constant 4 : i32
      %add3A_36 = arith.addi %mul3A_34, %add3A_35 : i32
      %mul3A_37 = arith.constant 128 : i32
      %mul3A_38 = arith.muli %add3A_36, %mul3A_37 : i32
      %dma_start3A = arith.constant 0 : i32
      %dma_start3A_39 = arith.constant 0 : i32
      %dma_start3A_40 = arith.constant 0 : i32
      %dma_start3A_41 = tpu.memref_slice %arg6[%dma_start3A, %dma_start3A_39, %dma_start3A_40] : memref<5x128x128xf32, #tpu.memory_space<vmem>> -> memref<1x128x128xf32, #tpu.memory_space<vmem>>
      %dma_start3A_42 = tpu.memref_squeeze %dma_start3A_41 : memref<1x128x128xf32, #tpu.memory_space<vmem>> -> memref<128x128xf32, #tpu.memory_space<vmem>>
      %dma_start3A_43 = tpu.memref_slice %arg5[%mul3A_14] : memref<5120xi32, #tpu.memory_space<vmem>> -> memref<128xi32, #tpu.memory_space<vmem>>
      %dma_start3A_44 = arith.constant 0 : i32
      %dma_start3A_45 = arith.constant 0 : i32
      %dma_start3A_46 = tpu.memref_slice %arg3[%dma_start3A_44, %dma_start3A_45] : memref<10240x128xf32, #tpu.memory_space<hbm>> -> memref<10240x128xf32, #tpu.memory_space<hbm>>
      tpu.enqueue_indirect_dma source(%dma_start3A_46 : memref<10240x128xf32, #tpu.memory_space<hbm>>) target(%dma_start3A_42 : memref<128x128xf32, #tpu.memory_space<vmem>>) offsets(%dma_start3A_43 : memref<128xi32, #tpu.memory_space<vmem>>) semaphore(%arg7 : memref<!tpu.dma_semaphore, #tpu.memory_space<semaphore_mem>>)
      %dma_start3A_47 = arith.constant 1 : i32
      %dma_start3A_48 = arith.constant 0 : i32
      %dma_start3A_49 = arith.constant 0 : i32
      %dma_start3A_50 = tpu.memref_slice %arg6[%dma_start3A_47, %dma_start3A_48, %dma_start3A_49] : memref<5x128x128xf32, #tpu.memory_space<vmem>> -> memref<1x128x128xf32, #tpu.memory_space<vmem>>
      %dma_start3A_51 = tpu.memref_squeeze %dma_start3A_50 : memref<1x128x128xf32, #tpu.memory_space<vmem>> -> memref<128x128xf32, #tpu.memory_space<vmem>>
      %dma_start3A_52 = tpu.memref_slice %arg5[%mul3A_20] : memref<5120xi32, #tpu.memory_space<vmem>> -> memref<128xi32, #tpu.memory_space<vmem>>
      %dma_start3A_53 = arith.constant 0 : i32
      %dma_start3A_54 = arith.constant 0 : i32
      %dma_start3A_55 = tpu.memref_slice %arg3[%dma_start3A_53, %dma_start3A_54] : memref<10240x128xf32, #tpu.memory_space<hbm>> -> memref<10240x128xf32, #tpu.memory_space<hbm>>
      tpu.enqueue_indirect_dma source(%dma_start3A_55 : memref<10240x128xf32, #tpu.memory_space<hbm>>) target(%dma_start3A_51 : memref<128x128xf32, #tpu.memory_space<vmem>>) offsets(%dma_start3A_52 : memref<128xi32, #tpu.memory_space<vmem>>) semaphore(%arg7 : memref<!tpu.dma_semaphore, #tpu.memory_space<semaphore_mem>>)
      %dma_start3A_56 = arith.constant 2 : i32
      %dma_start3A_57 = arith.constant 0 : i32
      %dma_start3A_58 = arith.constant 0 : i32
      %dma_start3A_59 = tpu.memref_slice %arg6[%dma_start3A_56, %dma_start3A_57, %dma_start3A_58] : memref<5x128x128xf32, #tpu.memory_space<vmem>> -> memref<1x128x128xf32, #tpu.memory_space<vmem>>
      %dma_start3A_60 = tpu.memref_squeeze %dma_start3A_59 : memref<1x128x128xf32, #tpu.memory_space<vmem>> -> memref<128x128xf32, #tpu.memory_space<vmem>>
      %dma_start3A_61 = tpu.memref_slice %arg5[%mul3A_26] : memref<5120xi32, #tpu.memory_space<vmem>> -> memref<128xi32, #tpu.memory_space<vmem>>
      %dma_start3A_62 = arith.constant 0 : i32
      %dma_start3A_63 = arith.constant 0 : i32
      %dma_start3A_64 = tpu.memref_slice %arg3[%dma_start3A_62, %dma_start3A_63] : memref<10240x128xf32, #tpu.memory_space<hbm>> -> memref<10240x128xf32, #tpu.memory_space<hbm>>
      tpu.enqueue_indirect_dma source(%dma_start3A_64 : memref<10240x128xf32, #tpu.memory_space<hbm>>) target(%dma_start3A_60 : memref<128x128xf32, #tpu.memory_space<vmem>>) offsets(%dma_start3A_61 : memref<128xi32, #tpu.memory_space<vmem>>) semaphore(%arg7 : memref<!tpu.dma_semaphore, #tpu.memory_space<semaphore_mem>>)
      %dma_start3A_65 = arith.constant 3 : i32
      %dma_start3A_66 = arith.constant 0 : i32
      %dma_start3A_67 = arith.constant 0 : i32
      %dma_start3A_68 = tpu.memref_slice %arg6[%dma_start3A_65, %dma_start3A_66, %dma_start3A_67] : memref<5x128x128xf32, #tpu.memory_space<vmem>> -> memref<1x128x128xf32, #tpu.memory_space<vmem>>
      %dma_start3A_69 = tpu.memref_squeeze %dma_start3A_68 : memref<1x128x128xf32, #tpu.memory_space<vmem>> -> memref<128x128xf32, #tpu.memory_space<vmem>>
      %dma_start3A_70 = tpu.memref_slice %arg5[%mul3A_32] : memref<5120xi32, #tpu.memory_space<vmem>> -> memref<128xi32, #tpu.memory_space<vmem>>
      %dma_start3A_71 = arith.constant 0 : i32
      %dma_start3A_72 = arith.constant 0 : i32
      %dma_start3A_73 = tpu.memref_slice %arg3[%dma_start3A_71, %dma_start3A_72] : memref<10240x128xf32, #tpu.memory_space<hbm>> -> memref<10240x128xf32, #tpu.memory_space<hbm>>
      tpu.enqueue_indirect_dma source(%dma_start3A_73 : memref<10240x128xf32, #tpu.memory_space<hbm>>) target(%dma_start3A_69 : memref<128x128xf32, #tpu.memory_space<vmem>>) offsets(%dma_start3A_70 : memref<128xi32, #tpu.memory_space<vmem>>) semaphore(%arg7 : memref<!tpu.dma_semaphore, #tpu.memory_space<semaphore_mem>>)
      %dma_start3A_74 = arith.constant 4 : i32
      %dma_start3A_75 = arith.constant 0 : i32
      %dma_start3A_76 = arith.constant 0 : i32
      %dma_start3A_77 = tpu.memref_slice %arg6[%dma_start3A_74, %dma_start3A_75, %dma_start3A_76] : memref<5x128x128xf32, #tpu.memory_space<vmem>> -> memref<1x128x128xf32, #tpu.memory_space<vmem>>
      %dma_start3A_78 = tpu.memref_squeeze %dma_start3A_77 : memref<1x128x128xf32, #tpu.memory_space<vmem>> -> memref<128x128xf32, #tpu.memory_space<vmem>>
      %dma_start3A_79 = tpu.memref_slice %arg5[%mul3A_38] : memref<5120xi32, #tpu.memory_space<vmem>> -> memref<128xi32, #tpu.memory_space<vmem>>
      %dma_start3A_80 = arith.constant 0 : i32
      %dma_start3A_81 = arith.constant 0 : i32
      %dma_start3A_82 = tpu.memref_slice %arg3[%dma_start3A_80, %dma_start3A_81] : memref<10240x128xf32, #tpu.memory_space<hbm>> -> memref<10240x128xf32, #tpu.memory_space<hbm>>
      tpu.enqueue_indirect_dma source(%dma_start3A_82 : memref<10240x128xf32, #tpu.memory_space<hbm>>) target(%dma_start3A_78 : memref<128x128xf32, #tpu.memory_space<vmem>>) offsets(%dma_start3A_79 : memref<128xi32, #tpu.memory_space<vmem>>) semaphore(%arg7 : memref<!tpu.dma_semaphore, #tpu.memory_space<semaphore_mem>>)
      %dma_wait3A = arith.constant 0 : i32
      %dma_wait3A_83 = arith.constant 0 : i32
      %dma_wait3A_84 = arith.constant 0 : i32
      %dma_wait3A_85 = tpu.memref_slice %arg6[%dma_wait3A, %dma_wait3A_83, %dma_wait3A_84] : memref<5x128x128xf32, #tpu.memory_space<vmem>> -> memref<1x128x128xf32, #tpu.memory_space<vmem>>
      %dma_wait3A_86 = tpu.memref_squeeze %dma_wait3A_85 : memref<1x128x128xf32, #tpu.memory_space<vmem>> -> memref<128x128xf32, #tpu.memory_space<vmem>>
      %dma_wait3A_87 = tpu.memref_slice %arg5[%mul3A_14] : memref<5120xi32, #tpu.memory_space<vmem>> -> memref<128xi32, #tpu.memory_space<vmem>>
      %dma_wait3A_88 = arith.constant 0 : i32
      %dma_wait3A_89 = arith.constant 0 : i32
      %dma_wait3A_90 = tpu.memref_slice %arg3[%dma_wait3A_88, %dma_wait3A_89] : memref<10240x128xf32, #tpu.memory_space<hbm>> -> memref<10240x128xf32, #tpu.memory_space<hbm>>
      tpu.wait_indirect_dma semaphore(%arg7 : memref<!tpu.dma_semaphore, #tpu.memory_space<semaphore_mem>>) src(%dma_wait3A_90 : memref<10240x128xf32, #tpu.memory_space<hbm>>) dst(%dma_wait3A_86 : memref<128x128xf32, #tpu.memory_space<vmem>>)
      %add3A_91 = arith.addi %mul3A_2, %mul3A_14 : i32
      %dma_start3A_92 = arith.constant 0 : i32
      %dma_start3A_93 = arith.constant 0 : i32
      %dma_start3A_94 = arith.constant 0 : i32
      %dma_start3A_95 = tpu.memref_slice %arg6[%dma_start3A_92, %dma_start3A_93, %dma_start3A_94] : memref<5x128x128xf32, #tpu.memory_space<vmem>> -> memref<1x128x128xf32, #tpu.memory_space<vmem>>
      %dma_start3A_96 = tpu.memref_squeeze %dma_start3A_95 : memref<1x128x128xf32, #tpu.memory_space<vmem>> -> memref<128x128xf32, #tpu.memory_space<vmem>>
      %dma_start3A_97 = arith.constant 0 : i32
      %dma_start3A_98 = tpu.memref_slice %arg4[%add3A_91, %dma_start3A_97] : memref<163840x128xf32, #tpu.memory_space<hbm>> -> memref<128x128xf32, #tpu.memory_space<hbm>>
      %dma_start3A_99 = arith.constant 0 : i32
      %dma_start3A_100 = tpu.memref_slice %arg4[%add3A_91, %dma_start3A_99] : memref<163840x128xf32, #tpu.memory_space<hbm>> -> memref<128x128xf32, #tpu.memory_space<hbm>>
      %dma_start3A_101 = arith.constant 0 : i32
      %dma_start3A_102 = arith.constant 0 : i32
      %dma_start3A_103 = tpu.memref_slice %arg6[%dma_start3A_92, %dma_start3A_101, %dma_start3A_102] : memref<5x128x128xf32, #tpu.memory_space<vmem>> -> memref<1x128x128xf32, #tpu.memory_space<vmem>>
      %dma_start3A_104 = tpu.memref_squeeze %dma_start3A_103 : memref<1x128x128xf32, #tpu.memory_space<vmem>> -> memref<128x128xf32, #tpu.memory_space<vmem>>
      tpu.enqueue_dma source(%dma_start3A_104 : memref<128x128xf32, #tpu.memory_space<vmem>>) target(%dma_start3A_100 : memref<128x128xf32, #tpu.memory_space<hbm>>) target_semaphore(%arg8 : memref<!tpu.dma_semaphore, #tpu.memory_space<semaphore_mem>>)
      %dma_wait3A_105 = arith.constant 1 : i32
      %dma_wait3A_106 = arith.constant 0 : i32
      %dma_wait3A_107 = arith.constant 0 : i32
      %dma_wait3A_108 = tpu.memref_slice %arg6[%dma_wait3A_105, %dma_wait3A_106, %dma_wait3A_107] : memref<5x128x128xf32, #tpu.memory_space<vmem>> -> memref<1x128x128xf32, #tpu.memory_space<vmem>>
      %dma_wait3A_109 = tpu.memref_squeeze %dma_wait3A_108 : memref<1x128x128xf32, #tpu.memory_space<vmem>> -> memref<128x128xf32, #tpu.memory_space<vmem>>
      %dma_wait3A_110 = tpu.memref_slice %arg5[%mul3A_20] : memref<5120xi32, #tpu.memory_space<vmem>> -> memref<128xi32, #tpu.memory_space<vmem>>
      %dma_wait3A_111 = arith.constant 0 : i32
      %dma_wait3A_112 = arith.constant 0 : i32
      %dma_wait3A_113 = tpu.memref_slice %arg3[%dma_wait3A_111, %dma_wait3A_112] : memref<10240x128xf32, #tpu.memory_space<hbm>> -> memref<10240x128xf32, #tpu.memory_space<hbm>>
      tpu.wait_indirect_dma semaphore(%arg7 : memref<!tpu.dma_semaphore, #tpu.memory_space<semaphore_mem>>) src(%dma_wait3A_113 : memref<10240x128xf32, #tpu.memory_space<hbm>>) dst(%dma_wait3A_109 : memref<128x128xf32, #tpu.memory_space<vmem>>)
      %add3A_114 = arith.addi %mul3A_2, %mul3A_20 : i32
      %dma_start3A_115 = arith.constant 1 : i32
      %dma_start3A_116 = arith.constant 0 : i32
      %dma_start3A_117 = arith.constant 0 : i32
      %dma_start3A_118 = tpu.memref_slice %arg6[%dma_start3A_115, %dma_start3A_116, %dma_start3A_117] : memref<5x128x128xf32, #tpu.memory_space<vmem>> -> memref<1x128x128xf32, #tpu.memory_space<vmem>>
      %dma_start3A_119 = tpu.memref_squeeze %dma_start3A_118 : memref<1x128x128xf32, #tpu.memory_space<vmem>> -> memref<128x128xf32, #tpu.memory_space<vmem>>
      %dma_start3A_120 = arith.constant 0 : i32
      %dma_start3A_121 = tpu.memref_slice %arg4[%add3A_114, %dma_start3A_120] : memref<163840x128xf32, #tpu.memory_space<hbm>> -> memref<128x128xf32, #tpu.memory_space<hbm>>
      %dma_start3A_122 = arith.constant 0 : i32
      %dma_start3A_123 = tpu.memref_slice %arg4[%add3A_114, %dma_start3A_122] : memref<163840x128xf32, #tpu.memory_space<hbm>> -> memref<128x128xf32, #tpu.memory_space<hbm>>
      %dma_start3A_124 = arith.constant 0 : i32
      %dma_start3A_125 = arith.constant 0 : i32
      %dma_start3A_126 = tpu.memref_slice %arg6[%dma_start3A_115, %dma_start3A_124, %dma_start3A_125] : memref<5x128x128xf32, #tpu.memory_space<vmem>> -> memref<1x128x128xf32, #tpu.memory_space<vmem>>
      %dma_start3A_127 = tpu.memref_squeeze %dma_start3A_126 : memref<1x128x128xf32, #tpu.memory_space<vmem>> -> memref<128x128xf32, #tpu.memory_space<vmem>>
      tpu.enqueue_dma source(%dma_start3A_127 : memref<128x128xf32, #tpu.memory_space<vmem>>) target(%dma_start3A_123 : memref<128x128xf32, #tpu.memory_space<hbm>>) target_semaphore(%arg8 : memref<!tpu.dma_semaphore, #tpu.memory_space<semaphore_mem>>)
      %dma_wait3A_128 = arith.constant 2 : i32
      %dma_wait3A_129 = arith.constant 0 : i32
      %dma_wait3A_130 = arith.constant 0 : i32
      %dma_wait3A_131 = tpu.memref_slice %arg6[%dma_wait3A_128, %dma_wait3A_129, %dma_wait3A_130] : memref<5x128x128xf32, #tpu.memory_space<vmem>> -> memref<1x128x128xf32, #tpu.memory_space<vmem>>
      %dma_wait3A_132 = tpu.memref_squeeze %dma_wait3A_131 : memref<1x128x128xf32, #tpu.memory_space<vmem>> -> memref<128x128xf32, #tpu.memory_space<vmem>>
      %dma_wait3A_133 = tpu.memref_slice %arg5[%mul3A_26] : memref<5120xi32, #tpu.memory_space<vmem>> -> memref<128xi32, #tpu.memory_space<vmem>>
      %dma_wait3A_134 = arith.constant 0 : i32
      %dma_wait3A_135 = arith.constant 0 : i32
      %dma_wait3A_136 = tpu.memref_slice %arg3[%dma_wait3A_134, %dma_wait3A_135] : memref<10240x128xf32, #tpu.memory_space<hbm>> -> memref<10240x128xf32, #tpu.memory_space<hbm>>
      tpu.wait_indirect_dma semaphore(%arg7 : memref<!tpu.dma_semaphore, #tpu.memory_space<semaphore_mem>>) src(%dma_wait3A_136 : memref<10240x128xf32, #tpu.memory_space<hbm>>) dst(%dma_wait3A_132 : memref<128x128xf32, #tpu.memory_space<vmem>>)
      %add3A_137 = arith.addi %mul3A_2, %mul3A_26 : i32
      %dma_start3A_138 = arith.constant 2 : i32
      %dma_start3A_139 = arith.constant 0 : i32
      %dma_start3A_140 = arith.constant 0 : i32
      %dma_start3A_141 = tpu.memref_slice %arg6[%dma_start3A_138, %dma_start3A_139, %dma_start3A_140] : memref<5x128x128xf32, #tpu.memory_space<vmem>> -> memref<1x128x128xf32, #tpu.memory_space<vmem>>
      %dma_start3A_142 = tpu.memref_squeeze %dma_start3A_141 : memref<1x128x128xf32, #tpu.memory_space<vmem>> -> memref<128x128xf32, #tpu.memory_space<vmem>>
      %dma_start3A_143 = arith.constant 0 : i32
      %dma_start3A_144 = tpu.memref_slice %arg4[%add3A_137, %dma_start3A_143] : memref<163840x128xf32, #tpu.memory_space<hbm>> -> memref<128x128xf32, #tpu.memory_space<hbm>>
      %dma_start3A_145 = arith.constant 0 : i32
      %dma_start3A_146 = tpu.memref_slice %arg4[%add3A_137, %dma_start3A_145] : memref<163840x128xf32, #tpu.memory_space<hbm>> -> memref<128x128xf32, #tpu.memory_space<hbm>>
      %dma_start3A_147 = arith.constant 0 : i32
      %dma_start3A_148 = arith.constant 0 : i32
      %dma_start3A_149 = tpu.memref_slice %arg6[%dma_start3A_138, %dma_start3A_147, %dma_start3A_148] : memref<5x128x128xf32, #tpu.memory_space<vmem>> -> memref<1x128x128xf32, #tpu.memory_space<vmem>>
      %dma_start3A_150 = tpu.memref_squeeze %dma_start3A_149 : memref<1x128x128xf32, #tpu.memory_space<vmem>> -> memref<128x128xf32, #tpu.memory_space<vmem>>
      tpu.enqueue_dma source(%dma_start3A_150 : memref<128x128xf32, #tpu.memory_space<vmem>>) target(%dma_start3A_146 : memref<128x128xf32, #tpu.memory_space<hbm>>) target_semaphore(%arg8 : memref<!tpu.dma_semaphore, #tpu.memory_space<semaphore_mem>>)
      %dma_wait3A_151 = arith.constant 3 : i32
      %dma_wait3A_152 = arith.constant 0 : i32
      %dma_wait3A_153 = arith.constant 0 : i32
      %dma_wait3A_154 = tpu.memref_slice %arg6[%dma_wait3A_151, %dma_wait3A_152, %dma_wait3A_153] : memref<5x128x128xf32, #tpu.memory_space<vmem>> -> memref<1x128x128xf32, #tpu.memory_space<vmem>>
      %dma_wait3A_155 = tpu.memref_squeeze %dma_wait3A_154 : memref<1x128x128xf32, #tpu.memory_space<vmem>> -> memref<128x128xf32, #tpu.memory_space<vmem>>
      %dma_wait3A_156 = tpu.memref_slice %arg5[%mul3A_32] : memref<5120xi32, #tpu.memory_space<vmem>> -> memref<128xi32, #tpu.memory_space<vmem>>
      %dma_wait3A_157 = arith.constant 0 : i32
      %dma_wait3A_158 = arith.constant 0 : i32
      %dma_wait3A_159 = tpu.memref_slice %arg3[%dma_wait3A_157, %dma_wait3A_158] : memref<10240x128xf32, #tpu.memory_space<hbm>> -> memref<10240x128xf32, #tpu.memory_space<hbm>>
      tpu.wait_indirect_dma semaphore(%arg7 : memref<!tpu.dma_semaphore, #tpu.memory_space<semaphore_mem>>) src(%dma_wait3A_159 : memref<10240x128xf32, #tpu.memory_space<hbm>>) dst(%dma_wait3A_155 : memref<128x128xf32, #tpu.memory_space<vmem>>)
      %add3A_160 = arith.addi %mul3A_2, %mul3A_32 : i32
      %dma_start3A_161 = arith.constant 3 : i32
      %dma_start3A_162 = arith.constant 0 : i32
      %dma_start3A_163 = arith.constant 0 : i32
      %dma_start3A_164 = tpu.memref_slice %arg6[%dma_start3A_161, %dma_start3A_162, %dma_start3A_163] : memref<5x128x128xf32, #tpu.memory_space<vmem>> -> memref<1x128x128xf32, #tpu.memory_space<vmem>>
      %dma_start3A_165 = tpu.memref_squeeze %dma_start3A_164 : memref<1x128x128xf32, #tpu.memory_space<vmem>> -> memref<128x128xf32, #tpu.memory_space<vmem>>
      %dma_start3A_166 = arith.constant 0 : i32
      %dma_start3A_167 = tpu.memref_slice %arg4[%add3A_160, %dma_start3A_166] : memref<163840x128xf32, #tpu.memory_space<hbm>> -> memref<128x128xf32, #tpu.memory_space<hbm>>
      %dma_start3A_168 = arith.constant 0 : i32
      %dma_start3A_169 = tpu.memref_slice %arg4[%add3A_160, %dma_start3A_168] : memref<163840x128xf32, #tpu.memory_space<hbm>> -> memref<128x128xf32, #tpu.memory_space<hbm>>
      %dma_start3A_170 = arith.constant 0 : i32
      %dma_start3A_171 = arith.constant 0 : i32
      %dma_start3A_172 = tpu.memref_slice %arg6[%dma_start3A_161, %dma_start3A_170, %dma_start3A_171] : memref<5x128x128xf32, #tpu.memory_space<vmem>> -> memref<1x128x128xf32, #tpu.memory_space<vmem>>
      %dma_start3A_173 = tpu.memref_squeeze %dma_start3A_172 : memref<1x128x128xf32, #tpu.memory_space<vmem>> -> memref<128x128xf32, #tpu.memory_space<vmem>>
      tpu.enqueue_dma source(%dma_start3A_173 : memref<128x128xf32, #tpu.memory_space<vmem>>) target(%dma_start3A_169 : memref<128x128xf32, #tpu.memory_space<hbm>>) target_semaphore(%arg8 : memref<!tpu.dma_semaphore, #tpu.memory_space<semaphore_mem>>)
      %dma_wait3A_174 = arith.constant 4 : i32
      %dma_wait3A_175 = arith.constant 0 : i32
      %dma_wait3A_176 = arith.constant 0 : i32
      %dma_wait3A_177 = tpu.memref_slice %arg6[%dma_wait3A_174, %dma_wait3A_175, %dma_wait3A_176] : memref<5x128x128xf32, #tpu.memory_space<vmem>> -> memref<1x128x128xf32, #tpu.memory_space<vmem>>
      %dma_wait3A_178 = tpu.memref_squeeze %dma_wait3A_177 : memref<1x128x128xf32, #tpu.memory_space<vmem>> -> memref<128x128xf32, #tpu.memory_space<vmem>>
      %dma_wait3A_179 = tpu.memref_slice %arg5[%mul3A_38] : memref<5120xi32, #tpu.memory_space<vmem>> -> memref<128xi32, #tpu.memory_space<vmem>>
      %dma_wait3A_180 = arith.constant 0 : i32
      %dma_wait3A_181 = arith.constant 0 : i32
      %dma_wait3A_182 = tpu.memref_slice %arg3[%dma_wait3A_180, %dma_wait3A_181] : memref<10240x128xf32, #tpu.memory_space<hbm>> -> memref<10240x128xf32, #tpu.memory_space<hbm>>
      tpu.wait_indirect_dma semaphore(%arg7 : memref<!tpu.dma_semaphore, #tpu.memory_space<semaphore_mem>>) src(%dma_wait3A_182 : memref<10240x128xf32, #tpu.memory_space<hbm>>) dst(%dma_wait3A_178 : memref<128x128xf32, #tpu.memory_space<vmem>>)
      %add3A_183 = arith.addi %mul3A_2, %mul3A_38 : i32
      %dma_start3A_184 = arith.constant 4 : i32
      %dma_start3A_185 = arith.constant 0 : i32
      %dma_start3A_186 = arith.constant 0 : i32
      %dma_start3A_187 = tpu.memref_slice %arg6[%dma_start3A_184, %dma_start3A_185, %dma_start3A_186] : memref<5x128x128xf32, #tpu.memory_space<vmem>> -> memref<1x128x128xf32, #tpu.memory_space<vmem>>
      %dma_start3A_188 = tpu.memref_squeeze %dma_start3A_187 : memref<1x128x128xf32, #tpu.memory_space<vmem>> -> memref<128x128xf32, #tpu.memory_space<vmem>>
      %dma_start3A_189 = arith.constant 0 : i32
      %dma_start3A_190 = tpu.memref_slice %arg4[%add3A_183, %dma_start3A_189] : memref<163840x128xf32, #tpu.memory_space<hbm>> -> memref<128x128xf32, #tpu.memory_space<hbm>>
      %dma_start3A_191 = arith.constant 0 : i32
      %dma_start3A_192 = tpu.memref_slice %arg4[%add3A_183, %dma_start3A_191] : memref<163840x128xf32, #tpu.memory_space<hbm>> -> memref<128x128xf32, #tpu.memory_space<hbm>>
      %dma_start3A_193 = arith.constant 0 : i32
      %dma_start3A_194 = arith.constant 0 : i32
      %dma_start3A_195 = tpu.memref_slice %arg6[%dma_start3A_184, %dma_start3A_193, %dma_start3A_194] : memref<5x128x128xf32, #tpu.memory_space<vmem>> -> memref<1x128x128xf32, #tpu.memory_space<vmem>>
      %dma_start3A_196 = tpu.memref_squeeze %dma_start3A_195 : memref<1x128x128xf32, #tpu.memory_space<vmem>> -> memref<128x128xf32, #tpu.memory_space<vmem>>
      tpu.enqueue_dma source(%dma_start3A_196 : memref<128x128xf32, #tpu.memory_space<vmem>>) target(%dma_start3A_192 : memref<128x128xf32, #tpu.memory_space<hbm>>) target_semaphore(%arg8 : memref<!tpu.dma_semaphore, #tpu.memory_space<semaphore_mem>>)
      %dma_wait3A_197 = arith.constant 0 : i32
      %dma_wait3A_198 = arith.constant 0 : i32
      %dma_wait3A_199 = arith.constant 0 : i32
      %dma_wait3A_200 = tpu.memref_slice %arg6[%dma_wait3A_197, %dma_wait3A_198, %dma_wait3A_199] : memref<5x128x128xf32, #tpu.memory_space<vmem>> -> memref<1x128x128xf32, #tpu.memory_space<vmem>>
      %dma_wait3A_201 = tpu.memref_squeeze %dma_wait3A_200 : memref<1x128x128xf32, #tpu.memory_space<vmem>> -> memref<128x128xf32, #tpu.memory_space<vmem>>
      %dma_wait3A_202 = arith.constant 0 : i32
      %dma_wait3A_203 = tpu.memref_slice %arg4[%add3A_91, %dma_wait3A_202] : memref<163840x128xf32, #tpu.memory_space<hbm>> -> memref<128x128xf32, #tpu.memory_space<hbm>>
      %dma_wait3A_204 = arith.constant 0 : i32
      %dma_wait3A_205 = tpu.memref_slice %arg4[%add3A_91, %dma_wait3A_204] : memref<163840x128xf32, #tpu.memory_space<hbm>> -> memref<128x128xf32, #tpu.memory_space<hbm>>
      %dma_wait3A_206 = arith.constant 0 : i32
      %dma_wait3A_207 = arith.constant 0 : i32
      %dma_wait3A_208 = tpu.memref_slice %arg6[%dma_wait3A_197, %dma_wait3A_206, %dma_wait3A_207] : memref<5x128x128xf32, #tpu.memory_space<vmem>> -> memref<1x128x128xf32, #tpu.memory_space<vmem>>
      %dma_wait3A_209 = tpu.memref_squeeze %dma_wait3A_208 : memref<1x128x128xf32, #tpu.memory_space<vmem>> -> memref<128x128xf32, #tpu.memory_space<vmem>>
      tpu.wait_dma2 semaphore(%arg8 : memref<!tpu.dma_semaphore, #tpu.memory_space<semaphore_mem>>) src(%dma_wait3A_209 : memref<128x128xf32, #tpu.memory_space<vmem>>) dst(%dma_wait3A_205 : memref<128x128xf32, #tpu.memory_space<hbm>>)
      %dma_wait3A_210 = arith.constant 1 : i32
      %dma_wait3A_211 = arith.constant 0 : i32
      %dma_wait3A_212 = arith.constant 0 : i32
      %dma_wait3A_213 = tpu.memref_slice %arg6[%dma_wait3A_210, %dma_wait3A_211, %dma_wait3A_212] : memref<5x128x128xf32, #tpu.memory_space<vmem>> -> memref<1x128x128xf32, #tpu.memory_space<vmem>>
      %dma_wait3A_214 = tpu.memref_squeeze %dma_wait3A_213 : memref<1x128x128xf32, #tpu.memory_space<vmem>> -> memref<128x128xf32, #tpu.memory_space<vmem>>
      %dma_wait3A_215 = arith.constant 0 : i32
      %dma_wait3A_216 = tpu.memref_slice %arg4[%add3A_114, %dma_wait3A_215] : memref<163840x128xf32, #tpu.memory_space<hbm>> -> memref<128x128xf32, #tpu.memory_space<hbm>>
      %dma_wait3A_217 = arith.constant 0 : i32
      %dma_wait3A_218 = tpu.memref_slice %arg4[%add3A_114, %dma_wait3A_217] : memref<163840x128xf32, #tpu.memory_space<hbm>> -> memref<128x128xf32, #tpu.memory_space<hbm>>
      %dma_wait3A_219 = arith.constant 0 : i32
      %dma_wait3A_220 = arith.constant 0 : i32
      %dma_wait3A_221 = tpu.memref_slice %arg6[%dma_wait3A_210, %dma_wait3A_219, %dma_wait3A_220] : memref<5x128x128xf32, #tpu.memory_space<vmem>> -> memref<1x128x128xf32, #tpu.memory_space<vmem>>
      %dma_wait3A_222 = tpu.memref_squeeze %dma_wait3A_221 : memref<1x128x128xf32, #tpu.memory_space<vmem>> -> memref<128x128xf32, #tpu.memory_space<vmem>>
      tpu.wait_dma2 semaphore(%arg8 : memref<!tpu.dma_semaphore, #tpu.memory_space<semaphore_mem>>) src(%dma_wait3A_222 : memref<128x128xf32, #tpu.memory_space<vmem>>) dst(%dma_wait3A_218 : memref<128x128xf32, #tpu.memory_space<hbm>>)
      %dma_wait3A_223 = arith.constant 2 : i32
      %dma_wait3A_224 = arith.constant 0 : i32
      %dma_wait3A_225 = arith.constant 0 : i32
      %dma_wait3A_226 = tpu.memref_slice %arg6[%dma_wait3A_223, %dma_wait3A_224, %dma_wait3A_225] : memref<5x128x128xf32, #tpu.memory_space<vmem>> -> memref<1x128x128xf32, #tpu.memory_space<vmem>>
      %dma_wait3A_227 = tpu.memref_squeeze %dma_wait3A_226 : memref<1x128x128xf32, #tpu.memory_space<vmem>> -> memref<128x128xf32, #tpu.memory_space<vmem>>
      %dma_wait3A_228 = arith.constant 0 : i32
      %dma_wait3A_229 = tpu.memref_slice %arg4[%add3A_137, %dma_wait3A_228] : memref<163840x128xf32, #tpu.memory_space<hbm>> -> memref<128x128xf32, #tpu.memory_space<hbm>>
      %dma_wait3A_230 = arith.constant 0 : i32
      %dma_wait3A_231 = tpu.memref_slice %arg4[%add3A_137, %dma_wait3A_230] : memref<163840x128xf32, #tpu.memory_space<hbm>> -> memref<128x128xf32, #tpu.memory_space<hbm>>
      %dma_wait3A_232 = arith.constant 0 : i32
      %dma_wait3A_233 = arith.constant 0 : i32
      %dma_wait3A_234 = tpu.memref_slice %arg6[%dma_wait3A_223, %dma_wait3A_232, %dma_wait3A_233] : memref<5x128x128xf32, #tpu.memory_space<vmem>> -> memref<1x128x128xf32, #tpu.memory_space<vmem>>
      %dma_wait3A_235 = tpu.memref_squeeze %dma_wait3A_234 : memref<1x128x128xf32, #tpu.memory_space<vmem>> -> memref<128x128xf32, #tpu.memory_space<vmem>>
      tpu.wait_dma2 semaphore(%arg8 : memref<!tpu.dma_semaphore, #tpu.memory_space<semaphore_mem>>) src(%dma_wait3A_235 : memref<128x128xf32, #tpu.memory_space<vmem>>) dst(%dma_wait3A_231 : memref<128x128xf32, #tpu.memory_space<hbm>>)
      %dma_wait3A_236 = arith.constant 3 : i32
      %dma_wait3A_237 = arith.constant 0 : i32
      %dma_wait3A_238 = arith.constant 0 : i32
      %dma_wait3A_239 = tpu.memref_slice %arg6[%dma_wait3A_236, %dma_wait3A_237, %dma_wait3A_238] : memref<5x128x128xf32, #tpu.memory_space<vmem>> -> memref<1x128x128xf32, #tpu.memory_space<vmem>>
      %dma_wait3A_240 = tpu.memref_squeeze %dma_wait3A_239 : memref<1x128x128xf32, #tpu.memory_space<vmem>> -> memref<128x128xf32, #tpu.memory_space<vmem>>
      %dma_wait3A_241 = arith.constant 0 : i32
      %dma_wait3A_242 = tpu.memref_slice %arg4[%add3A_160, %dma_wait3A_241] : memref<163840x128xf32, #tpu.memory_space<hbm>> -> memref<128x128xf32, #tpu.memory_space<hbm>>
      %dma_wait3A_243 = arith.constant 0 : i32
      %dma_wait3A_244 = tpu.memref_slice %arg4[%add3A_160, %dma_wait3A_243] : memref<163840x128xf32, #tpu.memory_space<hbm>> -> memref<128x128xf32, #tpu.memory_space<hbm>>
      %dma_wait3A_245 = arith.constant 0 : i32
      %dma_wait3A_246 = arith.constant 0 : i32
      %dma_wait3A_247 = tpu.memref_slice %arg6[%dma_wait3A_236, %dma_wait3A_245, %dma_wait3A_246] : memref<5x128x128xf32, #tpu.memory_space<vmem>> -> memref<1x128x128xf32, #tpu.memory_space<vmem>>
      %dma_wait3A_248 = tpu.memref_squeeze %dma_wait3A_247 : memref<1x128x128xf32, #tpu.memory_space<vmem>> -> memref<128x128xf32, #tpu.memory_space<vmem>>
      tpu.wait_dma2 semaphore(%arg8 : memref<!tpu.dma_semaphore, #tpu.memory_space<semaphore_mem>>) src(%dma_wait3A_248 : memref<128x128xf32, #tpu.memory_space<vmem>>) dst(%dma_wait3A_244 : memref<128x128xf32, #tpu.memory_space<hbm>>)
      %dma_wait3A_249 = arith.constant 4 : i32
      %dma_wait3A_250 = arith.constant 0 : i32
      %dma_wait3A_251 = arith.constant 0 : i32
      %dma_wait3A_252 = tpu.memref_slice %arg6[%dma_wait3A_249, %dma_wait3A_250, %dma_wait3A_251] : memref<5x128x128xf32, #tpu.memory_space<vmem>> -> memref<1x128x128xf32, #tpu.memory_space<vmem>>
      %dma_wait3A_253 = tpu.memref_squeeze %dma_wait3A_252 : memref<1x128x128xf32, #tpu.memory_space<vmem>> -> memref<128x128xf32, #tpu.memory_space<vmem>>
      %dma_wait3A_254 = arith.constant 0 : i32
      %dma_wait3A_255 = tpu.memref_slice %arg4[%add3A_183, %dma_wait3A_254] : memref<163840x128xf32, #tpu.memory_space<hbm>> -> memref<128x128xf32, #tpu.memory_space<hbm>>
      %dma_wait3A_256 = arith.constant 0 : i32
      %dma_wait3A_257 = tpu.memref_slice %arg4[%add3A_183, %dma_wait3A_256] : memref<163840x128xf32, #tpu.memory_space<hbm>> -> memref<128x128xf32, #tpu.memory_space<hbm>>
      %dma_wait3A_258 = arith.constant 0 : i32
      %dma_wait3A_259 = arith.constant 0 : i32
      %dma_wait3A_260 = tpu.memref_slice %arg6[%dma_wait3A_249, %dma_wait3A_258, %dma_wait3A_259] : memref<5x128x128xf32, #tpu.memory_space<vmem>> -> memref<1x128x128xf32, #tpu.memory_space<vmem>>
      %dma_wait3A_261 = tpu.memref_squeeze %dma_wait3A_260 : memref<1x128x128xf32, #tpu.memory_space<vmem>> -> memref<128x128xf32, #tpu.memory_space<vmem>>
      tpu.wait_dma2 semaphore(%arg8 : memref<!tpu.dma_semaphore, #tpu.memory_space<semaphore_mem>>) src(%dma_wait3A_261 : memref<128x128xf32, #tpu.memory_space<vmem>>) dst(%dma_wait3A_257 : memref<128x128xf32, #tpu.memory_space<hbm>>)
    }
    %scan3A_7 = arith.constant 8 : i32
    return
  }
}

module attributes {stable_mosaic.version = 14 : i64} {
  func.func @_embed_body(%arg0: memref<8000x27xf32, #tpu.memory_space<vmem>>, %arg1: memref<27x128xf32, #tpu.memory_space<vmem>>, %arg2: memref<1x128xf32, #tpu.memory_space<vmem>>, %arg3: memref<2000x13xf32, #tpu.memory_space<vmem>>, %arg4: memref<13x128xf32, #tpu.memory_space<vmem>>, %arg5: memref<1x128xf32, #tpu.memory_space<vmem>>, %arg6: memref<8000x128xf32, #tpu.memory_space<vmem>>, %arg7: memref<2000x128xf32, #tpu.memory_space<vmem>>) attributes {dimension_semantics = [], scalar_prefetch = 0 : i64, scratch_operands = 0 : i64, tpu.core_type = #tpu.core_type<tc>} {
    %get3A = arith.constant 0 : index
    %get3A_0 = arith.constant 0 : index
    %get3A_1 = vector.load %arg0[%get3A, %get3A_0] : memref<8000x27xf32, #tpu.memory_space<vmem>>, vector<8000x27xf32>
    %get3A_2 = arith.constant 0 : index
    %get3A_3 = arith.constant 0 : index
    %get3A_4 = vector.load %arg1[%get3A_2, %get3A_3] : memref<27x128xf32, #tpu.memory_space<vmem>>, vector<27x128xf32>
    %dot_general3A = arith.constant dense<0.000000e+00> : vector<8000x128xf32>
    %dot_general3A_5 = tpu.matmul %get3A_1, %get3A_4, %dot_general3A {dimension_numbers = #tpu.dot_dimension_numbers<[1], [0], [0], [1], [0, 0, 1, 1], [], []>, transpose_lhs_hint = false} : vector<8000x27xf32>, vector<27x128xf32>, vector<8000x128xf32> -> vector<8000x128xf32>
    %get3A_6 = arith.constant 0 : index
    %get3A_7 = arith.constant 0 : index
    %get3A_8 = vector.load %arg2[%get3A_6, %get3A_7] : memref<1x128xf32, #tpu.memory_space<vmem>>, vector<1x128xf32>
    %add3A = vector.broadcast %get3A_8 : vector<1x128xf32> to vector<8000x128xf32>
    %add3A_9 = arith.addf %dot_general3A_5, %add3A : vector<8000x128xf32>
    %swap3A = arith.constant 0 : index
    %swap3A_10 = arith.constant 0 : index
    %swap3A_11 = vector.load %arg6[%swap3A, %swap3A_10] : memref<8000x128xf32, #tpu.memory_space<vmem>>, vector<8000x128xf32>
    tpu.vector_store %arg6[%swap3A, %swap3A_10], %add3A_9 {strides = array<i32>} : memref<8000x128xf32, #tpu.memory_space<vmem>>, vector<8000x128xf32>,
    %get3A_12 = arith.constant 0 : index
    %get3A_13 = arith.constant 0 : index
    %get3A_14 = vector.load %arg3[%get3A_12, %get3A_13] : memref<2000x13xf32, #tpu.memory_space<vmem>>, vector<2000x13xf32>
    %get3A_15 = arith.constant 0 : index
    %get3A_16 = arith.constant 0 : index
    %get3A_17 = vector.load %arg4[%get3A_15, %get3A_16] : memref<13x128xf32, #tpu.memory_space<vmem>>, vector<13x128xf32>
    %dot_general3A_18 = arith.constant dense<0.000000e+00> : vector<2000x128xf32>
    %dot_general3A_19 = tpu.matmul %get3A_14, %get3A_17, %dot_general3A_18 {dimension_numbers = #tpu.dot_dimension_numbers<[1], [0], [0], [1], [0, 0, 1, 1], [], []>, transpose_lhs_hint = false} : vector<2000x13xf32>, vector<13x128xf32>, vector<2000x128xf32> -> vector<2000x128xf32>
    %get3A_20 = arith.constant 0 : index
    %get3A_21 = arith.constant 0 : index
    %get3A_22 = vector.load %arg5[%get3A_20, %get3A_21] : memref<1x128xf32, #tpu.memory_space<vmem>>, vector<1x128xf32>
    %add3A_23 = vector.broadcast %get3A_22 : vector<1x128xf32> to vector<2000x128xf32>
    %add3A_24 = arith.addf %dot_general3A_19, %add3A_23 : vector<2000x128xf32>
    %swap3A_25 = arith.constant 0 : index
    %swap3A_26 = arith.constant 0 : index
    %swap3A_27 = vector.load %arg7[%swap3A_25, %swap3A_26] : memref<2000x128xf32, #tpu.memory_space<vmem>>, vector<2000x128xf32>
    tpu.vector_store %arg7[%swap3A_25, %swap3A_26], %add3A_24 {strides = array<i32>} : memref<2000x128xf32, #tpu.memory_space<vmem>>, vector<2000x128xf32>,
    return
  }
}

module attributes {stable_mosaic.version = 14 : i64} {
  func.func @_y0_body(%arg0: i32, %arg1: memref<256x128xf32, #tpu.memory_space<vmem>>, %arg2: memref<128x128xf32, #tpu.memory_space<vmem>>, %arg3: memref<256x128xf32, #tpu.memory_space<vmem>>) attributes {dimension_semantics = [#tpu.dimension_semantics<arbitrary>], iteration_bounds = array<i64: 40>, scalar_prefetch = 0 : i64, scratch_operands = 0 : i64, tpu.core_type = #tpu.core_type<tc>, window_params = [{transform_indices = @transform_0, window_bounds = array<i64: 256, 128>}, {pipeline_mode = #tpu.pipeline_mode<synchronous>, transform_indices = @transform_1, window_bounds = array<i64: 128, 128>}, {transform_indices = @transform_2, window_bounds = array<i64: 256, 128>}]} {
    %get3A = arith.constant 0 : index
    %get3A_0 = arith.constant 0 : index
    %get3A_1 = vector.load %arg1[%get3A, %get3A_0] : memref<256x128xf32, #tpu.memory_space<vmem>>, vector<256x128xf32>
    %get3A_2 = arith.constant 0 : index
    %get3A_3 = arith.constant 0 : index
    %get3A_4 = vector.load %arg2[%get3A_2, %get3A_3] : memref<128x128xf32, #tpu.memory_space<vmem>>, vector<128x128xf32>
    %dot_general3A = arith.constant dense<0.000000e+00> : vector<256x128xf32>
    %dot_general3A_5 = tpu.matmul %get3A_1, %get3A_4, %dot_general3A {dimension_numbers = #tpu.dot_dimension_numbers<[1], [0], [0], [1], [0, 0, 1, 1], [], []>, transpose_lhs_hint = false} : vector<256x128xf32>, vector<128x128xf32>, vector<256x128xf32> -> vector<256x128xf32>
    %swap3A = arith.constant 0 : index
    %swap3A_6 = arith.constant 0 : index
    %swap3A_7 = vector.load %arg3[%swap3A, %swap3A_6] : memref<256x128xf32, #tpu.memory_space<vmem>>, vector<256x128xf32>
    tpu.vector_store %arg3[%swap3A, %swap3A_6], %dot_general3A_5 {strides = array<i32>} : memref<256x128xf32, #tpu.memory_space<vmem>>, vector<256x128xf32>,
    return
  }
  func.func @transform_0(%arg0: i32) -> (i32, i32) {
    %c0_i32 = arith.constant 0 : i32
    %c0_i32_0 = arith.constant 0 : i32
    return %arg0, %c0_i32 : i32, i32
  }
  func.func @transform_1(%arg0: i32) -> (i32, i32) {
    %c0_i32 = arith.constant 0 : i32
    %c0_i32_0 = arith.constant 0 : i32
    %c0_i32_1 = arith.constant 0 : i32
    return %c0_i32, %c0_i32_0 : i32, i32
  }
  func.func @transform_2(%arg0: i32) -> (i32, i32) {
    %c0_i32 = arith.constant 0 : i32
    %c0_i32_0 = arith.constant 0 : i32
    return %arg0, %c0_i32 : i32, i32
  }
}

module attributes {stable_mosaic.version = 14 : i64} {
  func.func @_knn_body(%arg0: i32, %arg1: memref<128x8xf32, #tpu.memory_space<vmem>>, %arg2: memref<8x10240xf32, #tpu.memory_space<vmem>>, %arg3: memref<1x10240xf32, #tpu.memory_space<vmem>>, %arg4: memref<1x10240xi32, #tpu.memory_space<vmem>>, %arg5: memref<128x1xi32, #tpu.memory_space<vmem>>, %arg6: memref<1x256xi32, #tpu.memory_space<vmem>>, %arg7: memref<128x16xi32, #tpu.memory_space<vmem>>, %arg8: memref<128x16xf32, #tpu.memory_space<vmem>>, %arg9: memref<128x10240xf32, #tpu.memory_space<vmem>>, %arg10: memref<128x512xf32, #tpu.memory_space<vmem>>) attributes {dimension_semantics = [#tpu.dimension_semantics<arbitrary>], iteration_bounds = array<i64: 80>, scalar_prefetch = 0 : i64, scratch_operands = 2 : i64, tpu.core_type = #tpu.core_type<tc>, window_params = [{transform_indices = @transform_0, window_bounds = array<i64: 128, 8>}, {pipeline_mode = #tpu.pipeline_mode<synchronous>, transform_indices = @transform_1, window_bounds = array<i64: 8, 10240>}, {pipeline_mode = #tpu.pipeline_mode<synchronous>, transform_indices = @transform_2, window_bounds = array<i64: 1, 10240>}, {pipeline_mode = #tpu.pipeline_mode<synchronous>, transform_indices = @transform_3, window_bounds = array<i64: 1, 10240>}, {transform_indices = @transform_4, window_bounds = array<i64: 128, 1>}, {pipeline_mode = #tpu.pipeline_mode<synchronous>, transform_indices = @transform_5, window_bounds = array<i64: 1, 256>}, {transform_indices = @transform_6, window_bounds = array<i64: 128, 16>}, {transform_indices = @transform_7, window_bounds = array<i64: 128, 16>}]} {
    %get3A = arith.constant 0 : index
    %get3A_0 = arith.constant 0 : index
    %get3A_1 = vector.load %arg1[%get3A, %get3A_0] : memref<128x8xf32, #tpu.memory_space<vmem>>, vector<128x8xf32>
    %mul3A = arith.mulf %get3A_1, %get3A_1 : vector<128x8xf32>
    %reduce_sum3A = arith.constant dense<0.000000e+00> : vector<128xf32>
    %reduce_sum3A_2 = vector.multi_reduction <add>, %mul3A, %reduce_sum3A [1] : vector<128x8xf32> to vector<128xf32>
    %broadcast_in_dim3A = vector.shape_cast %reduce_sum3A_2 : vector<128xf32> to vector<128x1xf32>
    %mul3A_3 = arith.constant 128 : i32
    %mul3A_4 = arith.muli %arg0, %mul3A_3 : i32
    %iota3A = tpu.iota {dimensions = array<i32: 0>} : vector<128x1xi32>
    %add3A = vector.broadcast %mul3A_4 : i32 to vector<128x1xi32>
    %add3A_5 = arith.addi %add3A, %iota3A : vector<128x1xi32>
    %get3A_6 = arith.constant 0 : index
    %get3A_7 = arith.constant 0 : index
    %get3A_8 = vector.load %arg5[%get3A_6, %get3A_7] : memref<128x1xi32, #tpu.memory_space<vmem>>, vector<128x1xi32>
    %get3A_9 = arith.constant 0 : index
    %get3A_10 = arith.constant 0 : index
    %get3A_11 = vector.load %arg4[%get3A_9, %get3A_10] : memref<1x10240xi32, #tpu.memory_space<vmem>>, vector<1x10240xi32>
    %ge3A = arith.constant 0 : i32
    %ge3A_12 = vector.broadcast %ge3A : i32 to vector<128x1xi32>
    %ge3A_13 = arith.cmpi sge, %get3A_8, %ge3A_12 : vector<128x1xi32>
    %jit3A = arith.constant 1073741824 : i32
    %broadcast_in_dim3A_14 = vector.broadcast %jit3A : i32 to vector<128x1xi32>
    %select_n3A = arith.select %ge3A_13, %get3A_8, %broadcast_in_dim3A_14 : vector<128x1xi1>, vector<128x1xi32>
    %reduce_min3A = vector.shape_cast %select_n3A : vector<128x1xi32> to vector<1x128x1xi32>
    %reduce_min3A_15 = arith.constant dense<2147483647> : vector<1xi32>
    %reduce_min3A_16 = vector.multi_reduction <minsi>, %reduce_min3A, %reduce_min3A_15 [1, 2] : vector<1x128x1xi32> to vector<1xi32>
    %reduce_min3A_17 = vector.shape_cast %reduce_min3A_16 : vector<1xi32> to vector<1x1x1xi32>
    %reduce_min3A_18 = vector.extract %reduce_min3A_17[0, 0, 0] : i32 from vector<1x1x1xi32>
    %reduce_max3A = vector.shape_cast %get3A_8 : vector<128x1xi32> to vector<1x128x1xi32>
    %reduce_max3A_19 = arith.constant dense<-2147483648> : vector<1xi32>
    %reduce_max3A_20 = vector.multi_reduction <maxsi>, %reduce_max3A, %reduce_max3A_19 [1, 2] : vector<1x128x1xi32> to vector<1xi32>
    %reduce_max3A_21 = vector.shape_cast %reduce_max3A_20 : vector<1xi32> to vector<1x1x1xi32>
    %reduce_max3A_22 = vector.extract %reduce_max3A_21[0, 0, 0] : i32 from vector<1x1x1xi32>
    %iota3A_23 = tpu.iota {dimensions = array<i32: 1>} : vector<1x10240xi32>
    %eq3A = vector.broadcast %reduce_min3A_18 : i32 to vector<1x10240xi32>
    %eq3A_24 = arith.cmpi eq, %get3A_11, %eq3A : vector<1x10240xi32>
    %jit3A_25 = arith.constant 10240 : i32
    %broadcast_in_dim3A_26 = vector.broadcast %jit3A_25 : i32 to vector<1x10240xi32>
    %select_n3A_27 = arith.select %eq3A_24, %iota3A_23, %broadcast_in_dim3A_26 : vector<1x10240xi1>, vector<1x10240xi32>
    %reduce_min3A_28 = vector.shape_cast %select_n3A_27 : vector<1x10240xi32> to vector<1x1x10240xi32>
    %reduce_min3A_29 = arith.constant dense<2147483647> : vector<1xi32>
    %reduce_min3A_30 = vector.multi_reduction <minsi>, %reduce_min3A_28, %reduce_min3A_29 [1, 2] : vector<1x1x10240xi32> to vector<1xi32>
    %reduce_min3A_31 = vector.shape_cast %reduce_min3A_30 : vector<1xi32> to vector<1x1x1xi32>
    %reduce_min3A_32 = vector.extract %reduce_min3A_31[0, 0, 0] : i32 from vector<1x1x1xi32>
    %eq3A_33 = vector.broadcast %reduce_max3A_22 : i32 to vector<1x10240xi32>
    %eq3A_34 = arith.cmpi eq, %get3A_11, %eq3A_33 : vector<1x10240xi32>
    %add3A_35 = arith.constant 1 : i32
    %add3A_36 = vector.broadcast %add3A_35 : i32 to vector<1x10240xi32>
    %add3A_37 = arith.addi %iota3A_23, %add3A_36 : vector<1x10240xi32>
    %jit3A_38 = arith.constant 0 : i32
    %broadcast_in_dim3A_39 = vector.broadcast %jit3A_38 : i32 to vector<1x10240xi32>
    %select_n3A_40 = arith.select %eq3A_34, %add3A_37, %broadcast_in_dim3A_39 : vector<1x10240xi1>, vector<1x10240xi32>
    %reduce_max3A_41 = vector.shape_cast %select_n3A_40 : vector<1x10240xi32> to vector<1x1x10240xi32>
    %reduce_max3A_42 = arith.constant dense<-2147483648> : vector<1xi32>
    %reduce_max3A_43 = vector.multi_reduction <maxsi>, %reduce_max3A_41, %reduce_max3A_42 [1, 2] : vector<1x1x10240xi32> to vector<1xi32>
    %reduce_max3A_44 = vector.shape_cast %reduce_max3A_43 : vector<1xi32> to vector<1x1x1xi32>
    %reduce_max3A_45 = vector.extract %reduce_max3A_44[0, 0, 0] : i32 from vector<1x1x1xi32>
    %jit3A_46 = arith.constant 128 : i32
    %div3A = arith.divsi %reduce_min3A_32, %jit3A_46 : i32
    %sign3A = arith.constant 0 : i32
    %sign3A_47 = arith.cmpi sgt, %reduce_min3A_32, %sign3A : i32
    %sign3A_48 = arith.extui %sign3A_47 : i1 to i32
    %sign3A_49 = arith.constant 0 : i32
    %sign3A_50 = arith.cmpi slt, %reduce_min3A_32, %sign3A_49 : i32
    %sign3A_51 = arith.extui %sign3A_50 : i1 to i32
    %sign3A_52 = arith.subi %sign3A_48, %sign3A_51 : i32
    %sign3A_53 = arith.constant 0 : i32
    %sign3A_54 = arith.cmpi sgt, %jit3A_46, %sign3A_53 : i32
    %sign3A_55 = arith.extui %sign3A_54 : i1 to i32
    %sign3A_56 = arith.constant 0 : i32
    %sign3A_57 = arith.cmpi slt, %jit3A_46, %sign3A_56 : i32
    %sign3A_58 = arith.extui %sign3A_57 : i1 to i32
    %sign3A_59 = arith.subi %sign3A_55, %sign3A_58 : i32
    %ne3A = arith.cmpi ne, %sign3A_52, %sign3A_59 : i32
    %rem3A = arith.remsi %reduce_min3A_32, %jit3A_46 : i32
    %ne3A_60 = arith.constant 0 : i32
    %ne3A_61 = arith.cmpi ne, %rem3A, %ne3A_60 : i32
    %and3A = arith.andi %ne3A, %ne3A_61 : i1
    %sub3A = arith.constant 1 : i32
    %sub3A_62 = arith.subi %div3A, %sub3A : i32
    %select_n3A_63 = arith.select %and3A, %sub3A_62, %div3A : i32
    %mul3A_64 = arith.constant 128 : i32
    %mul3A_65 = arith.muli %select_n3A_63, %mul3A_64 : i32
    %jit3A_66 = arith.constant 0 : i32
    %jit3A_67 = arith.constant 9728 : i32
    %max3A = arith.maxsi %jit3A_66, %mul3A_65 : i32
    %min3A = arith.minsi %jit3A_67, %max3A : i32
    %multiple_of3A = tpu.assume_multiple %min3A, 128 : i32
    %iota3A_68 = tpu.iota {dimensions = array<i32: 1>} : vector<1x256xi32>
    %ge3A_69 = vector.broadcast %reduce_min3A_18 : i32 to vector<1x256xi32>
    %ge3A_70 = arith.cmpi sge, %iota3A_68, %ge3A_69 : vector<1x256xi32>
    %le3A = vector.broadcast %reduce_max3A_22 : i32 to vector<1x256xi32>
    %le3A_71 = arith.cmpi sle, %iota3A_68, %le3A : vector<1x256xi32>
    %and3A_72 = arith.andi %ge3A_70, %le3A_71 : vector<1x256xi1>
    %get3A_73 = arith.constant 0 : index
    %get3A_74 = arith.constant 0 : index
    %get3A_75 = vector.load %arg6[%get3A_73, %get3A_74] : memref<1x256xi32, #tpu.memory_space<vmem>>, vector<1x256xi32>
    %jit3A_76 = arith.constant 1073741824 : i32
    %broadcast_in_dim3A_77 = vector.broadcast %jit3A_76 : i32 to vector<1x256xi32>
    %select_n3A_78 = arith.select %and3A_72, %get3A_75, %broadcast_in_dim3A_77 : vector<1x256xi1>, vector<1x256xi32>
    %reduce_min3A_79 = vector.shape_cast %select_n3A_78 : vector<1x256xi32> to vector<1x1x256xi32>
    %reduce_min3A_80 = arith.constant dense<2147483647> : vector<1xi32>
    %reduce_min3A_81 = vector.multi_reduction <minsi>, %reduce_min3A_79, %reduce_min3A_80 [1, 2] : vector<1x1x256xi32> to vector<1xi32>
    %reduce_min3A_82 = vector.shape_cast %reduce_min3A_81 : vector<1xi32> to vector<1x1x1xi32>
    %reduce_min3A_83 = vector.extract %reduce_min3A_82[0, 0, 0] : i32 from vector<1x1x1xi32>
    %ge3A_84 = arith.constant 17 : i32
    %ge3A_85 = arith.cmpi sge, %reduce_min3A_83, %ge3A_84 : i32
    %sub3A_86 = arith.subi %reduce_max3A_45, %multiple_of3A : i32
    %le3A_87 = arith.constant 512 : i32
    %le3A_88 = arith.cmpi sle, %sub3A_86, %le3A_87 : i32
    %and3A_89 = arith.andi %ge3A_85, %le3A_88 : i1
    %convert_element_type3A = arith.extui %and3A_89 : i1 to i32
    %cond3A = arith.constant 0 : i32
    %cond3A_90 = arith.cmpi ne, %convert_element_type3A, %cond3A : i32
    scf.if %cond3A_90 {
      %get3A_95 = arith.constant 0 : index
      %get3A_96 = arith.index_cast %multiple_of3A : i32 to index
      %get3A_97 = vector.load %arg2[%get3A_95, %get3A_96] : memref<8x10240xf32, #tpu.memory_space<vmem>>, vector<8x512xf32>
      %get3A_98 = arith.constant 0 : index
      %get3A_99 = arith.index_cast %multiple_of3A : i32 to index
      %get3A_100 = vector.load %arg3[%get3A_98, %get3A_99] : memref<1x10240xf32, #tpu.memory_space<vmem>>, vector<1x512xf32>
      %add3A_101 = vector.broadcast %broadcast_in_dim3A : vector<128x1xf32> to vector<128x512xf32>
      %add3A_102 = vector.broadcast %get3A_100 : vector<1x512xf32> to vector<128x512xf32>
      %add3A_103 = arith.addf %add3A_101, %add3A_102 : vector<128x512xf32>
      %dot_general3A = arith.constant dense<0.000000e+00> : vector<128x512xf32>
      %dot_general3A_104 = tpu.matmul %get3A_1, %get3A_97, %dot_general3A {dimension_numbers = #tpu.dot_dimension_numbers<[1], [0], [0], [1], [0, 0, 1, 1], [], []>, transpose_lhs_hint = false} : vector<128x8xf32>, vector<8x512xf32>, vector<128x512xf32> -> vector<128x512xf32>
      %mul3A_105 = arith.constant 2.000000e+00 : f32
      %mul3A_106 = vector.broadcast %mul3A_105 : f32 to vector<128x512xf32>
      %mul3A_107 = arith.mulf %mul3A_106, %dot_general3A_104 : vector<128x512xf32>
      %sub3A_108 = arith.subf %add3A_103, %mul3A_107 : vector<128x512xf32>
      %iota3A_109 = tpu.iota {dimensions = array<i32: 1>} : vector<128x512xi32>
      %add3A_110 = vector.broadcast %multiple_of3A : i32 to vector<128x512xi32>
      %add3A_111 = arith.addi %add3A_110, %iota3A_109 : vector<128x512xi32>
      %get3A_112 = arith.constant 0 : index
      %get3A_113 = arith.index_cast %multiple_of3A : i32 to index
      %get3A_114 = vector.load %arg4[%get3A_112, %get3A_113] : memref<1x10240xi32, #tpu.memory_space<vmem>>, vector<1x512xi32>
      %ne3A_115 = vector.broadcast %get3A_114 : vector<1x512xi32> to vector<128x512xi32>
      %ne3A_116 = vector.broadcast %get3A_8 : vector<128x1xi32> to vector<128x512xi32>
      %ne3A_117 = arith.cmpi ne, %ne3A_115, %ne3A_116 : vector<128x512xi32>
      %jit3A_118 = arith.constant 1.000000e+09 : f32
      %jit3A_119 = arith.constant 0.000000e+00 : f32
      %broadcast_in_dim3A_120 = vector.broadcast %jit3A_118 : f32 to vector<128x512xf32>
      %broadcast_in_dim3A_121 = vector.broadcast %jit3A_119 : f32 to vector<128x512xf32>
      %select_n3A_122 = arith.select %ne3A_117, %broadcast_in_dim3A_120, %broadcast_in_dim3A_121 : vector<128x512xi1>, vector<128x512xf32>
      %eq3A_123 = vector.broadcast %add3A_5 : vector<128x1xi32> to vector<128x512xi32>
      %eq3A_124 = arith.cmpi eq, %add3A_111, %eq3A_123 : vector<128x512xi32>
      %jit3A_125 = arith.constant 1.000000e+09 : f32
      %jit3A_126 = arith.constant 0.000000e+00 : f32
      %broadcast_in_dim3A_127 = vector.broadcast %jit3A_125 : f32 to vector<128x512xf32>
      %broadcast_in_dim3A_128 = vector.broadcast %jit3A_126 : f32 to vector<128x512xf32>
      %select_n3A_129 = arith.select %eq3A_124, %broadcast_in_dim3A_127, %broadcast_in_dim3A_128 : vector<128x512xi1>, vector<128x512xf32>
      %add3A_130 = arith.addf %select_n3A_122, %select_n3A_129 : vector<128x512xf32>
      %add3A_131 = arith.addf %sub3A_108, %add3A_130 : vector<128x512xf32>
      %swap3A = arith.constant 0 : index
      %swap3A_132 = arith.constant 0 : index
      %swap3A_133 = vector.load %arg10[%swap3A, %swap3A_132] : memref<128x512xf32, #tpu.memory_space<vmem>>, vector<128x512xf32>
      tpu.vector_store %arg10[%swap3A, %swap3A_132], %add3A_131 {strides = array<i32>} : memref<128x512xf32, #tpu.memory_space<vmem>>, vector<128x512xf32>,
      %get3A_134 = arith.constant 0 : index
      %get3A_135 = arith.constant 0 : index
      %get3A_136 = vector.load %arg10[%get3A_134, %get3A_135] : memref<128x512xf32, #tpu.memory_space<vmem>>, vector<128x512xf32>
      %reduce_min3A_137 = arith.constant dense<0x7F800000> : vector<128xf32>
      %reduce_min3A_138 = vector.multi_reduction <minimumf>, %get3A_136, %reduce_min3A_137 [1] : vector<128x512xf32> to vector<128xf32>
      %broadcast_in_dim3A_139 = vector.shape_cast %reduce_min3A_138 : vector<128xf32> to vector<128x1xf32>
      %eq3A_140 = vector.broadcast %broadcast_in_dim3A_139 : vector<128x1xf32> to vector<128x512xf32>
      %eq3A_141 = arith.cmpf oeq, %get3A_136, %eq3A_140 : vector<128x512xf32>
      %jit3A_142 = arith.constant 10240 : i32
      %broadcast_in_dim3A_143 = vector.broadcast %jit3A_142 : i32 to vector<128x512xi32>
      %select_n3A_144 = arith.select %eq3A_141, %add3A_111, %broadcast_in_dim3A_143 : vector<128x512xi1>, vector<128x512xi32>
      %reduce_min3A_145 = arith.constant dense<2147483647> : vector<128xi32>
      %reduce_min3A_146 = vector.multi_reduction <minsi>, %select_n3A_144, %reduce_min3A_145 [1] : vector<128x512xi32> to vector<128xi32>
      %broadcast_in_dim3A_147 = vector.shape_cast %reduce_min3A_146 : vector<128xi32> to vector<128x1xi32>
      %swap3A_148 = arith.constant 0 : index
      %swap3A_149 = arith.constant 0 : index
      %swap3A_150 = vector.load %arg7[%swap3A_148, %swap3A_149] : memref<128x16xi32, #tpu.memory_space<vmem>>, vector<128x1xi32>
      tpu.vector_store %arg7[%swap3A_148, %swap3A_149], %broadcast_in_dim3A_147 {strides = array<i32>} : memref<128x16xi32, #tpu.memory_space<vmem>>, vector<128x1xi32>,
      %swap3A_151 = arith.constant 0 : index
      %swap3A_152 = arith.constant 0 : index
      %swap3A_153 = vector.load %arg8[%swap3A_151, %swap3A_152] : memref<128x16xf32, #tpu.memory_space<vmem>>, vector<128x1xf32>
      tpu.vector_store %arg8[%swap3A_151, %swap3A_152], %broadcast_in_dim3A_139 {strides = array<i32>} : memref<128x16xf32, #tpu.memory_space<vmem>>, vector<128x1xf32>,
      %eq3A_154 = vector.broadcast %broadcast_in_dim3A_147 : vector<128x1xi32> to vector<128x512xi32>
      %eq3A_155 = arith.cmpi eq, %add3A_111, %eq3A_154 : vector<128x512xi32>
      %jit3A_156 = arith.constant 0x7F800000 : f32
      %broadcast_in_dim3A_157 = vector.broadcast %jit3A_156 : f32 to vector<128x512xf32>
      %select_n3A_158 = arith.select %eq3A_155, %broadcast_in_dim3A_157, %get3A_136 : vector<128x512xi1>, vector<128x512xf32>
      %swap3A_159 = arith.constant 0 : index
      %swap3A_160 = arith.constant 0 : index
      %swap3A_161 = vector.load %arg10[%swap3A_159, %swap3A_160] : memref<128x512xf32, #tpu.memory_space<vmem>>, vector<128x512xf32>
      tpu.vector_store %arg10[%swap3A_159, %swap3A_160], %select_n3A_158 {strides = array<i32>} : memref<128x512xf32, #tpu.memory_space<vmem>>, vector<128x512xf32>,
      %get3A_162 = arith.constant 0 : index
      %get3A_163 = arith.constant 0 : index
      %get3A_164 = vector.load %arg10[%get3A_162, %get3A_163] : memref<128x512xf32, #tpu.memory_space<vmem>>, vector<128x512xf32>
      %reduce_min3A_165 = arith.constant dense<0x7F800000> : vector<128xf32>
      %reduce_min3A_166 = vector.multi_reduction <minimumf>, %get3A_164, %reduce_min3A_165 [1] : vector<128x512xf32> to vector<128xf32>
      %broadcast_in_dim3A_167 = vector.shape_cast %reduce_min3A_166 : vector<128xf32> to vector<128x1xf32>
      %eq3A_168 = vector.broadcast %broadcast_in_dim3A_167 : vector<128x1xf32> to vector<128x512xf32>
      %eq3A_169 = arith.cmpf oeq, %get3A_164, %eq3A_168 : vector<128x512xf32>
      %jit3A_170 = arith.constant 10240 : i32
      %broadcast_in_dim3A_171 = vector.broadcast %jit3A_170 : i32 to vector<128x512xi32>
      %select_n3A_172 = arith.select %eq3A_169, %add3A_111, %broadcast_in_dim3A_171 : vector<128x512xi1>, vector<128x512xi32>
      %reduce_min3A_173 = arith.constant dense<2147483647> : vector<128xi32>
      %reduce_min3A_174 = vector.multi_reduction <minsi>, %select_n3A_172, %reduce_min3A_173 [1] : vector<128x512xi32> to vector<128xi32>
      %broadcast_in_dim3A_175 = vector.shape_cast %reduce_min3A_174 : vector<128xi32> to vector<128x1xi32>
      %swap3A_176 = arith.constant 0 : index
      %swap3A_177 = arith.constant 1 : index
      %swap3A_178 = vector.load %arg7[%swap3A_176, %swap3A_177] : memref<128x16xi32, #tpu.memory_space<vmem>>, vector<128x1xi32>
      tpu.vector_store %arg7[%swap3A_176, %swap3A_177], %broadcast_in_dim3A_175 {strides = array<i32>} : memref<128x16xi32, #tpu.memory_space<vmem>>, vector<128x1xi32>,
      %swap3A_179 = arith.constant 0 : index
      %swap3A_180 = arith.constant 1 : index
      %swap3A_181 = vector.load %arg8[%swap3A_179, %swap3A_180] : memref<128x16xf32, #tpu.memory_space<vmem>>, vector<128x1xf32>
      tpu.vector_store %arg8[%swap3A_179, %swap3A_180], %broadcast_in_dim3A_167 {strides = array<i32>} : memref<128x16xf32, #tpu.memory_space<vmem>>, vector<128x1xf32>,
      %eq3A_182 = vector.broadcast %broadcast_in_dim3A_175 : vector<128x1xi32> to vector<128x512xi32>
      %eq3A_183 = arith.cmpi eq, %add3A_111, %eq3A_182 : vector<128x512xi32>
      %jit3A_184 = arith.constant 0x7F800000 : f32
      %broadcast_in_dim3A_185 = vector.broadcast %jit3A_184 : f32 to vector<128x512xf32>
      %select_n3A_186 = arith.select %eq3A_183, %broadcast_in_dim3A_185, %get3A_164 : vector<128x512xi1>, vector<128x512xf32>
      %swap3A_187 = arith.constant 0 : index
      %swap3A_188 = arith.constant 0 : index
      %swap3A_189 = vector.load %arg10[%swap3A_187, %swap3A_188] : memref<128x512xf32, #tpu.memory_space<vmem>>, vector<128x512xf32>
      tpu.vector_store %arg10[%swap3A_187, %swap3A_188], %select_n3A_186 {strides = array<i32>} : memref<128x512xf32, #tpu.memory_space<vmem>>, vector<128x512xf32>,
      %get3A_190 = arith.constant 0 : index
      %get3A_191 = arith.constant 0 : index
      %get3A_192 = vector.load %arg10[%get3A_190, %get3A_191] : memref<128x512xf32, #tpu.memory_space<vmem>>, vector<128x512xf32>
      %reduce_min3A_193 = arith.constant dense<0x7F800000> : vector<128xf32>
      %reduce_min3A_194 = vector.multi_reduction <minimumf>, %get3A_192, %reduce_min3A_193 [1] : vector<128x512xf32> to vector<128xf32>
      %broadcast_in_dim3A_195 = vector.shape_cast %reduce_min3A_194 : vector<128xf32> to vector<128x1xf32>
      %eq3A_196 = vector.broadcast %broadcast_in_dim3A_195 : vector<128x1xf32> to vector<128x512xf32>
      %eq3A_197 = arith.cmpf oeq, %get3A_192, %eq3A_196 : vector<128x512xf32>
      %jit3A_198 = arith.constant 10240 : i32
      %broadcast_in_dim3A_199 = vector.broadcast %jit3A_198 : i32 to vector<128x512xi32>
      %select_n3A_200 = arith.select %eq3A_197, %add3A_111, %broadcast_in_dim3A_199 : vector<128x512xi1>, vector<128x512xi32>
      %reduce_min3A_201 = arith.constant dense<2147483647> : vector<128xi32>
      %reduce_min3A_202 = vector.multi_reduction <minsi>, %select_n3A_200, %reduce_min3A_201 [1] : vector<128x512xi32> to vector<128xi32>
      %broadcast_in_dim3A_203 = vector.shape_cast %reduce_min3A_202 : vector<128xi32> to vector<128x1xi32>
      %swap3A_204 = arith.constant 0 : index
      %swap3A_205 = arith.constant 2 : index
      %swap3A_206 = vector.load %arg7[%swap3A_204, %swap3A_205] : memref<128x16xi32, #tpu.memory_space<vmem>>, vector<128x1xi32>
      tpu.vector_store %arg7[%swap3A_204, %swap3A_205], %broadcast_in_dim3A_203 {strides = array<i32>} : memref<128x16xi32, #tpu.memory_space<vmem>>, vector<128x1xi32>,
      %swap3A_207 = arith.constant 0 : index
      %swap3A_208 = arith.constant 2 : index
      %swap3A_209 = vector.load %arg8[%swap3A_207, %swap3A_208] : memref<128x16xf32, #tpu.memory_space<vmem>>, vector<128x1xf32>
      tpu.vector_store %arg8[%swap3A_207, %swap3A_208], %broadcast_in_dim3A_195 {strides = array<i32>} : memref<128x16xf32, #tpu.memory_space<vmem>>, vector<128x1xf32>,
      %eq3A_210 = vector.broadcast %broadcast_in_dim3A_203 : vector<128x1xi32> to vector<128x512xi32>
      %eq3A_211 = arith.cmpi eq, %add3A_111, %eq3A_210 : vector<128x512xi32>
      %jit3A_212 = arith.constant 0x7F800000 : f32
      %broadcast_in_dim3A_213 = vector.broadcast %jit3A_212 : f32 to vector<128x512xf32>
      %select_n3A_214 = arith.select %eq3A_211, %broadcast_in_dim3A_213, %get3A_192 : vector<128x512xi1>, vector<128x512xf32>
      %swap3A_215 = arith.constant 0 : index
      %swap3A_216 = arith.constant 0 : index
      %swap3A_217 = vector.load %arg10[%swap3A_215, %swap3A_216] : memref<128x512xf32, #tpu.memory_space<vmem>>, vector<128x512xf32>
      tpu.vector_store %arg10[%swap3A_215, %swap3A_216], %select_n3A_214 {strides = array<i32>} : memref<128x512xf32, #tpu.memory_space<vmem>>, vector<128x512xf32>,
      %get3A_218 = arith.constant 0 : index
      %get3A_219 = arith.constant 0 : index
      %get3A_220 = vector.load %arg10[%get3A_218, %get3A_219] : memref<128x512xf32, #tpu.memory_space<vmem>>, vector<128x512xf32>
      %reduce_min3A_221 = arith.constant dense<0x7F800000> : vector<128xf32>
      %reduce_min3A_222 = vector.multi_reduction <minimumf>, %get3A_220, %reduce_min3A_221 [1] : vector<128x512xf32> to vector<128xf32>
      %broadcast_in_dim3A_223 = vector.shape_cast %reduce_min3A_222 : vector<128xf32> to vector<128x1xf32>
      %eq3A_224 = vector.broadcast %broadcast_in_dim3A_223 : vector<128x1xf32> to vector<128x512xf32>
      %eq3A_225 = arith.cmpf oeq, %get3A_220, %eq3A_224 : vector<128x512xf32>
      %jit3A_226 = arith.constant 10240 : i32
      %broadcast_in_dim3A_227 = vector.broadcast %jit3A_226 : i32 to vector<128x512xi32>
      %select_n3A_228 = arith.select %eq3A_225, %add3A_111, %broadcast_in_dim3A_227 : vector<128x512xi1>, vector<128x512xi32>
      %reduce_min3A_229 = arith.constant dense<2147483647> : vector<128xi32>
      %reduce_min3A_230 = vector.multi_reduction <minsi>, %select_n3A_228, %reduce_min3A_229 [1] : vector<128x512xi32> to vector<128xi32>
      %broadcast_in_dim3A_231 = vector.shape_cast %reduce_min3A_230 : vector<128xi32> to vector<128x1xi32>
      %swap3A_232 = arith.constant 0 : index
      %swap3A_233 = arith.constant 3 : index
      %swap3A_234 = vector.load %arg7[%swap3A_232, %swap3A_233] : memref<128x16xi32, #tpu.memory_space<vmem>>, vector<128x1xi32>
      tpu.vector_store %arg7[%swap3A_232, %swap3A_233], %broadcast_in_dim3A_231 {strides = array<i32>} : memref<128x16xi32, #tpu.memory_space<vmem>>, vector<128x1xi32>,
      %swap3A_235 = arith.constant 0 : index
      %swap3A_236 = arith.constant 3 : index
      %swap3A_237 = vector.load %arg8[%swap3A_235, %swap3A_236] : memref<128x16xf32, #tpu.memory_space<vmem>>, vector<128x1xf32>
      tpu.vector_store %arg8[%swap3A_235, %swap3A_236], %broadcast_in_dim3A_223 {strides = array<i32>} : memref<128x16xf32, #tpu.memory_space<vmem>>, vector<128x1xf32>,
      %eq3A_238 = vector.broadcast %broadcast_in_dim3A_231 : vector<128x1xi32> to vector<128x512xi32>
      %eq3A_239 = arith.cmpi eq, %add3A_111, %eq3A_238 : vector<128x512xi32>
      %jit3A_240 = arith.constant 0x7F800000 : f32
      %broadcast_in_dim3A_241 = vector.broadcast %jit3A_240 : f32 to vector<128x512xf32>
      %select_n3A_242 = arith.select %eq3A_239, %broadcast_in_dim3A_241, %get3A_220 : vector<128x512xi1>, vector<128x512xf32>
      %swap3A_243 = arith.constant 0 : index
      %swap3A_244 = arith.constant 0 : index
      %swap3A_245 = vector.load %arg10[%swap3A_243, %swap3A_244] : memref<128x512xf32, #tpu.memory_space<vmem>>, vector<128x512xf32>
      tpu.vector_store %arg10[%swap3A_243, %swap3A_244], %select_n3A_242 {strides = array<i32>} : memref<128x512xf32, #tpu.memory_space<vmem>>, vector<128x512xf32>,
      %get3A_246 = arith.constant 0 : index
      %get3A_247 = arith.constant 0 : index
      %get3A_248 = vector.load %arg10[%get3A_246, %get3A_247] : memref<128x512xf32, #tpu.memory_space<vmem>>, vector<128x512xf32>
      %reduce_min3A_249 = arith.constant dense<0x7F800000> : vector<128xf32>
      %reduce_min3A_250 = vector.multi_reduction <minimumf>, %get3A_248, %reduce_min3A_249 [1] : vector<128x512xf32> to vector<128xf32>
      %broadcast_in_dim3A_251 = vector.shape_cast %reduce_min3A_250 : vector<128xf32> to vector<128x1xf32>
      %eq3A_252 = vector.broadcast %broadcast_in_dim3A_251 : vector<128x1xf32> to vector<128x512xf32>
      %eq3A_253 = arith.cmpf oeq, %get3A_248, %eq3A_252 : vector<128x512xf32>
      %jit3A_254 = arith.constant 10240 : i32
      %broadcast_in_dim3A_255 = vector.broadcast %jit3A_254 : i32 to vector<128x512xi32>
      %select_n3A_256 = arith.select %eq3A_253, %add3A_111, %broadcast_in_dim3A_255 : vector<128x512xi1>, vector<128x512xi32>
      %reduce_min3A_257 = arith.constant dense<2147483647> : vector<128xi32>
      %reduce_min3A_258 = vector.multi_reduction <minsi>, %select_n3A_256, %reduce_min3A_257 [1] : vector<128x512xi32> to vector<128xi32>
      %broadcast_in_dim3A_259 = vector.shape_cast %reduce_min3A_258 : vector<128xi32> to vector<128x1xi32>
      %swap3A_260 = arith.constant 0 : index
      %swap3A_261 = arith.constant 4 : index
      %swap3A_262 = vector.load %arg7[%swap3A_260, %swap3A_261] : memref<128x16xi32, #tpu.memory_space<vmem>>, vector<128x1xi32>
      tpu.vector_store %arg7[%swap3A_260, %swap3A_261], %broadcast_in_dim3A_259 {strides = array<i32>} : memref<128x16xi32, #tpu.memory_space<vmem>>, vector<128x1xi32>,
      %swap3A_263 = arith.constant 0 : index
      %swap3A_264 = arith.constant 4 : index
      %swap3A_265 = vector.load %arg8[%swap3A_263, %swap3A_264] : memref<128x16xf32, #tpu.memory_space<vmem>>, vector<128x1xf32>
      tpu.vector_store %arg8[%swap3A_263, %swap3A_264], %broadcast_in_dim3A_251 {strides = array<i32>} : memref<128x16xf32, #tpu.memory_space<vmem>>, vector<128x1xf32>,
      %eq3A_266 = vector.broadcast %broadcast_in_dim3A_259 : vector<128x1xi32> to vector<128x512xi32>
      %eq3A_267 = arith.cmpi eq, %add3A_111, %eq3A_266 : vector<128x512xi32>
      %jit3A_268 = arith.constant 0x7F800000 : f32
      %broadcast_in_dim3A_269 = vector.broadcast %jit3A_268 : f32 to vector<128x512xf32>
      %select_n3A_270 = arith.select %eq3A_267, %broadcast_in_dim3A_269, %get3A_248 : vector<128x512xi1>, vector<128x512xf32>
      %swap3A_271 = arith.constant 0 : index
      %swap3A_272 = arith.constant 0 : index
      %swap3A_273 = vector.load %arg10[%swap3A_271, %swap3A_272] : memref<128x512xf32, #tpu.memory_space<vmem>>, vector<128x512xf32>
      tpu.vector_store %arg10[%swap3A_271, %swap3A_272], %select_n3A_270 {strides = array<i32>} : memref<128x512xf32, #tpu.memory_space<vmem>>, vector<128x512xf32>,
      %get3A_274 = arith.constant 0 : index
      %get3A_275 = arith.constant 0 : index
      %get3A_276 = vector.load %arg10[%get3A_274, %get3A_275] : memref<128x512xf32, #tpu.memory_space<vmem>>, vector<128x512xf32>
      %reduce_min3A_277 = arith.constant dense<0x7F800000> : vector<128xf32>
      %reduce_min3A_278 = vector.multi_reduction <minimumf>, %get3A_276, %reduce_min3A_277 [1] : vector<128x512xf32> to vector<128xf32>
      %broadcast_in_dim3A_279 = vector.shape_cast %reduce_min3A_278 : vector<128xf32> to vector<128x1xf32>
      %eq3A_280 = vector.broadcast %broadcast_in_dim3A_279 : vector<128x1xf32> to vector<128x512xf32>
      %eq3A_281 = arith.cmpf oeq, %get3A_276, %eq3A_280 : vector<128x512xf32>
      %jit3A_282 = arith.constant 10240 : i32
      %broadcast_in_dim3A_283 = vector.broadcast %jit3A_282 : i32 to vector<128x512xi32>
      %select_n3A_284 = arith.select %eq3A_281, %add3A_111, %broadcast_in_dim3A_283 : vector<128x512xi1>, vector<128x512xi32>
      %reduce_min3A_285 = arith.constant dense<2147483647> : vector<128xi32>
      %reduce_min3A_286 = vector.multi_reduction <minsi>, %select_n3A_284, %reduce_min3A_285 [1] : vector<128x512xi32> to vector<128xi32>
      %broadcast_in_dim3A_287 = vector.shape_cast %reduce_min3A_286 : vector<128xi32> to vector<128x1xi32>
      %swap3A_288 = arith.constant 0 : index
      %swap3A_289 = arith.constant 5 : index
      %swap3A_290 = vector.load %arg7[%swap3A_288, %swap3A_289] : memref<128x16xi32, #tpu.memory_space<vmem>>, vector<128x1xi32>
      tpu.vector_store %arg7[%swap3A_288, %swap3A_289], %broadcast_in_dim3A_287 {strides = array<i32>} : memref<128x16xi32, #tpu.memory_space<vmem>>, vector<128x1xi32>,
      %swap3A_291 = arith.constant 0 : index
      %swap3A_292 = arith.constant 5 : index
      %swap3A_293 = vector.load %arg8[%swap3A_291, %swap3A_292] : memref<128x16xf32, #tpu.memory_space<vmem>>, vector<128x1xf32>
      tpu.vector_store %arg8[%swap3A_291, %swap3A_292], %broadcast_in_dim3A_279 {strides = array<i32>} : memref<128x16xf32, #tpu.memory_space<vmem>>, vector<128x1xf32>,
      %eq3A_294 = vector.broadcast %broadcast_in_dim3A_287 : vector<128x1xi32> to vector<128x512xi32>
      %eq3A_295 = arith.cmpi eq, %add3A_111, %eq3A_294 : vector<128x512xi32>
      %jit3A_296 = arith.constant 0x7F800000 : f32
      %broadcast_in_dim3A_297 = vector.broadcast %jit3A_296 : f32 to vector<128x512xf32>
      %select_n3A_298 = arith.select %eq3A_295, %broadcast_in_dim3A_297, %get3A_276 : vector<128x512xi1>, vector<128x512xf32>
      %swap3A_299 = arith.constant 0 : index
      %swap3A_300 = arith.constant 0 : index
      %swap3A_301 = vector.load %arg10[%swap3A_299, %swap3A_300] : memref<128x512xf32, #tpu.memory_space<vmem>>, vector<128x512xf32>
      tpu.vector_store %arg10[%swap3A_299, %swap3A_300], %select_n3A_298 {strides = array<i32>} : memref<128x512xf32, #tpu.memory_space<vmem>>, vector<128x512xf32>,
      %get3A_302 = arith.constant 0 : index
      %get3A_303 = arith.constant 0 : index
      %get3A_304 = vector.load %arg10[%get3A_302, %get3A_303] : memref<128x512xf32, #tpu.memory_space<vmem>>, vector<128x512xf32>
      %reduce_min3A_305 = arith.constant dense<0x7F800000> : vector<128xf32>
      %reduce_min3A_306 = vector.multi_reduction <minimumf>, %get3A_304, %reduce_min3A_305 [1] : vector<128x512xf32> to vector<128xf32>
      %broadcast_in_dim3A_307 = vector.shape_cast %reduce_min3A_306 : vector<128xf32> to vector<128x1xf32>
      %eq3A_308 = vector.broadcast %broadcast_in_dim3A_307 : vector<128x1xf32> to vector<128x512xf32>
      %eq3A_309 = arith.cmpf oeq, %get3A_304, %eq3A_308 : vector<128x512xf32>
      %jit3A_310 = arith.constant 10240 : i32
      %broadcast_in_dim3A_311 = vector.broadcast %jit3A_310 : i32 to vector<128x512xi32>
      %select_n3A_312 = arith.select %eq3A_309, %add3A_111, %broadcast_in_dim3A_311 : vector<128x512xi1>, vector<128x512xi32>
      %reduce_min3A_313 = arith.constant dense<2147483647> : vector<128xi32>
      %reduce_min3A_314 = vector.multi_reduction <minsi>, %select_n3A_312, %reduce_min3A_313 [1] : vector<128x512xi32> to vector<128xi32>
      %broadcast_in_dim3A_315 = vector.shape_cast %reduce_min3A_314 : vector<128xi32> to vector<128x1xi32>
      %swap3A_316 = arith.constant 0 : index
      %swap3A_317 = arith.constant 6 : index
      %swap3A_318 = vector.load %arg7[%swap3A_316, %swap3A_317] : memref<128x16xi32, #tpu.memory_space<vmem>>, vector<128x1xi32>
      tpu.vector_store %arg7[%swap3A_316, %swap3A_317], %broadcast_in_dim3A_315 {strides = array<i32>} : memref<128x16xi32, #tpu.memory_space<vmem>>, vector<128x1xi32>,
      %swap3A_319 = arith.constant 0 : index
      %swap3A_320 = arith.constant 6 : index
      %swap3A_321 = vector.load %arg8[%swap3A_319, %swap3A_320] : memref<128x16xf32, #tpu.memory_space<vmem>>, vector<128x1xf32>
      tpu.vector_store %arg8[%swap3A_319, %swap3A_320], %broadcast_in_dim3A_307 {strides = array<i32>} : memref<128x16xf32, #tpu.memory_space<vmem>>, vector<128x1xf32>,
      %eq3A_322 = vector.broadcast %broadcast_in_dim3A_315 : vector<128x1xi32> to vector<128x512xi32>
      %eq3A_323 = arith.cmpi eq, %add3A_111, %eq3A_322 : vector<128x512xi32>
      %jit3A_324 = arith.constant 0x7F800000 : f32
      %broadcast_in_dim3A_325 = vector.broadcast %jit3A_324 : f32 to vector<128x512xf32>
      %select_n3A_326 = arith.select %eq3A_323, %broadcast_in_dim3A_325, %get3A_304 : vector<128x512xi1>, vector<128x512xf32>
      %swap3A_327 = arith.constant 0 : index
      %swap3A_328 = arith.constant 0 : index
      %swap3A_329 = vector.load %arg10[%swap3A_327, %swap3A_328] : memref<128x512xf32, #tpu.memory_space<vmem>>, vector<128x512xf32>
      tpu.vector_store %arg10[%swap3A_327, %swap3A_328], %select_n3A_326 {strides = array<i32>} : memref<128x512xf32, #tpu.memory_space<vmem>>, vector<128x512xf32>,
      %get3A_330 = arith.constant 0 : index
      %get3A_331 = arith.constant 0 : index
      %get3A_332 = vector.load %arg10[%get3A_330, %get3A_331] : memref<128x512xf32, #tpu.memory_space<vmem>>, vector<128x512xf32>
      %reduce_min3A_333 = arith.constant dense<0x7F800000> : vector<128xf32>
      %reduce_min3A_334 = vector.multi_reduction <minimumf>, %get3A_332, %reduce_min3A_333 [1] : vector<128x512xf32> to vector<128xf32>
      %broadcast_in_dim3A_335 = vector.shape_cast %reduce_min3A_334 : vector<128xf32> to vector<128x1xf32>
      %eq3A_336 = vector.broadcast %broadcast_in_dim3A_335 : vector<128x1xf32> to vector<128x512xf32>
      %eq3A_337 = arith.cmpf oeq, %get3A_332, %eq3A_336 : vector<128x512xf32>
      %jit3A_338 = arith.constant 10240 : i32
      %broadcast_in_dim3A_339 = vector.broadcast %jit3A_338 : i32 to vector<128x512xi32>
      %select_n3A_340 = arith.select %eq3A_337, %add3A_111, %broadcast_in_dim3A_339 : vector<128x512xi1>, vector<128x512xi32>
      %reduce_min3A_341 = arith.constant dense<2147483647> : vector<128xi32>
      %reduce_min3A_342 = vector.multi_reduction <minsi>, %select_n3A_340, %reduce_min3A_341 [1] : vector<128x512xi32> to vector<128xi32>
      %broadcast_in_dim3A_343 = vector.shape_cast %reduce_min3A_342 : vector<128xi32> to vector<128x1xi32>
      %swap3A_344 = arith.constant 0 : index
      %swap3A_345 = arith.constant 7 : index
      %swap3A_346 = vector.load %arg7[%swap3A_344, %swap3A_345] : memref<128x16xi32, #tpu.memory_space<vmem>>, vector<128x1xi32>
      tpu.vector_store %arg7[%swap3A_344, %swap3A_345], %broadcast_in_dim3A_343 {strides = array<i32>} : memref<128x16xi32, #tpu.memory_space<vmem>>, vector<128x1xi32>,
      %swap3A_347 = arith.constant 0 : index
      %swap3A_348 = arith.constant 7 : index
      %swap3A_349 = vector.load %arg8[%swap3A_347, %swap3A_348] : memref<128x16xf32, #tpu.memory_space<vmem>>, vector<128x1xf32>
      tpu.vector_store %arg8[%swap3A_347, %swap3A_348], %broadcast_in_dim3A_335 {strides = array<i32>} : memref<128x16xf32, #tpu.memory_space<vmem>>, vector<128x1xf32>,
      %eq3A_350 = vector.broadcast %broadcast_in_dim3A_343 : vector<128x1xi32> to vector<128x512xi32>
      %eq3A_351 = arith.cmpi eq, %add3A_111, %eq3A_350 : vector<128x512xi32>
      %jit3A_352 = arith.constant 0x7F800000 : f32
      %broadcast_in_dim3A_353 = vector.broadcast %jit3A_352 : f32 to vector<128x512xf32>
      %select_n3A_354 = arith.select %eq3A_351, %broadcast_in_dim3A_353, %get3A_332 : vector<128x512xi1>, vector<128x512xf32>
      %swap3A_355 = arith.constant 0 : index
      %swap3A_356 = arith.constant 0 : index
      %swap3A_357 = vector.load %arg10[%swap3A_355, %swap3A_356] : memref<128x512xf32, #tpu.memory_space<vmem>>, vector<128x512xf32>
      tpu.vector_store %arg10[%swap3A_355, %swap3A_356], %select_n3A_354 {strides = array<i32>} : memref<128x512xf32, #tpu.memory_space<vmem>>, vector<128x512xf32>,
      %get3A_358 = arith.constant 0 : index
      %get3A_359 = arith.constant 0 : index
      %get3A_360 = vector.load %arg10[%get3A_358, %get3A_359] : memref<128x512xf32, #tpu.memory_space<vmem>>, vector<128x512xf32>
      %reduce_min3A_361 = arith.constant dense<0x7F800000> : vector<128xf32>
      %reduce_min3A_362 = vector.multi_reduction <minimumf>, %get3A_360, %reduce_min3A_361 [1] : vector<128x512xf32> to vector<128xf32>
      %broadcast_in_dim3A_363 = vector.shape_cast %reduce_min3A_362 : vector<128xf32> to vector<128x1xf32>
      %eq3A_364 = vector.broadcast %broadcast_in_dim3A_363 : vector<128x1xf32> to vector<128x512xf32>
      %eq3A_365 = arith.cmpf oeq, %get3A_360, %eq3A_364 : vector<128x512xf32>
      %jit3A_366 = arith.constant 10240 : i32
      %broadcast_in_dim3A_367 = vector.broadcast %jit3A_366 : i32 to vector<128x512xi32>
      %select_n3A_368 = arith.select %eq3A_365, %add3A_111, %broadcast_in_dim3A_367 : vector<128x512xi1>, vector<128x512xi32>
      %reduce_min3A_369 = arith.constant dense<2147483647> : vector<128xi32>
      %reduce_min3A_370 = vector.multi_reduction <minsi>, %select_n3A_368, %reduce_min3A_369 [1] : vector<128x512xi32> to vector<128xi32>
      %broadcast_in_dim3A_371 = vector.shape_cast %reduce_min3A_370 : vector<128xi32> to vector<128x1xi32>
      %swap3A_372 = arith.constant 0 : index
      %swap3A_373 = arith.constant 8 : index
      %swap3A_374 = vector.load %arg7[%swap3A_372, %swap3A_373] : memref<128x16xi32, #tpu.memory_space<vmem>>, vector<128x1xi32>
      tpu.vector_store %arg7[%swap3A_372, %swap3A_373], %broadcast_in_dim3A_371 {strides = array<i32>} : memref<128x16xi32, #tpu.memory_space<vmem>>, vector<128x1xi32>,
      %swap3A_375 = arith.constant 0 : index
      %swap3A_376 = arith.constant 8 : index
      %swap3A_377 = vector.load %arg8[%swap3A_375, %swap3A_376] : memref<128x16xf32, #tpu.memory_space<vmem>>, vector<128x1xf32>
      tpu.vector_store %arg8[%swap3A_375, %swap3A_376], %broadcast_in_dim3A_363 {strides = array<i32>} : memref<128x16xf32, #tpu.memory_space<vmem>>, vector<128x1xf32>,
      %eq3A_378 = vector.broadcast %broadcast_in_dim3A_371 : vector<128x1xi32> to vector<128x512xi32>
      %eq3A_379 = arith.cmpi eq, %add3A_111, %eq3A_378 : vector<128x512xi32>
      %jit3A_380 = arith.constant 0x7F800000 : f32
      %broadcast_in_dim3A_381 = vector.broadcast %jit3A_380 : f32 to vector<128x512xf32>
      %select_n3A_382 = arith.select %eq3A_379, %broadcast_in_dim3A_381, %get3A_360 : vector<128x512xi1>, vector<128x512xf32>
      %swap3A_383 = arith.constant 0 : index
      %swap3A_384 = arith.constant 0 : index
      %swap3A_385 = vector.load %arg10[%swap3A_383, %swap3A_384] : memref<128x512xf32, #tpu.memory_space<vmem>>, vector<128x512xf32>
      tpu.vector_store %arg10[%swap3A_383, %swap3A_384], %select_n3A_382 {strides = array<i32>} : memref<128x512xf32, #tpu.memory_space<vmem>>, vector<128x512xf32>,
      %get3A_386 = arith.constant 0 : index
      %get3A_387 = arith.constant 0 : index
      %get3A_388 = vector.load %arg10[%get3A_386, %get3A_387] : memref<128x512xf32, #tpu.memory_space<vmem>>, vector<128x512xf32>
      %reduce_min3A_389 = arith.constant dense<0x7F800000> : vector<128xf32>
      %reduce_min3A_390 = vector.multi_reduction <minimumf>, %get3A_388, %reduce_min3A_389 [1] : vector<128x512xf32> to vector<128xf32>
      %broadcast_in_dim3A_391 = vector.shape_cast %reduce_min3A_390 : vector<128xf32> to vector<128x1xf32>
      %eq3A_392 = vector.broadcast %broadcast_in_dim3A_391 : vector<128x1xf32> to vector<128x512xf32>
      %eq3A_393 = arith.cmpf oeq, %get3A_388, %eq3A_392 : vector<128x512xf32>
      %jit3A_394 = arith.constant 10240 : i32
      %broadcast_in_dim3A_395 = vector.broadcast %jit3A_394 : i32 to vector<128x512xi32>
      %select_n3A_396 = arith.select %eq3A_393, %add3A_111, %broadcast_in_dim3A_395 : vector<128x512xi1>, vector<128x512xi32>
      %reduce_min3A_397 = arith.constant dense<2147483647> : vector<128xi32>
      %reduce_min3A_398 = vector.multi_reduction <minsi>, %select_n3A_396, %reduce_min3A_397 [1] : vector<128x512xi32> to vector<128xi32>
      %broadcast_in_dim3A_399 = vector.shape_cast %reduce_min3A_398 : vector<128xi32> to vector<128x1xi32>
      %swap3A_400 = arith.constant 0 : index
      %swap3A_401 = arith.constant 9 : index
      %swap3A_402 = vector.load %arg7[%swap3A_400, %swap3A_401] : memref<128x16xi32, #tpu.memory_space<vmem>>, vector<128x1xi32>
      tpu.vector_store %arg7[%swap3A_400, %swap3A_401], %broadcast_in_dim3A_399 {strides = array<i32>} : memref<128x16xi32, #tpu.memory_space<vmem>>, vector<128x1xi32>,
      %swap3A_403 = arith.constant 0 : index
      %swap3A_404 = arith.constant 9 : index
      %swap3A_405 = vector.load %arg8[%swap3A_403, %swap3A_404] : memref<128x16xf32, #tpu.memory_space<vmem>>, vector<128x1xf32>
      tpu.vector_store %arg8[%swap3A_403, %swap3A_404], %broadcast_in_dim3A_391 {strides = array<i32>} : memref<128x16xf32, #tpu.memory_space<vmem>>, vector<128x1xf32>,
      %eq3A_406 = vector.broadcast %broadcast_in_dim3A_399 : vector<128x1xi32> to vector<128x512xi32>
      %eq3A_407 = arith.cmpi eq, %add3A_111, %eq3A_406 : vector<128x512xi32>
      %jit3A_408 = arith.constant 0x7F800000 : f32
      %broadcast_in_dim3A_409 = vector.broadcast %jit3A_408 : f32 to vector<128x512xf32>
      %select_n3A_410 = arith.select %eq3A_407, %broadcast_in_dim3A_409, %get3A_388 : vector<128x512xi1>, vector<128x512xf32>
      %swap3A_411 = arith.constant 0 : index
      %swap3A_412 = arith.constant 0 : index
      %swap3A_413 = vector.load %arg10[%swap3A_411, %swap3A_412] : memref<128x512xf32, #tpu.memory_space<vmem>>, vector<128x512xf32>
      tpu.vector_store %arg10[%swap3A_411, %swap3A_412], %select_n3A_410 {strides = array<i32>} : memref<128x512xf32, #tpu.memory_space<vmem>>, vector<128x512xf32>,
      %get3A_414 = arith.constant 0 : index
      %get3A_415 = arith.constant 0 : index
      %get3A_416 = vector.load %arg10[%get3A_414, %get3A_415] : memref<128x512xf32, #tpu.memory_space<vmem>>, vector<128x512xf32>
      %reduce_min3A_417 = arith.constant dense<0x7F800000> : vector<128xf32>
      %reduce_min3A_418 = vector.multi_reduction <minimumf>, %get3A_416, %reduce_min3A_417 [1] : vector<128x512xf32> to vector<128xf32>
      %broadcast_in_dim3A_419 = vector.shape_cast %reduce_min3A_418 : vector<128xf32> to vector<128x1xf32>
      %eq3A_420 = vector.broadcast %broadcast_in_dim3A_419 : vector<128x1xf32> to vector<128x512xf32>
      %eq3A_421 = arith.cmpf oeq, %get3A_416, %eq3A_420 : vector<128x512xf32>
      %jit3A_422 = arith.constant 10240 : i32
      %broadcast_in_dim3A_423 = vector.broadcast %jit3A_422 : i32 to vector<128x512xi32>
      %select_n3A_424 = arith.select %eq3A_421, %add3A_111, %broadcast_in_dim3A_423 : vector<128x512xi1>, vector<128x512xi32>
      %reduce_min3A_425 = arith.constant dense<2147483647> : vector<128xi32>
      %reduce_min3A_426 = vector.multi_reduction <minsi>, %select_n3A_424, %reduce_min3A_425 [1] : vector<128x512xi32> to vector<128xi32>
      %broadcast_in_dim3A_427 = vector.shape_cast %reduce_min3A_426 : vector<128xi32> to vector<128x1xi32>
      %swap3A_428 = arith.constant 0 : index
      %swap3A_429 = arith.constant 10 : index
      %swap3A_430 = vector.load %arg7[%swap3A_428, %swap3A_429] : memref<128x16xi32, #tpu.memory_space<vmem>>, vector<128x1xi32>
      tpu.vector_store %arg7[%swap3A_428, %swap3A_429], %broadcast_in_dim3A_427 {strides = array<i32>} : memref<128x16xi32, #tpu.memory_space<vmem>>, vector<128x1xi32>,
      %swap3A_431 = arith.constant 0 : index
      %swap3A_432 = arith.constant 10 : index
      %swap3A_433 = vector.load %arg8[%swap3A_431, %swap3A_432] : memref<128x16xf32, #tpu.memory_space<vmem>>, vector<128x1xf32>
      tpu.vector_store %arg8[%swap3A_431, %swap3A_432], %broadcast_in_dim3A_419 {strides = array<i32>} : memref<128x16xf32, #tpu.memory_space<vmem>>, vector<128x1xf32>,
      %eq3A_434 = vector.broadcast %broadcast_in_dim3A_427 : vector<128x1xi32> to vector<128x512xi32>
      %eq3A_435 = arith.cmpi eq, %add3A_111, %eq3A_434 : vector<128x512xi32>
      %jit3A_436 = arith.constant 0x7F800000 : f32
      %broadcast_in_dim3A_437 = vector.broadcast %jit3A_436 : f32 to vector<128x512xf32>
      %select_n3A_438 = arith.select %eq3A_435, %broadcast_in_dim3A_437, %get3A_416 : vector<128x512xi1>, vector<128x512xf32>
      %swap3A_439 = arith.constant 0 : index
      %swap3A_440 = arith.constant 0 : index
      %swap3A_441 = vector.load %arg10[%swap3A_439, %swap3A_440] : memref<128x512xf32, #tpu.memory_space<vmem>>, vector<128x512xf32>
      tpu.vector_store %arg10[%swap3A_439, %swap3A_440], %select_n3A_438 {strides = array<i32>} : memref<128x512xf32, #tpu.memory_space<vmem>>, vector<128x512xf32>,
      %get3A_442 = arith.constant 0 : index
      %get3A_443 = arith.constant 0 : index
      %get3A_444 = vector.load %arg10[%get3A_442, %get3A_443] : memref<128x512xf32, #tpu.memory_space<vmem>>, vector<128x512xf32>
      %reduce_min3A_445 = arith.constant dense<0x7F800000> : vector<128xf32>
      %reduce_min3A_446 = vector.multi_reduction <minimumf>, %get3A_444, %reduce_min3A_445 [1] : vector<128x512xf32> to vector<128xf32>
      %broadcast_in_dim3A_447 = vector.shape_cast %reduce_min3A_446 : vector<128xf32> to vector<128x1xf32>
      %eq3A_448 = vector.broadcast %broadcast_in_dim3A_447 : vector<128x1xf32> to vector<128x512xf32>
      %eq3A_449 = arith.cmpf oeq, %get3A_444, %eq3A_448 : vector<128x512xf32>
      %jit3A_450 = arith.constant 10240 : i32
      %broadcast_in_dim3A_451 = vector.broadcast %jit3A_450 : i32 to vector<128x512xi32>
      %select_n3A_452 = arith.select %eq3A_449, %add3A_111, %broadcast_in_dim3A_451 : vector<128x512xi1>, vector<128x512xi32>
      %reduce_min3A_453 = arith.constant dense<2147483647> : vector<128xi32>
      %reduce_min3A_454 = vector.multi_reduction <minsi>, %select_n3A_452, %reduce_min3A_453 [1] : vector<128x512xi32> to vector<128xi32>
      %broadcast_in_dim3A_455 = vector.shape_cast %reduce_min3A_454 : vector<128xi32> to vector<128x1xi32>
      %swap3A_456 = arith.constant 0 : index
      %swap3A_457 = arith.constant 11 : index
      %swap3A_458 = vector.load %arg7[%swap3A_456, %swap3A_457] : memref<128x16xi32, #tpu.memory_space<vmem>>, vector<128x1xi32>
      tpu.vector_store %arg7[%swap3A_456, %swap3A_457], %broadcast_in_dim3A_455 {strides = array<i32>} : memref<128x16xi32, #tpu.memory_space<vmem>>, vector<128x1xi32>,
      %swap3A_459 = arith.constant 0 : index
      %swap3A_460 = arith.constant 11 : index
      %swap3A_461 = vector.load %arg8[%swap3A_459, %swap3A_460] : memref<128x16xf32, #tpu.memory_space<vmem>>, vector<128x1xf32>
      tpu.vector_store %arg8[%swap3A_459, %swap3A_460], %broadcast_in_dim3A_447 {strides = array<i32>} : memref<128x16xf32, #tpu.memory_space<vmem>>, vector<128x1xf32>,
      %eq3A_462 = vector.broadcast %broadcast_in_dim3A_455 : vector<128x1xi32> to vector<128x512xi32>
      %eq3A_463 = arith.cmpi eq, %add3A_111, %eq3A_462 : vector<128x512xi32>
      %jit3A_464 = arith.constant 0x7F800000 : f32
      %broadcast_in_dim3A_465 = vector.broadcast %jit3A_464 : f32 to vector<128x512xf32>
      %select_n3A_466 = arith.select %eq3A_463, %broadcast_in_dim3A_465, %get3A_444 : vector<128x512xi1>, vector<128x512xf32>
      %swap3A_467 = arith.constant 0 : index
      %swap3A_468 = arith.constant 0 : index
      %swap3A_469 = vector.load %arg10[%swap3A_467, %swap3A_468] : memref<128x512xf32, #tpu.memory_space<vmem>>, vector<128x512xf32>
      tpu.vector_store %arg10[%swap3A_467, %swap3A_468], %select_n3A_466 {strides = array<i32>} : memref<128x512xf32, #tpu.memory_space<vmem>>, vector<128x512xf32>,
      %get3A_470 = arith.constant 0 : index
      %get3A_471 = arith.constant 0 : index
      %get3A_472 = vector.load %arg10[%get3A_470, %get3A_471] : memref<128x512xf32, #tpu.memory_space<vmem>>, vector<128x512xf32>
      %reduce_min3A_473 = arith.constant dense<0x7F800000> : vector<128xf32>
      %reduce_min3A_474 = vector.multi_reduction <minimumf>, %get3A_472, %reduce_min3A_473 [1] : vector<128x512xf32> to vector<128xf32>
      %broadcast_in_dim3A_475 = vector.shape_cast %reduce_min3A_474 : vector<128xf32> to vector<128x1xf32>
      %eq3A_476 = vector.broadcast %broadcast_in_dim3A_475 : vector<128x1xf32> to vector<128x512xf32>
      %eq3A_477 = arith.cmpf oeq, %get3A_472, %eq3A_476 : vector<128x512xf32>
      %jit3A_478 = arith.constant 10240 : i32
      %broadcast_in_dim3A_479 = vector.broadcast %jit3A_478 : i32 to vector<128x512xi32>
      %select_n3A_480 = arith.select %eq3A_477, %add3A_111, %broadcast_in_dim3A_479 : vector<128x512xi1>, vector<128x512xi32>
      %reduce_min3A_481 = arith.constant dense<2147483647> : vector<128xi32>
      %reduce_min3A_482 = vector.multi_reduction <minsi>, %select_n3A_480, %reduce_min3A_481 [1] : vector<128x512xi32> to vector<128xi32>
      %broadcast_in_dim3A_483 = vector.shape_cast %reduce_min3A_482 : vector<128xi32> to vector<128x1xi32>
      %swap3A_484 = arith.constant 0 : index
      %swap3A_485 = arith.constant 12 : index
      %swap3A_486 = vector.load %arg7[%swap3A_484, %swap3A_485] : memref<128x16xi32, #tpu.memory_space<vmem>>, vector<128x1xi32>
      tpu.vector_store %arg7[%swap3A_484, %swap3A_485], %broadcast_in_dim3A_483 {strides = array<i32>} : memref<128x16xi32, #tpu.memory_space<vmem>>, vector<128x1xi32>,
      %swap3A_487 = arith.constant 0 : index
      %swap3A_488 = arith.constant 12 : index
      %swap3A_489 = vector.load %arg8[%swap3A_487, %swap3A_488] : memref<128x16xf32, #tpu.memory_space<vmem>>, vector<128x1xf32>
      tpu.vector_store %arg8[%swap3A_487, %swap3A_488], %broadcast_in_dim3A_475 {strides = array<i32>} : memref<128x16xf32, #tpu.memory_space<vmem>>, vector<128x1xf32>,
      %eq3A_490 = vector.broadcast %broadcast_in_dim3A_483 : vector<128x1xi32> to vector<128x512xi32>
      %eq3A_491 = arith.cmpi eq, %add3A_111, %eq3A_490 : vector<128x512xi32>
      %jit3A_492 = arith.constant 0x7F800000 : f32
      %broadcast_in_dim3A_493 = vector.broadcast %jit3A_492 : f32 to vector<128x512xf32>
      %select_n3A_494 = arith.select %eq3A_491, %broadcast_in_dim3A_493, %get3A_472 : vector<128x512xi1>, vector<128x512xf32>
      %swap3A_495 = arith.constant 0 : index
      %swap3A_496 = arith.constant 0 : index
      %swap3A_497 = vector.load %arg10[%swap3A_495, %swap3A_496] : memref<128x512xf32, #tpu.memory_space<vmem>>, vector<128x512xf32>
      tpu.vector_store %arg10[%swap3A_495, %swap3A_496], %select_n3A_494 {strides = array<i32>} : memref<128x512xf32, #tpu.memory_space<vmem>>, vector<128x512xf32>,
      %get3A_498 = arith.constant 0 : index
      %get3A_499 = arith.constant 0 : index
      %get3A_500 = vector.load %arg10[%get3A_498, %get3A_499] : memref<128x512xf32, #tpu.memory_space<vmem>>, vector<128x512xf32>
      %reduce_min3A_501 = arith.constant dense<0x7F800000> : vector<128xf32>
      %reduce_min3A_502 = vector.multi_reduction <minimumf>, %get3A_500, %reduce_min3A_501 [1] : vector<128x512xf32> to vector<128xf32>
      %broadcast_in_dim3A_503 = vector.shape_cast %reduce_min3A_502 : vector<128xf32> to vector<128x1xf32>
      %eq3A_504 = vector.broadcast %broadcast_in_dim3A_503 : vector<128x1xf32> to vector<128x512xf32>
      %eq3A_505 = arith.cmpf oeq, %get3A_500, %eq3A_504 : vector<128x512xf32>
      %jit3A_506 = arith.constant 10240 : i32
      %broadcast_in_dim3A_507 = vector.broadcast %jit3A_506 : i32 to vector<128x512xi32>
      %select_n3A_508 = arith.select %eq3A_505, %add3A_111, %broadcast_in_dim3A_507 : vector<128x512xi1>, vector<128x512xi32>
      %reduce_min3A_509 = arith.constant dense<2147483647> : vector<128xi32>
      %reduce_min3A_510 = vector.multi_reduction <minsi>, %select_n3A_508, %reduce_min3A_509 [1] : vector<128x512xi32> to vector<128xi32>
      %broadcast_in_dim3A_511 = vector.shape_cast %reduce_min3A_510 : vector<128xi32> to vector<128x1xi32>
      %swap3A_512 = arith.constant 0 : index
      %swap3A_513 = arith.constant 13 : index
      %swap3A_514 = vector.load %arg7[%swap3A_512, %swap3A_513] : memref<128x16xi32, #tpu.memory_space<vmem>>, vector<128x1xi32>
      tpu.vector_store %arg7[%swap3A_512, %swap3A_513], %broadcast_in_dim3A_511 {strides = array<i32>} : memref<128x16xi32, #tpu.memory_space<vmem>>, vector<128x1xi32>,
      %swap3A_515 = arith.constant 0 : index
      %swap3A_516 = arith.constant 13 : index
      %swap3A_517 = vector.load %arg8[%swap3A_515, %swap3A_516] : memref<128x16xf32, #tpu.memory_space<vmem>>, vector<128x1xf32>
      tpu.vector_store %arg8[%swap3A_515, %swap3A_516], %broadcast_in_dim3A_503 {strides = array<i32>} : memref<128x16xf32, #tpu.memory_space<vmem>>, vector<128x1xf32>,
      %eq3A_518 = vector.broadcast %broadcast_in_dim3A_511 : vector<128x1xi32> to vector<128x512xi32>
      %eq3A_519 = arith.cmpi eq, %add3A_111, %eq3A_518 : vector<128x512xi32>
      %jit3A_520 = arith.constant 0x7F800000 : f32
      %broadcast_in_dim3A_521 = vector.broadcast %jit3A_520 : f32 to vector<128x512xf32>
      %select_n3A_522 = arith.select %eq3A_519, %broadcast_in_dim3A_521, %get3A_500 : vector<128x512xi1>, vector<128x512xf32>
      %swap3A_523 = arith.constant 0 : index
      %swap3A_524 = arith.constant 0 : index
      %swap3A_525 = vector.load %arg10[%swap3A_523, %swap3A_524] : memref<128x512xf32, #tpu.memory_space<vmem>>, vector<128x512xf32>
      tpu.vector_store %arg10[%swap3A_523, %swap3A_524], %select_n3A_522 {strides = array<i32>} : memref<128x512xf32, #tpu.memory_space<vmem>>, vector<128x512xf32>,
      %get3A_526 = arith.constant 0 : index
      %get3A_527 = arith.constant 0 : index
      %get3A_528 = vector.load %arg10[%get3A_526, %get3A_527] : memref<128x512xf32, #tpu.memory_space<vmem>>, vector<128x512xf32>
      %reduce_min3A_529 = arith.constant dense<0x7F800000> : vector<128xf32>
      %reduce_min3A_530 = vector.multi_reduction <minimumf>, %get3A_528, %reduce_min3A_529 [1] : vector<128x512xf32> to vector<128xf32>
      %broadcast_in_dim3A_531 = vector.shape_cast %reduce_min3A_530 : vector<128xf32> to vector<128x1xf32>
      %eq3A_532 = vector.broadcast %broadcast_in_dim3A_531 : vector<128x1xf32> to vector<128x512xf32>
      %eq3A_533 = arith.cmpf oeq, %get3A_528, %eq3A_532 : vector<128x512xf32>
      %jit3A_534 = arith.constant 10240 : i32
      %broadcast_in_dim3A_535 = vector.broadcast %jit3A_534 : i32 to vector<128x512xi32>
      %select_n3A_536 = arith.select %eq3A_533, %add3A_111, %broadcast_in_dim3A_535 : vector<128x512xi1>, vector<128x512xi32>
      %reduce_min3A_537 = arith.constant dense<2147483647> : vector<128xi32>
      %reduce_min3A_538 = vector.multi_reduction <minsi>, %select_n3A_536, %reduce_min3A_537 [1] : vector<128x512xi32> to vector<128xi32>
      %broadcast_in_dim3A_539 = vector.shape_cast %reduce_min3A_538 : vector<128xi32> to vector<128x1xi32>
      %swap3A_540 = arith.constant 0 : index
      %swap3A_541 = arith.constant 14 : index
      %swap3A_542 = vector.load %arg7[%swap3A_540, %swap3A_541] : memref<128x16xi32, #tpu.memory_space<vmem>>, vector<128x1xi32>
      tpu.vector_store %arg7[%swap3A_540, %swap3A_541], %broadcast_in_dim3A_539 {strides = array<i32>} : memref<128x16xi32, #tpu.memory_space<vmem>>, vector<128x1xi32>,
      %swap3A_543 = arith.constant 0 : index
      %swap3A_544 = arith.constant 14 : index
      %swap3A_545 = vector.load %arg8[%swap3A_543, %swap3A_544] : memref<128x16xf32, #tpu.memory_space<vmem>>, vector<128x1xf32>
      tpu.vector_store %arg8[%swap3A_543, %swap3A_544], %broadcast_in_dim3A_531 {strides = array<i32>} : memref<128x16xf32, #tpu.memory_space<vmem>>, vector<128x1xf32>,
      %eq3A_546 = vector.broadcast %broadcast_in_dim3A_539 : vector<128x1xi32> to vector<128x512xi32>
      %eq3A_547 = arith.cmpi eq, %add3A_111, %eq3A_546 : vector<128x512xi32>
      %jit3A_548 = arith.constant 0x7F800000 : f32
      %broadcast_in_dim3A_549 = vector.broadcast %jit3A_548 : f32 to vector<128x512xf32>
      %select_n3A_550 = arith.select %eq3A_547, %broadcast_in_dim3A_549, %get3A_528 : vector<128x512xi1>, vector<128x512xf32>
      %swap3A_551 = arith.constant 0 : index
      %swap3A_552 = arith.constant 0 : index
      %swap3A_553 = vector.load %arg10[%swap3A_551, %swap3A_552] : memref<128x512xf32, #tpu.memory_space<vmem>>, vector<128x512xf32>
      tpu.vector_store %arg10[%swap3A_551, %swap3A_552], %select_n3A_550 {strides = array<i32>} : memref<128x512xf32, #tpu.memory_space<vmem>>, vector<128x512xf32>,
      %get3A_554 = arith.constant 0 : index
      %get3A_555 = arith.constant 0 : index
      %get3A_556 = vector.load %arg10[%get3A_554, %get3A_555] : memref<128x512xf32, #tpu.memory_space<vmem>>, vector<128x512xf32>
      %reduce_min3A_557 = arith.constant dense<0x7F800000> : vector<128xf32>
      %reduce_min3A_558 = vector.multi_reduction <minimumf>, %get3A_556, %reduce_min3A_557 [1] : vector<128x512xf32> to vector<128xf32>
      %broadcast_in_dim3A_559 = vector.shape_cast %reduce_min3A_558 : vector<128xf32> to vector<128x1xf32>
      %eq3A_560 = vector.broadcast %broadcast_in_dim3A_559 : vector<128x1xf32> to vector<128x512xf32>
      %eq3A_561 = arith.cmpf oeq, %get3A_556, %eq3A_560 : vector<128x512xf32>
      %jit3A_562 = arith.constant 10240 : i32
      %broadcast_in_dim3A_563 = vector.broadcast %jit3A_562 : i32 to vector<128x512xi32>
      %select_n3A_564 = arith.select %eq3A_561, %add3A_111, %broadcast_in_dim3A_563 : vector<128x512xi1>, vector<128x512xi32>
      %reduce_min3A_565 = arith.constant dense<2147483647> : vector<128xi32>
      %reduce_min3A_566 = vector.multi_reduction <minsi>, %select_n3A_564, %reduce_min3A_565 [1] : vector<128x512xi32> to vector<128xi32>
      %broadcast_in_dim3A_567 = vector.shape_cast %reduce_min3A_566 : vector<128xi32> to vector<128x1xi32>
      %swap3A_568 = arith.constant 0 : index
      %swap3A_569 = arith.constant 15 : index
      %swap3A_570 = vector.load %arg7[%swap3A_568, %swap3A_569] : memref<128x16xi32, #tpu.memory_space<vmem>>, vector<128x1xi32>
      tpu.vector_store %arg7[%swap3A_568, %swap3A_569], %broadcast_in_dim3A_567 {strides = array<i32>} : memref<128x16xi32, #tpu.memory_space<vmem>>, vector<128x1xi32>,
      %swap3A_571 = arith.constant 0 : index
      %swap3A_572 = arith.constant 15 : index
      %swap3A_573 = vector.load %arg8[%swap3A_571, %swap3A_572] : memref<128x16xf32, #tpu.memory_space<vmem>>, vector<128x1xf32>
      tpu.vector_store %arg8[%swap3A_571, %swap3A_572], %broadcast_in_dim3A_559 {strides = array<i32>} : memref<128x16xf32, #tpu.memory_space<vmem>>, vector<128x1xf32>,
      %eq3A_574 = vector.broadcast %broadcast_in_dim3A_567 : vector<128x1xi32> to vector<128x512xi32>
      %eq3A_575 = arith.cmpi eq, %add3A_111, %eq3A_574 : vector<128x512xi32>
      %jit3A_576 = arith.constant 0x7F800000 : f32
      %broadcast_in_dim3A_577 = vector.broadcast %jit3A_576 : f32 to vector<128x512xf32>
      %select_n3A_578 = arith.select %eq3A_575, %broadcast_in_dim3A_577, %get3A_556 : vector<128x512xi1>, vector<128x512xf32>
      %swap3A_579 = arith.constant 0 : index
      %swap3A_580 = arith.constant 0 : index
      %swap3A_581 = vector.load %arg10[%swap3A_579, %swap3A_580] : memref<128x512xf32, #tpu.memory_space<vmem>>, vector<128x512xf32>
      tpu.vector_store %arg10[%swap3A_579, %swap3A_580], %select_n3A_578 {strides = array<i32>} : memref<128x512xf32, #tpu.memory_space<vmem>>, vector<128x512xf32>,
    } else {
    }
    %not3A = arith.constant true
    %not3A_91 = arith.xori %and3A_89, %not3A : i1
    %convert_element_type3A_92 = arith.extui %not3A_91 : i1 to i32
    %cond3A_93 = arith.constant 0 : i32
    %cond3A_94 = arith.cmpi ne, %convert_element_type3A_92, %cond3A_93 : i32
    scf.if %cond3A_94 {
      %get3A_95 = arith.constant 0 : index
      %get3A_96 = arith.constant 0 : index
      %get3A_97 = vector.load %arg2[%get3A_95, %get3A_96] : memref<8x10240xf32, #tpu.memory_space<vmem>>, vector<8x10240xf32>
      %dot_general3A = arith.constant dense<0.000000e+00> : vector<128x10240xf32>
      %dot_general3A_98 = tpu.matmul %get3A_1, %get3A_97, %dot_general3A {dimension_numbers = #tpu.dot_dimension_numbers<[1], [0], [0], [1], [0, 0, 1, 1], [], []>, transpose_lhs_hint = false} : vector<128x8xf32>, vector<8x10240xf32>, vector<128x10240xf32> -> vector<128x10240xf32>
      %get3A_99 = arith.constant 0 : index
      %get3A_100 = arith.constant 0 : index
      %get3A_101 = vector.load %arg3[%get3A_99, %get3A_100] : memref<1x10240xf32, #tpu.memory_space<vmem>>, vector<1x10240xf32>
      %add3A_102 = vector.broadcast %broadcast_in_dim3A : vector<128x1xf32> to vector<128x10240xf32>
      %add3A_103 = vector.broadcast %get3A_101 : vector<1x10240xf32> to vector<128x10240xf32>
      %add3A_104 = arith.addf %add3A_102, %add3A_103 : vector<128x10240xf32>
      %mul3A_105 = arith.constant 2.000000e+00 : f32
      %mul3A_106 = vector.broadcast %mul3A_105 : f32 to vector<128x10240xf32>
      %mul3A_107 = arith.mulf %mul3A_106, %dot_general3A_98 : vector<128x10240xf32>
      %sub3A_108 = arith.subf %add3A_104, %mul3A_107 : vector<128x10240xf32>
      %iota3A_109 = tpu.iota {dimensions = array<i32: 1>} : vector<128x10240xi32>
      %ne3A_110 = vector.broadcast %get3A_11 : vector<1x10240xi32> to vector<128x10240xi32>
      %ne3A_111 = vector.broadcast %get3A_8 : vector<128x1xi32> to vector<128x10240xi32>
      %ne3A_112 = arith.cmpi ne, %ne3A_110, %ne3A_111 : vector<128x10240xi32>
      %jit3A_113 = arith.constant 1.000000e+09 : f32
      %jit3A_114 = arith.constant 0.000000e+00 : f32
      %broadcast_in_dim3A_115 = vector.broadcast %jit3A_113 : f32 to vector<128x10240xf32>
      %broadcast_in_dim3A_116 = vector.broadcast %jit3A_114 : f32 to vector<128x10240xf32>
      %select_n3A_117 = arith.select %ne3A_112, %broadcast_in_dim3A_115, %broadcast_in_dim3A_116 : vector<128x10240xi1>, vector<128x10240xf32>
      %eq3A_118 = vector.broadcast %add3A_5 : vector<128x1xi32> to vector<128x10240xi32>
      %eq3A_119 = arith.cmpi eq, %iota3A_109, %eq3A_118 : vector<128x10240xi32>
      %jit3A_120 = arith.constant 1.000000e+09 : f32
      %jit3A_121 = arith.constant 0.000000e+00 : f32
      %broadcast_in_dim3A_122 = vector.broadcast %jit3A_120 : f32 to vector<128x10240xf32>
      %broadcast_in_dim3A_123 = vector.broadcast %jit3A_121 : f32 to vector<128x10240xf32>
      %select_n3A_124 = arith.select %eq3A_119, %broadcast_in_dim3A_122, %broadcast_in_dim3A_123 : vector<128x10240xi1>, vector<128x10240xf32>
      %add3A_125 = arith.addf %select_n3A_117, %select_n3A_124 : vector<128x10240xf32>
      %add3A_126 = arith.addf %sub3A_108, %add3A_125 : vector<128x10240xf32>
      %swap3A = arith.constant 0 : index
      %swap3A_127 = arith.constant 0 : index
      %swap3A_128 = vector.load %arg9[%swap3A, %swap3A_127] : memref<128x10240xf32, #tpu.memory_space<vmem>>, vector<128x10240xf32>
      tpu.vector_store %arg9[%swap3A, %swap3A_127], %add3A_126 {strides = array<i32>} : memref<128x10240xf32, #tpu.memory_space<vmem>>, vector<128x10240xf32>,
      %get3A_129 = arith.constant 0 : index
      %get3A_130 = arith.constant 0 : index
      %get3A_131 = vector.load %arg9[%get3A_129, %get3A_130] : memref<128x10240xf32, #tpu.memory_space<vmem>>, vector<128x10240xf32>
      %reduce_min3A_132 = arith.constant dense<0x7F800000> : vector<128xf32>
      %reduce_min3A_133 = vector.multi_reduction <minimumf>, %get3A_131, %reduce_min3A_132 [1] : vector<128x10240xf32> to vector<128xf32>
      %broadcast_in_dim3A_134 = vector.shape_cast %reduce_min3A_133 : vector<128xf32> to vector<128x1xf32>
      %eq3A_135 = vector.broadcast %broadcast_in_dim3A_134 : vector<128x1xf32> to vector<128x10240xf32>
      %eq3A_136 = arith.cmpf oeq, %get3A_131, %eq3A_135 : vector<128x10240xf32>
      %jit3A_137 = arith.constant 10240 : i32
      %broadcast_in_dim3A_138 = vector.broadcast %jit3A_137 : i32 to vector<128x10240xi32>
      %select_n3A_139 = arith.select %eq3A_136, %iota3A_109, %broadcast_in_dim3A_138 : vector<128x10240xi1>, vector<128x10240xi32>
      %reduce_min3A_140 = arith.constant dense<2147483647> : vector<128xi32>
      %reduce_min3A_141 = vector.multi_reduction <minsi>, %select_n3A_139, %reduce_min3A_140 [1] : vector<128x10240xi32> to vector<128xi32>
      %broadcast_in_dim3A_142 = vector.shape_cast %reduce_min3A_141 : vector<128xi32> to vector<128x1xi32>
      %swap3A_143 = arith.constant 0 : index
      %swap3A_144 = arith.constant 0 : index
      %swap3A_145 = vector.load %arg7[%swap3A_143, %swap3A_144] : memref<128x16xi32, #tpu.memory_space<vmem>>, vector<128x1xi32>
      tpu.vector_store %arg7[%swap3A_143, %swap3A_144], %broadcast_in_dim3A_142 {strides = array<i32>} : memref<128x16xi32, #tpu.memory_space<vmem>>, vector<128x1xi32>,
      %lt3A = arith.constant 5.000000e+08 : f32
      %lt3A_146 = vector.broadcast %lt3A : f32 to vector<128x1xf32>
      %lt3A_147 = arith.cmpf olt, %broadcast_in_dim3A_134, %lt3A_146 : vector<128x1xf32>
      %lt3A_148 = arith.constant 1.500000e+09 : f32
      %lt3A_149 = vector.broadcast %lt3A_148 : f32 to vector<128x1xf32>
      %lt3A_150 = arith.cmpf olt, %broadcast_in_dim3A_134, %lt3A_149 : vector<128x1xf32>
      %jit3A_151 = arith.constant 1.000000e+09 : f32
      %jit3A_152 = arith.constant 2.000000e+09 : f32
      %broadcast_in_dim3A_153 = vector.broadcast %jit3A_151 : f32 to vector<128x1xf32>
      %broadcast_in_dim3A_154 = vector.broadcast %jit3A_152 : f32 to vector<128x1xf32>
      %select_n3A_155 = arith.select %lt3A_150, %broadcast_in_dim3A_153, %broadcast_in_dim3A_154 : vector<128x1xi1>, vector<128x1xf32>
      %jit3A_156 = arith.constant 0.000000e+00 : f32
      %broadcast_in_dim3A_157 = vector.broadcast %jit3A_156 : f32 to vector<128x1xf32>
      %select_n3A_158 = arith.select %lt3A_147, %broadcast_in_dim3A_157, %select_n3A_155 : vector<128x1xi1>, vector<128x1xf32>
      %sub3A_159 = arith.subf %broadcast_in_dim3A_134, %select_n3A_158 : vector<128x1xf32>
      %swap3A_160 = arith.constant 0 : index
      %swap3A_161 = arith.constant 0 : index
      %swap3A_162 = vector.load %arg8[%swap3A_160, %swap3A_161] : memref<128x16xf32, #tpu.memory_space<vmem>>, vector<128x1xf32>
      tpu.vector_store %arg8[%swap3A_160, %swap3A_161], %sub3A_159 {strides = array<i32>} : memref<128x16xf32, #tpu.memory_space<vmem>>, vector<128x1xf32>,
      %eq3A_163 = vector.broadcast %broadcast_in_dim3A_142 : vector<128x1xi32> to vector<128x10240xi32>
      %eq3A_164 = arith.cmpi eq, %iota3A_109, %eq3A_163 : vector<128x10240xi32>
      %jit3A_165 = arith.constant 0x7F800000 : f32
      %broadcast_in_dim3A_166 = vector.broadcast %jit3A_165 : f32 to vector<128x10240xf32>
      %select_n3A_167 = arith.select %eq3A_164, %broadcast_in_dim3A_166, %get3A_131 : vector<128x10240xi1>, vector<128x10240xf32>
      %swap3A_168 = arith.constant 0 : index
      %swap3A_169 = arith.constant 0 : index
      %swap3A_170 = vector.load %arg9[%swap3A_168, %swap3A_169] : memref<128x10240xf32, #tpu.memory_space<vmem>>, vector<128x10240xf32>
      tpu.vector_store %arg9[%swap3A_168, %swap3A_169], %select_n3A_167 {strides = array<i32>} : memref<128x10240xf32, #tpu.memory_space<vmem>>, vector<128x10240xf32>,
      %get3A_171 = arith.constant 0 : index
      %get3A_172 = arith.constant 0 : index
      %get3A_173 = vector.load %arg9[%get3A_171, %get3A_172] : memref<128x10240xf32, #tpu.memory_space<vmem>>, vector<128x10240xf32>
      %reduce_min3A_174 = arith.constant dense<0x7F800000> : vector<128xf32>
      %reduce_min3A_175 = vector.multi_reduction <minimumf>, %get3A_173, %reduce_min3A_174 [1] : vector<128x10240xf32> to vector<128xf32>
      %broadcast_in_dim3A_176 = vector.shape_cast %reduce_min3A_175 : vector<128xf32> to vector<128x1xf32>
      %eq3A_177 = vector.broadcast %broadcast_in_dim3A_176 : vector<128x1xf32> to vector<128x10240xf32>
      %eq3A_178 = arith.cmpf oeq, %get3A_173, %eq3A_177 : vector<128x10240xf32>
      %jit3A_179 = arith.constant 10240 : i32
      %broadcast_in_dim3A_180 = vector.broadcast %jit3A_179 : i32 to vector<128x10240xi32>
      %select_n3A_181 = arith.select %eq3A_178, %iota3A_109, %broadcast_in_dim3A_180 : vector<128x10240xi1>, vector<128x10240xi32>
      %reduce_min3A_182 = arith.constant dense<2147483647> : vector<128xi32>
      %reduce_min3A_183 = vector.multi_reduction <minsi>, %select_n3A_181, %reduce_min3A_182 [1] : vector<128x10240xi32> to vector<128xi32>
      %broadcast_in_dim3A_184 = vector.shape_cast %reduce_min3A_183 : vector<128xi32> to vector<128x1xi32>
      %swap3A_185 = arith.constant 0 : index
      %swap3A_186 = arith.constant 1 : index
      %swap3A_187 = vector.load %arg7[%swap3A_185, %swap3A_186] : memref<128x16xi32, #tpu.memory_space<vmem>>, vector<128x1xi32>
      tpu.vector_store %arg7[%swap3A_185, %swap3A_186], %broadcast_in_dim3A_184 {strides = array<i32>} : memref<128x16xi32, #tpu.memory_space<vmem>>, vector<128x1xi32>,
      %lt3A_188 = arith.constant 5.000000e+08 : f32
      %lt3A_189 = vector.broadcast %lt3A_188 : f32 to vector<128x1xf32>
      %lt3A_190 = arith.cmpf olt, %broadcast_in_dim3A_176, %lt3A_189 : vector<128x1xf32>
      %lt3A_191 = arith.constant 1.500000e+09 : f32
      %lt3A_192 = vector.broadcast %lt3A_191 : f32 to vector<128x1xf32>
      %lt3A_193 = arith.cmpf olt, %broadcast_in_dim3A_176, %lt3A_192 : vector<128x1xf32>
      %jit3A_194 = arith.constant 1.000000e+09 : f32
      %jit3A_195 = arith.constant 2.000000e+09 : f32
      %broadcast_in_dim3A_196 = vector.broadcast %jit3A_194 : f32 to vector<128x1xf32>
      %broadcast_in_dim3A_197 = vector.broadcast %jit3A_195 : f32 to vector<128x1xf32>
      %select_n3A_198 = arith.select %lt3A_193, %broadcast_in_dim3A_196, %broadcast_in_dim3A_197 : vector<128x1xi1>, vector<128x1xf32>
      %jit3A_199 = arith.constant 0.000000e+00 : f32
      %broadcast_in_dim3A_200 = vector.broadcast %jit3A_199 : f32 to vector<128x1xf32>
      %select_n3A_201 = arith.select %lt3A_190, %broadcast_in_dim3A_200, %select_n3A_198 : vector<128x1xi1>, vector<128x1xf32>
      %sub3A_202 = arith.subf %broadcast_in_dim3A_176, %select_n3A_201 : vector<128x1xf32>
      %swap3A_203 = arith.constant 0 : index
      %swap3A_204 = arith.constant 1 : index
      %swap3A_205 = vector.load %arg8[%swap3A_203, %swap3A_204] : memref<128x16xf32, #tpu.memory_space<vmem>>, vector<128x1xf32>
      tpu.vector_store %arg8[%swap3A_203, %swap3A_204], %sub3A_202 {strides = array<i32>} : memref<128x16xf32, #tpu.memory_space<vmem>>, vector<128x1xf32>,
      %eq3A_206 = vector.broadcast %broadcast_in_dim3A_184 : vector<128x1xi32> to vector<128x10240xi32>
      %eq3A_207 = arith.cmpi eq, %iota3A_109, %eq3A_206 : vector<128x10240xi32>
      %jit3A_208 = arith.constant 0x7F800000 : f32
      %broadcast_in_dim3A_209 = vector.broadcast %jit3A_208 : f32 to vector<128x10240xf32>
      %select_n3A_210 = arith.select %eq3A_207, %broadcast_in_dim3A_209, %get3A_173 : vector<128x10240xi1>, vector<128x10240xf32>
      %swap3A_211 = arith.constant 0 : index
      %swap3A_212 = arith.constant 0 : index
      %swap3A_213 = vector.load %arg9[%swap3A_211, %swap3A_212] : memref<128x10240xf32, #tpu.memory_space<vmem>>, vector<128x10240xf32>
      tpu.vector_store %arg9[%swap3A_211, %swap3A_212], %select_n3A_210 {strides = array<i32>} : memref<128x10240xf32, #tpu.memory_space<vmem>>, vector<128x10240xf32>,
      %get3A_214 = arith.constant 0 : index
      %get3A_215 = arith.constant 0 : index
      %get3A_216 = vector.load %arg9[%get3A_214, %get3A_215] : memref<128x10240xf32, #tpu.memory_space<vmem>>, vector<128x10240xf32>
      %reduce_min3A_217 = arith.constant dense<0x7F800000> : vector<128xf32>
      %reduce_min3A_218 = vector.multi_reduction <minimumf>, %get3A_216, %reduce_min3A_217 [1] : vector<128x10240xf32> to vector<128xf32>
      %broadcast_in_dim3A_219 = vector.shape_cast %reduce_min3A_218 : vector<128xf32> to vector<128x1xf32>
      %eq3A_220 = vector.broadcast %broadcast_in_dim3A_219 : vector<128x1xf32> to vector<128x10240xf32>
      %eq3A_221 = arith.cmpf oeq, %get3A_216, %eq3A_220 : vector<128x10240xf32>
      %jit3A_222 = arith.constant 10240 : i32
      %broadcast_in_dim3A_223 = vector.broadcast %jit3A_222 : i32 to vector<128x10240xi32>
      %select_n3A_224 = arith.select %eq3A_221, %iota3A_109, %broadcast_in_dim3A_223 : vector<128x10240xi1>, vector<128x10240xi32>
      %reduce_min3A_225 = arith.constant dense<2147483647> : vector<128xi32>
      %reduce_min3A_226 = vector.multi_reduction <minsi>, %select_n3A_224, %reduce_min3A_225 [1] : vector<128x10240xi32> to vector<128xi32>
      %broadcast_in_dim3A_227 = vector.shape_cast %reduce_min3A_226 : vector<128xi32> to vector<128x1xi32>
      %swap3A_228 = arith.constant 0 : index
      %swap3A_229 = arith.constant 2 : index
      %swap3A_230 = vector.load %arg7[%swap3A_228, %swap3A_229] : memref<128x16xi32, #tpu.memory_space<vmem>>, vector<128x1xi32>
      tpu.vector_store %arg7[%swap3A_228, %swap3A_229], %broadcast_in_dim3A_227 {strides = array<i32>} : memref<128x16xi32, #tpu.memory_space<vmem>>, vector<128x1xi32>,
      %lt3A_231 = arith.constant 5.000000e+08 : f32
      %lt3A_232 = vector.broadcast %lt3A_231 : f32 to vector<128x1xf32>
      %lt3A_233 = arith.cmpf olt, %broadcast_in_dim3A_219, %lt3A_232 : vector<128x1xf32>
      %lt3A_234 = arith.constant 1.500000e+09 : f32
      %lt3A_235 = vector.broadcast %lt3A_234 : f32 to vector<128x1xf32>
      %lt3A_236 = arith.cmpf olt, %broadcast_in_dim3A_219, %lt3A_235 : vector<128x1xf32>
      %jit3A_237 = arith.constant 1.000000e+09 : f32
      %jit3A_238 = arith.constant 2.000000e+09 : f32
      %broadcast_in_dim3A_239 = vector.broadcast %jit3A_237 : f32 to vector<128x1xf32>
      %broadcast_in_dim3A_240 = vector.broadcast %jit3A_238 : f32 to vector<128x1xf32>
      %select_n3A_241 = arith.select %lt3A_236, %broadcast_in_dim3A_239, %broadcast_in_dim3A_240 : vector<128x1xi1>, vector<128x1xf32>
      %jit3A_242 = arith.constant 0.000000e+00 : f32
      %broadcast_in_dim3A_243 = vector.broadcast %jit3A_242 : f32 to vector<128x1xf32>
      %select_n3A_244 = arith.select %lt3A_233, %broadcast_in_dim3A_243, %select_n3A_241 : vector<128x1xi1>, vector<128x1xf32>
      %sub3A_245 = arith.subf %broadcast_in_dim3A_219, %select_n3A_244 : vector<128x1xf32>
      %swap3A_246 = arith.constant 0 : index
      %swap3A_247 = arith.constant 2 : index
      %swap3A_248 = vector.load %arg8[%swap3A_246, %swap3A_247] : memref<128x16xf32, #tpu.memory_space<vmem>>, vector<128x1xf32>
      tpu.vector_store %arg8[%swap3A_246, %swap3A_247], %sub3A_245 {strides = array<i32>} : memref<128x16xf32, #tpu.memory_space<vmem>>, vector<128x1xf32>,
      %eq3A_249 = vector.broadcast %broadcast_in_dim3A_227 : vector<128x1xi32> to vector<128x10240xi32>
      %eq3A_250 = arith.cmpi eq, %iota3A_109, %eq3A_249 : vector<128x10240xi32>
      %jit3A_251 = arith.constant 0x7F800000 : f32
      %broadcast_in_dim3A_252 = vector.broadcast %jit3A_251 : f32 to vector<128x10240xf32>
      %select_n3A_253 = arith.select %eq3A_250, %broadcast_in_dim3A_252, %get3A_216 : vector<128x10240xi1>, vector<128x10240xf32>
      %swap3A_254 = arith.constant 0 : index
      %swap3A_255 = arith.constant 0 : index
      %swap3A_256 = vector.load %arg9[%swap3A_254, %swap3A_255] : memref<128x10240xf32, #tpu.memory_space<vmem>>, vector<128x10240xf32>
      tpu.vector_store %arg9[%swap3A_254, %swap3A_255], %select_n3A_253 {strides = array<i32>} : memref<128x10240xf32, #tpu.memory_space<vmem>>, vector<128x10240xf32>,
      %get3A_257 = arith.constant 0 : index
      %get3A_258 = arith.constant 0 : index
      %get3A_259 = vector.load %arg9[%get3A_257, %get3A_258] : memref<128x10240xf32, #tpu.memory_space<vmem>>, vector<128x10240xf32>
      %reduce_min3A_260 = arith.constant dense<0x7F800000> : vector<128xf32>
      %reduce_min3A_261 = vector.multi_reduction <minimumf>, %get3A_259, %reduce_min3A_260 [1] : vector<128x10240xf32> to vector<128xf32>
      %broadcast_in_dim3A_262 = vector.shape_cast %reduce_min3A_261 : vector<128xf32> to vector<128x1xf32>
      %eq3A_263 = vector.broadcast %broadcast_in_dim3A_262 : vector<128x1xf32> to vector<128x10240xf32>
      %eq3A_264 = arith.cmpf oeq, %get3A_259, %eq3A_263 : vector<128x10240xf32>
      %jit3A_265 = arith.constant 10240 : i32
      %broadcast_in_dim3A_266 = vector.broadcast %jit3A_265 : i32 to vector<128x10240xi32>
      %select_n3A_267 = arith.select %eq3A_264, %iota3A_109, %broadcast_in_dim3A_266 : vector<128x10240xi1>, vector<128x10240xi32>
      %reduce_min3A_268 = arith.constant dense<2147483647> : vector<128xi32>
      %reduce_min3A_269 = vector.multi_reduction <minsi>, %select_n3A_267, %reduce_min3A_268 [1] : vector<128x10240xi32> to vector<128xi32>
      %broadcast_in_dim3A_270 = vector.shape_cast %reduce_min3A_269 : vector<128xi32> to vector<128x1xi32>
      %swap3A_271 = arith.constant 0 : index
      %swap3A_272 = arith.constant 3 : index
      %swap3A_273 = vector.load %arg7[%swap3A_271, %swap3A_272] : memref<128x16xi32, #tpu.memory_space<vmem>>, vector<128x1xi32>
      tpu.vector_store %arg7[%swap3A_271, %swap3A_272], %broadcast_in_dim3A_270 {strides = array<i32>} : memref<128x16xi32, #tpu.memory_space<vmem>>, vector<128x1xi32>,
      %lt3A_274 = arith.constant 5.000000e+08 : f32
      %lt3A_275 = vector.broadcast %lt3A_274 : f32 to vector<128x1xf32>
      %lt3A_276 = arith.cmpf olt, %broadcast_in_dim3A_262, %lt3A_275 : vector<128x1xf32>
      %lt3A_277 = arith.constant 1.500000e+09 : f32
      %lt3A_278 = vector.broadcast %lt3A_277 : f32 to vector<128x1xf32>
      %lt3A_279 = arith.cmpf olt, %broadcast_in_dim3A_262, %lt3A_278 : vector<128x1xf32>
      %jit3A_280 = arith.constant 1.000000e+09 : f32
      %jit3A_281 = arith.constant 2.000000e+09 : f32
      %broadcast_in_dim3A_282 = vector.broadcast %jit3A_280 : f32 to vector<128x1xf32>
      %broadcast_in_dim3A_283 = vector.broadcast %jit3A_281 : f32 to vector<128x1xf32>
      %select_n3A_284 = arith.select %lt3A_279, %broadcast_in_dim3A_282, %broadcast_in_dim3A_283 : vector<128x1xi1>, vector<128x1xf32>
      %jit3A_285 = arith.constant 0.000000e+00 : f32
      %broadcast_in_dim3A_286 = vector.broadcast %jit3A_285 : f32 to vector<128x1xf32>
      %select_n3A_287 = arith.select %lt3A_276, %broadcast_in_dim3A_286, %select_n3A_284 : vector<128x1xi1>, vector<128x1xf32>
      %sub3A_288 = arith.subf %broadcast_in_dim3A_262, %select_n3A_287 : vector<128x1xf32>
      %swap3A_289 = arith.constant 0 : index
      %swap3A_290 = arith.constant 3 : index
      %swap3A_291 = vector.load %arg8[%swap3A_289, %swap3A_290] : memref<128x16xf32, #tpu.memory_space<vmem>>, vector<128x1xf32>
      tpu.vector_store %arg8[%swap3A_289, %swap3A_290], %sub3A_288 {strides = array<i32>} : memref<128x16xf32, #tpu.memory_space<vmem>>, vector<128x1xf32>,
      %eq3A_292 = vector.broadcast %broadcast_in_dim3A_270 : vector<128x1xi32> to vector<128x10240xi32>
      %eq3A_293 = arith.cmpi eq, %iota3A_109, %eq3A_292 : vector<128x10240xi32>
      %jit3A_294 = arith.constant 0x7F800000 : f32
      %broadcast_in_dim3A_295 = vector.broadcast %jit3A_294 : f32 to vector<128x10240xf32>
      %select_n3A_296 = arith.select %eq3A_293, %broadcast_in_dim3A_295, %get3A_259 : vector<128x10240xi1>, vector<128x10240xf32>
      %swap3A_297 = arith.constant 0 : index
      %swap3A_298 = arith.constant 0 : index
      %swap3A_299 = vector.load %arg9[%swap3A_297, %swap3A_298] : memref<128x10240xf32, #tpu.memory_space<vmem>>, vector<128x10240xf32>
      tpu.vector_store %arg9[%swap3A_297, %swap3A_298], %select_n3A_296 {strides = array<i32>} : memref<128x10240xf32, #tpu.memory_space<vmem>>, vector<128x10240xf32>,
      %get3A_300 = arith.constant 0 : index
      %get3A_301 = arith.constant 0 : index
      %get3A_302 = vector.load %arg9[%get3A_300, %get3A_301] : memref<128x10240xf32, #tpu.memory_space<vmem>>, vector<128x10240xf32>
      %reduce_min3A_303 = arith.constant dense<0x7F800000> : vector<128xf32>
      %reduce_min3A_304 = vector.multi_reduction <minimumf>, %get3A_302, %reduce_min3A_303 [1] : vector<128x10240xf32> to vector<128xf32>
      %broadcast_in_dim3A_305 = vector.shape_cast %reduce_min3A_304 : vector<128xf32> to vector<128x1xf32>
      %eq3A_306 = vector.broadcast %broadcast_in_dim3A_305 : vector<128x1xf32> to vector<128x10240xf32>
      %eq3A_307 = arith.cmpf oeq, %get3A_302, %eq3A_306 : vector<128x10240xf32>
      %jit3A_308 = arith.constant 10240 : i32
      %broadcast_in_dim3A_309 = vector.broadcast %jit3A_308 : i32 to vector<128x10240xi32>
      %select_n3A_310 = arith.select %eq3A_307, %iota3A_109, %broadcast_in_dim3A_309 : vector<128x10240xi1>, vector<128x10240xi32>
      %reduce_min3A_311 = arith.constant dense<2147483647> : vector<128xi32>
      %reduce_min3A_312 = vector.multi_reduction <minsi>, %select_n3A_310, %reduce_min3A_311 [1] : vector<128x10240xi32> to vector<128xi32>
      %broadcast_in_dim3A_313 = vector.shape_cast %reduce_min3A_312 : vector<128xi32> to vector<128x1xi32>
      %swap3A_314 = arith.constant 0 : index
      %swap3A_315 = arith.constant 4 : index
      %swap3A_316 = vector.load %arg7[%swap3A_314, %swap3A_315] : memref<128x16xi32, #tpu.memory_space<vmem>>, vector<128x1xi32>
      tpu.vector_store %arg7[%swap3A_314, %swap3A_315], %broadcast_in_dim3A_313 {strides = array<i32>} : memref<128x16xi32, #tpu.memory_space<vmem>>, vector<128x1xi32>,
      %lt3A_317 = arith.constant 5.000000e+08 : f32
      %lt3A_318 = vector.broadcast %lt3A_317 : f32 to vector<128x1xf32>
      %lt3A_319 = arith.cmpf olt, %broadcast_in_dim3A_305, %lt3A_318 : vector<128x1xf32>
      %lt3A_320 = arith.constant 1.500000e+09 : f32
      %lt3A_321 = vector.broadcast %lt3A_320 : f32 to vector<128x1xf32>
      %lt3A_322 = arith.cmpf olt, %broadcast_in_dim3A_305, %lt3A_321 : vector<128x1xf32>
      %jit3A_323 = arith.constant 1.000000e+09 : f32
      %jit3A_324 = arith.constant 2.000000e+09 : f32
      %broadcast_in_dim3A_325 = vector.broadcast %jit3A_323 : f32 to vector<128x1xf32>
      %broadcast_in_dim3A_326 = vector.broadcast %jit3A_324 : f32 to vector<128x1xf32>
      %select_n3A_327 = arith.select %lt3A_322, %broadcast_in_dim3A_325, %broadcast_in_dim3A_326 : vector<128x1xi1>, vector<128x1xf32>
      %jit3A_328 = arith.constant 0.000000e+00 : f32
      %broadcast_in_dim3A_329 = vector.broadcast %jit3A_328 : f32 to vector<128x1xf32>
      %select_n3A_330 = arith.select %lt3A_319, %broadcast_in_dim3A_329, %select_n3A_327 : vector<128x1xi1>, vector<128x1xf32>
      %sub3A_331 = arith.subf %broadcast_in_dim3A_305, %select_n3A_330 : vector<128x1xf32>
      %swap3A_332 = arith.constant 0 : index
      %swap3A_333 = arith.constant 4 : index
      %swap3A_334 = vector.load %arg8[%swap3A_332, %swap3A_333] : memref<128x16xf32, #tpu.memory_space<vmem>>, vector<128x1xf32>
      tpu.vector_store %arg8[%swap3A_332, %swap3A_333], %sub3A_331 {strides = array<i32>} : memref<128x16xf32, #tpu.memory_space<vmem>>, vector<128x1xf32>,
      %eq3A_335 = vector.broadcast %broadcast_in_dim3A_313 : vector<128x1xi32> to vector<128x10240xi32>
      %eq3A_336 = arith.cmpi eq, %iota3A_109, %eq3A_335 : vector<128x10240xi32>
      %jit3A_337 = arith.constant 0x7F800000 : f32
      %broadcast_in_dim3A_338 = vector.broadcast %jit3A_337 : f32 to vector<128x10240xf32>
      %select_n3A_339 = arith.select %eq3A_336, %broadcast_in_dim3A_338, %get3A_302 : vector<128x10240xi1>, vector<128x10240xf32>
      %swap3A_340 = arith.constant 0 : index
      %swap3A_341 = arith.constant 0 : index
      %swap3A_342 = vector.load %arg9[%swap3A_340, %swap3A_341] : memref<128x10240xf32, #tpu.memory_space<vmem>>, vector<128x10240xf32>
      tpu.vector_store %arg9[%swap3A_340, %swap3A_341], %select_n3A_339 {strides = array<i32>} : memref<128x10240xf32, #tpu.memory_space<vmem>>, vector<128x10240xf32>,
      %get3A_343 = arith.constant 0 : index
      %get3A_344 = arith.constant 0 : index
      %get3A_345 = vector.load %arg9[%get3A_343, %get3A_344] : memref<128x10240xf32, #tpu.memory_space<vmem>>, vector<128x10240xf32>
      %reduce_min3A_346 = arith.constant dense<0x7F800000> : vector<128xf32>
      %reduce_min3A_347 = vector.multi_reduction <minimumf>, %get3A_345, %reduce_min3A_346 [1] : vector<128x10240xf32> to vector<128xf32>
      %broadcast_in_dim3A_348 = vector.shape_cast %reduce_min3A_347 : vector<128xf32> to vector<128x1xf32>
      %eq3A_349 = vector.broadcast %broadcast_in_dim3A_348 : vector<128x1xf32> to vector<128x10240xf32>
      %eq3A_350 = arith.cmpf oeq, %get3A_345, %eq3A_349 : vector<128x10240xf32>
      %jit3A_351 = arith.constant 10240 : i32
      %broadcast_in_dim3A_352 = vector.broadcast %jit3A_351 : i32 to vector<128x10240xi32>
      %select_n3A_353 = arith.select %eq3A_350, %iota3A_109, %broadcast_in_dim3A_352 : vector<128x10240xi1>, vector<128x10240xi32>
      %reduce_min3A_354 = arith.constant dense<2147483647> : vector<128xi32>
      %reduce_min3A_355 = vector.multi_reduction <minsi>, %select_n3A_353, %reduce_min3A_354 [1] : vector<128x10240xi32> to vector<128xi32>
      %broadcast_in_dim3A_356 = vector.shape_cast %reduce_min3A_355 : vector<128xi32> to vector<128x1xi32>
      %swap3A_357 = arith.constant 0 : index
      %swap3A_358 = arith.constant 5 : index
      %swap3A_359 = vector.load %arg7[%swap3A_357, %swap3A_358] : memref<128x16xi32, #tpu.memory_space<vmem>>, vector<128x1xi32>
      tpu.vector_store %arg7[%swap3A_357, %swap3A_358], %broadcast_in_dim3A_356 {strides = array<i32>} : memref<128x16xi32, #tpu.memory_space<vmem>>, vector<128x1xi32>,
      %lt3A_360 = arith.constant 5.000000e+08 : f32
      %lt3A_361 = vector.broadcast %lt3A_360 : f32 to vector<128x1xf32>
      %lt3A_362 = arith.cmpf olt, %broadcast_in_dim3A_348, %lt3A_361 : vector<128x1xf32>
      %lt3A_363 = arith.constant 1.500000e+09 : f32
      %lt3A_364 = vector.broadcast %lt3A_363 : f32 to vector<128x1xf32>
      %lt3A_365 = arith.cmpf olt, %broadcast_in_dim3A_348, %lt3A_364 : vector<128x1xf32>
      %jit3A_366 = arith.constant 1.000000e+09 : f32
      %jit3A_367 = arith.constant 2.000000e+09 : f32
      %broadcast_in_dim3A_368 = vector.broadcast %jit3A_366 : f32 to vector<128x1xf32>
      %broadcast_in_dim3A_369 = vector.broadcast %jit3A_367 : f32 to vector<128x1xf32>
      %select_n3A_370 = arith.select %lt3A_365, %broadcast_in_dim3A_368, %broadcast_in_dim3A_369 : vector<128x1xi1>, vector<128x1xf32>
      %jit3A_371 = arith.constant 0.000000e+00 : f32
      %broadcast_in_dim3A_372 = vector.broadcast %jit3A_371 : f32 to vector<128x1xf32>
      %select_n3A_373 = arith.select %lt3A_362, %broadcast_in_dim3A_372, %select_n3A_370 : vector<128x1xi1>, vector<128x1xf32>
      %sub3A_374 = arith.subf %broadcast_in_dim3A_348, %select_n3A_373 : vector<128x1xf32>
      %swap3A_375 = arith.constant 0 : index
      %swap3A_376 = arith.constant 5 : index
      %swap3A_377 = vector.load %arg8[%swap3A_375, %swap3A_376] : memref<128x16xf32, #tpu.memory_space<vmem>>, vector<128x1xf32>
      tpu.vector_store %arg8[%swap3A_375, %swap3A_376], %sub3A_374 {strides = array<i32>} : memref<128x16xf32, #tpu.memory_space<vmem>>, vector<128x1xf32>,
      %eq3A_378 = vector.broadcast %broadcast_in_dim3A_356 : vector<128x1xi32> to vector<128x10240xi32>
      %eq3A_379 = arith.cmpi eq, %iota3A_109, %eq3A_378 : vector<128x10240xi32>
      %jit3A_380 = arith.constant 0x7F800000 : f32
      %broadcast_in_dim3A_381 = vector.broadcast %jit3A_380 : f32 to vector<128x10240xf32>
      %select_n3A_382 = arith.select %eq3A_379, %broadcast_in_dim3A_381, %get3A_345 : vector<128x10240xi1>, vector<128x10240xf32>
      %swap3A_383 = arith.constant 0 : index
      %swap3A_384 = arith.constant 0 : index
      %swap3A_385 = vector.load %arg9[%swap3A_383, %swap3A_384] : memref<128x10240xf32, #tpu.memory_space<vmem>>, vector<128x10240xf32>
      tpu.vector_store %arg9[%swap3A_383, %swap3A_384], %select_n3A_382 {strides = array<i32>} : memref<128x10240xf32, #tpu.memory_space<vmem>>, vector<128x10240xf32>,
      %get3A_386 = arith.constant 0 : index
      %get3A_387 = arith.constant 0 : index
      %get3A_388 = vector.load %arg9[%get3A_386, %get3A_387] : memref<128x10240xf32, #tpu.memory_space<vmem>>, vector<128x10240xf32>
      %reduce_min3A_389 = arith.constant dense<0x7F800000> : vector<128xf32>
      %reduce_min3A_390 = vector.multi_reduction <minimumf>, %get3A_388, %reduce_min3A_389 [1] : vector<128x10240xf32> to vector<128xf32>
      %broadcast_in_dim3A_391 = vector.shape_cast %reduce_min3A_390 : vector<128xf32> to vector<128x1xf32>
      %eq3A_392 = vector.broadcast %broadcast_in_dim3A_391 : vector<128x1xf32> to vector<128x10240xf32>
      %eq3A_393 = arith.cmpf oeq, %get3A_388, %eq3A_392 : vector<128x10240xf32>
      %jit3A_394 = arith.constant 10240 : i32
      %broadcast_in_dim3A_395 = vector.broadcast %jit3A_394 : i32 to vector<128x10240xi32>
      %select_n3A_396 = arith.select %eq3A_393, %iota3A_109, %broadcast_in_dim3A_395 : vector<128x10240xi1>, vector<128x10240xi32>
      %reduce_min3A_397 = arith.constant dense<2147483647> : vector<128xi32>
      %reduce_min3A_398 = vector.multi_reduction <minsi>, %select_n3A_396, %reduce_min3A_397 [1] : vector<128x10240xi32> to vector<128xi32>
      %broadcast_in_dim3A_399 = vector.shape_cast %reduce_min3A_398 : vector<128xi32> to vector<128x1xi32>
      %swap3A_400 = arith.constant 0 : index
      %swap3A_401 = arith.constant 6 : index
      %swap3A_402 = vector.load %arg7[%swap3A_400, %swap3A_401] : memref<128x16xi32, #tpu.memory_space<vmem>>, vector<128x1xi32>
      tpu.vector_store %arg7[%swap3A_400, %swap3A_401], %broadcast_in_dim3A_399 {strides = array<i32>} : memref<128x16xi32, #tpu.memory_space<vmem>>, vector<128x1xi32>,
      %lt3A_403 = arith.constant 5.000000e+08 : f32
      %lt3A_404 = vector.broadcast %lt3A_403 : f32 to vector<128x1xf32>
      %lt3A_405 = arith.cmpf olt, %broadcast_in_dim3A_391, %lt3A_404 : vector<128x1xf32>
      %lt3A_406 = arith.constant 1.500000e+09 : f32
      %lt3A_407 = vector.broadcast %lt3A_406 : f32 to vector<128x1xf32>
      %lt3A_408 = arith.cmpf olt, %broadcast_in_dim3A_391, %lt3A_407 : vector<128x1xf32>
      %jit3A_409 = arith.constant 1.000000e+09 : f32
      %jit3A_410 = arith.constant 2.000000e+09 : f32
      %broadcast_in_dim3A_411 = vector.broadcast %jit3A_409 : f32 to vector<128x1xf32>
      %broadcast_in_dim3A_412 = vector.broadcast %jit3A_410 : f32 to vector<128x1xf32>
      %select_n3A_413 = arith.select %lt3A_408, %broadcast_in_dim3A_411, %broadcast_in_dim3A_412 : vector<128x1xi1>, vector<128x1xf32>
      %jit3A_414 = arith.constant 0.000000e+00 : f32
      %broadcast_in_dim3A_415 = vector.broadcast %jit3A_414 : f32 to vector<128x1xf32>
      %select_n3A_416 = arith.select %lt3A_405, %broadcast_in_dim3A_415, %select_n3A_413 : vector<128x1xi1>, vector<128x1xf32>
      %sub3A_417 = arith.subf %broadcast_in_dim3A_391, %select_n3A_416 : vector<128x1xf32>
      %swap3A_418 = arith.constant 0 : index
      %swap3A_419 = arith.constant 6 : index
      %swap3A_420 = vector.load %arg8[%swap3A_418, %swap3A_419] : memref<128x16xf32, #tpu.memory_space<vmem>>, vector<128x1xf32>
      tpu.vector_store %arg8[%swap3A_418, %swap3A_419], %sub3A_417 {strides = array<i32>} : memref<128x16xf32, #tpu.memory_space<vmem>>, vector<128x1xf32>,
      %eq3A_421 = vector.broadcast %broadcast_in_dim3A_399 : vector<128x1xi32> to vector<128x10240xi32>
      %eq3A_422 = arith.cmpi eq, %iota3A_109, %eq3A_421 : vector<128x10240xi32>
      %jit3A_423 = arith.constant 0x7F800000 : f32
      %broadcast_in_dim3A_424 = vector.broadcast %jit3A_423 : f32 to vector<128x10240xf32>
      %select_n3A_425 = arith.select %eq3A_422, %broadcast_in_dim3A_424, %get3A_388 : vector<128x10240xi1>, vector<128x10240xf32>
      %swap3A_426 = arith.constant 0 : index
      %swap3A_427 = arith.constant 0 : index
      %swap3A_428 = vector.load %arg9[%swap3A_426, %swap3A_427] : memref<128x10240xf32, #tpu.memory_space<vmem>>, vector<128x10240xf32>
      tpu.vector_store %arg9[%swap3A_426, %swap3A_427], %select_n3A_425 {strides = array<i32>} : memref<128x10240xf32, #tpu.memory_space<vmem>>, vector<128x10240xf32>,
      %get3A_429 = arith.constant 0 : index
      %get3A_430 = arith.constant 0 : index
      %get3A_431 = vector.load %arg9[%get3A_429, %get3A_430] : memref<128x10240xf32, #tpu.memory_space<vmem>>, vector<128x10240xf32>
      %reduce_min3A_432 = arith.constant dense<0x7F800000> : vector<128xf32>
      %reduce_min3A_433 = vector.multi_reduction <minimumf>, %get3A_431, %reduce_min3A_432 [1] : vector<128x10240xf32> to vector<128xf32>
      %broadcast_in_dim3A_434 = vector.shape_cast %reduce_min3A_433 : vector<128xf32> to vector<128x1xf32>
      %eq3A_435 = vector.broadcast %broadcast_in_dim3A_434 : vector<128x1xf32> to vector<128x10240xf32>
      %eq3A_436 = arith.cmpf oeq, %get3A_431, %eq3A_435 : vector<128x10240xf32>
      %jit3A_437 = arith.constant 10240 : i32
      %broadcast_in_dim3A_438 = vector.broadcast %jit3A_437 : i32 to vector<128x10240xi32>
      %select_n3A_439 = arith.select %eq3A_436, %iota3A_109, %broadcast_in_dim3A_438 : vector<128x10240xi1>, vector<128x10240xi32>
      %reduce_min3A_440 = arith.constant dense<2147483647> : vector<128xi32>
      %reduce_min3A_441 = vector.multi_reduction <minsi>, %select_n3A_439, %reduce_min3A_440 [1] : vector<128x10240xi32> to vector<128xi32>
      %broadcast_in_dim3A_442 = vector.shape_cast %reduce_min3A_441 : vector<128xi32> to vector<128x1xi32>
      %swap3A_443 = arith.constant 0 : index
      %swap3A_444 = arith.constant 7 : index
      %swap3A_445 = vector.load %arg7[%swap3A_443, %swap3A_444] : memref<128x16xi32, #tpu.memory_space<vmem>>, vector<128x1xi32>
      tpu.vector_store %arg7[%swap3A_443, %swap3A_444], %broadcast_in_dim3A_442 {strides = array<i32>} : memref<128x16xi32, #tpu.memory_space<vmem>>, vector<128x1xi32>,
      %lt3A_446 = arith.constant 5.000000e+08 : f32
      %lt3A_447 = vector.broadcast %lt3A_446 : f32 to vector<128x1xf32>
      %lt3A_448 = arith.cmpf olt, %broadcast_in_dim3A_434, %lt3A_447 : vector<128x1xf32>
      %lt3A_449 = arith.constant 1.500000e+09 : f32
      %lt3A_450 = vector.broadcast %lt3A_449 : f32 to vector<128x1xf32>
      %lt3A_451 = arith.cmpf olt, %broadcast_in_dim3A_434, %lt3A_450 : vector<128x1xf32>
      %jit3A_452 = arith.constant 1.000000e+09 : f32
      %jit3A_453 = arith.constant 2.000000e+09 : f32
      %broadcast_in_dim3A_454 = vector.broadcast %jit3A_452 : f32 to vector<128x1xf32>
      %broadcast_in_dim3A_455 = vector.broadcast %jit3A_453 : f32 to vector<128x1xf32>
      %select_n3A_456 = arith.select %lt3A_451, %broadcast_in_dim3A_454, %broadcast_in_dim3A_455 : vector<128x1xi1>, vector<128x1xf32>
      %jit3A_457 = arith.constant 0.000000e+00 : f32
      %broadcast_in_dim3A_458 = vector.broadcast %jit3A_457 : f32 to vector<128x1xf32>
      %select_n3A_459 = arith.select %lt3A_448, %broadcast_in_dim3A_458, %select_n3A_456 : vector<128x1xi1>, vector<128x1xf32>
      %sub3A_460 = arith.subf %broadcast_in_dim3A_434, %select_n3A_459 : vector<128x1xf32>
      %swap3A_461 = arith.constant 0 : index
      %swap3A_462 = arith.constant 7 : index
      %swap3A_463 = vector.load %arg8[%swap3A_461, %swap3A_462] : memref<128x16xf32, #tpu.memory_space<vmem>>, vector<128x1xf32>
      tpu.vector_store %arg8[%swap3A_461, %swap3A_462], %sub3A_460 {strides = array<i32>} : memref<128x16xf32, #tpu.memory_space<vmem>>, vector<128x1xf32>,
      %eq3A_464 = vector.broadcast %broadcast_in_dim3A_442 : vector<128x1xi32> to vector<128x10240xi32>
      %eq3A_465 = arith.cmpi eq, %iota3A_109, %eq3A_464 : vector<128x10240xi32>
      %jit3A_466 = arith.constant 0x7F800000 : f32
      %broadcast_in_dim3A_467 = vector.broadcast %jit3A_466 : f32 to vector<128x10240xf32>
      %select_n3A_468 = arith.select %eq3A_465, %broadcast_in_dim3A_467, %get3A_431 : vector<128x10240xi1>, vector<128x10240xf32>
      %swap3A_469 = arith.constant 0 : index
      %swap3A_470 = arith.constant 0 : index
      %swap3A_471 = vector.load %arg9[%swap3A_469, %swap3A_470] : memref<128x10240xf32, #tpu.memory_space<vmem>>, vector<128x10240xf32>
      tpu.vector_store %arg9[%swap3A_469, %swap3A_470], %select_n3A_468 {strides = array<i32>} : memref<128x10240xf32, #tpu.memory_space<vmem>>, vector<128x10240xf32>,
      %get3A_472 = arith.constant 0 : index
      %get3A_473 = arith.constant 0 : index
      %get3A_474 = vector.load %arg9[%get3A_472, %get3A_473] : memref<128x10240xf32, #tpu.memory_space<vmem>>, vector<128x10240xf32>
      %reduce_min3A_475 = arith.constant dense<0x7F800000> : vector<128xf32>
      %reduce_min3A_476 = vector.multi_reduction <minimumf>, %get3A_474, %reduce_min3A_475 [1] : vector<128x10240xf32> to vector<128xf32>
      %broadcast_in_dim3A_477 = vector.shape_cast %reduce_min3A_476 : vector<128xf32> to vector<128x1xf32>
      %eq3A_478 = vector.broadcast %broadcast_in_dim3A_477 : vector<128x1xf32> to vector<128x10240xf32>
      %eq3A_479 = arith.cmpf oeq, %get3A_474, %eq3A_478 : vector<128x10240xf32>
      %jit3A_480 = arith.constant 10240 : i32
      %broadcast_in_dim3A_481 = vector.broadcast %jit3A_480 : i32 to vector<128x10240xi32>
      %select_n3A_482 = arith.select %eq3A_479, %iota3A_109, %broadcast_in_dim3A_481 : vector<128x10240xi1>, vector<128x10240xi32>
      %reduce_min3A_483 = arith.constant dense<2147483647> : vector<128xi32>
      %reduce_min3A_484 = vector.multi_reduction <minsi>, %select_n3A_482, %reduce_min3A_483 [1] : vector<128x10240xi32> to vector<128xi32>
      %broadcast_in_dim3A_485 = vector.shape_cast %reduce_min3A_484 : vector<128xi32> to vector<128x1xi32>
      %swap3A_486 = arith.constant 0 : index
      %swap3A_487 = arith.constant 8 : index
      %swap3A_488 = vector.load %arg7[%swap3A_486, %swap3A_487] : memref<128x16xi32, #tpu.memory_space<vmem>>, vector<128x1xi32>
      tpu.vector_store %arg7[%swap3A_486, %swap3A_487], %broadcast_in_dim3A_485 {strides = array<i32>} : memref<128x16xi32, #tpu.memory_space<vmem>>, vector<128x1xi32>,
      %lt3A_489 = arith.constant 5.000000e+08 : f32
      %lt3A_490 = vector.broadcast %lt3A_489 : f32 to vector<128x1xf32>
      %lt3A_491 = arith.cmpf olt, %broadcast_in_dim3A_477, %lt3A_490 : vector<128x1xf32>
      %lt3A_492 = arith.constant 1.500000e+09 : f32
      %lt3A_493 = vector.broadcast %lt3A_492 : f32 to vector<128x1xf32>
      %lt3A_494 = arith.cmpf olt, %broadcast_in_dim3A_477, %lt3A_493 : vector<128x1xf32>
      %jit3A_495 = arith.constant 1.000000e+09 : f32
      %jit3A_496 = arith.constant 2.000000e+09 : f32
      %broadcast_in_dim3A_497 = vector.broadcast %jit3A_495 : f32 to vector<128x1xf32>
      %broadcast_in_dim3A_498 = vector.broadcast %jit3A_496 : f32 to vector<128x1xf32>
      %select_n3A_499 = arith.select %lt3A_494, %broadcast_in_dim3A_497, %broadcast_in_dim3A_498 : vector<128x1xi1>, vector<128x1xf32>
      %jit3A_500 = arith.constant 0.000000e+00 : f32
      %broadcast_in_dim3A_501 = vector.broadcast %jit3A_500 : f32 to vector<128x1xf32>
      %select_n3A_502 = arith.select %lt3A_491, %broadcast_in_dim3A_501, %select_n3A_499 : vector<128x1xi1>, vector<128x1xf32>
      %sub3A_503 = arith.subf %broadcast_in_dim3A_477, %select_n3A_502 : vector<128x1xf32>
      %swap3A_504 = arith.constant 0 : index
      %swap3A_505 = arith.constant 8 : index
      %swap3A_506 = vector.load %arg8[%swap3A_504, %swap3A_505] : memref<128x16xf32, #tpu.memory_space<vmem>>, vector<128x1xf32>
      tpu.vector_store %arg8[%swap3A_504, %swap3A_505], %sub3A_503 {strides = array<i32>} : memref<128x16xf32, #tpu.memory_space<vmem>>, vector<128x1xf32>,
      %eq3A_507 = vector.broadcast %broadcast_in_dim3A_485 : vector<128x1xi32> to vector<128x10240xi32>
      %eq3A_508 = arith.cmpi eq, %iota3A_109, %eq3A_507 : vector<128x10240xi32>
      %jit3A_509 = arith.constant 0x7F800000 : f32
      %broadcast_in_dim3A_510 = vector.broadcast %jit3A_509 : f32 to vector<128x10240xf32>
      %select_n3A_511 = arith.select %eq3A_508, %broadcast_in_dim3A_510, %get3A_474 : vector<128x10240xi1>, vector<128x10240xf32>
      %swap3A_512 = arith.constant 0 : index
      %swap3A_513 = arith.constant 0 : index
      %swap3A_514 = vector.load %arg9[%swap3A_512, %swap3A_513] : memref<128x10240xf32, #tpu.memory_space<vmem>>, vector<128x10240xf32>
      tpu.vector_store %arg9[%swap3A_512, %swap3A_513], %select_n3A_511 {strides = array<i32>} : memref<128x10240xf32, #tpu.memory_space<vmem>>, vector<128x10240xf32>,
      %get3A_515 = arith.constant 0 : index
      %get3A_516 = arith.constant 0 : index
      %get3A_517 = vector.load %arg9[%get3A_515, %get3A_516] : memref<128x10240xf32, #tpu.memory_space<vmem>>, vector<128x10240xf32>
      %reduce_min3A_518 = arith.constant dense<0x7F800000> : vector<128xf32>
      %reduce_min3A_519 = vector.multi_reduction <minimumf>, %get3A_517, %reduce_min3A_518 [1] : vector<128x10240xf32> to vector<128xf32>
      %broadcast_in_dim3A_520 = vector.shape_cast %reduce_min3A_519 : vector<128xf32> to vector<128x1xf32>
      %eq3A_521 = vector.broadcast %broadcast_in_dim3A_520 : vector<128x1xf32> to vector<128x10240xf32>
      %eq3A_522 = arith.cmpf oeq, %get3A_517, %eq3A_521 : vector<128x10240xf32>
      %jit3A_523 = arith.constant 10240 : i32
      %broadcast_in_dim3A_524 = vector.broadcast %jit3A_523 : i32 to vector<128x10240xi32>
      %select_n3A_525 = arith.select %eq3A_522, %iota3A_109, %broadcast_in_dim3A_524 : vector<128x10240xi1>, vector<128x10240xi32>
      %reduce_min3A_526 = arith.constant dense<2147483647> : vector<128xi32>
      %reduce_min3A_527 = vector.multi_reduction <minsi>, %select_n3A_525, %reduce_min3A_526 [1] : vector<128x10240xi32> to vector<128xi32>
      %broadcast_in_dim3A_528 = vector.shape_cast %reduce_min3A_527 : vector<128xi32> to vector<128x1xi32>
      %swap3A_529 = arith.constant 0 : index
      %swap3A_530 = arith.constant 9 : index
      %swap3A_531 = vector.load %arg7[%swap3A_529, %swap3A_530] : memref<128x16xi32, #tpu.memory_space<vmem>>, vector<128x1xi32>
      tpu.vector_store %arg7[%swap3A_529, %swap3A_530], %broadcast_in_dim3A_528 {strides = array<i32>} : memref<128x16xi32, #tpu.memory_space<vmem>>, vector<128x1xi32>,
      %lt3A_532 = arith.constant 5.000000e+08 : f32
      %lt3A_533 = vector.broadcast %lt3A_532 : f32 to vector<128x1xf32>
      %lt3A_534 = arith.cmpf olt, %broadcast_in_dim3A_520, %lt3A_533 : vector<128x1xf32>
      %lt3A_535 = arith.constant 1.500000e+09 : f32
      %lt3A_536 = vector.broadcast %lt3A_535 : f32 to vector<128x1xf32>
      %lt3A_537 = arith.cmpf olt, %broadcast_in_dim3A_520, %lt3A_536 : vector<128x1xf32>
      %jit3A_538 = arith.constant 1.000000e+09 : f32
      %jit3A_539 = arith.constant 2.000000e+09 : f32
      %broadcast_in_dim3A_540 = vector.broadcast %jit3A_538 : f32 to vector<128x1xf32>
      %broadcast_in_dim3A_541 = vector.broadcast %jit3A_539 : f32 to vector<128x1xf32>
      %select_n3A_542 = arith.select %lt3A_537, %broadcast_in_dim3A_540, %broadcast_in_dim3A_541 : vector<128x1xi1>, vector<128x1xf32>
      %jit3A_543 = arith.constant 0.000000e+00 : f32
      %broadcast_in_dim3A_544 = vector.broadcast %jit3A_543 : f32 to vector<128x1xf32>
      %select_n3A_545 = arith.select %lt3A_534, %broadcast_in_dim3A_544, %select_n3A_542 : vector<128x1xi1>, vector<128x1xf32>
      %sub3A_546 = arith.subf %broadcast_in_dim3A_520, %select_n3A_545 : vector<128x1xf32>
      %swap3A_547 = arith.constant 0 : index
      %swap3A_548 = arith.constant 9 : index
      %swap3A_549 = vector.load %arg8[%swap3A_547, %swap3A_548] : memref<128x16xf32, #tpu.memory_space<vmem>>, vector<128x1xf32>
      tpu.vector_store %arg8[%swap3A_547, %swap3A_548], %sub3A_546 {strides = array<i32>} : memref<128x16xf32, #tpu.memory_space<vmem>>, vector<128x1xf32>,
      %eq3A_550 = vector.broadcast %broadcast_in_dim3A_528 : vector<128x1xi32> to vector<128x10240xi32>
      %eq3A_551 = arith.cmpi eq, %iota3A_109, %eq3A_550 : vector<128x10240xi32>
      %jit3A_552 = arith.constant 0x7F800000 : f32
      %broadcast_in_dim3A_553 = vector.broadcast %jit3A_552 : f32 to vector<128x10240xf32>
      %select_n3A_554 = arith.select %eq3A_551, %broadcast_in_dim3A_553, %get3A_517 : vector<128x10240xi1>, vector<128x10240xf32>
      %swap3A_555 = arith.constant 0 : index
      %swap3A_556 = arith.constant 0 : index
      %swap3A_557 = vector.load %arg9[%swap3A_555, %swap3A_556] : memref<128x10240xf32, #tpu.memory_space<vmem>>, vector<128x10240xf32>
      tpu.vector_store %arg9[%swap3A_555, %swap3A_556], %select_n3A_554 {strides = array<i32>} : memref<128x10240xf32, #tpu.memory_space<vmem>>, vector<128x10240xf32>,
      %get3A_558 = arith.constant 0 : index
      %get3A_559 = arith.constant 0 : index
      %get3A_560 = vector.load %arg9[%get3A_558, %get3A_559] : memref<128x10240xf32, #tpu.memory_space<vmem>>, vector<128x10240xf32>
      %reduce_min3A_561 = arith.constant dense<0x7F800000> : vector<128xf32>
      %reduce_min3A_562 = vector.multi_reduction <minimumf>, %get3A_560, %reduce_min3A_561 [1] : vector<128x10240xf32> to vector<128xf32>
      %broadcast_in_dim3A_563 = vector.shape_cast %reduce_min3A_562 : vector<128xf32> to vector<128x1xf32>
      %eq3A_564 = vector.broadcast %broadcast_in_dim3A_563 : vector<128x1xf32> to vector<128x10240xf32>
      %eq3A_565 = arith.cmpf oeq, %get3A_560, %eq3A_564 : vector<128x10240xf32>
      %jit3A_566 = arith.constant 10240 : i32
      %broadcast_in_dim3A_567 = vector.broadcast %jit3A_566 : i32 to vector<128x10240xi32>
      %select_n3A_568 = arith.select %eq3A_565, %iota3A_109, %broadcast_in_dim3A_567 : vector<128x10240xi1>, vector<128x10240xi32>
      %reduce_min3A_569 = arith.constant dense<2147483647> : vector<128xi32>
      %reduce_min3A_570 = vector.multi_reduction <minsi>, %select_n3A_568, %reduce_min3A_569 [1] : vector<128x10240xi32> to vector<128xi32>
      %broadcast_in_dim3A_571 = vector.shape_cast %reduce_min3A_570 : vector<128xi32> to vector<128x1xi32>
      %swap3A_572 = arith.constant 0 : index
      %swap3A_573 = arith.constant 10 : index
      %swap3A_574 = vector.load %arg7[%swap3A_572, %swap3A_573] : memref<128x16xi32, #tpu.memory_space<vmem>>, vector<128x1xi32>
      tpu.vector_store %arg7[%swap3A_572, %swap3A_573], %broadcast_in_dim3A_571 {strides = array<i32>} : memref<128x16xi32, #tpu.memory_space<vmem>>, vector<128x1xi32>,
      %lt3A_575 = arith.constant 5.000000e+08 : f32
      %lt3A_576 = vector.broadcast %lt3A_575 : f32 to vector<128x1xf32>
      %lt3A_577 = arith.cmpf olt, %broadcast_in_dim3A_563, %lt3A_576 : vector<128x1xf32>
      %lt3A_578 = arith.constant 1.500000e+09 : f32
      %lt3A_579 = vector.broadcast %lt3A_578 : f32 to vector<128x1xf32>
      %lt3A_580 = arith.cmpf olt, %broadcast_in_dim3A_563, %lt3A_579 : vector<128x1xf32>
      %jit3A_581 = arith.constant 1.000000e+09 : f32
      %jit3A_582 = arith.constant 2.000000e+09 : f32
      %broadcast_in_dim3A_583 = vector.broadcast %jit3A_581 : f32 to vector<128x1xf32>
      %broadcast_in_dim3A_584 = vector.broadcast %jit3A_582 : f32 to vector<128x1xf32>
      %select_n3A_585 = arith.select %lt3A_580, %broadcast_in_dim3A_583, %broadcast_in_dim3A_584 : vector<128x1xi1>, vector<128x1xf32>
      %jit3A_586 = arith.constant 0.000000e+00 : f32
      %broadcast_in_dim3A_587 = vector.broadcast %jit3A_586 : f32 to vector<128x1xf32>
      %select_n3A_588 = arith.select %lt3A_577, %broadcast_in_dim3A_587, %select_n3A_585 : vector<128x1xi1>, vector<128x1xf32>
      %sub3A_589 = arith.subf %broadcast_in_dim3A_563, %select_n3A_588 : vector<128x1xf32>
      %swap3A_590 = arith.constant 0 : index
      %swap3A_591 = arith.constant 10 : index
      %swap3A_592 = vector.load %arg8[%swap3A_590, %swap3A_591] : memref<128x16xf32, #tpu.memory_space<vmem>>, vector<128x1xf32>
      tpu.vector_store %arg8[%swap3A_590, %swap3A_591], %sub3A_589 {strides = array<i32>} : memref<128x16xf32, #tpu.memory_space<vmem>>, vector<128x1xf32>,
      %eq3A_593 = vector.broadcast %broadcast_in_dim3A_571 : vector<128x1xi32> to vector<128x10240xi32>
      %eq3A_594 = arith.cmpi eq, %iota3A_109, %eq3A_593 : vector<128x10240xi32>
      %jit3A_595 = arith.constant 0x7F800000 : f32
      %broadcast_in_dim3A_596 = vector.broadcast %jit3A_595 : f32 to vector<128x10240xf32>
      %select_n3A_597 = arith.select %eq3A_594, %broadcast_in_dim3A_596, %get3A_560 : vector<128x10240xi1>, vector<128x10240xf32>
      %swap3A_598 = arith.constant 0 : index
      %swap3A_599 = arith.constant 0 : index
      %swap3A_600 = vector.load %arg9[%swap3A_598, %swap3A_599] : memref<128x10240xf32, #tpu.memory_space<vmem>>, vector<128x10240xf32>
      tpu.vector_store %arg9[%swap3A_598, %swap3A_599], %select_n3A_597 {strides = array<i32>} : memref<128x10240xf32, #tpu.memory_space<vmem>>, vector<128x10240xf32>,
      %get3A_601 = arith.constant 0 : index
      %get3A_602 = arith.constant 0 : index
      %get3A_603 = vector.load %arg9[%get3A_601, %get3A_602] : memref<128x10240xf32, #tpu.memory_space<vmem>>, vector<128x10240xf32>
      %reduce_min3A_604 = arith.constant dense<0x7F800000> : vector<128xf32>
      %reduce_min3A_605 = vector.multi_reduction <minimumf>, %get3A_603, %reduce_min3A_604 [1] : vector<128x10240xf32> to vector<128xf32>
      %broadcast_in_dim3A_606 = vector.shape_cast %reduce_min3A_605 : vector<128xf32> to vector<128x1xf32>
      %eq3A_607 = vector.broadcast %broadcast_in_dim3A_606 : vector<128x1xf32> to vector<128x10240xf32>
      %eq3A_608 = arith.cmpf oeq, %get3A_603, %eq3A_607 : vector<128x10240xf32>
      %jit3A_609 = arith.constant 10240 : i32
      %broadcast_in_dim3A_610 = vector.broadcast %jit3A_609 : i32 to vector<128x10240xi32>
      %select_n3A_611 = arith.select %eq3A_608, %iota3A_109, %broadcast_in_dim3A_610 : vector<128x10240xi1>, vector<128x10240xi32>
      %reduce_min3A_612 = arith.constant dense<2147483647> : vector<128xi32>
      %reduce_min3A_613 = vector.multi_reduction <minsi>, %select_n3A_611, %reduce_min3A_612 [1] : vector<128x10240xi32> to vector<128xi32>
      %broadcast_in_dim3A_614 = vector.shape_cast %reduce_min3A_613 : vector<128xi32> to vector<128x1xi32>
      %swap3A_615 = arith.constant 0 : index
      %swap3A_616 = arith.constant 11 : index
      %swap3A_617 = vector.load %arg7[%swap3A_615, %swap3A_616] : memref<128x16xi32, #tpu.memory_space<vmem>>, vector<128x1xi32>
      tpu.vector_store %arg7[%swap3A_615, %swap3A_616], %broadcast_in_dim3A_614 {strides = array<i32>} : memref<128x16xi32, #tpu.memory_space<vmem>>, vector<128x1xi32>,
      %lt3A_618 = arith.constant 5.000000e+08 : f32
      %lt3A_619 = vector.broadcast %lt3A_618 : f32 to vector<128x1xf32>
      %lt3A_620 = arith.cmpf olt, %broadcast_in_dim3A_606, %lt3A_619 : vector<128x1xf32>
      %lt3A_621 = arith.constant 1.500000e+09 : f32
      %lt3A_622 = vector.broadcast %lt3A_621 : f32 to vector<128x1xf32>
      %lt3A_623 = arith.cmpf olt, %broadcast_in_dim3A_606, %lt3A_622 : vector<128x1xf32>
      %jit3A_624 = arith.constant 1.000000e+09 : f32
      %jit3A_625 = arith.constant 2.000000e+09 : f32
      %broadcast_in_dim3A_626 = vector.broadcast %jit3A_624 : f32 to vector<128x1xf32>
      %broadcast_in_dim3A_627 = vector.broadcast %jit3A_625 : f32 to vector<128x1xf32>
      %select_n3A_628 = arith.select %lt3A_623, %broadcast_in_dim3A_626, %broadcast_in_dim3A_627 : vector<128x1xi1>, vector<128x1xf32>
      %jit3A_629 = arith.constant 0.000000e+00 : f32
      %broadcast_in_dim3A_630 = vector.broadcast %jit3A_629 : f32 to vector<128x1xf32>
      %select_n3A_631 = arith.select %lt3A_620, %broadcast_in_dim3A_630, %select_n3A_628 : vector<128x1xi1>, vector<128x1xf32>
      %sub3A_632 = arith.subf %broadcast_in_dim3A_606, %select_n3A_631 : vector<128x1xf32>
      %swap3A_633 = arith.constant 0 : index
      %swap3A_634 = arith.constant 11 : index
      %swap3A_635 = vector.load %arg8[%swap3A_633, %swap3A_634] : memref<128x16xf32, #tpu.memory_space<vmem>>, vector<128x1xf32>
      tpu.vector_store %arg8[%swap3A_633, %swap3A_634], %sub3A_632 {strides = array<i32>} : memref<128x16xf32, #tpu.memory_space<vmem>>, vector<128x1xf32>,
      %eq3A_636 = vector.broadcast %broadcast_in_dim3A_614 : vector<128x1xi32> to vector<128x10240xi32>
      %eq3A_637 = arith.cmpi eq, %iota3A_109, %eq3A_636 : vector<128x10240xi32>
      %jit3A_638 = arith.constant 0x7F800000 : f32
      %broadcast_in_dim3A_639 = vector.broadcast %jit3A_638 : f32 to vector<128x10240xf32>
      %select_n3A_640 = arith.select %eq3A_637, %broadcast_in_dim3A_639, %get3A_603 : vector<128x10240xi1>, vector<128x10240xf32>
      %swap3A_641 = arith.constant 0 : index
      %swap3A_642 = arith.constant 0 : index
      %swap3A_643 = vector.load %arg9[%swap3A_641, %swap3A_642] : memref<128x10240xf32, #tpu.memory_space<vmem>>, vector<128x10240xf32>
      tpu.vector_store %arg9[%swap3A_641, %swap3A_642], %select_n3A_640 {strides = array<i32>} : memref<128x10240xf32, #tpu.memory_space<vmem>>, vector<128x10240xf32>,
      %get3A_644 = arith.constant 0 : index
      %get3A_645 = arith.constant 0 : index
      %get3A_646 = vector.load %arg9[%get3A_644, %get3A_645] : memref<128x10240xf32, #tpu.memory_space<vmem>>, vector<128x10240xf32>
      %reduce_min3A_647 = arith.constant dense<0x7F800000> : vector<128xf32>
      %reduce_min3A_648 = vector.multi_reduction <minimumf>, %get3A_646, %reduce_min3A_647 [1] : vector<128x10240xf32> to vector<128xf32>
      %broadcast_in_dim3A_649 = vector.shape_cast %reduce_min3A_648 : vector<128xf32> to vector<128x1xf32>
      %eq3A_650 = vector.broadcast %broadcast_in_dim3A_649 : vector<128x1xf32> to vector<128x10240xf32>
      %eq3A_651 = arith.cmpf oeq, %get3A_646, %eq3A_650 : vector<128x10240xf32>
      %jit3A_652 = arith.constant 10240 : i32
      %broadcast_in_dim3A_653 = vector.broadcast %jit3A_652 : i32 to vector<128x10240xi32>
      %select_n3A_654 = arith.select %eq3A_651, %iota3A_109, %broadcast_in_dim3A_653 : vector<128x10240xi1>, vector<128x10240xi32>
      %reduce_min3A_655 = arith.constant dense<2147483647> : vector<128xi32>
      %reduce_min3A_656 = vector.multi_reduction <minsi>, %select_n3A_654, %reduce_min3A_655 [1] : vector<128x10240xi32> to vector<128xi32>
      %broadcast_in_dim3A_657 = vector.shape_cast %reduce_min3A_656 : vector<128xi32> to vector<128x1xi32>
      %swap3A_658 = arith.constant 0 : index
      %swap3A_659 = arith.constant 12 : index
      %swap3A_660 = vector.load %arg7[%swap3A_658, %swap3A_659] : memref<128x16xi32, #tpu.memory_space<vmem>>, vector<128x1xi32>
      tpu.vector_store %arg7[%swap3A_658, %swap3A_659], %broadcast_in_dim3A_657 {strides = array<i32>} : memref<128x16xi32, #tpu.memory_space<vmem>>, vector<128x1xi32>,
      %lt3A_661 = arith.constant 5.000000e+08 : f32
      %lt3A_662 = vector.broadcast %lt3A_661 : f32 to vector<128x1xf32>
      %lt3A_663 = arith.cmpf olt, %broadcast_in_dim3A_649, %lt3A_662 : vector<128x1xf32>
      %lt3A_664 = arith.constant 1.500000e+09 : f32
      %lt3A_665 = vector.broadcast %lt3A_664 : f32 to vector<128x1xf32>
      %lt3A_666 = arith.cmpf olt, %broadcast_in_dim3A_649, %lt3A_665 : vector<128x1xf32>
      %jit3A_667 = arith.constant 1.000000e+09 : f32
      %jit3A_668 = arith.constant 2.000000e+09 : f32
      %broadcast_in_dim3A_669 = vector.broadcast %jit3A_667 : f32 to vector<128x1xf32>
      %broadcast_in_dim3A_670 = vector.broadcast %jit3A_668 : f32 to vector<128x1xf32>
      %select_n3A_671 = arith.select %lt3A_666, %broadcast_in_dim3A_669, %broadcast_in_dim3A_670 : vector<128x1xi1>, vector<128x1xf32>
      %jit3A_672 = arith.constant 0.000000e+00 : f32
      %broadcast_in_dim3A_673 = vector.broadcast %jit3A_672 : f32 to vector<128x1xf32>
      %select_n3A_674 = arith.select %lt3A_663, %broadcast_in_dim3A_673, %select_n3A_671 : vector<128x1xi1>, vector<128x1xf32>
      %sub3A_675 = arith.subf %broadcast_in_dim3A_649, %select_n3A_674 : vector<128x1xf32>
      %swap3A_676 = arith.constant 0 : index
      %swap3A_677 = arith.constant 12 : index
      %swap3A_678 = vector.load %arg8[%swap3A_676, %swap3A_677] : memref<128x16xf32, #tpu.memory_space<vmem>>, vector<128x1xf32>
      tpu.vector_store %arg8[%swap3A_676, %swap3A_677], %sub3A_675 {strides = array<i32>} : memref<128x16xf32, #tpu.memory_space<vmem>>, vector<128x1xf32>,
      %eq3A_679 = vector.broadcast %broadcast_in_dim3A_657 : vector<128x1xi32> to vector<128x10240xi32>
      %eq3A_680 = arith.cmpi eq, %iota3A_109, %eq3A_679 : vector<128x10240xi32>
      %jit3A_681 = arith.constant 0x7F800000 : f32
      %broadcast_in_dim3A_682 = vector.broadcast %jit3A_681 : f32 to vector<128x10240xf32>
      %select_n3A_683 = arith.select %eq3A_680, %broadcast_in_dim3A_682, %get3A_646 : vector<128x10240xi1>, vector<128x10240xf32>
      %swap3A_684 = arith.constant 0 : index
      %swap3A_685 = arith.constant 0 : index
      %swap3A_686 = vector.load %arg9[%swap3A_684, %swap3A_685] : memref<128x10240xf32, #tpu.memory_space<vmem>>, vector<128x10240xf32>
      tpu.vector_store %arg9[%swap3A_684, %swap3A_685], %select_n3A_683 {strides = array<i32>} : memref<128x10240xf32, #tpu.memory_space<vmem>>, vector<128x10240xf32>,
      %get3A_687 = arith.constant 0 : index
      %get3A_688 = arith.constant 0 : index
      %get3A_689 = vector.load %arg9[%get3A_687, %get3A_688] : memref<128x10240xf32, #tpu.memory_space<vmem>>, vector<128x10240xf32>
      %reduce_min3A_690 = arith.constant dense<0x7F800000> : vector<128xf32>
      %reduce_min3A_691 = vector.multi_reduction <minimumf>, %get3A_689, %reduce_min3A_690 [1] : vector<128x10240xf32> to vector<128xf32>
      %broadcast_in_dim3A_692 = vector.shape_cast %reduce_min3A_691 : vector<128xf32> to vector<128x1xf32>
      %eq3A_693 = vector.broadcast %broadcast_in_dim3A_692 : vector<128x1xf32> to vector<128x10240xf32>
      %eq3A_694 = arith.cmpf oeq, %get3A_689, %eq3A_693 : vector<128x10240xf32>
      %jit3A_695 = arith.constant 10240 : i32
      %broadcast_in_dim3A_696 = vector.broadcast %jit3A_695 : i32 to vector<128x10240xi32>
      %select_n3A_697 = arith.select %eq3A_694, %iota3A_109, %broadcast_in_dim3A_696 : vector<128x10240xi1>, vector<128x10240xi32>
      %reduce_min3A_698 = arith.constant dense<2147483647> : vector<128xi32>
      %reduce_min3A_699 = vector.multi_reduction <minsi>, %select_n3A_697, %reduce_min3A_698 [1] : vector<128x10240xi32> to vector<128xi32>
      %broadcast_in_dim3A_700 = vector.shape_cast %reduce_min3A_699 : vector<128xi32> to vector<128x1xi32>
      %swap3A_701 = arith.constant 0 : index
      %swap3A_702 = arith.constant 13 : index
      %swap3A_703 = vector.load %arg7[%swap3A_701, %swap3A_702] : memref<128x16xi32, #tpu.memory_space<vmem>>, vector<128x1xi32>
      tpu.vector_store %arg7[%swap3A_701, %swap3A_702], %broadcast_in_dim3A_700 {strides = array<i32>} : memref<128x16xi32, #tpu.memory_space<vmem>>, vector<128x1xi32>,
      %lt3A_704 = arith.constant 5.000000e+08 : f32
      %lt3A_705 = vector.broadcast %lt3A_704 : f32 to vector<128x1xf32>
      %lt3A_706 = arith.cmpf olt, %broadcast_in_dim3A_692, %lt3A_705 : vector<128x1xf32>
      %lt3A_707 = arith.constant 1.500000e+09 : f32
      %lt3A_708 = vector.broadcast %lt3A_707 : f32 to vector<128x1xf32>
      %lt3A_709 = arith.cmpf olt, %broadcast_in_dim3A_692, %lt3A_708 : vector<128x1xf32>
      %jit3A_710 = arith.constant 1.000000e+09 : f32
      %jit3A_711 = arith.constant 2.000000e+09 : f32
      %broadcast_in_dim3A_712 = vector.broadcast %jit3A_710 : f32 to vector<128x1xf32>
      %broadcast_in_dim3A_713 = vector.broadcast %jit3A_711 : f32 to vector<128x1xf32>
      %select_n3A_714 = arith.select %lt3A_709, %broadcast_in_dim3A_712, %broadcast_in_dim3A_713 : vector<128x1xi1>, vector<128x1xf32>
      %jit3A_715 = arith.constant 0.000000e+00 : f32
      %broadcast_in_dim3A_716 = vector.broadcast %jit3A_715 : f32 to vector<128x1xf32>
      %select_n3A_717 = arith.select %lt3A_706, %broadcast_in_dim3A_716, %select_n3A_714 : vector<128x1xi1>, vector<128x1xf32>
      %sub3A_718 = arith.subf %broadcast_in_dim3A_692, %select_n3A_717 : vector<128x1xf32>
      %swap3A_719 = arith.constant 0 : index
      %swap3A_720 = arith.constant 13 : index
      %swap3A_721 = vector.load %arg8[%swap3A_719, %swap3A_720] : memref<128x16xf32, #tpu.memory_space<vmem>>, vector<128x1xf32>
      tpu.vector_store %arg8[%swap3A_719, %swap3A_720], %sub3A_718 {strides = array<i32>} : memref<128x16xf32, #tpu.memory_space<vmem>>, vector<128x1xf32>,
      %eq3A_722 = vector.broadcast %broadcast_in_dim3A_700 : vector<128x1xi32> to vector<128x10240xi32>
      %eq3A_723 = arith.cmpi eq, %iota3A_109, %eq3A_722 : vector<128x10240xi32>
      %jit3A_724 = arith.constant 0x7F800000 : f32
      %broadcast_in_dim3A_725 = vector.broadcast %jit3A_724 : f32 to vector<128x10240xf32>
      %select_n3A_726 = arith.select %eq3A_723, %broadcast_in_dim3A_725, %get3A_689 : vector<128x10240xi1>, vector<128x10240xf32>
      %swap3A_727 = arith.constant 0 : index
      %swap3A_728 = arith.constant 0 : index
      %swap3A_729 = vector.load %arg9[%swap3A_727, %swap3A_728] : memref<128x10240xf32, #tpu.memory_space<vmem>>, vector<128x10240xf32>
      tpu.vector_store %arg9[%swap3A_727, %swap3A_728], %select_n3A_726 {strides = array<i32>} : memref<128x10240xf32, #tpu.memory_space<vmem>>, vector<128x10240xf32>,
      %get3A_730 = arith.constant 0 : index
      %get3A_731 = arith.constant 0 : index
      %get3A_732 = vector.load %arg9[%get3A_730, %get3A_731] : memref<128x10240xf32, #tpu.memory_space<vmem>>, vector<128x10240xf32>
      %reduce_min3A_733 = arith.constant dense<0x7F800000> : vector<128xf32>
      %reduce_min3A_734 = vector.multi_reduction <minimumf>, %get3A_732, %reduce_min3A_733 [1] : vector<128x10240xf32> to vector<128xf32>
      %broadcast_in_dim3A_735 = vector.shape_cast %reduce_min3A_734 : vector<128xf32> to vector<128x1xf32>
      %eq3A_736 = vector.broadcast %broadcast_in_dim3A_735 : vector<128x1xf32> to vector<128x10240xf32>
      %eq3A_737 = arith.cmpf oeq, %get3A_732, %eq3A_736 : vector<128x10240xf32>
      %jit3A_738 = arith.constant 10240 : i32
      %broadcast_in_dim3A_739 = vector.broadcast %jit3A_738 : i32 to vector<128x10240xi32>
      %select_n3A_740 = arith.select %eq3A_737, %iota3A_109, %broadcast_in_dim3A_739 : vector<128x10240xi1>, vector<128x10240xi32>
      %reduce_min3A_741 = arith.constant dense<2147483647> : vector<128xi32>
      %reduce_min3A_742 = vector.multi_reduction <minsi>, %select_n3A_740, %reduce_min3A_741 [1] : vector<128x10240xi32> to vector<128xi32>
      %broadcast_in_dim3A_743 = vector.shape_cast %reduce_min3A_742 : vector<128xi32> to vector<128x1xi32>
      %swap3A_744 = arith.constant 0 : index
      %swap3A_745 = arith.constant 14 : index
      %swap3A_746 = vector.load %arg7[%swap3A_744, %swap3A_745] : memref<128x16xi32, #tpu.memory_space<vmem>>, vector<128x1xi32>
      tpu.vector_store %arg7[%swap3A_744, %swap3A_745], %broadcast_in_dim3A_743 {strides = array<i32>} : memref<128x16xi32, #tpu.memory_space<vmem>>, vector<128x1xi32>,
      %lt3A_747 = arith.constant 5.000000e+08 : f32
      %lt3A_748 = vector.broadcast %lt3A_747 : f32 to vector<128x1xf32>
      %lt3A_749 = arith.cmpf olt, %broadcast_in_dim3A_735, %lt3A_748 : vector<128x1xf32>
      %lt3A_750 = arith.constant 1.500000e+09 : f32
      %lt3A_751 = vector.broadcast %lt3A_750 : f32 to vector<128x1xf32>
      %lt3A_752 = arith.cmpf olt, %broadcast_in_dim3A_735, %lt3A_751 : vector<128x1xf32>
      %jit3A_753 = arith.constant 1.000000e+09 : f32
      %jit3A_754 = arith.constant 2.000000e+09 : f32
      %broadcast_in_dim3A_755 = vector.broadcast %jit3A_753 : f32 to vector<128x1xf32>
      %broadcast_in_dim3A_756 = vector.broadcast %jit3A_754 : f32 to vector<128x1xf32>
      %select_n3A_757 = arith.select %lt3A_752, %broadcast_in_dim3A_755, %broadcast_in_dim3A_756 : vector<128x1xi1>, vector<128x1xf32>
      %jit3A_758 = arith.constant 0.000000e+00 : f32
      %broadcast_in_dim3A_759 = vector.broadcast %jit3A_758 : f32 to vector<128x1xf32>
      %select_n3A_760 = arith.select %lt3A_749, %broadcast_in_dim3A_759, %select_n3A_757 : vector<128x1xi1>, vector<128x1xf32>
      %sub3A_761 = arith.subf %broadcast_in_dim3A_735, %select_n3A_760 : vector<128x1xf32>
      %swap3A_762 = arith.constant 0 : index
      %swap3A_763 = arith.constant 14 : index
      %swap3A_764 = vector.load %arg8[%swap3A_762, %swap3A_763] : memref<128x16xf32, #tpu.memory_space<vmem>>, vector<128x1xf32>
      tpu.vector_store %arg8[%swap3A_762, %swap3A_763], %sub3A_761 {strides = array<i32>} : memref<128x16xf32, #tpu.memory_space<vmem>>, vector<128x1xf32>,
      %eq3A_765 = vector.broadcast %broadcast_in_dim3A_743 : vector<128x1xi32> to vector<128x10240xi32>
      %eq3A_766 = arith.cmpi eq, %iota3A_109, %eq3A_765 : vector<128x10240xi32>
      %jit3A_767 = arith.constant 0x7F800000 : f32
      %broadcast_in_dim3A_768 = vector.broadcast %jit3A_767 : f32 to vector<128x10240xf32>
      %select_n3A_769 = arith.select %eq3A_766, %broadcast_in_dim3A_768, %get3A_732 : vector<128x10240xi1>, vector<128x10240xf32>
      %swap3A_770 = arith.constant 0 : index
      %swap3A_771 = arith.constant 0 : index
      %swap3A_772 = vector.load %arg9[%swap3A_770, %swap3A_771] : memref<128x10240xf32, #tpu.memory_space<vmem>>, vector<128x10240xf32>
      tpu.vector_store %arg9[%swap3A_770, %swap3A_771], %select_n3A_769 {strides = array<i32>} : memref<128x10240xf32, #tpu.memory_space<vmem>>, vector<128x10240xf32>,
      %get3A_773 = arith.constant 0 : index
      %get3A_774 = arith.constant 0 : index
      %get3A_775 = vector.load %arg9[%get3A_773, %get3A_774] : memref<128x10240xf32, #tpu.memory_space<vmem>>, vector<128x10240xf32>
      %reduce_min3A_776 = arith.constant dense<0x7F800000> : vector<128xf32>
      %reduce_min3A_777 = vector.multi_reduction <minimumf>, %get3A_775, %reduce_min3A_776 [1] : vector<128x10240xf32> to vector<128xf32>
      %broadcast_in_dim3A_778 = vector.shape_cast %reduce_min3A_777 : vector<128xf32> to vector<128x1xf32>
      %eq3A_779 = vector.broadcast %broadcast_in_dim3A_778 : vector<128x1xf32> to vector<128x10240xf32>
      %eq3A_780 = arith.cmpf oeq, %get3A_775, %eq3A_779 : vector<128x10240xf32>
      %jit3A_781 = arith.constant 10240 : i32
      %broadcast_in_dim3A_782 = vector.broadcast %jit3A_781 : i32 to vector<128x10240xi32>
      %select_n3A_783 = arith.select %eq3A_780, %iota3A_109, %broadcast_in_dim3A_782 : vector<128x10240xi1>, vector<128x10240xi32>
      %reduce_min3A_784 = arith.constant dense<2147483647> : vector<128xi32>
      %reduce_min3A_785 = vector.multi_reduction <minsi>, %select_n3A_783, %reduce_min3A_784 [1] : vector<128x10240xi32> to vector<128xi32>
      %broadcast_in_dim3A_786 = vector.shape_cast %reduce_min3A_785 : vector<128xi32> to vector<128x1xi32>
      %swap3A_787 = arith.constant 0 : index
      %swap3A_788 = arith.constant 15 : index
      %swap3A_789 = vector.load %arg7[%swap3A_787, %swap3A_788] : memref<128x16xi32, #tpu.memory_space<vmem>>, vector<128x1xi32>
      tpu.vector_store %arg7[%swap3A_787, %swap3A_788], %broadcast_in_dim3A_786 {strides = array<i32>} : memref<128x16xi32, #tpu.memory_space<vmem>>, vector<128x1xi32>,
      %lt3A_790 = arith.constant 5.000000e+08 : f32
      %lt3A_791 = vector.broadcast %lt3A_790 : f32 to vector<128x1xf32>
      %lt3A_792 = arith.cmpf olt, %broadcast_in_dim3A_778, %lt3A_791 : vector<128x1xf32>
      %lt3A_793 = arith.constant 1.500000e+09 : f32
      %lt3A_794 = vector.broadcast %lt3A_793 : f32 to vector<128x1xf32>
      %lt3A_795 = arith.cmpf olt, %broadcast_in_dim3A_778, %lt3A_794 : vector<128x1xf32>
      %jit3A_796 = arith.constant 1.000000e+09 : f32
      %jit3A_797 = arith.constant 2.000000e+09 : f32
      %broadcast_in_dim3A_798 = vector.broadcast %jit3A_796 : f32 to vector<128x1xf32>
      %broadcast_in_dim3A_799 = vector.broadcast %jit3A_797 : f32 to vector<128x1xf32>
      %select_n3A_800 = arith.select %lt3A_795, %broadcast_in_dim3A_798, %broadcast_in_dim3A_799 : vector<128x1xi1>, vector<128x1xf32>
      %jit3A_801 = arith.constant 0.000000e+00 : f32
      %broadcast_in_dim3A_802 = vector.broadcast %jit3A_801 : f32 to vector<128x1xf32>
      %select_n3A_803 = arith.select %lt3A_792, %broadcast_in_dim3A_802, %select_n3A_800 : vector<128x1xi1>, vector<128x1xf32>
      %sub3A_804 = arith.subf %broadcast_in_dim3A_778, %select_n3A_803 : vector<128x1xf32>
      %swap3A_805 = arith.constant 0 : index
      %swap3A_806 = arith.constant 15 : index
      %swap3A_807 = vector.load %arg8[%swap3A_805, %swap3A_806] : memref<128x16xf32, #tpu.memory_space<vmem>>, vector<128x1xf32>
      tpu.vector_store %arg8[%swap3A_805, %swap3A_806], %sub3A_804 {strides = array<i32>} : memref<128x16xf32, #tpu.memory_space<vmem>>, vector<128x1xf32>,
      %eq3A_808 = vector.broadcast %broadcast_in_dim3A_786 : vector<128x1xi32> to vector<128x10240xi32>
      %eq3A_809 = arith.cmpi eq, %iota3A_109, %eq3A_808 : vector<128x10240xi32>
      %jit3A_810 = arith.constant 0x7F800000 : f32
      %broadcast_in_dim3A_811 = vector.broadcast %jit3A_810 : f32 to vector<128x10240xf32>
      %select_n3A_812 = arith.select %eq3A_809, %broadcast_in_dim3A_811, %get3A_775 : vector<128x10240xi1>, vector<128x10240xf32>
      %swap3A_813 = arith.constant 0 : index
      %swap3A_814 = arith.constant 0 : index
      %swap3A_815 = vector.load %arg9[%swap3A_813, %swap3A_814] : memref<128x10240xf32, #tpu.memory_space<vmem>>, vector<128x10240xf32>
      tpu.vector_store %arg9[%swap3A_813, %swap3A_814], %select_n3A_812 {strides = array<i32>} : memref<128x10240xf32, #tpu.memory_space<vmem>>, vector<128x10240xf32>,
    } else {
    }
    return
  }
  func.func @transform_0(%arg0: i32) -> (i32, i32) {
    %c0_i32 = arith.constant 0 : i32
    %c0_i32_0 = arith.constant 0 : i32
    return %arg0, %c0_i32 : i32, i32
  }
  func.func @transform_1(%arg0: i32) -> (i32, i32) {
    %c0_i32 = arith.constant 0 : i32
    %c0_i32_0 = arith.constant 0 : i32
    %c0_i32_1 = arith.constant 0 : i32
    return %c0_i32, %c0_i32_0 : i32, i32
  }
  func.func @transform_2(%arg0: i32) -> (i32, i32) {
    %c0_i32 = arith.constant 0 : i32
    %c0_i32_0 = arith.constant 0 : i32
    %c0_i32_1 = arith.constant 0 : i32
    return %c0_i32, %c0_i32_0 : i32, i32
  }
  func.func @transform_3(%arg0: i32) -> (i32, i32) {
    %c0_i32 = arith.constant 0 : i32
    %c0_i32_0 = arith.constant 0 : i32
    %c0_i32_1 = arith.constant 0 : i32
    return %c0_i32, %c0_i32_0 : i32, i32
  }
  func.func @transform_4(%arg0: i32) -> (i32, i32) {
    %c0_i32 = arith.constant 0 : i32
    %c0_i32_0 = arith.constant 0 : i32
    return %arg0, %c0_i32 : i32, i32
  }
  func.func @transform_5(%arg0: i32) -> (i32, i32) {
    %c0_i32 = arith.constant 0 : i32
    %c0_i32_0 = arith.constant 0 : i32
    %c0_i32_1 = arith.constant 0 : i32
    return %c0_i32, %c0_i32_0 : i32, i32
  }
  func.func @transform_6(%arg0: i32) -> (i32, i32) {
    %c0_i32 = arith.constant 0 : i32
    %c0_i32_0 = arith.constant 0 : i32
    return %arg0, %c0_i32 : i32, i32
  }
  func.func @transform_7(%arg0: i32) -> (i32, i32) {
    %c0_i32 = arith.constant 0 : i32
    %c0_i32_0 = arith.constant 0 : i32
    return %arg0, %c0_i32 : i32, i32
  }
}

module attributes {stable_mosaic.version = 14 : i64} {
  func.func @_mp_body(%arg0: i32, %arg1: memref<256x128xf32, #tpu.memory_space<vmem>>, %arg2: memref<4096x128xf32, #tpu.memory_space<vmem>>, %arg3: memref<256x16xf32, #tpu.memory_space<vmem>>, %arg4: memref<16x128xf32, #tpu.memory_space<vmem>>, %arg5: memref<1x128xf32, #tpu.memory_space<vmem>>, %arg6: memref<128x128xf32, #tpu.memory_space<vmem>>, %arg7: memref<1x128xf32, #tpu.memory_space<vmem>>, %arg8: memref<128x128xf32, #tpu.memory_space<vmem>>, %arg9: memref<1x128xf32, #tpu.memory_space<vmem>>, %arg10: memref<256x128xf32, #tpu.memory_space<vmem>>, %arg11: memref<256x128xf32, #tpu.memory_space<vmem>>) attributes {dimension_semantics = [#tpu.dimension_semantics<arbitrary>], iteration_bounds = array<i64: 40>, scalar_prefetch = 0 : i64, scratch_operands = 0 : i64, tpu.core_type = #tpu.core_type<tc>, window_params = [{transform_indices = @transform_0, window_bounds = array<i64: 256, 128>}, {transform_indices = @transform_1, window_bounds = array<i64: 4096, 128>}, {transform_indices = @transform_2, window_bounds = array<i64: 256, 16>}, {pipeline_mode = #tpu.pipeline_mode<synchronous>, transform_indices = @transform_3, window_bounds = array<i64: 16, 128>}, {pipeline_mode = #tpu.pipeline_mode<synchronous>, transform_indices = @transform_4, window_bounds = array<i64: 1, 128>}, {pipeline_mode = #tpu.pipeline_mode<synchronous>, transform_indices = @transform_5, window_bounds = array<i64: 128, 128>}, {pipeline_mode = #tpu.pipeline_mode<synchronous>, transform_indices = @transform_6, window_bounds = array<i64: 1, 128>}, {pipeline_mode = #tpu.pipeline_mode<synchronous>, transform_indices = @transform_7, window_bounds = array<i64: 128, 128>}, {pipeline_mode = #tpu.pipeline_mode<synchronous>, transform_indices = @transform_8, window_bounds = array<i64: 1, 128>}, {transform_indices = @transform_9, window_bounds = array<i64: 256, 128>}, {transform_indices = @transform_10, window_bounds = array<i64: 256, 128>}]} {
    %get3A = arith.constant 0 : index
    %get3A_0 = arith.constant 0 : index
    %get3A_1 = vector.load %arg3[%get3A, %get3A_0] : memref<256x16xf32, #tpu.memory_space<vmem>>, vector<256x16xf32>
    %max3A = arith.constant 0.000000e+00 : f32
    %max3A_2 = vector.broadcast %max3A : f32 to vector<256x16xf32>
    %max3A_3 = arith.maximumf %get3A_1, %max3A_2 : vector<256x16xf32>
    %add3A = arith.constant 9.99999993E-9 : f32
    %add3A_4 = vector.broadcast %add3A : f32 to vector<256x16xf32>
    %add3A_5 = arith.addf %max3A_3, %add3A_4 : vector<256x16xf32>
    %sqrt3A = math.sqrt %add3A_5 : vector<256x16xf32>
    %reshape3A = vector.shape_cast %sqrt3A : vector<256x16xf32> to vector<256x16x1xf32>
    %iota3A = tpu.iota {dimensions = array<i32: 2>} : vector<1x1x16xi32>
    %convert_element_type3A = arith.sitofp %iota3A : vector<1x1x16xi32> to vector<1x1x16xf32>
    %mul3A = arith.constant 2.000000e+00 : f32
    %mul3A_6 = vector.broadcast %mul3A : f32 to vector<1x1x16xf32>
    %mul3A_7 = arith.mulf %convert_element_type3A, %mul3A_6 : vector<1x1x16xf32>
    %sub3A = vector.broadcast %reshape3A : vector<256x16x1xf32> to vector<256x16x16xf32>
    %sub3A_8 = vector.broadcast %mul3A_7 : vector<1x1x16xf32> to vector<256x16x16xf32>
    %sub3A_9 = arith.subf %sub3A, %sub3A_8 : vector<256x16x16xf32>
    %integer_pow3A = arith.mulf %sub3A_9, %sub3A_9 : vector<256x16x16xf32>
    %mul3A_10 = arith.constant -0.142222226 : f32
    %mul3A_11 = vector.broadcast %mul3A_10 : f32 to vector<256x16x16xf32>
    %mul3A_12 = arith.mulf %mul3A_11, %integer_pow3A : vector<256x16x16xf32>
    %exp3A = math.exp %mul3A_12 : vector<256x16x16xf32>
    %reshape3A_13 = vector.shape_cast %exp3A : vector<256x16x16xf32> to vector<4096x16xf32>
    %get3A_14 = arith.constant 0 : index
    %get3A_15 = arith.constant 0 : index
    %get3A_16 = vector.load %arg4[%get3A_14, %get3A_15] : memref<16x128xf32, #tpu.memory_space<vmem>>, vector<16x128xf32>
    %dot_general3A = arith.constant dense<0.000000e+00> : vector<4096x128xf32>
    %dot_general3A_17 = tpu.matmul %reshape3A_13, %get3A_16, %dot_general3A {dimension_numbers = #tpu.dot_dimension_numbers<[1], [0], [0], [1], [0, 0, 1, 1], [], []>, transpose_lhs_hint = false} : vector<4096x16xf32>, vector<16x128xf32>, vector<4096x128xf32> -> vector<4096x128xf32>
    %get3A_18 = arith.constant 0 : index
    %get3A_19 = arith.constant 0 : index
    %get3A_20 = vector.load %arg2[%get3A_18, %get3A_19] : memref<4096x128xf32, #tpu.memory_space<vmem>>, vector<4096x128xf32>
    %add3A_21 = arith.addf %get3A_20, %dot_general3A_17 : vector<4096x128xf32>
    %get3A_22 = arith.constant 0 : index
    %get3A_23 = arith.constant 0 : index
    %get3A_24 = vector.load %arg5[%get3A_22, %get3A_23] : memref<1x128xf32, #tpu.memory_space<vmem>>, vector<1x128xf32>
    %add3A_25 = vector.broadcast %get3A_24 : vector<1x128xf32> to vector<4096x128xf32>
    %add3A_26 = arith.addf %add3A_21, %add3A_25 : vector<4096x128xf32>
    %max3A_27 = arith.constant 0.000000e+00 : f32
    %max3A_28 = vector.broadcast %max3A_27 : f32 to vector<4096x128xf32>
    %max3A_29 = arith.maximumf %add3A_26, %max3A_28 : vector<4096x128xf32>
    %reshape3A_30 = vector.shape_cast %max3A_29 : vector<4096x128xf32> to vector<256x16x128xf32>
    %reduce_sum3A = arith.constant dense<0.000000e+00> : vector<256x128xf32>
    %reduce_sum3A_31 = vector.multi_reduction <add>, %reshape3A_30, %reduce_sum3A [1] : vector<256x16x128xf32> to vector<256x128xf32>
    %get3A_32 = arith.constant 0 : index
    %get3A_33 = arith.constant 0 : index
    %get3A_34 = vector.load %arg6[%get3A_32, %get3A_33] : memref<128x128xf32, #tpu.memory_space<vmem>>, vector<128x128xf32>
    %dot_general3A_35 = arith.constant dense<0.000000e+00> : vector<256x128xf32>
    %dot_general3A_36 = tpu.matmul %reduce_sum3A_31, %get3A_34, %dot_general3A_35 {dimension_numbers = #tpu.dot_dimension_numbers<[1], [0], [0], [1], [0, 0, 1, 1], [], []>, transpose_lhs_hint = false} : vector<256x128xf32>, vector<128x128xf32>, vector<256x128xf32> -> vector<256x128xf32>
    %get3A_37 = arith.constant 0 : index
    %get3A_38 = arith.constant 0 : index
    %get3A_39 = vector.load %arg7[%get3A_37, %get3A_38] : memref<1x128xf32, #tpu.memory_space<vmem>>, vector<1x128xf32>
    %add3A_40 = vector.broadcast %get3A_39 : vector<1x128xf32> to vector<256x128xf32>
    %add3A_41 = arith.addf %dot_general3A_36, %add3A_40 : vector<256x128xf32>
    %max3A_42 = arith.constant 0.000000e+00 : f32
    %max3A_43 = vector.broadcast %max3A_42 : f32 to vector<256x128xf32>
    %max3A_44 = arith.maximumf %add3A_41, %max3A_43 : vector<256x128xf32>
    %get3A_45 = arith.constant 0 : index
    %get3A_46 = arith.constant 0 : index
    %get3A_47 = vector.load %arg1[%get3A_45, %get3A_46] : memref<256x128xf32, #tpu.memory_space<vmem>>, vector<256x128xf32>
    %add3A_48 = arith.addf %get3A_47, %max3A_44 : vector<256x128xf32>
    %swap3A = arith.constant 0 : index
    %swap3A_49 = arith.constant 0 : index
    %swap3A_50 = vector.load %arg10[%swap3A, %swap3A_49] : memref<256x128xf32, #tpu.memory_space<vmem>>, vector<256x128xf32>
    tpu.vector_store %arg10[%swap3A, %swap3A_49], %add3A_48 {strides = array<i32>} : memref<256x128xf32, #tpu.memory_space<vmem>>, vector<256x128xf32>,
    %get3A_51 = arith.constant 0 : index
    %get3A_52 = arith.constant 0 : index
    %get3A_53 = vector.load %arg8[%get3A_51, %get3A_52] : memref<128x128xf32, #tpu.memory_space<vmem>>, vector<128x128xf32>
    %dot_general3A_54 = arith.constant dense<0.000000e+00> : vector<256x128xf32>
    %dot_general3A_55 = tpu.matmul %add3A_48, %get3A_53, %dot_general3A_54 {dimension_numbers = #tpu.dot_dimension_numbers<[1], [0], [0], [1], [0, 0, 1, 1], [], []>, transpose_lhs_hint = false} : vector<256x128xf32>, vector<128x128xf32>, vector<256x128xf32> -> vector<256x128xf32>
    %get3A_56 = arith.constant 0 : index
    %get3A_57 = arith.constant 0 : index
    %get3A_58 = vector.load %arg9[%get3A_56, %get3A_57] : memref<1x128xf32, #tpu.memory_space<vmem>>, vector<1x128xf32>
    %add3A_59 = vector.broadcast %get3A_58 : vector<1x128xf32> to vector<256x128xf32>
    %add3A_60 = arith.addf %dot_general3A_55, %add3A_59 : vector<256x128xf32>
    %swap3A_61 = arith.constant 0 : index
    %swap3A_62 = arith.constant 0 : index
    %swap3A_63 = vector.load %arg11[%swap3A_61, %swap3A_62] : memref<256x128xf32, #tpu.memory_space<vmem>>, vector<256x128xf32>
    tpu.vector_store %arg11[%swap3A_61, %swap3A_62], %add3A_60 {strides = array<i32>} : memref<256x128xf32, #tpu.memory_space<vmem>>, vector<256x128xf32>,
    return
  }
  func.func @transform_0(%arg0: i32) -> (i32, i32) {
    %c0_i32 = arith.constant 0 : i32
    %c0_i32_0 = arith.constant 0 : i32
    return %arg0, %c0_i32 : i32, i32
  }
  func.func @transform_1(%arg0: i32) -> (i32, i32) {
    %c0_i32 = arith.constant 0 : i32
    %c0_i32_0 = arith.constant 0 : i32
    return %arg0, %c0_i32 : i32, i32
  }
  func.func @transform_2(%arg0: i32) -> (i32, i32) {
    %c0_i32 = arith.constant 0 : i32
    %c0_i32_0 = arith.constant 0 : i32
    return %arg0, %c0_i32 : i32, i32
  }
  func.func @transform_3(%arg0: i32) -> (i32, i32) {
    %c0_i32 = arith.constant 0 : i32
    %c0_i32_0 = arith.constant 0 : i32
    %c0_i32_1 = arith.constant 0 : i32
    return %c0_i32, %c0_i32_0 : i32, i32
  }
  func.func @transform_4(%arg0: i32) -> (i32, i32) {
    %c0_i32 = arith.constant 0 : i32
    %c0_i32_0 = arith.constant 0 : i32
    %c0_i32_1 = arith.constant 0 : i32
    return %c0_i32, %c0_i32_0 : i32, i32
  }
  func.func @transform_5(%arg0: i32) -> (i32, i32) {
    %c0_i32 = arith.constant 0 : i32
    %c0_i32_0 = arith.constant 0 : i32
    %c0_i32_1 = arith.constant 0 : i32
    return %c0_i32, %c0_i32_0 : i32, i32
  }
  func.func @transform_6(%arg0: i32) -> (i32, i32) {
    %c0_i32 = arith.constant 0 : i32
    %c0_i32_0 = arith.constant 0 : i32
    %c0_i32_1 = arith.constant 0 : i32
    return %c0_i32, %c0_i32_0 : i32, i32
  }
  func.func @transform_7(%arg0: i32) -> (i32, i32) {
    %c0_i32 = arith.constant 0 : i32
    %c0_i32_0 = arith.constant 0 : i32
    %c0_i32_1 = arith.constant 0 : i32
    return %c0_i32, %c0_i32_0 : i32, i32
  }
  func.func @transform_8(%arg0: i32) -> (i32, i32) {
    %c0_i32 = arith.constant 0 : i32
    %c0_i32_0 = arith.constant 0 : i32
    %c0_i32_1 = arith.constant 0 : i32
    return %c0_i32, %c0_i32_0 : i32, i32
  }
  func.func @transform_9(%arg0: i32) -> (i32, i32) {
    %c0_i32 = arith.constant 0 : i32
    %c0_i32_0 = arith.constant 0 : i32
    return %arg0, %c0_i32 : i32, i32
  }
  func.func @transform_10(%arg0: i32) -> (i32, i32) {
    %c0_i32 = arith.constant 0 : i32
    %c0_i32_0 = arith.constant 0 : i32
    return %arg0, %c0_i32 : i32, i32
  }
}

</mosaic_0001>

<sc_bundles>
// kernel: gather_offload_async_start
scs
__scs_entry_jumppad:
0x0: {  	(pc) =	sbr.rel $0x88, $3  }
0x1: {  	(tag) =	ssettag $0x0;
	lr =	simm.s32 $0x1  }
0x2: {  	[smem:$0x3F91] =	sst lr;
	_ =	strace $0xD0000000  }
0x3: {  	_ = 	snop  }
0x4: {  	_ = 	snop  }
0x5: {  	_ = 	snop  }
0x6: {  	_ = 	snop  }
0x7: {  	_ = 	snop  }
__scs_overlays_trampoline_lowered:
0x8: {  	[smem:$0x3FA0] =	sst s0  }
0x9: {  	[smem:$0x3FA1] =	sst s1  }
0xa: {  	[smem:$0x3FA2] =	sst s2  }
0xb: {  	[smem:$0x3FA3] =	sst s3  }
0xc: {  	[smem:$0x3FA4] =	sst s4  }
0xd: {  	[smem:$0x3FA5] =	sst s5  }
0xe: {  	[smem:$0x3FA6] =	sst s6  }
0xf: {  	[smem:$0x3FA7] =	sst s7  }
0x10: {  	[smem:$0x3FA8] =	sst s8  }
0x11: {  	[smem:$0x3FA9] =	sst s9;
	s0 =	simm.s32 @!p0 $0x0  }
0x12: {  	s1 =	sld [smem:$0x3F8F];
	s0 =	simm.s32 @p0 $0x1  }
0x13: {  	[smem:$0x3FAA] =	sst s0;
	s0 =	simm.s32 @!p1 $0x0  }
0x14: {  	s2 =	sld [smem:$0x3F8E];
	s0 =	simm.s32 @p1 $0x1  }
0x15: {  	[smem:$0x3FAB] =	sst s0;
	s0 =	simm.s32 @!p2 $0x0  }
0x16: {  	s3 =	sld [smem:$0x3FDB];
	s0 =	simm.s32 @p2 $0x1  }
0x17: {  	s4 =	simm.s32 $0x1BF5;
	[smem:$0x3FAD] =	sst s0  }
0x18: {  	s0 =	sld [smem:$0x3F90];
	_ =	swait.ge [sflag:s4], $0x0  }
0x19: {  	s7 =	sld [smem:$0x3F91]  }
0x1a: {  	s8 =	sadd.s32 $0xFFFFE003, lr  }
0x1b: {  	s9 =	sadd.s32 $0xFFFFFEF7, lr;
	s5 =	simm.s32 $0xFFFFFFFF;
	p2 =	slt.u32 s8, $0xFFFFF086  }
0x1c: {  	p1 =	slt.u32 s9, $0xF7A;
	s5 =	simm.s32 @!p2 $0x0  }
0x1d: {  	s5 =	simm.s32 @p1 $0x1;
	p0 =	seq.s32 s7, s2  }
0x1e: {  	s7 =	smul.u32 @!p0 $0xF7A, s2;
	p2 =	seq.s32 @!p0 s5, $0x0  }
0x1f: {  	s9 =	smul.u32 $0xF7A, s1;
	s8 =	simm.s32 @!p0 $0x1BF5;
	p2 =	por !p2, p0  }
0x20: {  	[sflag:s8] =	ssyncset.s32 @!p0 $0xFFFFF086;
	s6 =	sadd.s32 @!p0 s3, s7;
	s7 =	simm.s32 @!p0 $0x108  }
0x21: {  	s3 =	sadd.s32 s3, s9;
	s6 =	sadd.s32 @!p0 $0x88, s6;
	s7 =	simm.s32 @p2 $0x1082  }
0x22: {  	[simem:s7], [sflag:s8] =	dma.local @!p0 [hbm:s6], $0xF7A  }
0x23: {  	s9 =	sor.u32 $0xD0000000, s2;
	s6 =	simm.s32 $0x108;
	_ =	swait.ge @!p0 [sflag:s8], $0x0  }
0x24: {  	s3 =	sadd.s32 $0x88, s3;
	s6 =	simm.s32 @!p1 $0x1082;
	[sflag:s4] =	ssyncset.s32 $0xFFFFF086  }
0x25: {  	[simem:s6], [sflag:s4] =	dma.local [hbm:s3], $0xF7A  }
0x26: {  	[smem:$0x3F91] =	sst s1;
	(tag) =	ssettag s2;
	_ =	strace s9  }
0x27: {  	s1 =	sld [smem:$0x3FA1]  }
0x28: {  	s2 =	sld [smem:$0x3FA2]  }
0x29: {  	s4 =	sld [smem:$0x3FA4]  }
0x2a: {  	p0 =	seq.s32 s5, $0x0;
	s5 =	sld [smem:$0x3FA5]  }
0x2b: {  	s6 =	sld [smem:$0x3FA6]  }
0x2c: {  	s7 =	sld [smem:$0x3FA7]  }
0x2d: {  	s3 =	simm.s32 $0x108;
	s8 =	sld [smem:$0x3FA8]  }
0x2e: {  	s3 =	simm.s32 @!p0 $0x1082;
	s9 =	sld [smem:$0x3FA9]  }
0x2f: {  	lr =	sadd.s32 s0, s3;
	s0 =	sld [smem:$0x3FA0]  }
0x30: {  	s3 =	sld [smem:$0x3FA3]  }
0x31: {  	[smem:$0x3FAC] =	sst s10  }
0x32: {  	s10 =	sld [smem:$0x3FAA];
	_ =	sdelay $0x3  }
0x33: {  	p0 =	seq.s32 s10, $0x1;
	s10 =	sld [smem:$0x3FAC];
	_ =	sdelay $0x3  }
0x34: {  	[smem:$0x3FAC] =	sst s10  }
0x35: {  	s10 =	sld [smem:$0x3FAB];
	_ =	sdelay $0x3  }
0x36: {  	p1 =	seq.s32 s10, $0x1;
	s10 =	sld [smem:$0x3FAC];
	_ =	sdelay $0x3  }
0x37: {  	[smem:$0x3FAC] =	sst s10  }
0x38: {  	s10 =	sld [smem:$0x3FAD]  }
0x39: {  	_ = 	snop;
	(pc) =	sbr.ind lr, $3  }
0x3a: {  	_ = 	snop  }
0x3b: {  	_ = 	snop  }
0x3c: {  	p2 =	seq.s32 s10, $0x1;
	s10 =	sld [smem:$0x3FAC]  }
0x3d: {  	_ =	shalt  }
0x3e: {  	_ =	shalt  }
0x3f: {  	_ =	shalt  }
0x40: {  	_ =	shalt  }
0x41: {  	_ =	shalt  }
0x42: {  	_ =	shalt  }
0x43: {  	_ =	shalt  }
0x44: {  	_ =	shalt  }
0x45: {  	_ =	shalt  }
0x46: {  	_ =	shalt  }
0x47: {  	_ =	shalt  }
0x48: {  	_ =	shalt  }
0x49: {  	_ =	shalt  }
0x4a: {  	_ =	shalt  }
0x4b: {  	_ =	shalt  }
0x4c: {  	_ =	shalt  }
0x4d: {  	_ =	shalt  }
0x4e: {  	_ =	shalt  }
0x4f: {  	_ =	shalt  }
0x50: {  	_ =	shalt  }
0x51: {  	_ =	shalt  }
0x52: {  	_ =	shalt  }
0x53: {  	_ =	shalt  }
0x54: {  	_ =	shalt  }
0x55: {  	_ =	shalt  }
0x56: {  	_ =	shalt  }
0x57: {  	_ =	shalt  }
0x58: {  	_ =	shalt  }
0x59: {  	_ =	shalt  }
0x5a: {  	_ =	shalt  }
0x5b: {  	_ =	shalt  }
0x5c: {  	_ =	shalt  }
0x5d: {  	_ =	shalt  }
0x5e: {  	_ =	shalt  }
0x5f: {  	_ =	shalt  }
0x60: {  	_ =	shalt  }
0x61: {  	_ =	shalt  }
0x62: {  	_ =	shalt  }
0x63: {  	_ =	shalt  }
0x64: {  	_ =	shalt  }
0x65: {  	_ =	shalt  }
0x66: {  	_ =	shalt  }
0x67: {  	_ =	shalt  }
0x68: {  	_ =	shalt  }
0x69: {  	_ =	shalt  }
0x6a: {  	_ =	shalt  }
0x6b: {  	_ =	shalt  }
0x6c: {  	_ =	shalt  }
0x6d: {  	_ =	shalt  }
0x6e: {  	_ =	shalt  }
0x6f: {  	_ =	shalt  }
0x70: {  	_ =	shalt  }
0x71: {  	_ =	shalt  }
0x72: {  	_ =	shalt  }
0x73: {  	_ =	shalt  }
0x74: {  	_ =	shalt  }
0x75: {  	_ =	shalt  }
0x76: {  	_ =	shalt  }
0x77: {  	_ =	shalt  }
0x78: {  	_ =	shalt  }
0x79: {  	_ =	shalt  }
0x7a: {  	_ =	shalt  }
0x7b: {  	_ =	shalt  }
0x7c: {  	_ =	shalt  }
0x7d: {  	_ =	shalt  }
0x7e: {  	_ =	shalt  }
0x7f: {  	_ =	shalt  }
0x80: {  	_ =	shalt  }
0x81: {  	_ =	shalt  }
0x82: {  	_ =	shalt  }
0x83: {  	_ =	shalt  }
0x84: {  	_ =	shalt  }
0x85: {  	_ =	shalt  }
0x86: {  	_ =	shalt  }
0x87: {  	_ =	shalt  }
.Lfunc_end0:
.L_simem_size_0:
called_computation.1_lowered:
.L_overlay_start_0:
0x88: {  	s0 =	sld [smem:$0x3FD9]  }
0x89: {  	s1 =	sld [smem:$0x3FFE];
	_ =	sdelay $0x3  }
0x8a: {  	s0 =	sadd.s32 s1, s0  }
0x8b: {  	[smem:$0x3FB8] =	sst s0  }
0x8c: {  	_ = 	snop  }
0x8d: {  	s0 =	sld [smem:$0x3FD0];
	_ =	sdelay $0x2  }
0x8e: {  	s2 =	simm.s32 $0xA;
	s3 =	simm.s32 $0x10;
	s14 =	sld [smem:$0x3FC5]  }
0x8f: {  	[smem:s3], [sflag:s2] =	dma.local [hbm:s0], $0x1  }
0x90: {  	_ =	swait.eq [sflag:s2], $0x1  }
0x91: {  	[sflag:s2] =	ssyncset.done $0x0  }
0x92: {  	s15 =	sld [smem:$0x10];
	[sflag:s2] =	ssyncadd.s32 $0xFFFFFFFF  }
0x93: {  	s16 =	sld [smem:$0x11];
	(tm) =	ssettm $0x1  }
0x94: {  	s17 =	sld [smem:$0x3FFB];
	_ =	sdelay $0x3  }
0x95: {  	_ =	strace s17  }
0x96: {  	s3 =	sld [smem:$0x3FFC];
	_ =	sdelay $0x3  }
0x97: {  	_ =	strace s3  }
0x98: {  	s3 =	sld [smem:$0x3FFD];
	_ =	sdelay $0x3  }
0x99: {  	_ =	strace s3  }
0x9a: {  	_ =	strace $0x8FFFFFFF  }
0x9b: {  	s18 =	sld [smem:$0x3FDB];
	_ =	sdelay $0x1  }
0x9c: {  	s4 =	simm.s32 $_scs_section_size  }
0x9d: {  	s5 =	simm.s32 $_size__tile_overlayer_lowered;
	s6 =	simm.s32 $_tile_overlayer_lowered  }
0x9e: {  	s21 =	simm.s32 $0x1BFF;
	s20 =	sshll.u32 s6, $0x1;
	s3 =	sadd.s32 s4, s18  }
0x9f: {  	s7 =	simm.s32 $0x0;
	s19 =	sshll.u32 s5, $0x1;
	s5 =	sadd.s32 s20, s3  }
0xa0: {  	[timem:s7], [sflag:s21] =	dma.local [hbm:s5], s19  }
0xa1: {  	_ =	swait.ge [sflag:s21], s19  }
0xa2: {  	s4 =	ssub.s32 $0x0, s19;
	[sflag:s21] =	ssyncset.done $0x0  }
0xa3: {  	[sflag:s21] =	ssyncadd.s32 s4;
	_ =	sdelay $0x1  }
0xa4: {  	s22 =	simm.s32 $0x1B8B  }
0xa5: {  	_ =	swait.ge [sflag:s22], $0x1  }
0xa6: {  	[sflag:s22] =	ssyncset.done $0x0  }
0xa7: {  	s23 =	simm.s32 $0x1B8E;
	[sflag:s22] =	ssyncadd.s32 $0xFFFFFFFF  }
0xa8: {  	s24 =	simm.s32 $execute0_lowered;
	[smem:$0x3FD2] =	sst s23  }
0xa9: {  	s4 =	sshll.u32 s24, $0x1;
	_ =	strace $0x80000052;
	[dreg:$0x1] =	wrdreg $0xFFFFFFFF  }
0xaa: {  	s25 =	simm.s32 $_size_execute0_lowered;
	s3 =	sadd.s32 s3, s4;
	[dreg:$0x0] =	wrdreg $0x0  }
0xab: {  	s4 =	sshll.u32 s25, $0x1;
	[dreg:$0x2] =	wrdreg s3  }
0xac: {  	[dreg:$0x3] =	wrdreg s4  }
0xad: {  	[dreg:$0x4] =	wrdreg $0xC0  }
0xae: {  	_ =	task [dreg:s7], $0x5FFFF  }
0xaf: {  	[dreg:$0x1] =	wrdreg $0xFFFFFFFF  }
0xb0: {  	[dreg:$0x0] =	wrdreg $0x60  }
0xb1: {  	[dreg:$0x2] =	wrdreg s14  }
0xb2: {  	[dreg:$0x3] =	wrdreg s16  }
0xb3: {  	[dreg:$0x4] =	wrdreg s15  }
0xb4: {  	[dreg:$0x5] =	wrdreg $0x9  }
0xb5: {  	_ =	task.clear_ibuf [dreg:s7], $0x6FFFF;
	_ =	strace $0x90000052  }
0xb6: {  	s26 =	simm.s32 $0x9;
	_ =	strace $0x80000054  }
0xb7: {  	_ =	swait.ge [sflag:s26], $0x1  }
0xb8: {  	[sflag:s26] =	ssyncadd.s32 $0xFFFFFFFF  }
0xb9: {  	_ =	strace $0x90000054  }
0xba: {  	_ =	sfence  }
0xbb: {  	s28 =	sld [smem:$0x0];
	_ =	sdelay $0x1  }
0xbc: {  	s29 =	srdreg.scid  }
0xbd: {  	s30 =	sshll.u32 s29, $0xD;
	s31 =	sshrl.u32 s29, $0x2  }
0xbe: {  	s1 =	sand.u32 $0x1, s29;
	s2 =	sand.u32 $0x4000, s30;
	s0 =	sadd.s32 s31, s28  }
0xbf: {  	s1 =	sor.u32 s2, s1;
	s0 =	sshll.u32 s0, $0x11  }
0xc0: {  	s0 =	sor.u32 s0, s1  }
0xc1: {  	s0 =	sadd.s32 $0x8F2B, s0  }
0xc2: {  	[sflag:s0] =	ssyncadd.remote.s32 $0x1  }
0xc3: {  	_ =	sfence.sel $0xFFFF  }
0xc4: {  	[dreg:$0x0] =	wrdreg $0xFFFFFFFF;
	(pc) =	sbr.abs _section_cstart, $3  }
0xc5: {  	[dreg:$0x1] =	wrdreg $0xFFFFFFFF  }
0xc6: {  	_ =	task.clear_ibuf [dreg:s7], $0x2FFFF;
	_ =	strace $0x9FFFFFFF  }
0xc7: {  	(tm) =	ssettm $0x7FFFFFFF  }
tec
execute0_lowered:
.L_overlay_start_1:
0x0: {  	(tag) =	ssettag $0x1  }
0x1: {  	s2 =	rddreg [dreg:$0x0]  }
0x2: {  	s3 =	rddreg [dreg:$0x1]  }
0x3: {  	s4 =	rddreg [dreg:$0x2]  }
0x4: {  	s0 =	rddreg [dreg:$0x3];
	s1 =	stileid.u32  }
0x5: {  	_ =	strace $0x80000053;
	s6 =	simm.s32 $0x1;
	s7 =	simm.s32 $0x500  }
0x6: {  	s9 =	simm.s32 $0x1;
	s10 =	simm.s32 $0x3;
	s5 =	smul.u32 $0x50, s1  }
0x7: {  	s13 =	simm.s32 $0x0;
	s12 =	simm.s32 $0x0;
	p0 =	slt.u32 s1, $0xA  }
.Ltmp0:
0x8: {  	s7 =	simm.s32 @!p0 $0x0;
	s8 =	ssub.s32 $0x7D0, s5;
	(pc) =	sbr.rel .LBB2_1-.Ltmp0, $4  }
0x9: {  	s9 =	simm.s32 @!p0 $0x0;
	p0 =	sne.s32 s8, s7;
	s8 =	simm.s32 $0x1  }
0xa: {  	[sflag:s6] =	ssyncpa.u1 $0x0;
	s7 =	simm.s32 $0x2;
	s8 =	simm.s32 @!p0 $0x0  }
0xb: {  	s11 =	smov.u32 s5;
	[sflag:s7] =	ssyncpa.u1 $0x0;
	s8 =	sadd.s32 s9, s8  }
0xc: {  	vm0 =	vmmov $0xffff;
	[sflag:s10] =	ssyncpa.u1 $0x0;
	s10 =	simm.s32 $0x0;
	s9 =	sadd.s32 $0x1, s8  }
.LBB2_4:
0xd: {  	v2 =	vnsel vm1, $0x0, v2  }
0xe: {  	vm1 =	vgt.s32 v0, $0x0;
	v2 =	vmin.u32 v2, $0x1F3F  }
0xf: {  	v0 =	vnsel vm1, $0x0, v0  }
0x10: {  	v0 =	vmin.u32 v0, $0x1F3F  }
0x11: {  	[tilespmem:s18], [sflag:$0x1] =	stream.indirect_vreg.gather [hbm4b:s2+s10], $0x1, v1, vm0, $0x4038;
	[tilespmem:$0x140] =	vst v63  }
0x12: {  	(ifvalue) =	ssetifvalue $0x7FFFFFFF  }
0x13: {  	[tilespmem:s15], [sflag:$0x1] =	stream.indirect_vreg.gather [hbm4b:s2+s10], $0x1, v2, vm0, $0x4038;
	[tilespmem:$0x140] =	vst v63  }
0x14: {  	s29 =	sadd.s32 $0x10, s15;
	(ifvalue) =	ssetifvalue $0x7FFFFFFF  }
0x15: {  	[tilespmem:s29], [sflag:$0x1] =	stream.indirect_vreg.gather [hbm4b:s2+s10], $0x1, v0, vm0, $0x4038;
	[tilespmem:$0x140] =	vst v63  }
0x16: {  	_ =	swait.ge [sflag:s6], $0x50  }
0x17: {  	s30 =	sshrl.u32 s13, $0x3;
	[sflag:s6] =	ssyncset.done $0x0  }
0x18: {  	s31 =	sand.u32 $0x7, s13;
	s15 =	sadd.s32 s4, s30;
	[sflag:s6] =	ssyncadd.s32 $0xFFFFFFB0  }
0x19: {  	[hbm4b:s15+s31] =	stream.linear.scatter [tilespmem:s14], [sflag:$0x3], $0x50, $0x38;
	[tilespmem:$0x140] =	vst v63  }
.LBB2_5:
0x1a: {  	s15 =	sadd.s32 $0x500, s11  }
0x1b: {  	p1 =	sgt.s32 s15, $0x7CF  }
0x1c: {  	s15 =	smov.u32 @p1 s5;
	p1 =	sne.s32 s12, s9  }
.Ltmp1:
0x1d: {  	p0 =	slt.u32 s12, $0x2;
	(pc) =	sbr.rel @!p1 .LBB2_6-.Ltmp1, $4  }
0x1e: {  	s14 =	simm.s32 @!p0 $0x3  }
0x1f: {  	_ =	swait.ge @!p0 [sflag:s14], $0x50  }
0x20: {  	s16 =	sadd.s32 $0x1, s12;
	s13 =	smov.u32 s11;
	[sflag:s14] =	ssyncset.done @!p0 $0x0  }
0x21: {  	s12 =	smov.u32 s16;
	s11 =	smov.u32 s15;
	[sflag:s14] =	ssyncadd.s32 @!p0 $0xFFFFFFB0  }
.LBB2_1:
0x22: {  	p0 =	sge.u32 s12, s8  }
0x23: {  	s14 =	sxor.u32 @!p0 $0x1, s12  }
0x24: {  	s14 =	smul.u32 @!p0 $0x140, s14  }
0x25: {  	s31 =	sadd.s32 $0xFFFFFFFF, s12;
	s15 =	sshrl.u32 @!p0 s11, $0x3  }
0x26: {  	s16 =	sand.u32 @!p0 $0x7, s11;
	s15 =	sadd.s32 @!p0 s3, s15;
	s14 =	sshra.s32 @!p0 s14, $0x2  }
0x27: {  	[tilespmem:s14], [sflag:$0x2] =	stream.linear.gather @!p0 [hbm4b:s15+s16], $0x50, $0x38;
	[tilespmem:$0x140] =	vst v63  }
0x28: {  	p0 =	sge.u32 s31, s8  }
.Ltmp2:
0x29: {  	_ = 	snop;
	(pc) =	sbr.rel @p0 .LBB2_5-.Ltmp2, $1  }
0x2a: {  	_ =	sdelay $0x3  }
0x2b: {  	s14 =	sand.u32 $0x1, s12  }
0x2c: {  	_ =	swait.ge [sflag:s7], $0x50;
	p0 =	seq.s32 s14, $0x1;
	s14 =	simm.s32 $0x50  }
0x2d: {  	[sflag:s7] =	ssyncset.done $0x0;
	s14 =	simm.s32 @!p0 $0x0  }
0x2e: {  	[sflag:s7] =	ssyncadd.s32 $0xFFFFFFB0;
	(ifvalue) =	ssetifvalue $0x7FFFFFFF;
	v0 =	vld.msk [tilespmem:s14+$0x0 ss:$0x1], $0xffff;
	_ =	sdelay $0x4  }
0x2f: {  	s15 =	sadd.s32 $0x10, s14;
	vm1 =	vgt.s32 v0, $0x0  }
0x30: {  	v2 =	vld.msk [tilespmem:s15+$0x0 ss:$0x1], $0xffff;
	v1 =	vnsel vm1, $0x0, v0  }
0x31: {  	v1 =	vmin.u32 v1, $0x1F3F;
	_ =	sdelay $0x2  }
0x32: {  	s17 =	simm.s32 $0x20;
	s14 =	sor.u32 $0xA0, s14;
	s16 =	sadd.s32 $0x10, s15  }
0x33: {  	s15 =	sadd.s32 $0x10, s14;
	s18 =	smov.u32 s14;
	v0 =	vld.msk [tilespmem:s16+$0x0 ss:$0x1], $0xffff;
	vm1 =	vgt.s32 v2, $0x0;
	(ifvalue) =	ssetifvalue $0x7FFFFFFF  }
.LBB2_3:
0x34: {  	[tilespmem:s18], [sflag:$0x1] =	stream.indirect_vreg.gather [hbm4b:s2+s10], $0x1, v1, vm0, $0x4038;
	[tilespmem:$0x140] =	vst v63  }
0x35: {  	s17 =	sadd.s32 $0x10, s17  }
0x36: {  	v2 =	vnsel vm1, $0x0, v2;
	p0 =	slt.u32 s17, $0x40  }
.Ltmp3:
0x37: {  	s18 =	smov.u32 s15;
	v1 =	vmin.u32 v2, $0x1F3F;
	(pc) =	sbr.rel @p0 .LBB2_3-.Ltmp3, $3  }
0x38: {  	_ =	sdelay $0x1  }
0x39: {  	s16 =	sadd.s32 $0x10, s16  }
0x3a: {  	vm1 =	vgt.s32 v0, $0x0;
	s15 =	sadd.s32 $0x10, s15;
	v2 =	vmov v0;
	(ifvalue) =	ssetifvalue $0x7FFFFFFF;
	v0 =	vld.msk [tilespmem:s16+$0x0 ss:$0x1], $0xffff  }
.Ltmp4:
0x3b: {  	_ = 	snop;
	(pc) =	sbr.rel .LBB2_4-.Ltmp4, $1  }
0x3c: {  	_ =	sdelay $0x3  }
.LBB2_6:
0x3d: {  	_ =	sfence.sel $0x180000  }
0x3e: {  	s2 =	simm.s32 $0x2;
	[bflag:$0x0] =	sbarrier.arrive $0xFFFF  }
0x3f: {  	s30 =	simm.s32 $0x3;
	[sflag:s2] =	ssyncpa.u1 $0x1  }
0x40: {  	s31 =	simm.s32 $0x1;
	[sflag:s30] =	ssyncpa.u1 $0x1  }
0x41: {  	[sflag:s31] =	ssyncpa.u1 $0x1  }
0x42: {  	p0 =	sne.s32 s1, $0x0;
	_ =	strace $0x90000053  }
0x43: {  	s0 =	sadd.s32 @!p0 $0x100000, s0;
	[bflag:$0x2] =	sbarrier.arrive $0xFFFF  }
0x44: {  	[sflag:s0] =	ssyncadd.tile.s32 @!p0 $0x1;
	_ =	shalt  }
.Lfunc_end2:
_tile_overlayer_lowered:
.L_overlay_start_2:
0x45: {  	(tag) =	ssettag $0x2  }
0x46: {  	s0 =	rddreg [dreg:$0x0];
	s2 =	stileid.u32  }
0x47: {  	s1 =	rddreg [dreg:$0x1];
	p0 =	sne.s32 s2, $0x0  }
0x48: {  	s3 =	rddreg [dreg:$0x2];
	[bflag:$0x3] =	sbarrier.arrive $0xFFFF;
	s2 =	simm.s32 @!p0 $0x1C01  }
0x49: {  	[timem:s3], [sflag:s2] =	dma.local @!p0 [hbm:s0], s1  }
0x4a: {  	s0 =	simm.s32 @!p0 $0x1  }
0x4b: {  	_ =	swait.ge @!p0 [sflag:s0], s1  }
0x4c: {  	s1 =	ssub.s32 @!p0 $0x0, s1;
	[sflag:s0] =	ssyncset.done @!p0 $0x0  }
0x4d: {  	[sflag:s0] =	ssyncadd.s32 @!p0 s1  }
0x4e: {  	[bflag:$0x3] =	sbarrier.arrive $0xFFFF  }
0x4f: {  	_ =	shalt  }

// kernel: kernel.11.cloned.1.call-start
scs
__scs_entry_jumppad:
0x0: {  	(pc) =	sbr.rel $0x88, $3  }
0x1: {  	(tag) =	ssettag $0x0;
	lr =	simm.s32 $0x1  }
0x2: {  	[smem:$0x3F91] =	sst lr;
	_ =	strace $0xD0000000  }
0x3: {  	_ = 	snop  }
0x4: {  	_ = 	snop  }
0x5: {  	_ = 	snop  }
0x6: {  	_ = 	snop  }
0x7: {  	_ = 	snop  }
__scs_overlays_trampoline_lowered:
0x8: {  	[smem:$0x3FA0] =	sst s0  }
0x9: {  	[smem:$0x3FA1] =	sst s1  }
0xa: {  	[smem:$0x3FA2] =	sst s2  }
0xb: {  	[smem:$0x3FA3] =	sst s3  }
0xc: {  	[smem:$0x3FA4] =	sst s4  }
0xd: {  	[smem:$0x3FA5] =	sst s5  }
0xe: {  	[smem:$0x3FA6] =	sst s6  }
0xf: {  	[smem:$0x3FA7] =	sst s7  }
0x10: {  	[smem:$0x3FA8] =	sst s8  }
0x11: {  	[smem:$0x3FA9] =	sst s9;
	s0 =	simm.s32 @!p0 $0x0  }
0x12: {  	s1 =	sld [smem:$0x3F8F];
	s0 =	simm.s32 @p0 $0x1  }
0x13: {  	[smem:$0x3FAA] =	sst s0;
	s0 =	simm.s32 @!p1 $0x0  }
0x14: {  	s2 =	sld [smem:$0x3F8E];
	s0 =	simm.s32 @p1 $0x1  }
0x15: {  	[smem:$0x3FAB] =	sst s0;
	s0 =	simm.s32 @!p2 $0x0  }
0x16: {  	s3 =	sld [smem:$0x3FDB];
	s0 =	simm.s32 @p2 $0x1  }
0x17: {  	s4 =	simm.s32 $0x1BF5;
	[smem:$0x3FAD] =	sst s0  }
0x18: {  	s0 =	sld [smem:$0x3F90];
	_ =	swait.ge [sflag:s4], $0x0  }
0x19: {  	s7 =	sld [smem:$0x3F91]  }
0x1a: {  	s8 =	sadd.s32 $0xFFFFE003, lr  }
0x1b: {  	s9 =	sadd.s32 $0xFFFFFEF7, lr;
	s5 =	simm.s32 $0xFFFFFFFF;
	p2 =	slt.u32 s8, $0xFFFFF086  }
0x1c: {  	p1 =	slt.u32 s9, $0xF7A;
	s5 =	simm.s32 @!p2 $0x0  }
0x1d: {  	s5 =	simm.s32 @p1 $0x1;
	p0 =	seq.s32 s7, s2  }
0x1e: {  	s7 =	smul.u32 @!p0 $0xF7A, s2;
	p2 =	seq.s32 @!p0 s5, $0x0  }
0x1f: {  	s9 =	smul.u32 $0xF7A, s1;
	s8 =	simm.s32 @!p0 $0x1BF5;
	p2 =	por !p2, p0  }
0x20: {  	[sflag:s8] =	ssyncset.s32 @!p0 $0xFFFFF086;
	s6 =	sadd.s32 @!p0 s3, s7;
	s7 =	simm.s32 @!p0 $0x108  }
0x21: {  	s3 =	sadd.s32 s3, s9;
	s6 =	sadd.s32 @!p0 $0x88, s6;
	s7 =	simm.s32 @p2 $0x1082  }
0x22: {  	[simem:s7], [sflag:s8] =	dma.local @!p0 [hbm:s6], $0xF7A  }
0x23: {  	s9 =	sor.u32 $0xD0000000, s2;
	s6 =	simm.s32 $0x108;
	_ =	swait.ge @!p0 [sflag:s8], $0x0  }
0x24: {  	s3 =	sadd.s32 $0x88, s3;
	s6 =	simm.s32 @!p1 $0x1082;
	[sflag:s4] =	ssyncset.s32 $0xFFFFF086  }
0x25: {  	[simem:s6], [sflag:s4] =	dma.local [hbm:s3], $0xF7A  }
0x26: {  	[smem:$0x3F91] =	sst s1;
	(tag) =	ssettag s2;
	_ =	strace s9  }
0x27: {  	s1 =	sld [smem:$0x3FA1]  }
0x28: {  	s2 =	sld [smem:$0x3FA2]  }
0x29: {  	s4 =	sld [smem:$0x3FA4]  }
0x2a: {  	p0 =	seq.s32 s5, $0x0;
	s5 =	sld [smem:$0x3FA5]  }
0x2b: {  	s6 =	sld [smem:$0x3FA6]  }
0x2c: {  	s7 =	sld [smem:$0x3FA7]  }
0x2d: {  	s3 =	simm.s32 $0x108;
	s8 =	sld [smem:$0x3FA8]  }
0x2e: {  	s3 =	simm.s32 @!p0 $0x1082;
	s9 =	sld [smem:$0x3FA9]  }
0x2f: {  	lr =	sadd.s32 s0, s3;
	s0 =	sld [smem:$0x3FA0]  }
0x30: {  	s3 =	sld [smem:$0x3FA3]  }
0x31: {  	[smem:$0x3FAC] =	sst s10  }
0x32: {  	s10 =	sld [smem:$0x3FAA];
	_ =	sdelay $0x3  }
0x33: {  	p0 =	seq.s32 s10, $0x1;
	s10 =	sld [smem:$0x3FAC];
	_ =	sdelay $0x3  }
0x34: {  	[smem:$0x3FAC] =	sst s10  }
0x35: {  	s10 =	sld [smem:$0x3FAB];
	_ =	sdelay $0x3  }
0x36: {  	p1 =	seq.s32 s10, $0x1;
	s10 =	sld [smem:$0x3FAC];
	_ =	sdelay $0x3  }
0x37: {  	[smem:$0x3FAC] =	sst s10  }
0x38: {  	s10 =	sld [smem:$0x3FAD]  }
0x39: {  	_ = 	snop;
	(pc) =	sbr.ind lr, $3  }
0x3a: {  	_ = 	snop  }
0x3b: {  	_ = 	snop  }
0x3c: {  	p2 =	seq.s32 s10, $0x1;
	s10 =	sld [smem:$0x3FAC]  }
0x3d: {  	_ =	shalt  }
0x3e: {  	_ =	shalt  }
0x3f: {  	_ =	shalt  }
0x40: {  	_ =	shalt  }
0x41: {  	_ =	shalt  }
0x42: {  	_ =	shalt  }
0x43: {  	_ =	shalt  }
0x44: {  	_ =	shalt  }
0x45: {  	_ =	shalt  }
0x46: {  	_ =	shalt  }
0x47: {  	_ =	shalt  }
0x48: {  	_ =	shalt  }
0x49: {  	_ =	shalt  }
0x4a: {  	_ =	shalt  }
0x4b: {  	_ =	shalt  }
0x4c: {  	_ =	shalt  }
0x4d: {  	_ =	shalt  }
0x4e: {  	_ =	shalt  }
0x4f: {  	_ =	shalt  }
0x50: {  	_ =	shalt  }
0x51: {  	_ =	shalt  }
0x52: {  	_ =	shalt  }
0x53: {  	_ =	shalt  }
0x54: {  	_ =	shalt  }
0x55: {  	_ =	shalt  }
0x56: {  	_ =	shalt  }
0x57: {  	_ =	shalt  }
0x58: {  	_ =	shalt  }
0x59: {  	_ =	shalt  }
0x5a: {  	_ =	shalt  }
0x5b: {  	_ =	shalt  }
0x5c: {  	_ =	shalt  }
0x5d: {  	_ =	shalt  }
0x5e: {  	_ =	shalt  }
0x5f: {  	_ =	shalt  }
0x60: {  	_ =	shalt  }
0x61: {  	_ =	shalt  }
0x62: {  	_ =	shalt  }
0x63: {  	_ =	shalt  }
0x64: {  	_ =	shalt  }
0x65: {  	_ =	shalt  }
0x66: {  	_ =	shalt  }
0x67: {  	_ =	shalt  }
0x68: {  	_ =	shalt  }
0x69: {  	_ =	shalt  }
0x6a: {  	_ =	shalt  }
0x6b: {  	_ =	shalt  }
0x6c: {  	_ =	shalt  }
0x6d: {  	_ =	shalt  }
0x6e: {  	_ =	shalt  }
0x6f: {  	_ =	shalt  }
0x70: {  	_ =	shalt  }
0x71: {  	_ =	shalt  }
0x72: {  	_ =	shalt  }
0x73: {  	_ =	shalt  }
0x74: {  	_ =	shalt  }
0x75: {  	_ =	shalt  }
0x76: {  	_ =	shalt  }
0x77: {  	_ =	shalt  }
0x78: {  	_ =	shalt  }
0x79: {  	_ =	shalt  }
0x7a: {  	_ =	shalt  }
0x7b: {  	_ =	shalt  }
0x7c: {  	_ =	shalt  }
0x7d: {  	_ =	shalt  }
0x7e: {  	_ =	shalt  }
0x7f: {  	_ =	shalt  }
0x80: {  	_ =	shalt  }
0x81: {  	_ =	shalt  }
0x82: {  	_ =	shalt  }
0x83: {  	_ =	shalt  }
0x84: {  	_ =	shalt  }
0x85: {  	_ =	shalt  }
0x86: {  	_ =	shalt  }
0x87: {  	_ =	shalt  }
.Lfunc_end0:
.L_simem_size_0:
called_computation.2_lowered:
.L_overlay_start_0:
0x88: {  	s2 =	sld [smem:$0x3FD9]  }
0x89: {  	s3 =	sld [smem:$0x3FFE];
	_ =	sdelay $0x1  }
0x8a: {  	s1 =	srdreg.scid  }
0x8b: {  	s0 =	sand.u32 $0x1, s1  }
0x8c: {  	s14 =	sshll.u32 s0, $0xA;
	s2 =	sadd.s32 s3, s2  }
0x8d: {  	s2 =	sadd.s32 s2, s14  }
0x8e: {  	[smem:$0x3FB8] =	sst s2  }
0x8f: {  	_ = 	snop  }
0x90: {  	s2 =	sld [smem:$0x3FD0];
	_ =	sdelay $0x2  }
0x91: {  	s15 =	simm.s32 $0xA;
	s4 =	simm.s32 $0x10  }
0x92: {  	[smem:s4], [sflag:s15] =	dma.local [hbm:s2], $0x1  }
0x93: {  	_ =	swait.eq [sflag:s15], $0x1  }
0x94: {  	[sflag:s15] =	ssyncset.done $0x0  }
0x95: {  	[sflag:s15] =	ssyncadd.s32 $0xFFFFFFFF  }
0x96: {  	s16 =	sld [smem:$0x12];
	(tm) =	ssettm $0x1  }
0x97: {  	s17 =	sld [smem:$0x3FFB];
	_ =	sdelay $0x3  }
0x98: {  	_ =	strace s17  }
0x99: {  	s3 =	sld [smem:$0x3FFC];
	_ =	sdelay $0x3  }
0x9a: {  	_ =	strace s3  }
0x9b: {  	s3 =	sld [smem:$0x3FFD];
	_ =	sdelay $0x3  }
0x9c: {  	_ =	strace s3  }
0x9d: {  	_ =	strace $0x8FFFFFFF  }
0x9e: {  	s18 =	sld [smem:$0x3FDB];
	_ =	sdelay $0x1  }
0x9f: {  	s19 =	simm.s32 $_scs_section_size  }
0xa0: {  	s5 =	simm.s32 $_size__tile_overlayer_lowered;
	s6 =	simm.s32 $_tile_overlayer_lowered  }
0xa1: {  	s22 =	simm.s32 $0x1BFF;
	s21 =	sshll.u32 s6, $0x1;
	s3 =	sadd.s32 s19, s18  }
0xa2: {  	s7 =	simm.s32 $0x0;
	s20 =	sshll.u32 s5, $0x1;
	s5 =	sadd.s32 s21, s3  }
0xa3: {  	[timem:s7], [sflag:s22] =	dma.local [hbm:s5], s20  }
0xa4: {  	_ =	swait.ge [sflag:s22], s20  }
0xa5: {  	s4 =	ssub.s32 $0x0, s20;
	[sflag:s22] =	ssyncset.done $0x0  }
0xa6: {  	[sflag:s22] =	ssyncadd.s32 s4;
	_ =	sdelay $0x1  }
0xa7: {  	s23 =	simm.s32 $0x1B8B  }
0xa8: {  	_ =	swait.ge [sflag:s23], $0x1  }
0xa9: {  	[sflag:s23] =	ssyncset.done $0x0  }
0xaa: {  	s25 =	simm.s32 $0x1B8E;
	s24 =	sld [smem:$0x3FFE];
	[sflag:s23] =	ssyncadd.s32 $0xFFFFFFFF  }
0xab: {  	s26 =	simm.s32 $execute0_lowered;
	[smem:$0x3FD2] =	sst s25  }
0xac: {  	s5 =	sshll.u32 s26, $0x1;
	_ =	strace $0x80000049;
	[dreg:$0x1] =	wrdreg $0xFFFFFFFF  }
0xad: {  	s28 =	simm.s32 $_size_execute0_lowered;
	s3 =	sadd.s32 s3, s5;
	[dreg:$0x0] =	wrdreg $0x0  }
0xae: {  	s5 =	sshll.u32 s28, $0x1;
	[dreg:$0x2] =	wrdreg s3  }
0xaf: {  	[dreg:$0x3] =	wrdreg s5  }
0xb0: {  	[dreg:$0x4] =	wrdreg $0xC0  }
0xb1: {  	_ =	task [dreg:s7], $0x5FFFF  }
0xb2: {  	[dreg:$0x1] =	wrdreg $0xFFFFFFFF  }
0xb3: {  	[dreg:$0x0] =	wrdreg $0x60  }
0xb4: {  	[dreg:$0x2] =	wrdreg s16  }
0xb5: {  	[dreg:$0x3] =	wrdreg s24  }
0xb6: {  	[dreg:$0x4] =	wrdreg $0x9  }
0xb7: {  	_ =	task.clear_ibuf [dreg:s7], $0x5FFFF;
	_ =	strace $0x90000049  }
0xb8: {  	s29 =	simm.s32 $0x9;
	_ =	strace $0x8000004B  }
0xb9: {  	_ =	swait.ge [sflag:s29], $0x1  }
0xba: {  	[sflag:s29] =	ssyncadd.s32 $0xFFFFFFFF  }
0xbb: {  	_ =	strace $0x9000004B  }
0xbc: {  	_ =	sfence  }
0xbd: {  	s30 =	sld [smem:$0x0];
	_ =	sdelay $0x2  }
0xbe: {  	s31 =	sshll.u32 s1, $0xD;
	s1 =	sshrl.u32 s1, $0x2  }
0xbf: {  	s3 =	sand.u32 $0x4000, s31;
	s1 =	sadd.s32 s1, s30  }
0xc0: {  	s0 =	sor.u32 s3, s0;
	s1 =	sshll.u32 s1, $0x11  }
0xc1: {  	s0 =	sor.u32 s1, s0  }
0xc2: {  	s0 =	sadd.s32 $0x8F2B, s0  }
0xc3: {  	[sflag:s0] =	ssyncadd.remote.s32 $0x1  }
0xc4: {  	_ =	sfence.sel $0xFFFF  }
0xc5: {  	[dreg:$0x0] =	wrdreg $0xFFFFFFFF;
	(pc) =	sbr.abs _section_cstart, $3  }
0xc6: {  	[dreg:$0x1] =	wrdreg $0xFFFFFFFF  }
0xc7: {  	_ =	task.clear_ibuf [dreg:s7], $0x2FFFF;
	_ =	strace $0x9FFFFFFF  }
0xc8: {  	(tm) =	ssettm $0x7FFFFFFF  }
0xc9: {  	_ =	shalt  }
tec
execute0_lowered:
.L_overlay_start_1:
0x0: {  	(tag) =	ssettag $0x1  }
0x1: {  	s4 =	rddreg [dreg:$0x0]  }
0x2: {  	s5 =	rddreg [dreg:$0x1]  }
0x3: {  	s0 =	rddreg [dreg:$0x2];
	s1 =	stileid.u32  }
0x4: {  	s3 =	srdreg.scid;
	s2 =	simm.s32 $0x0;
	s10 =	simm.s32 $0x5400  }
0x5: {  	s11 =	simm.s32 $0x9400;
	s12 =	simm.s32 $0xD400;
	s13 =	simm.s32 $0x11400  }
0x6: {  	s14 =	simm.s32 $0x1;
	s15 =	simm.s32 $0x2;
	s6 =	sand.u32 $0x1, s3  }
0x7: {  	s30 =	sshll.u32 s1, $0x1;
	[smem:$0x7FF] =	sst s2;
	s7 =	smul.u32 $0x28000, s1  }
0x8: {  	s3 =	sor.u32 s6, s30;
	s9 =	ssub.s32 $0x2, s6;
	s6 =	smul.u32 $0x14000, s6  }
0x9: {  	s16 =	simm.s32 $0x0;
	_ =	strace $0x8000004A;
	s8 =	smul.u32 $0x1400, s3  }
0xa: {  	s3 =	sadd.s32 $0x57200, s5;
	s5 =	sadd.s32 s7, s5;
	s31 =	sshrl.u32 s9, $0x1  }
0xb: {  	s7 =	ssub.s32 s9, s31;
	s6 =	sadd.s32 s6, s5;
	s9 =	simm.s32 $0x1400  }
0xc: {  	s8 =	sshrl.u32 s8, $0x3;
	s5 =	smax.u32 s7, $0x1;
	s6 =	sadd.s32 $0x81200, s6  }
0xd: {  	s7 =	simm.s32 $0x3;
	s4 =	sadd.s32 s4, s8;
	s8 =	simm.s32 $0x80  }
.LBB2_1:
0xe: {  	[tilespmem:s2], [sflag:$0x3] =	stream.linear.gather [hbm4b:s4+s2], $0x1400, $0x38;
	[tilespmem:$0x15400] =	vst v63  }
0xf: {  	_ =	swait.ge [sflag:s7], $0x1400  }
0x10: {  	[sflag:s7] =	ssyncset.done $0x0  }
0x11: {  	s17 =	simm.s32 $0x0;
	[sflag:s7] =	ssyncadd.s32 $0xFFFFEC00  }
0x12: {  	[tilespmem:s9], [sflag:$0x1] =	stream.indirect.gather [hbm4b:s3+s8], $0x80, s17, s8, $0xb8;
	[tilespmem:$0x15400] =	vst v63  }
0x13: {  	s23 =	simm.s32 $0x80  }
0x14: {  	[tilespmem:s10], [sflag:$0x1] =	stream.indirect.gather [hbm4b:s3+s8], $0x80, s23, s8, $0xb8;
	[tilespmem:$0x15400] =	vst v63  }
0x15: {  	s24 =	simm.s32 $0x100  }
0x16: {  	[tilespmem:s11], [sflag:$0x1] =	stream.indirect.gather [hbm4b:s3+s8], $0x80, s24, s8, $0xb8;
	[tilespmem:$0x15400] =	vst v63  }
0x17: {  	s25 =	simm.s32 $0x180  }
0x18: {  	[tilespmem:s12], [sflag:$0x1] =	stream.indirect.gather [hbm4b:s3+s8], $0x80, s25, s8, $0xb8;
	[tilespmem:$0x15400] =	vst v63  }
0x19: {  	s26 =	simm.s32 $0x200  }
0x1a: {  	[tilespmem:s13], [sflag:$0x1] =	stream.indirect.gather [hbm4b:s3+s8], $0x80, s26, s8, $0xb8;
	[tilespmem:$0x15400] =	vst v63  }
0x1b: {  	_ =	swait.ge [sflag:s14], $0x4000  }
0x1c: {  	[sflag:s14] =	ssyncset.done $0x0  }
0x1d: {  	s28 =	sadd.s32 $0xFFFFE000, s6;
	[sflag:s14] =	ssyncadd.s32 $0xFFFFC000  }
0x1e: {  	[hbm4b:s28+s2] =	stream.linear.scatter [tilespmem:s9], [sflag:$0x2], $0x4000, $0x38;
	[tilespmem:$0x15400] =	vst v63  }
0x1f: {  	_ =	swait.ge [sflag:s14], $0x4000  }
0x20: {  	[sflag:s14] =	ssyncset.done $0x0  }
0x21: {  	s29 =	sadd.s32 $0xFFFFE800, s6;
	[sflag:s14] =	ssyncadd.s32 $0xFFFFC000  }
0x22: {  	[hbm4b:s29+s2] =	stream.linear.scatter [tilespmem:s10], [sflag:$0x2], $0x4000, $0x38;
	[tilespmem:$0x15400] =	vst v63  }
0x23: {  	_ =	swait.ge [sflag:s14], $0x4000  }
0x24: {  	[sflag:s14] =	ssyncset.done $0x0  }
0x25: {  	s30 =	sadd.s32 $0xFFFFF000, s6;
	[sflag:s14] =	ssyncadd.s32 $0xFFFFC000  }
0x26: {  	[hbm4b:s30+s2] =	stream.linear.scatter [tilespmem:s11], [sflag:$0x2], $0x4000, $0x38;
	[tilespmem:$0x15400] =	vst v63  }
0x27: {  	_ =	swait.ge [sflag:s14], $0x4000  }
0x28: {  	[sflag:s14] =	ssyncset.done $0x0  }
0x29: {  	s31 =	sadd.s32 $0xFFFFF800, s6;
	[sflag:s14] =	ssyncadd.s32 $0xFFFFC000  }
0x2a: {  	[hbm4b:s31+s2] =	stream.linear.scatter [tilespmem:s12], [sflag:$0x2], $0x4000, $0x38;
	[tilespmem:$0x15400] =	vst v63  }
0x2b: {  	_ =	swait.ge [sflag:s14], $0x4000  }
0x2c: {  	[sflag:s14] =	ssyncset.done $0x0  }
0x2d: {  	[sflag:s14] =	ssyncadd.s32 $0xFFFFC000  }
0x2e: {  	[hbm4b:s6+s2] =	stream.linear.scatter [tilespmem:s13], [sflag:$0x2], $0x4000, $0x38;
	[tilespmem:$0x15400] =	vst v63  }
0x2f: {  	_ =	swait.ge [sflag:s15], $0x4000  }
0x30: {  	[sflag:s15] =	ssyncset.done $0x0  }
0x31: {  	[sflag:s15] =	ssyncadd.s32 $0xFFFFC000  }
0x32: {  	_ =	swait.ge [sflag:s15], $0x4000  }
0x33: {  	[sflag:s15] =	ssyncset.done $0x0  }
0x34: {  	[sflag:s15] =	ssyncadd.s32 $0xFFFFC000  }
0x35: {  	_ =	swait.ge [sflag:s15], $0x4000  }
0x36: {  	[sflag:s15] =	ssyncset.done $0x0  }
0x37: {  	[sflag:s15] =	ssyncadd.s32 $0xFFFFC000  }
0x38: {  	_ =	swait.ge [sflag:s15], $0x4000  }
0x39: {  	[sflag:s15] =	ssyncset.done $0x0  }
0x3a: {  	[sflag:s15] =	ssyncadd.s32 $0xFFFFC000  }
0x3b: {  	s18 =	simm.s32 $0xA00;
	_ =	swait.ge [sflag:s15], $0x4000  }
0x3c: {  	s20 =	simm.s32 $0x1400;
	s17 =	sadd.s32 $0x2800, s6;
	[sflag:s15] =	ssyncset.done $0x0  }
.LBB2_2:
0x3d: {  	s21 =	sshra.s32 s18, $0x2  }
0x3e: {  	[sflag:s15] =	ssyncadd.s32 $0xFFFFC000;
	s18 =	smov.u32 s20;
	s19 =	sadd.s32 $0xA00, s20  }
0x3f: {  	[tilespmem:s9], [sflag:$0x1] =	stream.indirect.gather [hbm4b:s3+s8], $0x80, s21, s8, $0xb8;
	[tilespmem:$0x15400] =	vst v63  }
0x40: {  	p0 =	sne.s32 s20, $0x4600;
	s20 =	sadd.s32 $0x80, s21  }
0x41: {  	[tilespmem:s10], [sflag:$0x1] =	stream.indirect.gather [hbm4b:s3+s8], $0x80, s20, s8, $0xb8;
	[tilespmem:$0x15400] =	vst v63  }
0x42: {  	s20 =	sadd.s32 $0x100, s21  }
0x43: {  	[tilespmem:s11], [sflag:$0x1] =	stream.indirect.gather [hbm4b:s3+s8], $0x80, s20, s8, $0xb8;
	[tilespmem:$0x15400] =	vst v63  }
0x44: {  	s20 =	sadd.s32 $0x180, s21  }
0x45: {  	[tilespmem:s12], [sflag:$0x1] =	stream.indirect.gather [hbm4b:s3+s8], $0x80, s20, s8, $0xb8;
	[tilespmem:$0x15400] =	vst v63  }
0x46: {  	s20 =	sadd.s32 $0x200, s21  }
0x47: {  	[tilespmem:s13], [sflag:$0x1] =	stream.indirect.gather [hbm4b:s3+s8], $0x80, s20, s8, $0xb8;
	[tilespmem:$0x15400] =	vst v63  }
0x48: {  	_ =	swait.ge [sflag:s14], $0x4000  }
0x49: {  	[sflag:s14] =	ssyncset.done $0x0  }
0x4a: {  	s20 =	sadd.s32 $0xFFFFE000, s17;
	[sflag:s14] =	ssyncadd.s32 $0xFFFFC000  }
0x4b: {  	[hbm4b:s20+s2] =	stream.linear.scatter [tilespmem:s9], [sflag:$0x2], $0x4000, $0x38;
	[tilespmem:$0x15400] =	vst v63  }
0x4c: {  	_ =	swait.ge [sflag:s14], $0x4000  }
0x4d: {  	[sflag:s14] =	ssyncset.done $0x0  }
0x4e: {  	s20 =	sadd.s32 $0xFFFFE800, s17;
	[sflag:s14] =	ssyncadd.s32 $0xFFFFC000  }
0x4f: {  	[hbm4b:s20+s2] =	stream.linear.scatter [tilespmem:s10], [sflag:$0x2], $0x4000, $0x38;
	[tilespmem:$0x15400] =	vst v63  }
0x50: {  	_ =	swait.ge [sflag:s14], $0x4000  }
0x51: {  	[sflag:s14] =	ssyncset.done $0x0  }
0x52: {  	s20 =	sadd.s32 $0xFFFFF000, s17;
	[sflag:s14] =	ssyncadd.s32 $0xFFFFC000  }
0x53: {  	[hbm4b:s20+s2] =	stream.linear.scatter [tilespmem:s11], [sflag:$0x2], $0x4000, $0x38;
	[tilespmem:$0x15400] =	vst v63  }
0x54: {  	_ =	swait.ge [sflag:s14], $0x4000  }
0x55: {  	[sflag:s14] =	ssyncset.done $0x0  }
0x56: {  	s20 =	sadd.s32 $0xFFFFF800, s17;
	[sflag:s14] =	ssyncadd.s32 $0xFFFFC000  }
0x57: {  	[hbm4b:s20+s2] =	stream.linear.scatter [tilespmem:s12], [sflag:$0x2], $0x4000, $0x38;
	[tilespmem:$0x15400] =	vst v63  }
0x58: {  	_ =	swait.ge [sflag:s14], $0x4000  }
0x59: {  	[sflag:s14] =	ssyncset.done $0x0  }
0x5a: {  	[sflag:s14] =	ssyncadd.s32 $0xFFFFC000  }
0x5b: {  	[hbm4b:s17+s2] =	stream.linear.scatter [tilespmem:s13], [sflag:$0x2], $0x4000, $0x38;
	[tilespmem:$0x15400] =	vst v63  }
0x5c: {  	_ =	swait.ge [sflag:s15], $0x4000  }
0x5d: {  	[sflag:s15] =	ssyncset.done $0x0  }
0x5e: {  	[sflag:s15] =	ssyncadd.s32 $0xFFFFC000  }
0x5f: {  	_ =	swait.ge [sflag:s15], $0x4000  }
0x60: {  	[sflag:s15] =	ssyncset.done $0x0  }
0x61: {  	[sflag:s15] =	ssyncadd.s32 $0xFFFFC000  }
0x62: {  	_ =	swait.ge [sflag:s15], $0x4000  }
0x63: {  	[sflag:s15] =	ssyncset.done $0x0  }
0x64: {  	[sflag:s15] =	ssyncadd.s32 $0xFFFFC000  }
.Ltmp0:
0x65: {  	_ =	swait.ge [sflag:s15], $0x4000;
	(pc) =	sbr.rel @p0 .LBB2_2-.Ltmp0, $4  }
0x66: {  	[sflag:s15] =	ssyncset.done $0x0  }
0x67: {  	[sflag:s15] =	ssyncadd.s32 $0xFFFFC000  }
0x68: {  	_ =	swait.ge [sflag:s15], $0x4000  }
0x69: {  	s20 =	smov.u32 s19;
	s17 =	sadd.s32 $0x2800, s17;
	[sflag:s15] =	ssyncset.done $0x0  }
0x6a: {  	s18 =	sshra.s32 s18, $0x2;
	[sflag:s15] =	ssyncadd.s32 $0xFFFFC000  }
0x6b: {  	[tilespmem:s9], [sflag:$0x1] =	stream.indirect.gather [hbm4b:s3+s8], $0x80, s18, s8, $0xb8;
	[tilespmem:$0x15400] =	vst v63  }
0x6c: {  	s19 =	sadd.s32 $0x80, s18  }
0x6d: {  	[tilespmem:s10], [sflag:$0x1] =	stream.indirect.gather [hbm4b:s3+s8], $0x80, s19, s8, $0xb8;
	[tilespmem:$0x15400] =	vst v63  }
0x6e: {  	s25 =	sadd.s32 $0x100, s18  }
0x6f: {  	[tilespmem:s11], [sflag:$0x1] =	stream.indirect.gather [hbm4b:s3+s8], $0x80, s25, s8, $0xb8;
	[tilespmem:$0x15400] =	vst v63  }
0x70: {  	s26 =	sadd.s32 $0x180, s18  }
0x71: {  	[tilespmem:s12], [sflag:$0x1] =	stream.indirect.gather [hbm4b:s3+s8], $0x80, s26, s8, $0xb8;
	[tilespmem:$0x15400] =	vst v63  }
0x72: {  	s18 =	sadd.s32 $0x200, s18  }
0x73: {  	[tilespmem:s13], [sflag:$0x1] =	stream.indirect.gather [hbm4b:s3+s8], $0x80, s18, s8, $0xb8;
	[tilespmem:$0x15400] =	vst v63  }
0x74: {  	_ =	swait.ge [sflag:s14], $0x4000  }
0x75: {  	[sflag:s14] =	ssyncset.done $0x0  }
0x76: {  	s28 =	sadd.s32 $0xFFFFE000, s17;
	[sflag:s14] =	ssyncadd.s32 $0xFFFFC000  }
0x77: {  	[hbm4b:s28+s2] =	stream.linear.scatter [tilespmem:s9], [sflag:$0x2], $0x4000, $0x38;
	[tilespmem:$0x15400] =	vst v63  }
0x78: {  	_ =	swait.ge [sflag:s14], $0x4000  }
0x79: {  	[sflag:s14] =	ssyncset.done $0x0  }
0x7a: {  	s29 =	sadd.s32 $0xFFFFE800, s17;
	[sflag:s14] =	ssyncadd.s32 $0xFFFFC000  }
0x7b: {  	[hbm4b:s29+s2] =	stream.linear.scatter [tilespmem:s10], [sflag:$0x2], $0x4000, $0x38;
	[tilespmem:$0x15400] =	vst v63  }
0x7c: {  	_ =	swait.ge [sflag:s14], $0x4000  }
0x7d: {  	[sflag:s14] =	ssyncset.done $0x0  }
0x7e: {  	s30 =	sadd.s32 $0xFFFFF000, s17;
	[sflag:s14] =	ssyncadd.s32 $0xFFFFC000  }
0x7f: {  	[hbm4b:s30+s2] =	stream.linear.scatter [tilespmem:s11], [sflag:$0x2], $0x4000, $0x38;
	[tilespmem:$0x15400] =	vst v63  }
0x80: {  	_ =	swait.ge [sflag:s14], $0x4000  }
0x81: {  	[sflag:s14] =	ssyncset.done $0x0  }
0x82: {  	s31 =	sadd.s32 $0xFFFFF800, s17;
	[sflag:s14] =	ssyncadd.s32 $0xFFFFC000  }
0x83: {  	[hbm4b:s31+s2] =	stream.linear.scatter [tilespmem:s12], [sflag:$0x2], $0x4000, $0x38;
	[tilespmem:$0x15400] =	vst v63  }
0x84: {  	_ =	swait.ge [sflag:s14], $0x4000  }
0x85: {  	[sflag:s14] =	ssyncset.done $0x0  }
0x86: {  	[sflag:s14] =	ssyncadd.s32 $0xFFFFC000  }
0x87: {  	[hbm4b:s17+s2] =	stream.linear.scatter [tilespmem:s13], [sflag:$0x2], $0x4000, $0x38;
	[tilespmem:$0x15400] =	vst v63  }
0x88: {  	_ =	swait.ge [sflag:s15], $0x4000  }
0x89: {  	[sflag:s15] =	ssyncset.done $0x0  }
0x8a: {  	[sflag:s15] =	ssyncadd.s32 $0xFFFFC000  }
0x8b: {  	_ =	swait.ge [sflag:s15], $0x4000  }
0x8c: {  	[sflag:s15] =	ssyncset.done $0x0  }
0x8d: {  	[sflag:s15] =	ssyncadd.s32 $0xFFFFC000  }
0x8e: {  	_ =	swait.ge [sflag:s15], $0x4000  }
0x8f: {  	[sflag:s15] =	ssyncset.done $0x0  }
0x90: {  	s16 =	sadd.s32 $0x1, s16;
	[sflag:s15] =	ssyncadd.s32 $0xFFFFC000  }
0x91: {  	p0 =	sne.s32 s16, s5;
	_ =	swait.ge [sflag:s15], $0x4000  }
.Ltmp1:
0x92: {  	[sflag:s15] =	ssyncset.done $0x0;
	(pc) =	sbr.rel @p0 .LBB2_1-.Ltmp1, $4  }
0x93: {  	[sflag:s15] =	ssyncadd.s32 $0xFFFFC000  }
0x94: {  	_ =	swait.ge [sflag:s15], $0x4000  }
0x95: {  	[sflag:s15] =	ssyncset.done $0x0  }
0x96: {  	[sflag:s15] =	ssyncadd.s32 $0xFFFFC000  }
0x97: {  	_ =	sfence.sel $0x180000  }
0x98: {  	[bflag:$0x0] =	sbarrier.arrive $0xFFFF  }
0x99: {  	p0 =	sne.s32 s1, $0x0;
	_ =	strace $0x9000004A  }
0x9a: {  	s0 =	sadd.s32 @!p0 $0x100000, s0;
	[bflag:$0x2] =	sbarrier.arrive $0xFFFF  }
0x9b: {  	[sflag:s0] =	ssyncadd.tile.s32 @!p0 $0x1;
	_ =	shalt  }
.Lfunc_end2:
_tile_overlayer_lowered:
.L_overlay_start_2:
0x9c: {  	(tag) =	ssettag $0x2  }
0x9d: {  	s0 =	rddreg [dreg:$0x0];
	s2 =	stileid.u32  }
0x9e: {  	s1 =	rddreg [dreg:$0x1];
	p0 =	sne.s32 s2, $0x0  }
0x9f: {  	s3 =	rddreg [dreg:$0x2];
	[bflag:$0x3] =	sbarrier.arrive $0xFFFF;
	s2 =	simm.s32 @!p0 $0x1C03  }
0xa0: {  	[timem:s3], [sflag:s2] =	dma.local @!p0 [hbm:s0], s1  }
0xa1: {  	s0 =	simm.s32 @!p0 $0x3  }
0xa2: {  	_ =	swait.ge @!p0 [sflag:s0], s1  }
0xa3: {  	s1 =	ssub.s32 @!p0 $0x0, s1;
	[sflag:s0] =	ssyncset.done @!p0 $0x0  }
0xa4: {  	[sflag:s0] =	ssyncadd.s32 @!p0 s1  }
0xa5: {  	[bflag:$0x3] =	sbarrier.arrive $0xFFFF  }
0xa6: {  	_ =	shalt  }

// kernel: kernel.14.cloned.1.call-start
scs
__scs_entry_jumppad:
0x0: {  	(pc) =	sbr.rel $0x88, $3  }
0x1: {  	(tag) =	ssettag $0x0;
	lr =	simm.s32 $0x1  }
0x2: {  	[smem:$0x3F91] =	sst lr;
	_ =	strace $0xD0000000  }
0x3: {  	_ = 	snop  }
0x4: {  	_ = 	snop  }
0x5: {  	_ = 	snop  }
0x6: {  	_ = 	snop  }
0x7: {  	_ = 	snop  }
__scs_overlays_trampoline_lowered:
0x8: {  	[smem:$0x3FA0] =	sst s0  }
0x9: {  	[smem:$0x3FA1] =	sst s1  }
0xa: {  	[smem:$0x3FA2] =	sst s2  }
0xb: {  	[smem:$0x3FA3] =	sst s3  }
0xc: {  	[smem:$0x3FA4] =	sst s4  }
0xd: {  	[smem:$0x3FA5] =	sst s5  }
0xe: {  	[smem:$0x3FA6] =	sst s6  }
0xf: {  	[smem:$0x3FA7] =	sst s7  }
0x10: {  	[smem:$0x3FA8] =	sst s8  }
0x11: {  	[smem:$0x3FA9] =	sst s9;
	s0 =	simm.s32 @!p0 $0x0  }
0x12: {  	s1 =	sld [smem:$0x3F8F];
	s0 =	simm.s32 @p0 $0x1  }
0x13: {  	[smem:$0x3FAA] =	sst s0;
	s0 =	simm.s32 @!p1 $0x0  }
0x14: {  	s2 =	sld [smem:$0x3F8E];
	s0 =	simm.s32 @p1 $0x1  }
0x15: {  	[smem:$0x3FAB] =	sst s0;
	s0 =	simm.s32 @!p2 $0x0  }
0x16: {  	s3 =	sld [smem:$0x3FDB];
	s0 =	simm.s32 @p2 $0x1  }
0x17: {  	s4 =	simm.s32 $0x1BF5;
	[smem:$0x3FAD] =	sst s0  }
0x18: {  	s0 =	sld [smem:$0x3F90];
	_ =	swait.ge [sflag:s4], $0x0  }
0x19: {  	s7 =	sld [smem:$0x3F91]  }
0x1a: {  	s8 =	sadd.s32 $0xFFFFE003, lr  }
0x1b: {  	s9 =	sadd.s32 $0xFFFFFEF7, lr;
	s5 =	simm.s32 $0xFFFFFFFF;
	p2 =	slt.u32 s8, $0xFFFFF086  }
0x1c: {  	p1 =	slt.u32 s9, $0xF7A;
	s5 =	simm.s32 @!p2 $0x0  }
0x1d: {  	s5 =	simm.s32 @p1 $0x1;
	p0 =	seq.s32 s7, s2  }
0x1e: {  	s7 =	smul.u32 @!p0 $0xF7A, s2;
	p2 =	seq.s32 @!p0 s5, $0x0  }
0x1f: {  	s9 =	smul.u32 $0xF7A, s1;
	s8 =	simm.s32 @!p0 $0x1BF5;
	p2 =	por !p2, p0  }
0x20: {  	[sflag:s8] =	ssyncset.s32 @!p0 $0xFFFFF086;
	s6 =	sadd.s32 @!p0 s3, s7;
	s7 =	simm.s32 @!p0 $0x108  }
0x21: {  	s3 =	sadd.s32 s3, s9;
	s6 =	sadd.s32 @!p0 $0x88, s6;
	s7 =	simm.s32 @p2 $0x1082  }
0x22: {  	[simem:s7], [sflag:s8] =	dma.local @!p0 [hbm:s6], $0xF7A  }
0x23: {  	s9 =	sor.u32 $0xD0000000, s2;
	s6 =	simm.s32 $0x108;
	_ =	swait.ge @!p0 [sflag:s8], $0x0  }
0x24: {  	s3 =	sadd.s32 $0x88, s3;
	s6 =	simm.s32 @!p1 $0x1082;
	[sflag:s4] =	ssyncset.s32 $0xFFFFF086  }
0x25: {  	[simem:s6], [sflag:s4] =	dma.local [hbm:s3], $0xF7A  }
0x26: {  	[smem:$0x3F91] =	sst s1;
	(tag) =	ssettag s2;
	_ =	strace s9  }
0x27: {  	s1 =	sld [smem:$0x3FA1]  }
0x28: {  	s2 =	sld [smem:$0x3FA2]  }
0x29: {  	s4 =	sld [smem:$0x3FA4]  }
0x2a: {  	p0 =	seq.s32 s5, $0x0;
	s5 =	sld [smem:$0x3FA5]  }
0x2b: {  	s6 =	sld [smem:$0x3FA6]  }
0x2c: {  	s7 =	sld [smem:$0x3FA7]  }
0x2d: {  	s3 =	simm.s32 $0x108;
	s8 =	sld [smem:$0x3FA8]  }
0x2e: {  	s3 =	simm.s32 @!p0 $0x1082;
	s9 =	sld [smem:$0x3FA9]  }
0x2f: {  	lr =	sadd.s32 s0, s3;
	s0 =	sld [smem:$0x3FA0]  }
0x30: {  	s3 =	sld [smem:$0x3FA3]  }
0x31: {  	[smem:$0x3FAC] =	sst s10  }
0x32: {  	s10 =	sld [smem:$0x3FAA];
	_ =	sdelay $0x3  }
0x33: {  	p0 =	seq.s32 s10, $0x1;
	s10 =	sld [smem:$0x3FAC];
	_ =	sdelay $0x3  }
0x34: {  	[smem:$0x3FAC] =	sst s10  }
0x35: {  	s10 =	sld [smem:$0x3FAB];
	_ =	sdelay $0x3  }
0x36: {  	p1 =	seq.s32 s10, $0x1;
	s10 =	sld [smem:$0x3FAC];
	_ =	sdelay $0x3  }
0x37: {  	[smem:$0x3FAC] =	sst s10  }
0x38: {  	s10 =	sld [smem:$0x3FAD]  }
0x39: {  	_ = 	snop;
	(pc) =	sbr.ind lr, $3  }
0x3a: {  	_ = 	snop  }
0x3b: {  	_ = 	snop  }
0x3c: {  	p2 =	seq.s32 s10, $0x1;
	s10 =	sld [smem:$0x3FAC]  }
0x3d: {  	_ =	shalt  }
0x3e: {  	_ =	shalt  }
0x3f: {  	_ =	shalt  }
0x40: {  	_ =	shalt  }
0x41: {  	_ =	shalt  }
0x42: {  	_ =	shalt  }
0x43: {  	_ =	shalt  }
0x44: {  	_ =	shalt  }
0x45: {  	_ =	shalt  }
0x46: {  	_ =	shalt  }
0x47: {  	_ =	shalt  }
0x48: {  	_ =	shalt  }
0x49: {  	_ =	shalt  }
0x4a: {  	_ =	shalt  }
0x4b: {  	_ =	shalt  }
0x4c: {  	_ =	shalt  }
0x4d: {  	_ =	shalt  }
0x4e: {  	_ =	shalt  }
0x4f: {  	_ =	shalt  }
0x50: {  	_ =	shalt  }
0x51: {  	_ =	shalt  }
0x52: {  	_ =	shalt  }
0x53: {  	_ =	shalt  }
0x54: {  	_ =	shalt  }
0x55: {  	_ =	shalt  }
0x56: {  	_ =	shalt  }
0x57: {  	_ =	shalt  }
0x58: {  	_ =	shalt  }
0x59: {  	_ =	shalt  }
0x5a: {  	_ =	shalt  }
0x5b: {  	_ =	shalt  }
0x5c: {  	_ =	shalt  }
0x5d: {  	_ =	shalt  }
0x5e: {  	_ =	shalt  }
0x5f: {  	_ =	shalt  }
0x60: {  	_ =	shalt  }
0x61: {  	_ =	shalt  }
0x62: {  	_ =	shalt  }
0x63: {  	_ =	shalt  }
0x64: {  	_ =	shalt  }
0x65: {  	_ =	shalt  }
0x66: {  	_ =	shalt  }
0x67: {  	_ =	shalt  }
0x68: {  	_ =	shalt  }
0x69: {  	_ =	shalt  }
0x6a: {  	_ =	shalt  }
0x6b: {  	_ =	shalt  }
0x6c: {  	_ =	shalt  }
0x6d: {  	_ =	shalt  }
0x6e: {  	_ =	shalt  }
0x6f: {  	_ =	shalt  }
0x70: {  	_ =	shalt  }
0x71: {  	_ =	shalt  }
0x72: {  	_ =	shalt  }
0x73: {  	_ =	shalt  }
0x74: {  	_ =	shalt  }
0x75: {  	_ =	shalt  }
0x76: {  	_ =	shalt  }
0x77: {  	_ =	shalt  }
0x78: {  	_ =	shalt  }
0x79: {  	_ =	shalt  }
0x7a: {  	_ =	shalt  }
0x7b: {  	_ =	shalt  }
0x7c: {  	_ =	shalt  }
0x7d: {  	_ =	shalt  }
0x7e: {  	_ =	shalt  }
0x7f: {  	_ =	shalt  }
0x80: {  	_ =	shalt  }
0x81: {  	_ =	shalt  }
0x82: {  	_ =	shalt  }
0x83: {  	_ =	shalt  }
0x84: {  	_ =	shalt  }
0x85: {  	_ =	shalt  }
0x86: {  	_ =	shalt  }
0x87: {  	_ =	shalt  }
.Lfunc_end0:
.L_simem_size_0:
called_computation.3_lowered:
.L_overlay_start_0:
0x88: {  	s2 =	sld [smem:$0x3FD9]  }
0x89: {  	s3 =	sld [smem:$0x3FFE];
	_ =	sdelay $0x1  }
0x8a: {  	s1 =	srdreg.scid  }
0x8b: {  	s0 =	sand.u32 $0x1, s1  }
0x8c: {  	s14 =	sshll.u32 s0, $0xA;
	s2 =	sadd.s32 s3, s2  }
0x8d: {  	s2 =	sadd.s32 s2, s14  }
0x8e: {  	[smem:$0x3FB8] =	sst s2  }
0x8f: {  	_ = 	snop  }
0x90: {  	s2 =	sld [smem:$0x3FD0];
	_ =	sdelay $0x2  }
0x91: {  	s15 =	simm.s32 $0xA;
	s4 =	simm.s32 $0x10  }
0x92: {  	[smem:s4], [sflag:s15] =	dma.local [hbm:s2], $0x1  }
0x93: {  	_ =	swait.eq [sflag:s15], $0x1  }
0x94: {  	[sflag:s15] =	ssyncset.done $0x0  }
0x95: {  	[sflag:s15] =	ssyncadd.s32 $0xFFFFFFFF  }
0x96: {  	s16 =	sld [smem:$0x12];
	(tm) =	ssettm $0x1  }
0x97: {  	s17 =	sld [smem:$0x3FFB];
	_ =	sdelay $0x3  }
0x98: {  	_ =	strace s17  }
0x99: {  	s3 =	sld [smem:$0x3FFC];
	_ =	sdelay $0x3  }
0x9a: {  	_ =	strace s3  }
0x9b: {  	s3 =	sld [smem:$0x3FFD];
	_ =	sdelay $0x3  }
0x9c: {  	_ =	strace s3  }
0x9d: {  	_ =	strace $0x8FFFFFFF  }
0x9e: {  	s18 =	sld [smem:$0x3FDB];
	_ =	sdelay $0x1  }
0x9f: {  	s19 =	simm.s32 $_scs_section_size  }
0xa0: {  	s5 =	simm.s32 $_size__tile_overlayer_lowered;
	s6 =	simm.s32 $_tile_overlayer_lowered  }
0xa1: {  	s22 =	simm.s32 $0x1BFF;
	s21 =	sshll.u32 s6, $0x1;
	s3 =	sadd.s32 s19, s18  }
0xa2: {  	s7 =	simm.s32 $0x0;
	s20 =	sshll.u32 s5, $0x1;
	s5 =	sadd.s32 s21, s3  }
0xa3: {  	[timem:s7], [sflag:s22] =	dma.local [hbm:s5], s20  }
0xa4: {  	_ =	swait.ge [sflag:s22], s20  }
0xa5: {  	s4 =	ssub.s32 $0x0, s20;
	[sflag:s22] =	ssyncset.done $0x0  }
0xa6: {  	[sflag:s22] =	ssyncadd.s32 s4;
	_ =	sdelay $0x1  }
0xa7: {  	s23 =	simm.s32 $0x1B8B  }
0xa8: {  	_ =	swait.ge [sflag:s23], $0x1  }
0xa9: {  	[sflag:s23] =	ssyncset.done $0x0  }
0xaa: {  	s25 =	simm.s32 $0x1B8E;
	s24 =	sld [smem:$0x3FFE];
	[sflag:s23] =	ssyncadd.s32 $0xFFFFFFFF  }
0xab: {  	s26 =	simm.s32 $execute0_lowered;
	[smem:$0x3FD2] =	sst s25  }
0xac: {  	s5 =	sshll.u32 s26, $0x1;
	_ =	strace $0x8000004C;
	[dreg:$0x1] =	wrdreg $0xFFFFFFFF  }
0xad: {  	s28 =	simm.s32 $_size_execute0_lowered;
	s3 =	sadd.s32 s3, s5;
	[dreg:$0x0] =	wrdreg $0x0  }
0xae: {  	s5 =	sshll.u32 s28, $0x1;
	[dreg:$0x2] =	wrdreg s3  }
0xaf: {  	[dreg:$0x3] =	wrdreg s5  }
0xb0: {  	[dreg:$0x4] =	wrdreg $0xC0  }
0xb1: {  	_ =	task [dreg:s7], $0x5FFFF  }
0xb2: {  	[dreg:$0x1] =	wrdreg $0xFFFFFFFF  }
0xb3: {  	[dreg:$0x0] =	wrdreg $0x60  }
0xb4: {  	[dreg:$0x2] =	wrdreg s16  }
0xb5: {  	[dreg:$0x3] =	wrdreg s24  }
0xb6: {  	[dreg:$0x4] =	wrdreg $0x9  }
0xb7: {  	_ =	task.clear_ibuf [dreg:s7], $0x5FFFF;
	_ =	strace $0x9000004C  }
0xb8: {  	s29 =	simm.s32 $0x9;
	_ =	strace $0x8000004E  }
0xb9: {  	_ =	swait.ge [sflag:s29], $0x1  }
0xba: {  	[sflag:s29] =	ssyncadd.s32 $0xFFFFFFFF  }
0xbb: {  	_ =	strace $0x9000004E  }
0xbc: {  	_ =	sfence  }
0xbd: {  	s30 =	sld [smem:$0x0];
	_ =	sdelay $0x2  }
0xbe: {  	s31 =	sshll.u32 s1, $0xD;
	s1 =	sshrl.u32 s1, $0x2  }
0xbf: {  	s3 =	sand.u32 $0x4000, s31;
	s1 =	sadd.s32 s1, s30  }
0xc0: {  	s0 =	sor.u32 s3, s0;
	s1 =	sshll.u32 s1, $0x11  }
0xc1: {  	s0 =	sor.u32 s1, s0  }
0xc2: {  	s0 =	sadd.s32 $0x8F2B, s0  }
0xc3: {  	[sflag:s0] =	ssyncadd.remote.s32 $0x1  }
0xc4: {  	_ =	sfence.sel $0xFFFF  }
0xc5: {  	[dreg:$0x0] =	wrdreg $0xFFFFFFFF;
	(pc) =	sbr.abs _section_cstart, $3  }
0xc6: {  	[dreg:$0x1] =	wrdreg $0xFFFFFFFF  }
0xc7: {  	_ =	task.clear_ibuf [dreg:s7], $0x2FFFF;
	_ =	strace $0x9FFFFFFF  }
0xc8: {  	(tm) =	ssettm $0x7FFFFFFF  }
0xc9: {  	_ =	shalt  }
tec
execute0_lowered:
.L_overlay_start_1:
0x0: {  	(tag) =	ssettag $0x1  }
0x1: {  	s4 =	rddreg [dreg:$0x0]  }
0x2: {  	s5 =	rddreg [dreg:$0x1]  }
0x3: {  	s0 =	rddreg [dreg:$0x2];
	s1 =	stileid.u32  }
0x4: {  	s3 =	srdreg.scid;
	s2 =	simm.s32 $0x0;
	s10 =	simm.s32 $0x5400  }
0x5: {  	s11 =	simm.s32 $0x9400;
	s12 =	simm.s32 $0xD400;
	s13 =	simm.s32 $0x11400  }
0x6: {  	s14 =	simm.s32 $0x1;
	s15 =	simm.s32 $0x2;
	s6 =	sand.u32 $0x1, s3  }
0x7: {  	s30 =	sshll.u32 s1, $0x1;
	[smem:$0x7FF] =	sst s2;
	s7 =	smul.u32 $0x28000, s1  }
0x8: {  	s3 =	sor.u32 s6, s30;
	s9 =	ssub.s32 $0x2, s6;
	s6 =	smul.u32 $0x14000, s6  }
0x9: {  	s16 =	simm.s32 $0x0;
	_ =	strace $0x8000004D;
	s8 =	smul.u32 $0x1400, s3  }
0xa: {  	s3 =	sadd.s32 $0x4400, s5;
	s5 =	sadd.s32 s7, s5;
	s31 =	sshrl.u32 s9, $0x1  }
0xb: {  	s7 =	ssub.s32 s9, s31;
	s6 =	sadd.s32 s6, s5;
	s9 =	simm.s32 $0x1400  }
0xc: {  	s8 =	sshrl.u32 s8, $0x3;
	s5 =	smax.u32 s7, $0x1;
	s6 =	sadd.s32 $0x59000, s6  }
0xd: {  	s7 =	simm.s32 $0x3;
	s4 =	sadd.s32 s4, s8;
	s8 =	simm.s32 $0x80  }
.LBB2_1:
0xe: {  	[tilespmem:s2], [sflag:$0x3] =	stream.linear.gather [hbm4b:s4+s2], $0x1400, $0x38;
	[tilespmem:$0x15400] =	vst v63  }
0xf: {  	_ =	swait.ge [sflag:s7], $0x1400  }
0x10: {  	[sflag:s7] =	ssyncset.done $0x0  }
0x11: {  	s17 =	simm.s32 $0x0;
	[sflag:s7] =	ssyncadd.s32 $0xFFFFEC00  }
0x12: {  	[tilespmem:s9], [sflag:$0x1] =	stream.indirect.gather [hbm4b:s3+s8], $0x80, s17, s8, $0xb8;
	[tilespmem:$0x15400] =	vst v63  }
0x13: {  	s23 =	simm.s32 $0x80  }
0x14: {  	[tilespmem:s10], [sflag:$0x1] =	stream.indirect.gather [hbm4b:s3+s8], $0x80, s23, s8, $0xb8;
	[tilespmem:$0x15400] =	vst v63  }
0x15: {  	s24 =	simm.s32 $0x100  }
0x16: {  	[tilespmem:s11], [sflag:$0x1] =	stream.indirect.gather [hbm4b:s3+s8], $0x80, s24, s8, $0xb8;
	[tilespmem:$0x15400] =	vst v63  }
0x17: {  	s25 =	simm.s32 $0x180  }
0x18: {  	[tilespmem:s12], [sflag:$0x1] =	stream.indirect.gather [hbm4b:s3+s8], $0x80, s25, s8, $0xb8;
	[tilespmem:$0x15400] =	vst v63  }
0x19: {  	s26 =	simm.s32 $0x200  }
0x1a: {  	[tilespmem:s13], [sflag:$0x1] =	stream.indirect.gather [hbm4b:s3+s8], $0x80, s26, s8, $0xb8;
	[tilespmem:$0x15400] =	vst v63  }
0x1b: {  	_ =	swait.ge [sflag:s14], $0x4000  }
0x1c: {  	[sflag:s14] =	ssyncset.done $0x0  }
0x1d: {  	s28 =	sadd.s32 $0xFFFFE000, s6;
	[sflag:s14] =	ssyncadd.s32 $0xFFFFC000  }
0x1e: {  	[hbm4b:s28+s2] =	stream.linear.scatter [tilespmem:s9], [sflag:$0x2], $0x4000, $0x38;
	[tilespmem:$0x15400] =	vst v63  }
0x1f: {  	_ =	swait.ge [sflag:s14], $0x4000  }
0x20: {  	[sflag:s14] =	ssyncset.done $0x0  }
0x21: {  	s29 =	sadd.s32 $0xFFFFE800, s6;
	[sflag:s14] =	ssyncadd.s32 $0xFFFFC000  }
0x22: {  	[hbm4b:s29+s2] =	stream.linear.scatter [tilespmem:s10], [sflag:$0x2], $0x4000, $0x38;
	[tilespmem:$0x15400] =	vst v63  }
0x23: {  	_ =	swait.ge [sflag:s14], $0x4000  }
0x24: {  	[sflag:s14] =	ssyncset.done $0x0  }
0x25: {  	s30 =	sadd.s32 $0xFFFFF000, s6;
	[sflag:s14] =	ssyncadd.s32 $0xFFFFC000  }
0x26: {  	[hbm4b:s30+s2] =	stream.linear.scatter [tilespmem:s11], [sflag:$0x2], $0x4000, $0x38;
	[tilespmem:$0x15400] =	vst v63  }
0x27: {  	_ =	swait.ge [sflag:s14], $0x4000  }
0x28: {  	[sflag:s14] =	ssyncset.done $0x0  }
0x29: {  	s31 =	sadd.s32 $0xFFFFF800, s6;
	[sflag:s14] =	ssyncadd.s32 $0xFFFFC000  }
0x2a: {  	[hbm4b:s31+s2] =	stream.linear.scatter [tilespmem:s12], [sflag:$0x2], $0x4000, $0x38;
	[tilespmem:$0x15400] =	vst v63  }
0x2b: {  	_ =	swait.ge [sflag:s14], $0x4000  }
0x2c: {  	[sflag:s14] =	ssyncset.done $0x0  }
0x2d: {  	[sflag:s14] =	ssyncadd.s32 $0xFFFFC000  }
0x2e: {  	[hbm4b:s6+s2] =	stream.linear.scatter [tilespmem:s13], [sflag:$0x2], $0x4000, $0x38;
	[tilespmem:$0x15400] =	vst v63  }
0x2f: {  	_ =	swait.ge [sflag:s15], $0x4000  }
0x30: {  	[sflag:s15] =	ssyncset.done $0x0  }
0x31: {  	[sflag:s15] =	ssyncadd.s32 $0xFFFFC000  }
0x32: {  	_ =	swait.ge [sflag:s15], $0x4000  }
0x33: {  	[sflag:s15] =	ssyncset.done $0x0  }
0x34: {  	[sflag:s15] =	ssyncadd.s32 $0xFFFFC000  }
0x35: {  	_ =	swait.ge [sflag:s15], $0x4000  }
0x36: {  	[sflag:s15] =	ssyncset.done $0x0  }
0x37: {  	[sflag:s15] =	ssyncadd.s32 $0xFFFFC000  }
0x38: {  	_ =	swait.ge [sflag:s15], $0x4000  }
0x39: {  	[sflag:s15] =	ssyncset.done $0x0  }
0x3a: {  	[sflag:s15] =	ssyncadd.s32 $0xFFFFC000  }
0x3b: {  	s18 =	simm.s32 $0xA00;
	_ =	swait.ge [sflag:s15], $0x4000  }
0x3c: {  	s20 =	simm.s32 $0x1400;
	s17 =	sadd.s32 $0x2800, s6;
	[sflag:s15] =	ssyncset.done $0x0  }
.LBB2_2:
0x3d: {  	s21 =	sshra.s32 s18, $0x2  }
0x3e: {  	[sflag:s15] =	ssyncadd.s32 $0xFFFFC000;
	s18 =	smov.u32 s20;
	s19 =	sadd.s32 $0xA00, s20  }
0x3f: {  	[tilespmem:s9], [sflag:$0x1] =	stream.indirect.gather [hbm4b:s3+s8], $0x80, s21, s8, $0xb8;
	[tilespmem:$0x15400] =	vst v63  }
0x40: {  	p0 =	sne.s32 s20, $0x4600;
	s20 =	sadd.s32 $0x80, s21  }
0x41: {  	[tilespmem:s10], [sflag:$0x1] =	stream.indirect.gather [hbm4b:s3+s8], $0x80, s20, s8, $0xb8;
	[tilespmem:$0x15400] =	vst v63  }
0x42: {  	s20 =	sadd.s32 $0x100, s21  }
0x43: {  	[tilespmem:s11], [sflag:$0x1] =	stream.indirect.gather [hbm4b:s3+s8], $0x80, s20, s8, $0xb8;
	[tilespmem:$0x15400] =	vst v63  }
0x44: {  	s20 =	sadd.s32 $0x180, s21  }
0x45: {  	[tilespmem:s12], [sflag:$0x1] =	stream.indirect.gather [hbm4b:s3+s8], $0x80, s20, s8, $0xb8;
	[tilespmem:$0x15400] =	vst v63  }
0x46: {  	s20 =	sadd.s32 $0x200, s21  }
0x47: {  	[tilespmem:s13], [sflag:$0x1] =	stream.indirect.gather [hbm4b:s3+s8], $0x80, s20, s8, $0xb8;
	[tilespmem:$0x15400] =	vst v63  }
0x48: {  	_ =	swait.ge [sflag:s14], $0x4000  }
0x49: {  	[sflag:s14] =	ssyncset.done $0x0  }
0x4a: {  	s20 =	sadd.s32 $0xFFFFE000, s17;
	[sflag:s14] =	ssyncadd.s32 $0xFFFFC000  }
0x4b: {  	[hbm4b:s20+s2] =	stream.linear.scatter [tilespmem:s9], [sflag:$0x2], $0x4000, $0x38;
	[tilespmem:$0x15400] =	vst v63  }
0x4c: {  	_ =	swait.ge [sflag:s14], $0x4000  }
0x4d: {  	[sflag:s14] =	ssyncset.done $0x0  }
0x4e: {  	s20 =	sadd.s32 $0xFFFFE800, s17;
	[sflag:s14] =	ssyncadd.s32 $0xFFFFC000  }
0x4f: {  	[hbm4b:s20+s2] =	stream.linear.scatter [tilespmem:s10], [sflag:$0x2], $0x4000, $0x38;
	[tilespmem:$0x15400] =	vst v63  }
0x50: {  	_ =	swait.ge [sflag:s14], $0x4000  }
0x51: {  	[sflag:s14] =	ssyncset.done $0x0  }
0x52: {  	s20 =	sadd.s32 $0xFFFFF000, s17;
	[sflag:s14] =	ssyncadd.s32 $0xFFFFC000  }
0x53: {  	[hbm4b:s20+s2] =	stream.linear.scatter [tilespmem:s11], [sflag:$0x2], $0x4000, $0x38;
	[tilespmem:$0x15400] =	vst v63  }
0x54: {  	_ =	swait.ge [sflag:s14], $0x4000  }
0x55: {  	[sflag:s14] =	ssyncset.done $0x0  }
0x56: {  	s20 =	sadd.s32 $0xFFFFF800, s17;
	[sflag:s14] =	ssyncadd.s32 $0xFFFFC000  }
0x57: {  	[hbm4b:s20+s2] =	stream.linear.scatter [tilespmem:s12], [sflag:$0x2], $0x4000, $0x38;
	[tilespmem:$0x15400] =	vst v63  }
0x58: {  	_ =	swait.ge [sflag:s14], $0x4000  }
0x59: {  	[sflag:s14] =	ssyncset.done $0x0  }
0x5a: {  	[sflag:s14] =	ssyncadd.s32 $0xFFFFC000  }
0x5b: {  	[hbm4b:s17+s2] =	stream.linear.scatter [tilespmem:s13], [sflag:$0x2], $0x4000, $0x38;
	[tilespmem:$0x15400] =	vst v63  }
0x5c: {  	_ =	swait.ge [sflag:s15], $0x4000  }
0x5d: {  	[sflag:s15] =	ssyncset.done $0x0  }
0x5e: {  	[sflag:s15] =	ssyncadd.s32 $0xFFFFC000  }
0x5f: {  	_ =	swait.ge [sflag:s15], $0x4000  }
0x60: {  	[sflag:s15] =	ssyncset.done $0x0  }
0x61: {  	[sflag:s15] =	ssyncadd.s32 $0xFFFFC000  }
0x62: {  	_ =	swait.ge [sflag:s15], $0x4000  }
0x63: {  	[sflag:s15] =	ssyncset.done $0x0  }
0x64: {  	[sflag:s15] =	ssyncadd.s32 $0xFFFFC000  }
.Ltmp0:
0x65: {  	_ =	swait.ge [sflag:s15], $0x4000;
	(pc) =	sbr.rel @p0 .LBB2_2-.Ltmp0, $4  }
0x66: {  	[sflag:s15] =	ssyncset.done $0x0  }
0x67: {  	[sflag:s15] =	ssyncadd.s32 $0xFFFFC000  }
0x68: {  	_ =	swait.ge [sflag:s15], $0x4000  }
0x69: {  	s20 =	smov.u32 s19;
	s17 =	sadd.s32 $0x2800, s17;
	[sflag:s15] =	ssyncset.done $0x0  }
0x6a: {  	s18 =	sshra.s32 s18, $0x2;
	[sflag:s15] =	ssyncadd.s32 $0xFFFFC000  }
0x6b: {  	[tilespmem:s9], [sflag:$0x1] =	stream.indirect.gather [hbm4b:s3+s8], $0x80, s18, s8, $0xb8;
	[tilespmem:$0x15400] =	vst v63  }
0x6c: {  	s19 =	sadd.s32 $0x80, s18  }
0x6d: {  	[tilespmem:s10], [sflag:$0x1] =	stream.indirect.gather [hbm4b:s3+s8], $0x80, s19, s8, $0xb8;
	[tilespmem:$0x15400] =	vst v63  }
0x6e: {  	s25 =	sadd.s32 $0x100, s18  }
0x6f: {  	[tilespmem:s11], [sflag:$0x1] =	stream.indirect.gather [hbm4b:s3+s8], $0x80, s25, s8, $0xb8;
	[tilespmem:$0x15400] =	vst v63  }
0x70: {  	s26 =	sadd.s32 $0x180, s18  }
0x71: {  	[tilespmem:s12], [sflag:$0x1] =	stream.indirect.gather [hbm4b:s3+s8], $0x80, s26, s8, $0xb8;
	[tilespmem:$0x15400] =	vst v63  }
0x72: {  	s18 =	sadd.s32 $0x200, s18  }
0x73: {  	[tilespmem:s13], [sflag:$0x1] =	stream.indirect.gather [hbm4b:s3+s8], $0x80, s18, s8, $0xb8;
	[tilespmem:$0x15400] =	vst v63  }
0x74: {  	_ =	swait.ge [sflag:s14], $0x4000  }
0x75: {  	[sflag:s14] =	ssyncset.done $0x0  }
0x76: {  	s28 =	sadd.s32 $0xFFFFE000, s17;
	[sflag:s14] =	ssyncadd.s32 $0xFFFFC000  }
0x77: {  	[hbm4b:s28+s2] =	stream.linear.scatter [tilespmem:s9], [sflag:$0x2], $0x4000, $0x38;
	[tilespmem:$0x15400] =	vst v63  }
0x78: {  	_ =	swait.ge [sflag:s14], $0x4000  }
0x79: {  	[sflag:s14] =	ssyncset.done $0x0  }
0x7a: {  	s29 =	sadd.s32 $0xFFFFE800, s17;
	[sflag:s14] =	ssyncadd.s32 $0xFFFFC000  }
0x7b: {  	[hbm4b:s29+s2] =	stream.linear.scatter [tilespmem:s10], [sflag:$0x2], $0x4000, $0x38;
	[tilespmem:$0x15400] =	vst v63  }
0x7c: {  	_ =	swait.ge [sflag:s14], $0x4000  }
0x7d: {  	[sflag:s14] =	ssyncset.done $0x0  }
0x7e: {  	s30 =	sadd.s32 $0xFFFFF000, s17;
	[sflag:s14] =	ssyncadd.s32 $0xFFFFC000  }
0x7f: {  	[hbm4b:s30+s2] =	stream.linear.scatter [tilespmem:s11], [sflag:$0x2], $0x4000, $0x38;
	[tilespmem:$0x15400] =	vst v63  }
0x80: {  	_ =	swait.ge [sflag:s14], $0x4000  }
0x81: {  	[sflag:s14] =	ssyncset.done $0x0  }
0x82: {  	s31 =	sadd.s32 $0xFFFFF800, s17;
	[sflag:s14] =	ssyncadd.s32 $0xFFFFC000  }
0x83: {  	[hbm4b:s31+s2] =	stream.linear.scatter [tilespmem:s12], [sflag:$0x2], $0x4000, $0x38;
	[tilespmem:$0x15400] =	vst v63  }
0x84: {  	_ =	swait.ge [sflag:s14], $0x4000  }
0x85: {  	[sflag:s14] =	ssyncset.done $0x0  }
0x86: {  	[sflag:s14] =	ssyncadd.s32 $0xFFFFC000  }
0x87: {  	[hbm4b:s17+s2] =	stream.linear.scatter [tilespmem:s13], [sflag:$0x2], $0x4000, $0x38;
	[tilespmem:$0x15400] =	vst v63  }
0x88: {  	_ =	swait.ge [sflag:s15], $0x4000  }
0x89: {  	[sflag:s15] =	ssyncset.done $0x0  }
0x8a: {  	[sflag:s15] =	ssyncadd.s32 $0xFFFFC000  }
0x8b: {  	_ =	swait.ge [sflag:s15], $0x4000  }
0x8c: {  	[sflag:s15] =	ssyncset.done $0x0  }
0x8d: {  	[sflag:s15] =	ssyncadd.s32 $0xFFFFC000  }
0x8e: {  	_ =	swait.ge [sflag:s15], $0x4000  }
0x8f: {  	[sflag:s15] =	ssyncset.done $0x0  }
0x90: {  	s16 =	sadd.s32 $0x1, s16;
	[sflag:s15] =	ssyncadd.s32 $0xFFFFC000  }
0x91: {  	p0 =	sne.s32 s16, s5;
	_ =	swait.ge [sflag:s15], $0x4000  }
.Ltmp1:
0x92: {  	[sflag:s15] =	ssyncset.done $0x0;
	(pc) =	sbr.rel @p0 .LBB2_1-.Ltmp1, $4  }
0x93: {  	[sflag:s15] =	ssyncadd.s32 $0xFFFFC000  }
0x94: {  	_ =	swait.ge [sflag:s15], $0x4000  }
0x95: {  	[sflag:s15] =	ssyncset.done $0x0  }
0x96: {  	[sflag:s15] =	ssyncadd.s32 $0xFFFFC000  }
0x97: {  	_ =	sfence.sel $0x180000  }
0x98: {  	[bflag:$0x0] =	sbarrier.arrive $0xFFFF  }
0x99: {  	p0 =	sne.s32 s1, $0x0;
	_ =	strace $0x9000004D  }
0x9a: {  	s0 =	sadd.s32 @!p0 $0x100000, s0;
	[bflag:$0x2] =	sbarrier.arrive $0xFFFF  }
0x9b: {  	[sflag:s0] =	ssyncadd.tile.s32 @!p0 $0x1;
	_ =	shalt  }
.Lfunc_end2:
_tile_overlayer_lowered:
.L_overlay_start_2:
0x9c: {  	(tag) =	ssettag $0x2  }
0x9d: {  	s0 =	rddreg [dreg:$0x0];
	s2 =	stileid.u32  }
0x9e: {  	s1 =	rddreg [dreg:$0x1];
	p0 =	sne.s32 s2, $0x0  }
0x9f: {  	s3 =	rddreg [dreg:$0x2];
	[bflag:$0x3] =	sbarrier.arrive $0xFFFF;
	s2 =	simm.s32 @!p0 $0x1C03  }
0xa0: {  	[timem:s3], [sflag:s2] =	dma.local @!p0 [hbm:s0], s1  }
0xa1: {  	s0 =	simm.s32 @!p0 $0x3  }
0xa2: {  	_ =	swait.ge @!p0 [sflag:s0], s1  }
0xa3: {  	s1 =	ssub.s32 @!p0 $0x0, s1;
	[sflag:s0] =	ssyncset.done @!p0 $0x0  }
0xa4: {  	[sflag:s0] =	ssyncadd.s32 @!p0 s1  }
0xa5: {  	[bflag:$0x3] =	sbarrier.arrive $0xFFFF  }
0xa6: {  	_ =	shalt  }

// kernel: kernel.17.cloned.1.call-start
scs
__scs_entry_jumppad:
0x0: {  	(pc) =	sbr.rel $0x88, $3  }
0x1: {  	(tag) =	ssettag $0x0;
	lr =	simm.s32 $0x1  }
0x2: {  	[smem:$0x3F91] =	sst lr;
	_ =	strace $0xD0000000  }
0x3: {  	_ = 	snop  }
0x4: {  	_ = 	snop  }
0x5: {  	_ = 	snop  }
0x6: {  	_ = 	snop  }
0x7: {  	_ = 	snop  }
__scs_overlays_trampoline_lowered:
0x8: {  	[smem:$0x3FA0] =	sst s0  }
0x9: {  	[smem:$0x3FA1] =	sst s1  }
0xa: {  	[smem:$0x3FA2] =	sst s2  }
0xb: {  	[smem:$0x3FA3] =	sst s3  }
0xc: {  	[smem:$0x3FA4] =	sst s4  }
0xd: {  	[smem:$0x3FA5] =	sst s5  }
0xe: {  	[smem:$0x3FA6] =	sst s6  }
0xf: {  	[smem:$0x3FA7] =	sst s7  }
0x10: {  	[smem:$0x3FA8] =	sst s8  }
0x11: {  	[smem:$0x3FA9] =	sst s9;
	s0 =	simm.s32 @!p0 $0x0  }
0x12: {  	s1 =	sld [smem:$0x3F8F];
	s0 =	simm.s32 @p0 $0x1  }
0x13: {  	[smem:$0x3FAA] =	sst s0;
	s0 =	simm.s32 @!p1 $0x0  }
0x14: {  	s2 =	sld [smem:$0x3F8E];
	s0 =	simm.s32 @p1 $0x1  }
0x15: {  	[smem:$0x3FAB] =	sst s0;
	s0 =	simm.s32 @!p2 $0x0  }
0x16: {  	s3 =	sld [smem:$0x3FDB];
	s0 =	simm.s32 @p2 $0x1  }
0x17: {  	s4 =	simm.s32 $0x1BF5;
	[smem:$0x3FAD] =	sst s0  }
0x18: {  	s0 =	sld [smem:$0x3F90];
	_ =	swait.ge [sflag:s4], $0x0  }
0x19: {  	s7 =	sld [smem:$0x3F91]  }
0x1a: {  	s8 =	sadd.s32 $0xFFFFE003, lr  }
0x1b: {  	s9 =	sadd.s32 $0xFFFFFEF7, lr;
	s5 =	simm.s32 $0xFFFFFFFF;
	p2 =	slt.u32 s8, $0xFFFFF086  }
0x1c: {  	p1 =	slt.u32 s9, $0xF7A;
	s5 =	simm.s32 @!p2 $0x0  }
0x1d: {  	s5 =	simm.s32 @p1 $0x1;
	p0 =	seq.s32 s7, s2  }
0x1e: {  	s7 =	smul.u32 @!p0 $0xF7A, s2;
	p2 =	seq.s32 @!p0 s5, $0x0  }
0x1f: {  	s9 =	smul.u32 $0xF7A, s1;
	s8 =	simm.s32 @!p0 $0x1BF5;
	p2 =	por !p2, p0  }
0x20: {  	[sflag:s8] =	ssyncset.s32 @!p0 $0xFFFFF086;
	s6 =	sadd.s32 @!p0 s3, s7;
	s7 =	simm.s32 @!p0 $0x108  }
0x21: {  	s3 =	sadd.s32 s3, s9;
	s6 =	sadd.s32 @!p0 $0x88, s6;
	s7 =	simm.s32 @p2 $0x1082  }
0x22: {  	[simem:s7], [sflag:s8] =	dma.local @!p0 [hbm:s6], $0xF7A  }
0x23: {  	s9 =	sor.u32 $0xD0000000, s2;
	s6 =	simm.s32 $0x108;
	_ =	swait.ge @!p0 [sflag:s8], $0x0  }
0x24: {  	s3 =	sadd.s32 $0x88, s3;
	s6 =	simm.s32 @!p1 $0x1082;
	[sflag:s4] =	ssyncset.s32 $0xFFFFF086  }
0x25: {  	[simem:s6], [sflag:s4] =	dma.local [hbm:s3], $0xF7A  }
0x26: {  	[smem:$0x3F91] =	sst s1;
	(tag) =	ssettag s2;
	_ =	strace s9  }
0x27: {  	s1 =	sld [smem:$0x3FA1]  }
0x28: {  	s2 =	sld [smem:$0x3FA2]  }
0x29: {  	s4 =	sld [smem:$0x3FA4]  }
0x2a: {  	p0 =	seq.s32 s5, $0x0;
	s5 =	sld [smem:$0x3FA5]  }
0x2b: {  	s6 =	sld [smem:$0x3FA6]  }
0x2c: {  	s7 =	sld [smem:$0x3FA7]  }
0x2d: {  	s3 =	simm.s32 $0x108;
	s8 =	sld [smem:$0x3FA8]  }
0x2e: {  	s3 =	simm.s32 @!p0 $0x1082;
	s9 =	sld [smem:$0x3FA9]  }
0x2f: {  	lr =	sadd.s32 s0, s3;
	s0 =	sld [smem:$0x3FA0]  }
0x30: {  	s3 =	sld [smem:$0x3FA3]  }
0x31: {  	[smem:$0x3FAC] =	sst s10  }
0x32: {  	s10 =	sld [smem:$0x3FAA];
	_ =	sdelay $0x3  }
0x33: {  	p0 =	seq.s32 s10, $0x1;
	s10 =	sld [smem:$0x3FAC];
	_ =	sdelay $0x3  }
0x34: {  	[smem:$0x3FAC] =	sst s10  }
0x35: {  	s10 =	sld [smem:$0x3FAB];
	_ =	sdelay $0x3  }
0x36: {  	p1 =	seq.s32 s10, $0x1;
	s10 =	sld [smem:$0x3FAC];
	_ =	sdelay $0x3  }
0x37: {  	[smem:$0x3FAC] =	sst s10  }
0x38: {  	s10 =	sld [smem:$0x3FAD]  }
0x39: {  	_ = 	snop;
	(pc) =	sbr.ind lr, $3  }
0x3a: {  	_ = 	snop  }
0x3b: {  	_ = 	snop  }
0x3c: {  	p2 =	seq.s32 s10, $0x1;
	s10 =	sld [smem:$0x3FAC]  }
0x3d: {  	_ =	shalt  }
0x3e: {  	_ =	shalt  }
0x3f: {  	_ =	shalt  }
0x40: {  	_ =	shalt  }
0x41: {  	_ =	shalt  }
0x42: {  	_ =	shalt  }
0x43: {  	_ =	shalt  }
0x44: {  	_ =	shalt  }
0x45: {  	_ =	shalt  }
0x46: {  	_ =	shalt  }
0x47: {  	_ =	shalt  }
0x48: {  	_ =	shalt  }
0x49: {  	_ =	shalt  }
0x4a: {  	_ =	shalt  }
0x4b: {  	_ =	shalt  }
0x4c: {  	_ =	shalt  }
0x4d: {  	_ =	shalt  }
0x4e: {  	_ =	shalt  }
0x4f: {  	_ =	shalt  }
0x50: {  	_ =	shalt  }
0x51: {  	_ =	shalt  }
0x52: {  	_ =	shalt  }
0x53: {  	_ =	shalt  }
0x54: {  	_ =	shalt  }
0x55: {  	_ =	shalt  }
0x56: {  	_ =	shalt  }
0x57: {  	_ =	shalt  }
0x58: {  	_ =	shalt  }
0x59: {  	_ =	shalt  }
0x5a: {  	_ =	shalt  }
0x5b: {  	_ =	shalt  }
0x5c: {  	_ =	shalt  }
0x5d: {  	_ =	shalt  }
0x5e: {  	_ =	shalt  }
0x5f: {  	_ =	shalt  }
0x60: {  	_ =	shalt  }
0x61: {  	_ =	shalt  }
0x62: {  	_ =	shalt  }
0x63: {  	_ =	shalt  }
0x64: {  	_ =	shalt  }
0x65: {  	_ =	shalt  }
0x66: {  	_ =	shalt  }
0x67: {  	_ =	shalt  }
0x68: {  	_ =	shalt  }
0x69: {  	_ =	shalt  }
0x6a: {  	_ =	shalt  }
0x6b: {  	_ =	shalt  }
0x6c: {  	_ =	shalt  }
0x6d: {  	_ =	shalt  }
0x6e: {  	_ =	shalt  }
0x6f: {  	_ =	shalt  }
0x70: {  	_ =	shalt  }
0x71: {  	_ =	shalt  }
0x72: {  	_ =	shalt  }
0x73: {  	_ =	shalt  }
0x74: {  	_ =	shalt  }
0x75: {  	_ =	shalt  }
0x76: {  	_ =	shalt  }
0x77: {  	_ =	shalt  }
0x78: {  	_ =	shalt  }
0x79: {  	_ =	shalt  }
0x7a: {  	_ =	shalt  }
0x7b: {  	_ =	shalt  }
0x7c: {  	_ =	shalt  }
0x7d: {  	_ =	shalt  }
0x7e: {  	_ =	shalt  }
0x7f: {  	_ =	shalt  }
0x80: {  	_ =	shalt  }
0x81: {  	_ =	shalt  }
0x82: {  	_ =	shalt  }
0x83: {  	_ =	shalt  }
0x84: {  	_ =	shalt  }
0x85: {  	_ =	shalt  }
0x86: {  	_ =	shalt  }
0x87: {  	_ =	shalt  }
.Lfunc_end0:
.L_simem_size_0:
called_computation.4_lowered:
.L_overlay_start_0:
0x88: {  	s2 =	sld [smem:$0x3FD9]  }
0x89: {  	s3 =	sld [smem:$0x3FFE];
	_ =	sdelay $0x1  }
0x8a: {  	s1 =	srdreg.scid  }
0x8b: {  	s0 =	sand.u32 $0x1, s1  }
0x8c: {  	s14 =	sshll.u32 s0, $0xA;
	s2 =	sadd.s32 s3, s2  }
0x8d: {  	s2 =	sadd.s32 s2, s14  }
0x8e: {  	[smem:$0x3FB8] =	sst s2  }
0x8f: {  	_ = 	snop  }
0x90: {  	s2 =	sld [smem:$0x3FD0];
	_ =	sdelay $0x2  }
0x91: {  	s15 =	simm.s32 $0xA;
	s4 =	simm.s32 $0x10  }
0x92: {  	[smem:s4], [sflag:s15] =	dma.local [hbm:s2], $0x1  }
0x93: {  	_ =	swait.eq [sflag:s15], $0x1  }
0x94: {  	[sflag:s15] =	ssyncset.done $0x0  }
0x95: {  	[sflag:s15] =	ssyncadd.s32 $0xFFFFFFFF  }
0x96: {  	s16 =	sld [smem:$0x12];
	(tm) =	ssettm $0x1  }
0x97: {  	s17 =	sld [smem:$0x3FFB];
	_ =	sdelay $0x3  }
0x98: {  	_ =	strace s17  }
0x99: {  	s3 =	sld [smem:$0x3FFC];
	_ =	sdelay $0x3  }
0x9a: {  	_ =	strace s3  }
0x9b: {  	s3 =	sld [smem:$0x3FFD];
	_ =	sdelay $0x3  }
0x9c: {  	_ =	strace s3  }
0x9d: {  	_ =	strace $0x8FFFFFFF  }
0x9e: {  	s18 =	sld [smem:$0x3FDB];
	_ =	sdelay $0x1  }
0x9f: {  	s19 =	simm.s32 $_scs_section_size  }
0xa0: {  	s5 =	simm.s32 $_size__tile_overlayer_lowered;
	s6 =	simm.s32 $_tile_overlayer_lowered  }
0xa1: {  	s22 =	simm.s32 $0x1BFF;
	s21 =	sshll.u32 s6, $0x1;
	s3 =	sadd.s32 s19, s18  }
0xa2: {  	s7 =	simm.s32 $0x0;
	s20 =	sshll.u32 s5, $0x1;
	s5 =	sadd.s32 s21, s3  }
0xa3: {  	[timem:s7], [sflag:s22] =	dma.local [hbm:s5], s20  }
0xa4: {  	_ =	swait.ge [sflag:s22], s20  }
0xa5: {  	s4 =	ssub.s32 $0x0, s20;
	[sflag:s22] =	ssyncset.done $0x0  }
0xa6: {  	[sflag:s22] =	ssyncadd.s32 s4;
	_ =	sdelay $0x1  }
0xa7: {  	s23 =	simm.s32 $0x1B8B  }
0xa8: {  	_ =	swait.ge [sflag:s23], $0x1  }
0xa9: {  	[sflag:s23] =	ssyncset.done $0x0  }
0xaa: {  	s25 =	simm.s32 $0x1B8E;
	s24 =	sld [smem:$0x3FFE];
	[sflag:s23] =	ssyncadd.s32 $0xFFFFFFFF  }
0xab: {  	s26 =	simm.s32 $execute0_lowered;
	[smem:$0x3FD2] =	sst s25  }
0xac: {  	s5 =	sshll.u32 s26, $0x1;
	_ =	strace $0x8000004F;
	[dreg:$0x1] =	wrdreg $0xFFFFFFFF  }
0xad: {  	s28 =	simm.s32 $_size_execute0_lowered;
	s3 =	sadd.s32 s3, s5;
	[dreg:$0x0] =	wrdreg $0x0  }
0xae: {  	s5 =	sshll.u32 s28, $0x1;
	[dreg:$0x2] =	wrdreg s3  }
0xaf: {  	[dreg:$0x3] =	wrdreg s5  }
0xb0: {  	[dreg:$0x4] =	wrdreg $0xC0  }
0xb1: {  	_ =	task [dreg:s7], $0x5FFFF  }
0xb2: {  	[dreg:$0x1] =	wrdreg $0xFFFFFFFF  }
0xb3: {  	[dreg:$0x0] =	wrdreg $0x60  }
0xb4: {  	[dreg:$0x2] =	wrdreg s16  }
0xb5: {  	[dreg:$0x3] =	wrdreg s24  }
0xb6: {  	[dreg:$0x4] =	wrdreg $0x9  }
0xb7: {  	_ =	task.clear_ibuf [dreg:s7], $0x5FFFF;
	_ =	strace $0x9000004F  }
0xb8: {  	s29 =	simm.s32 $0x9;
	_ =	strace $0x80000051  }
0xb9: {  	_ =	swait.ge [sflag:s29], $0x1  }
0xba: {  	[sflag:s29] =	ssyncadd.s32 $0xFFFFFFFF  }
0xbb: {  	_ =	strace $0x90000051  }
0xbc: {  	_ =	sfence  }
0xbd: {  	s30 =	sld [smem:$0x0];
	_ =	sdelay $0x2  }
0xbe: {  	s31 =	sshll.u32 s1, $0xD;
	s1 =	sshrl.u32 s1, $0x2  }
0xbf: {  	s3 =	sand.u32 $0x4000, s31;
	s1 =	sadd.s32 s1, s30  }
0xc0: {  	s0 =	sor.u32 s3, s0;
	s1 =	sshll.u32 s1, $0x11  }
0xc1: {  	s0 =	sor.u32 s1, s0  }
0xc2: {  	s0 =	sadd.s32 $0x8F2B, s0  }
0xc3: {  	[sflag:s0] =	ssyncadd.remote.s32 $0x1  }
0xc4: {  	_ =	sfence.sel $0xFFFF  }
0xc5: {  	[dreg:$0x0] =	wrdreg $0xFFFFFFFF;
	(pc) =	sbr.abs _section_cstart, $3  }
0xc6: {  	[dreg:$0x1] =	wrdreg $0xFFFFFFFF  }
0xc7: {  	_ =	task.clear_ibuf [dreg:s7], $0x2FFFF;
	_ =	strace $0x9FFFFFFF  }
0xc8: {  	(tm) =	ssettm $0x7FFFFFFF  }
0xc9: {  	_ =	shalt  }
tec
execute0_lowered:
.L_overlay_start_1:
0x0: {  	(tag) =	ssettag $0x1  }
0x1: {  	s4 =	rddreg [dreg:$0x0]  }
0x2: {  	s5 =	rddreg [dreg:$0x1]  }
0x3: {  	s0 =	rddreg [dreg:$0x2];
	s1 =	stileid.u32  }
0x4: {  	s3 =	srdreg.scid;
	s2 =	simm.s32 $0x0;
	s10 =	simm.s32 $0x5400  }
0x5: {  	s11 =	simm.s32 $0x9400;
	s12 =	simm.s32 $0xD400;
	s13 =	simm.s32 $0x11400  }
0x6: {  	s14 =	simm.s32 $0x1;
	s15 =	simm.s32 $0x2;
	s6 =	sand.u32 $0x1, s3  }
0x7: {  	s30 =	sshll.u32 s1, $0x1;
	[smem:$0x7FF] =	sst s2;
	s7 =	smul.u32 $0x28000, s1  }
0x8: {  	s3 =	sor.u32 s6, s30;
	s9 =	ssub.s32 $0x2, s6;
	s6 =	smul.u32 $0x14000, s6  }
0x9: {  	s16 =	simm.s32 $0x0;
	_ =	strace $0x80000050;
	s8 =	smul.u32 $0x1400, s3  }
0xa: {  	s3 =	sadd.s32 $0x4400, s5;
	s5 =	sadd.s32 s7, s5;
	s31 =	sshrl.u32 s9, $0x1  }
0xb: {  	s7 =	ssub.s32 s9, s31;
	s6 =	sadd.s32 s6, s5;
	s9 =	simm.s32 $0x1400  }
0xc: {  	s8 =	sshrl.u32 s8, $0x3;
	s5 =	smax.u32 s7, $0x1;
	s6 =	sadd.s32 $0x59000, s6  }
0xd: {  	s7 =	simm.s32 $0x3;
	s4 =	sadd.s32 s4, s8;
	s8 =	simm.s32 $0x80  }
.LBB2_1:
0xe: {  	[tilespmem:s2], [sflag:$0x3] =	stream.linear.gather [hbm4b:s4+s2], $0x1400, $0x38;
	[tilespmem:$0x15400] =	vst v63  }
0xf: {  	_ =	swait.ge [sflag:s7], $0x1400  }
0x10: {  	[sflag:s7] =	ssyncset.done $0x0  }
0x11: {  	s17 =	simm.s32 $0x0;
	[sflag:s7] =	ssyncadd.s32 $0xFFFFEC00  }
0x12: {  	[tilespmem:s9], [sflag:$0x1] =	stream.indirect.gather [hbm4b:s3+s8], $0x80, s17, s8, $0xb8;
	[tilespmem:$0x15400] =	vst v63  }
0x13: {  	s23 =	simm.s32 $0x80  }
0x14: {  	[tilespmem:s10], [sflag:$0x1] =	stream.indirect.gather [hbm4b:s3+s8], $0x80, s23, s8, $0xb8;
	[tilespmem:$0x15400] =	vst v63  }
0x15: {  	s24 =	simm.s32 $0x100  }
0x16: {  	[tilespmem:s11], [sflag:$0x1] =	stream.indirect.gather [hbm4b:s3+s8], $0x80, s24, s8, $0xb8;
	[tilespmem:$0x15400] =	vst v63  }
0x17: {  	s25 =	simm.s32 $0x180  }
0x18: {  	[tilespmem:s12], [sflag:$0x1] =	stream.indirect.gather [hbm4b:s3+s8], $0x80, s25, s8, $0xb8;
	[tilespmem:$0x15400] =	vst v63  }
0x19: {  	s26 =	simm.s32 $0x200  }
0x1a: {  	[tilespmem:s13], [sflag:$0x1] =	stream.indirect.gather [hbm4b:s3+s8], $0x80, s26, s8, $0xb8;
	[tilespmem:$0x15400] =	vst v63  }
0x1b: {  	_ =	swait.ge [sflag:s14], $0x4000  }
0x1c: {  	[sflag:s14] =	ssyncset.done $0x0  }
0x1d: {  	s28 =	sadd.s32 $0xFFFFE000, s6;
	[sflag:s14] =	ssyncadd.s32 $0xFFFFC000  }
0x1e: {  	[hbm4b:s28+s2] =	stream.linear.scatter [tilespmem:s9], [sflag:$0x2], $0x4000, $0x38;
	[tilespmem:$0x15400] =	vst v63  }
0x1f: {  	_ =	swait.ge [sflag:s14], $0x4000  }
0x20: {  	[sflag:s14] =	ssyncset.done $0x0  }
0x21: {  	s29 =	sadd.s32 $0xFFFFE800, s6;
	[sflag:s14] =	ssyncadd.s32 $0xFFFFC000  }
0x22: {  	[hbm4b:s29+s2] =	stream.linear.scatter [tilespmem:s10], [sflag:$0x2], $0x4000, $0x38;
	[tilespmem:$0x15400] =	vst v63  }
0x23: {  	_ =	swait.ge [sflag:s14], $0x4000  }
0x24: {  	[sflag:s14] =	ssyncset.done $0x0  }
0x25: {  	s30 =	sadd.s32 $0xFFFFF000, s6;
	[sflag:s14] =	ssyncadd.s32 $0xFFFFC000  }
0x26: {  	[hbm4b:s30+s2] =	stream.linear.scatter [tilespmem:s11], [sflag:$0x2], $0x4000, $0x38;
	[tilespmem:$0x15400] =	vst v63  }
0x27: {  	_ =	swait.ge [sflag:s14], $0x4000  }
0x28: {  	[sflag:s14] =	ssyncset.done $0x0  }
0x29: {  	s31 =	sadd.s32 $0xFFFFF800, s6;
	[sflag:s14] =	ssyncadd.s32 $0xFFFFC000  }
0x2a: {  	[hbm4b:s31+s2] =	stream.linear.scatter [tilespmem:s12], [sflag:$0x2], $0x4000, $0x38;
	[tilespmem:$0x15400] =	vst v63  }
0x2b: {  	_ =	swait.ge [sflag:s14], $0x4000  }
0x2c: {  	[sflag:s14] =	ssyncset.done $0x0  }
0x2d: {  	[sflag:s14] =	ssyncadd.s32 $0xFFFFC000  }
0x2e: {  	[hbm4b:s6+s2] =	stream.linear.scatter [tilespmem:s13], [sflag:$0x2], $0x4000, $0x38;
	[tilespmem:$0x15400] =	vst v63  }
0x2f: {  	_ =	swait.ge [sflag:s15], $0x4000  }
0x30: {  	[sflag:s15] =	ssyncset.done $0x0  }
0x31: {  	[sflag:s15] =	ssyncadd.s32 $0xFFFFC000  }
0x32: {  	_ =	swait.ge [sflag:s15], $0x4000  }
0x33: {  	[sflag:s15] =	ssyncset.done $0x0  }
0x34: {  	[sflag:s15] =	ssyncadd.s32 $0xFFFFC000  }
0x35: {  	_ =	swait.ge [sflag:s15], $0x4000  }
0x36: {  	[sflag:s15] =	ssyncset.done $0x0  }
0x37: {  	[sflag:s15] =	ssyncadd.s32 $0xFFFFC000  }
0x38: {  	_ =	swait.ge [sflag:s15], $0x4000  }
0x39: {  	[sflag:s15] =	ssyncset.done $0x0  }
0x3a: {  	[sflag:s15] =	ssyncadd.s32 $0xFFFFC000  }
0x3b: {  	s18 =	simm.s32 $0xA00;
	_ =	swait.ge [sflag:s15], $0x4000  }
0x3c: {  	s20 =	simm.s32 $0x1400;
	s17 =	sadd.s32 $0x2800, s6;
	[sflag:s15] =	ssyncset.done $0x0  }
.LBB2_2:
0x3d: {  	s21 =	sshra.s32 s18, $0x2  }
0x3e: {  	[sflag:s15] =	ssyncadd.s32 $0xFFFFC000;
	s18 =	smov.u32 s20;
	s19 =	sadd.s32 $0xA00, s20  }
0x3f: {  	[tilespmem:s9], [sflag:$0x1] =	stream.indirect.gather [hbm4b:s3+s8], $0x80, s21, s8, $0xb8;
	[tilespmem:$0x15400] =	vst v63  }
0x40: {  	p0 =	sne.s32 s20, $0x4600;
	s20 =	sadd.s32 $0x80, s21  }
0x41: {  	[tilespmem:s10], [sflag:$0x1] =	stream.indirect.gather [hbm4b:s3+s8], $0x80, s20, s8, $0xb8;
	[tilespmem:$0x15400] =	vst v63  }
0x42: {  	s20 =	sadd.s32 $0x100, s21  }
0x43: {  	[tilespmem:s11], [sflag:$0x1] =	stream.indirect.gather [hbm4b:s3+s8], $0x80, s20, s8, $0xb8;
	[tilespmem:$0x15400] =	vst v63  }
0x44: {  	s20 =	sadd.s32 $0x180, s21  }
0x45: {  	[tilespmem:s12], [sflag:$0x1] =	stream.indirect.gather [hbm4b:s3+s8], $0x80, s20, s8, $0xb8;
	[tilespmem:$0x15400] =	vst v63  }
0x46: {  	s20 =	sadd.s32 $0x200, s21  }
0x47: {  	[tilespmem:s13], [sflag:$0x1] =	stream.indirect.gather [hbm4b:s3+s8], $0x80, s20, s8, $0xb8;
	[tilespmem:$0x15400] =	vst v63  }
0x48: {  	_ =	swait.ge [sflag:s14], $0x4000  }
0x49: {  	[sflag:s14] =	ssyncset.done $0x0  }
0x4a: {  	s20 =	sadd.s32 $0xFFFFE000, s17;
	[sflag:s14] =	ssyncadd.s32 $0xFFFFC000  }
0x4b: {  	[hbm4b:s20+s2] =	stream.linear.scatter [tilespmem:s9], [sflag:$0x2], $0x4000, $0x38;
	[tilespmem:$0x15400] =	vst v63  }
0x4c: {  	_ =	swait.ge [sflag:s14], $0x4000  }
0x4d: {  	[sflag:s14] =	ssyncset.done $0x0  }
0x4e: {  	s20 =	sadd.s32 $0xFFFFE800, s17;
	[sflag:s14] =	ssyncadd.s32 $0xFFFFC000  }
0x4f: {  	[hbm4b:s20+s2] =	stream.linear.scatter [tilespmem:s10], [sflag:$0x2], $0x4000, $0x38;
	[tilespmem:$0x15400] =	vst v63  }
0x50: {  	_ =	swait.ge [sflag:s14], $0x4000  }
0x51: {  	[sflag:s14] =	ssyncset.done $0x0  }
0x52: {  	s20 =	sadd.s32 $0xFFFFF000, s17;
	[sflag:s14] =	ssyncadd.s32 $0xFFFFC000  }
0x53: {  	[hbm4b:s20+s2] =	stream.linear.scatter [tilespmem:s11], [sflag:$0x2], $0x4000, $0x38;
	[tilespmem:$0x15400] =	vst v63  }
0x54: {  	_ =	swait.ge [sflag:s14], $0x4000  }
0x55: {  	[sflag:s14] =	ssyncset.done $0x0  }
0x56: {  	s20 =	sadd.s32 $0xFFFFF800, s17;
	[sflag:s14] =	ssyncadd.s32 $0xFFFFC000  }
0x57: {  	[hbm4b:s20+s2] =	stream.linear.scatter [tilespmem:s12], [sflag:$0x2], $0x4000, $0x38;
	[tilespmem:$0x15400] =	vst v63  }
0x58: {  	_ =	swait.ge [sflag:s14], $0x4000  }
0x59: {  	[sflag:s14] =	ssyncset.done $0x0  }
0x5a: {  	[sflag:s14] =	ssyncadd.s32 $0xFFFFC000  }
0x5b: {  	[hbm4b:s17+s2] =	stream.linear.scatter [tilespmem:s13], [sflag:$0x2], $0x4000, $0x38;
	[tilespmem:$0x15400] =	vst v63  }
0x5c: {  	_ =	swait.ge [sflag:s15], $0x4000  }
0x5d: {  	[sflag:s15] =	ssyncset.done $0x0  }
0x5e: {  	[sflag:s15] =	ssyncadd.s32 $0xFFFFC000  }
0x5f: {  	_ =	swait.ge [sflag:s15], $0x4000  }
0x60: {  	[sflag:s15] =	ssyncset.done $0x0  }
0x61: {  	[sflag:s15] =	ssyncadd.s32 $0xFFFFC000  }
0x62: {  	_ =	swait.ge [sflag:s15], $0x4000  }
0x63: {  	[sflag:s15] =	ssyncset.done $0x0  }
0x64: {  	[sflag:s15] =	ssyncadd.s32 $0xFFFFC000  }
.Ltmp0:
0x65: {  	_ =	swait.ge [sflag:s15], $0x4000;
	(pc) =	sbr.rel @p0 .LBB2_2-.Ltmp0, $4  }
0x66: {  	[sflag:s15] =	ssyncset.done $0x0  }
0x67: {  	[sflag:s15] =	ssyncadd.s32 $0xFFFFC000  }
0x68: {  	_ =	swait.ge [sflag:s15], $0x4000  }
0x69: {  	s20 =	smov.u32 s19;
	s17 =	sadd.s32 $0x2800, s17;
	[sflag:s15] =	ssyncset.done $0x0  }
0x6a: {  	s18 =	sshra.s32 s18, $0x2;
	[sflag:s15] =	ssyncadd.s32 $0xFFFFC000  }
0x6b: {  	[tilespmem:s9], [sflag:$0x1] =	stream.indirect.gather [hbm4b:s3+s8], $0x80, s18, s8, $0xb8;
	[tilespmem:$0x15400] =	vst v63  }
0x6c: {  	s19 =	sadd.s32 $0x80, s18  }
0x6d: {  	[tilespmem:s10], [sflag:$0x1] =	stream.indirect.gather [hbm4b:s3+s8], $0x80, s19, s8, $0xb8;
	[tilespmem:$0x15400] =	vst v63  }
0x6e: {  	s25 =	sadd.s32 $0x100, s18  }
0x6f: {  	[tilespmem:s11], [sflag:$0x1] =	stream.indirect.gather [hbm4b:s3+s8], $0x80, s25, s8, $0xb8;
	[tilespmem:$0x15400] =	vst v63  }
0x70: {  	s26 =	sadd.s32 $0x180, s18  }
0x71: {  	[tilespmem:s12], [sflag:$0x1] =	stream.indirect.gather [hbm4b:s3+s8], $0x80, s26, s8, $0xb8;
	[tilespmem:$0x15400] =	vst v63  }
0x72: {  	s18 =	sadd.s32 $0x200, s18  }
0x73: {  	[tilespmem:s13], [sflag:$0x1] =	stream.indirect.gather [hbm4b:s3+s8], $0x80, s18, s8, $0xb8;
	[tilespmem:$0x15400] =	vst v63  }
0x74: {  	_ =	swait.ge [sflag:s14], $0x4000  }
0x75: {  	[sflag:s14] =	ssyncset.done $0x0  }
0x76: {  	s28 =	sadd.s32 $0xFFFFE000, s17;
	[sflag:s14] =	ssyncadd.s32 $0xFFFFC000  }
0x77: {  	[hbm4b:s28+s2] =	stream.linear.scatter [tilespmem:s9], [sflag:$0x2], $0x4000, $0x38;
	[tilespmem:$0x15400] =	vst v63  }
0x78: {  	_ =	swait.ge [sflag:s14], $0x4000  }
0x79: {  	[sflag:s14] =	ssyncset.done $0x0  }
0x7a: {  	s29 =	sadd.s32 $0xFFFFE800, s17;
	[sflag:s14] =	ssyncadd.s32 $0xFFFFC000  }
0x7b: {  	[hbm4b:s29+s2] =	stream.linear.scatter [tilespmem:s10], [sflag:$0x2], $0x4000, $0x38;
	[tilespmem:$0x15400] =	vst v63  }
0x7c: {  	_ =	swait.ge [sflag:s14], $0x4000  }
0x7d: {  	[sflag:s14] =	ssyncset.done $0x0  }
0x7e: {  	s30 =	sadd.s32 $0xFFFFF000, s17;
	[sflag:s14] =	ssyncadd.s32 $0xFFFFC000  }
0x7f: {  	[hbm4b:s30+s2] =	stream.linear.scatter [tilespmem:s11], [sflag:$0x2], $0x4000, $0x38;
	[tilespmem:$0x15400] =	vst v63  }
0x80: {  	_ =	swait.ge [sflag:s14], $0x4000  }
0x81: {  	[sflag:s14] =	ssyncset.done $0x0  }
0x82: {  	s31 =	sadd.s32 $0xFFFFF800, s17;
	[sflag:s14] =	ssyncadd.s32 $0xFFFFC000  }
0x83: {  	[hbm4b:s31+s2] =	stream.linear.scatter [tilespmem:s12], [sflag:$0x2], $0x4000, $0x38;
	[tilespmem:$0x15400] =	vst v63  }
0x84: {  	_ =	swait.ge [sflag:s14], $0x4000  }
0x85: {  	[sflag:s14] =	ssyncset.done $0x0  }
0x86: {  	[sflag:s14] =	ssyncadd.s32 $0xFFFFC000  }
0x87: {  	[hbm4b:s17+s2] =	stream.linear.scatter [tilespmem:s13], [sflag:$0x2], $0x4000, $0x38;
	[tilespmem:$0x15400] =	vst v63  }
0x88: {  	_ =	swait.ge [sflag:s15], $0x4000  }
0x89: {  	[sflag:s15] =	ssyncset.done $0x0  }
0x8a: {  	[sflag:s15] =	ssyncadd.s32 $0xFFFFC000  }
0x8b: {  	_ =	swait.ge [sflag:s15], $0x4000  }
0x8c: {  	[sflag:s15] =	ssyncset.done $0x0  }
0x8d: {  	[sflag:s15] =	ssyncadd.s32 $0xFFFFC000  }
0x8e: {  	_ =	swait.ge [sflag:s15], $0x4000  }
0x8f: {  	[sflag:s15] =	ssyncset.done $0x0  }
0x90: {  	s16 =	sadd.s32 $0x1, s16;
	[sflag:s15] =	ssyncadd.s32 $0xFFFFC000  }
0x91: {  	p0 =	sne.s32 s16, s5;
	_ =	swait.ge [sflag:s15], $0x4000  }
.Ltmp1:
0x92: {  	[sflag:s15] =	ssyncset.done $0x0;
	(pc) =	sbr.rel @p0 .LBB2_1-.Ltmp1, $4  }
0x93: {  	[sflag:s15] =	ssyncadd.s32 $0xFFFFC000  }
0x94: {  	_ =	swait.ge [sflag:s15], $0x4000  }
0x95: {  	[sflag:s15] =	ssyncset.done $0x0  }
0x96: {  	[sflag:s15] =	ssyncadd.s32 $0xFFFFC000  }
0x97: {  	_ =	sfence.sel $0x180000  }
0x98: {  	[bflag:$0x0] =	sbarrier.arrive $0xFFFF  }
0x99: {  	p0 =	sne.s32 s1, $0x0;
	_ =	strace $0x90000050  }
0x9a: {  	s0 =	sadd.s32 @!p0 $0x100000, s0;
	[bflag:$0x2] =	sbarrier.arrive $0xFFFF  }
0x9b: {  	[sflag:s0] =	ssyncadd.tile.s32 @!p0 $0x1;
	_ =	shalt  }
.Lfunc_end2:
_tile_overlayer_lowered:
.L_overlay_start_2:
0x9c: {  	(tag) =	ssettag $0x2  }
0x9d: {  	s0 =	rddreg [dreg:$0x0];
	s2 =	stileid.u32  }
0x9e: {  	s1 =	rddreg [dreg:$0x1];
	p0 =	sne.s32 s2, $0x0  }
0x9f: {  	s3 =	rddreg [dreg:$0x2];
	[bflag:$0x3] =	sbarrier.arrive $0xFFFF;
	s2 =	simm.s32 @!p0 $0x1C03  }
0xa0: {  	[timem:s3], [sflag:s2] =	dma.local @!p0 [hbm:s0], s1  }
0xa1: {  	s0 =	simm.s32 @!p0 $0x3  }
0xa2: {  	_ =	swait.ge @!p0 [sflag:s0], s1  }
0xa3: {  	s1 =	ssub.s32 @!p0 $0x0, s1;
	[sflag:s0] =	ssyncset.done @!p0 $0x0  }
0xa4: {  	[sflag:s0] =	ssyncadd.s32 @!p0 s1  }
0xa5: {  	[bflag:$0x3] =	sbarrier.arrive $0xFFFF  }
0xa6: {  	_ =	shalt  }

// kernel: scatter_offload_async_start
scs
__scs_entry_jumppad:
0x0: {  	(pc) =	sbr.rel $0x88, $3  }
0x1: {  	(tag) =	ssettag $0x0;
	lr =	simm.s32 $0x1  }
0x2: {  	[smem:$0x3F91] =	sst lr;
	_ =	strace $0xD0000000  }
0x3: {  	_ = 	snop  }
0x4: {  	_ = 	snop  }
0x5: {  	_ = 	snop  }
0x6: {  	_ = 	snop  }
0x7: {  	_ = 	snop  }
__scs_overlays_trampoline_lowered:
0x8: {  	[smem:$0x3FA0] =	sst s0  }
0x9: {  	[smem:$0x3FA1] =	sst s1  }
0xa: {  	[smem:$0x3FA2] =	sst s2  }
0xb: {  	[smem:$0x3FA3] =	sst s3  }
0xc: {  	[smem:$0x3FA4] =	sst s4  }
0xd: {  	[smem:$0x3FA5] =	sst s5  }
0xe: {  	[smem:$0x3FA6] =	sst s6  }
0xf: {  	[smem:$0x3FA7] =	sst s7  }
0x10: {  	[smem:$0x3FA8] =	sst s8  }
0x11: {  	[smem:$0x3FA9] =	sst s9;
	s0 =	simm.s32 @!p0 $0x0  }
0x12: {  	s1 =	sld [smem:$0x3F8F];
	s0 =	simm.s32 @p0 $0x1  }
0x13: {  	[smem:$0x3FAA] =	sst s0;
	s0 =	simm.s32 @!p1 $0x0  }
0x14: {  	s2 =	sld [smem:$0x3F8E];
	s0 =	simm.s32 @p1 $0x1  }
0x15: {  	[smem:$0x3FAB] =	sst s0;
	s0 =	simm.s32 @!p2 $0x0  }
0x16: {  	s3 =	sld [smem:$0x3FDB];
	s0 =	simm.s32 @p2 $0x1  }
0x17: {  	s4 =	simm.s32 $0x1BF5;
	[smem:$0x3FAD] =	sst s0  }
0x18: {  	s0 =	sld [smem:$0x3F90];
	_ =	swait.ge [sflag:s4], $0x0  }
0x19: {  	s7 =	sld [smem:$0x3F91]  }
0x1a: {  	s8 =	sadd.s32 $0xFFFFE003, lr  }
0x1b: {  	s9 =	sadd.s32 $0xFFFFFEF7, lr;
	s5 =	simm.s32 $0xFFFFFFFF;
	p2 =	slt.u32 s8, $0xFFFFF086  }
0x1c: {  	p1 =	slt.u32 s9, $0xF7A;
	s5 =	simm.s32 @!p2 $0x0  }
0x1d: {  	s5 =	simm.s32 @p1 $0x1;
	p0 =	seq.s32 s7, s2  }
0x1e: {  	s7 =	smul.u32 @!p0 $0xF7A, s2;
	p2 =	seq.s32 @!p0 s5, $0x0  }
0x1f: {  	s9 =	smul.u32 $0xF7A, s1;
	s8 =	simm.s32 @!p0 $0x1BF5;
	p2 =	por !p2, p0  }
0x20: {  	[sflag:s8] =	ssyncset.s32 @!p0 $0xFFFFF086;
	s6 =	sadd.s32 @!p0 s3, s7;
	s7 =	simm.s32 @!p0 $0x108  }
0x21: {  	s3 =	sadd.s32 s3, s9;
	s6 =	sadd.s32 @!p0 $0x88, s6;
	s7 =	simm.s32 @p2 $0x1082  }
0x22: {  	[simem:s7], [sflag:s8] =	dma.local @!p0 [hbm:s6], $0xF7A  }
0x23: {  	s9 =	sor.u32 $0xD0000000, s2;
	s6 =	simm.s32 $0x108;
	_ =	swait.ge @!p0 [sflag:s8], $0x0  }
0x24: {  	s3 =	sadd.s32 $0x88, s3;
	s6 =	simm.s32 @!p1 $0x1082;
	[sflag:s4] =	ssyncset.s32 $0xFFFFF086  }
0x25: {  	[simem:s6], [sflag:s4] =	dma.local [hbm:s3], $0xF7A  }
0x26: {  	[smem:$0x3F91] =	sst s1;
	(tag) =	ssettag s2;
	_ =	strace s9  }
0x27: {  	s1 =	sld [smem:$0x3FA1]  }
0x28: {  	s2 =	sld [smem:$0x3FA2]  }
0x29: {  	s4 =	sld [smem:$0x3FA4]  }
0x2a: {  	p0 =	seq.s32 s5, $0x0;
	s5 =	sld [smem:$0x3FA5]  }
0x2b: {  	s6 =	sld [smem:$0x3FA6]  }
0x2c: {  	s7 =	sld [smem:$0x3FA7]  }
0x2d: {  	s3 =	simm.s32 $0x108;
	s8 =	sld [smem:$0x3FA8]  }
0x2e: {  	s3 =	simm.s32 @!p0 $0x1082;
	s9 =	sld [smem:$0x3FA9]  }
0x2f: {  	lr =	sadd.s32 s0, s3;
	s0 =	sld [smem:$0x3FA0]  }
0x30: {  	s3 =	sld [smem:$0x3FA3]  }
0x31: {  	[smem:$0x3FAC] =	sst s10  }
0x32: {  	s10 =	sld [smem:$0x3FAA];
	_ =	sdelay $0x3  }
0x33: {  	p0 =	seq.s32 s10, $0x1;
	s10 =	sld [smem:$0x3FAC];
	_ =	sdelay $0x3  }
0x34: {  	[smem:$0x3FAC] =	sst s10  }
0x35: {  	s10 =	sld [smem:$0x3FAB];
	_ =	sdelay $0x3  }
0x36: {  	p1 =	seq.s32 s10, $0x1;
	s10 =	sld [smem:$0x3FAC];
	_ =	sdelay $0x3  }
0x37: {  	[smem:$0x3FAC] =	sst s10  }
0x38: {  	s10 =	sld [smem:$0x3FAD]  }
0x39: {  	_ = 	snop;
	(pc) =	sbr.ind lr, $3  }
0x3a: {  	_ = 	snop  }
0x3b: {  	_ = 	snop  }
0x3c: {  	p2 =	seq.s32 s10, $0x1;
	s10 =	sld [smem:$0x3FAC]  }
0x3d: {  	_ =	shalt  }
0x3e: {  	_ =	shalt  }
0x3f: {  	_ =	shalt  }
0x40: {  	_ =	shalt  }
0x41: {  	_ =	shalt  }
0x42: {  	_ =	shalt  }
0x43: {  	_ =	shalt  }
0x44: {  	_ =	shalt  }
0x45: {  	_ =	shalt  }
0x46: {  	_ =	shalt  }
0x47: {  	_ =	shalt  }
0x48: {  	_ =	shalt  }
0x49: {  	_ =	shalt  }
0x4a: {  	_ =	shalt  }
0x4b: {  	_ =	shalt  }
0x4c: {  	_ =	shalt  }
0x4d: {  	_ =	shalt  }
0x4e: {  	_ =	shalt  }
0x4f: {  	_ =	shalt  }
0x50: {  	_ =	shalt  }
0x51: {  	_ =	shalt  }
0x52: {  	_ =	shalt  }
0x53: {  	_ =	shalt  }
0x54: {  	_ =	shalt  }
0x55: {  	_ =	shalt  }
0x56: {  	_ =	shalt  }
0x57: {  	_ =	shalt  }
0x58: {  	_ =	shalt  }
0x59: {  	_ =	shalt  }
0x5a: {  	_ =	shalt  }
0x5b: {  	_ =	shalt  }
0x5c: {  	_ =	shalt  }
0x5d: {  	_ =	shalt  }
0x5e: {  	_ =	shalt  }
0x5f: {  	_ =	shalt  }
0x60: {  	_ =	shalt  }
0x61: {  	_ =	shalt  }
0x62: {  	_ =	shalt  }
0x63: {  	_ =	shalt  }
0x64: {  	_ =	shalt  }
0x65: {  	_ =	shalt  }
0x66: {  	_ =	shalt  }
0x67: {  	_ =	shalt  }
0x68: {  	_ =	shalt  }
0x69: {  	_ =	shalt  }
0x6a: {  	_ =	shalt  }
0x6b: {  	_ =	shalt  }
0x6c: {  	_ =	shalt  }
0x6d: {  	_ =	shalt  }
0x6e: {  	_ =	shalt  }
0x6f: {  	_ =	shalt  }
0x70: {  	_ =	shalt  }
0x71: {  	_ =	shalt  }
0x72: {  	_ =	shalt  }
0x73: {  	_ =	shalt  }
0x74: {  	_ =	shalt  }
0x75: {  	_ =	shalt  }
0x76: {  	_ =	shalt  }
0x77: {  	_ =	shalt  }
0x78: {  	_ =	shalt  }
0x79: {  	_ =	shalt  }
0x7a: {  	_ =	shalt  }
0x7b: {  	_ =	shalt  }
0x7c: {  	_ =	shalt  }
0x7d: {  	_ =	shalt  }
0x7e: {  	_ =	shalt  }
0x7f: {  	_ =	shalt  }
0x80: {  	_ =	shalt  }
0x81: {  	_ =	shalt  }
0x82: {  	_ =	shalt  }
0x83: {  	_ =	shalt  }
0x84: {  	_ =	shalt  }
0x85: {  	_ =	shalt  }
0x86: {  	_ =	shalt  }
0x87: {  	_ =	shalt  }
.Lfunc_end0:
.L_simem_size_0:
called_computation_lowered:
.L_overlay_start_0:
0x88: {  	s0 =	sld [smem:$0x3FD9]  }
0x89: {  	s1 =	sld [smem:$0x3FFE];
	_ =	sdelay $0x3  }
0x8a: {  	s0 =	sadd.s32 s1, s0  }
0x8b: {  	[smem:$0x3FB8] =	sst s0  }
0x8c: {  	_ = 	snop  }
0x8d: {  	s0 =	sld [smem:$0x3FD0];
	_ =	sdelay $0x2  }
0x8e: {  	s13 =	simm.s32 $0xA;
	s2 =	simm.s32 $0x10  }
0x8f: {  	[smem:s2], [sflag:s13] =	dma.local [hbm:s0], $0x1  }
0x90: {  	_ =	swait.eq [sflag:s13], $0x1  }
0x91: {  	[sflag:s13] =	ssyncset.done $0x0  }
0x92: {  	s14 =	sld [smem:$0x11];
	[sflag:s13] =	ssyncadd.s32 $0xFFFFFFFF  }
0x93: {  	s15 =	sld [smem:$0x12];
	(tm) =	ssettm $0x1  }
0x94: {  	s16 =	sld [smem:$0x3FFB];
	_ =	sdelay $0x3  }
0x95: {  	_ =	strace s16  }
0x96: {  	s2 =	sld [smem:$0x3FFC];
	_ =	sdelay $0x3  }
0x97: {  	_ =	strace s2  }
0x98: {  	s2 =	sld [smem:$0x3FFD];
	_ =	sdelay $0x3  }
0x99: {  	_ =	strace s2  }
0x9a: {  	_ =	strace $0x8FFFFFFF  }
0x9b: {  	s17 =	sld [smem:$0x3FDB];
	_ =	sdelay $0x1  }
0x9c: {  	s3 =	simm.s32 $_scs_section_size  }
0x9d: {  	s4 =	simm.s32 $_size__tile_overlayer_lowered;
	s5 =	simm.s32 $_tile_overlayer_lowered  }
0x9e: {  	s20 =	simm.s32 $0x1BFF;
	s19 =	sshll.u32 s5, $0x1;
	s2 =	sadd.s32 s3, s17  }
0x9f: {  	s6 =	simm.s32 $0x0;
	s18 =	sshll.u32 s4, $0x1;
	s4 =	sadd.s32 s19, s2  }
0xa0: {  	[timem:s6], [sflag:s20] =	dma.local [hbm:s4], s18  }
0xa1: {  	_ =	swait.ge [sflag:s20], s18  }
0xa2: {  	s3 =	ssub.s32 $0x0, s18;
	[sflag:s20] =	ssyncset.done $0x0  }
0xa3: {  	[sflag:s20] =	ssyncadd.s32 s3;
	_ =	sdelay $0x1  }
0xa4: {  	s21 =	simm.s32 $0x1B8B  }
0xa5: {  	_ =	swait.ge [sflag:s21], $0x1  }
0xa6: {  	[sflag:s21] =	ssyncset.done $0x0  }
0xa7: {  	s23 =	simm.s32 $0x1B8E;
	s22 =	sld [smem:$0x3FFE];
	[sflag:s21] =	ssyncadd.s32 $0xFFFFFFFF  }
0xa8: {  	s24 =	simm.s32 $execute0_lowered;
	[smem:$0x3FD2] =	sst s23  }
0xa9: {  	s4 =	sshll.u32 s24, $0x1;
	_ =	strace $0x80000046;
	[dreg:$0x1] =	wrdreg $0xFFFFFFFF  }
0xaa: {  	s25 =	simm.s32 $_size_execute0_lowered;
	s2 =	sadd.s32 s2, s4;
	[dreg:$0x0] =	wrdreg $0x0  }
0xab: {  	s4 =	sshll.u32 s25, $0x1;
	[dreg:$0x2] =	wrdreg s2  }
0xac: {  	[dreg:$0x3] =	wrdreg s4  }
0xad: {  	[dreg:$0x4] =	wrdreg $0xC0  }
0xae: {  	_ =	task [dreg:s6], $0x5FFFF  }
0xaf: {  	[dreg:$0x1] =	wrdreg $0xFFFFFFFF  }
0xb0: {  	[dreg:$0x0] =	wrdreg $0x60  }
0xb1: {  	[dreg:$0x2] =	wrdreg s14  }
0xb2: {  	[dreg:$0x3] =	wrdreg s15  }
0xb3: {  	[dreg:$0x4] =	wrdreg s22  }
0xb4: {  	[dreg:$0x5] =	wrdreg $0x9  }
0xb5: {  	_ =	task.clear_ibuf [dreg:s6], $0x6FFFF;
	_ =	strace $0x90000046  }
0xb6: {  	s26 =	simm.s32 $0x9;
	_ =	strace $0x80000048  }
0xb7: {  	_ =	swait.ge [sflag:s26], $0x1  }
0xb8: {  	[sflag:s26] =	ssyncadd.s32 $0xFFFFFFFF  }
0xb9: {  	_ =	strace $0x90000048  }
0xba: {  	_ =	sfence  }
0xbb: {  	s28 =	sld [smem:$0x0];
	_ =	sdelay $0x1  }
0xbc: {  	s29 =	srdreg.scid  }
0xbd: {  	s30 =	sshll.u32 s29, $0xD;
	s31 =	sshrl.u32 s29, $0x2  }
0xbe: {  	s1 =	sand.u32 $0x1, s29;
	s2 =	sand.u32 $0x4000, s30;
	s0 =	sadd.s32 s31, s28  }
0xbf: {  	s1 =	sor.u32 s2, s1;
	s0 =	sshll.u32 s0, $0x11  }
0xc0: {  	s0 =	sor.u32 s0, s1  }
0xc1: {  	s0 =	sadd.s32 $0x8F2B, s0  }
0xc2: {  	[sflag:s0] =	ssyncadd.remote.s32 $0x1  }
0xc3: {  	_ =	sfence.sel $0xFFFF  }
0xc4: {  	[dreg:$0x0] =	wrdreg $0xFFFFFFFF;
	(pc) =	sbr.abs _section_cstart, $3  }
0xc5: {  	[dreg:$0x1] =	wrdreg $0xFFFFFFFF  }
0xc6: {  	_ =	task.clear_ibuf [dreg:s6], $0x2FFFF;
	_ =	strace $0x9FFFFFFF  }
0xc7: {  	(tm) =	ssettm $0x7FFFFFFF  }
tec
execute0_lowered:
.L_overlay_start_1:
0x0: {  	(tag) =	ssettag $0x1  }
0x1: {  	s1 =	rddreg [dreg:$0x0]  }
0x2: {  	s2 =	rddreg [dreg:$0x1]  }
0x3: {  	s7 =	rddreg [dreg:$0x2]  }
0x4: {  	s0 =	rddreg [dreg:$0x3]  }
0x5: {  	s4 =	stileid.u32;
	_ =	strace $0x80000047;
	s5 =	simm.s32 $0x3E  }
0x6: {  	p0 =	sne.s32 s4, $0x0;
	[sflag:s5] =	ssyncpa.u1 $0x0  }
0x7: {  	s30 =	smin.u32 s4, $0x9;
	s3 =	simm.s32 @!p0 $0x1C3E;
	s6 =	simm.s32 @!p0 $0x0  }
0x8: {  	[spmem:s6], [sflag:s3] =	dma.local @!p0 [hbm:s1], $0x20  }
0x9: {  	s3 =	sadd.s32 s4, s30  }
0xa: {  	p1 =	slt.u32 s4, $0x9;
	s4 =	simm.s32 $0x320;
	s3 =	smul.u32 $0x190, s3  }
0xb: {  	s4 =	simm.s32 @!p1 $0x190  }
0xc: {  	s4 =	sadd.s32 s4, s3  }
0xd: {  	s4 =	smin.u32 s4, $0x2710  }
0xe: {  	s8 =	ssub.s32 s4, s3  }
0xf: {  	p1 =	sgt.s32 s8, $0x0  }
0x10: {  	s8 =	simm.s32 @!p1 $0x0  }
0x11: {  	s9 =	sand.u32 $0xFFF0, s8  }
0x12: {  	s9 =	sshrl.u32 s9, $0x4  }
0x13: {  	s6 =	simm.s32 @!p0 $0x3E;
	s31 =	smul.u32 $0xA3E, s9  }
0x14: {  	_ =	swait.ge @!p0 [sflag:s6], $0x20  }
0x15: {  	[sflag:s6] =	ssyncset.done @!p0 $0x0;
	s9 =	sshrl.u32 s31, $0x10  }
0x16: {  	s11 =	simm.s32 $0x0;
	[sflag:s6] =	ssyncadd.s32 @!p0 $0xFFFFFFE0;
	s10 =	smul.u32 $0x190, s9  }
.Ltmp0:
0x17: {  	s7 =	sadd.s32 $0x56C00, s7;
	[bflag:$0x0] =	sbarrier.arrive $0xFFFF;
	(pc) =	sbr.rel .LBB2_1-.Ltmp0, $4  }
0x18: {  	s6 =	simm.s32 $0x2;
	[sflag:s5] =	ssyncpa.u1 $0x1;
	s5 =	simm.s32 $0x1  }
0x19: {  	[sflag:s5] =	ssyncpa.u1 $0x0;
	p1 =	sne.s32 s8, s10;
	s8 =	simm.s32 $0x1  }
0x1a: {  	(ifvalue) =	ssetifvalue $0x100;
	[sflag:s6] =	ssyncpa.u1 $0x0;
	s8 =	simm.s32 @!p1 $0x0  }
0x1b: {  	vm0 =	vmmov $0xffff;
	s10 =	smov.u32 s3;
	s8 =	sadd.s32 s9, s8;
	s9 =	simm.s32 $0x0  }
.LBB2_5:
0x1c: {  	p2 =	sne.s32 s11, s8  }
.Ltmp1:
0x1d: {  	_ = 	snop;
	(pc) =	sbr.rel @!p2 .LBB2_6-.Ltmp1, $4  }
0x1e: {  	_ = 	snop  }
0x1f: {  	s12 =	sadd.s32 $0x190, s10  }
0x20: {  	s10 =	smov.u32 s3;
	s13 =	sadd.s32 $0x1, s11;
	p1 =	slt.s32 s12, s4  }
0x21: {  	s11 =	smov.u32 s13;
	s10 =	smov.u32 @p1 s12  }
.LBB2_1:
0x22: {  	p1 =	sge.u32 s11, s8  }
0x23: {  	s12 =	sxor.u32 @!p1 $0xFFFFFFFF, s11  }
0x24: {  	s12 =	sand.u32 @!p1 $0x1, s12  }
0x25: {  	s12 =	smul.u32 @!p1 $0x190, s12  }
0x26: {  	s13 =	sshrl.u32 @!p1 s10, $0x3  }
0x27: {  	s16 =	sand.u32 @!p1 $0x7, s10;
	s14 =	sadd.s32 @!p1 s2, s13;
	s15 =	sadd.s32 @!p1 $0x10, s12  }
0x28: {  	[tilespmem:s15], [sflag:$0x2] =	stream.linear.gather @!p1 [hbm4b:s14+s16], $0x190, $0x38;
	[tilespmem:$0x650] =	vst v63  }
0x29: {  	s13 =	sadd.s32 @!p1 s7, s13;
	s12 =	sadd.s32 @!p1 $0x330, s12  }
0x2a: {  	[tilespmem:s12], [sflag:$0x2] =	stream.linear.gather @!p1 [hbm4b:s13+s16], $0x190, $0x38;
	[tilespmem:$0x650] =	vst v63  }
0x2b: {  	p1 =	seq.s32 s11, $0x0  }
.Ltmp2:
0x2c: {  	_ = 	snop;
	(pc) =	sbr.rel @p1 .LBB2_5-.Ltmp2, $1  }
0x2d: {  	_ =	sdelay $0x3  }
0x2e: {  	s12 =	sand.u32 $0x1, s11  }
0x2f: {  	_ =	swait.ge [sflag:s6], $0x320;
	p1 =	seq.s32 s12, $0x1;
	s12 =	simm.s32 $0x190  }
0x30: {  	[sflag:s6] =	ssyncset.done $0x0;
	s12 =	simm.s32 @!p1 $0x0  }
0x31: {  	[sflag:s6] =	ssyncadd.s32 $0xFFFFFCE0;
	s14 =	sadd.s32 $0x10, s12  }
0x32: {  	v0 =	vld.msk [tilespmem:s14+$0x0 ss:$0x1], $0xffff;
	_ =	sdelay $0x4  }
0x33: {  	v0 =	vmin.u32 v0, $0x100;
	_ =	sdelay $0x3  }
0x34: {  	s13 =	simm.s32 $0x0;
	s12 =	sadd.s32 $0x330, s12;
	s14 =	sadd.s32 $0x10, s14  }
0x35: {  	[spmem:s9] =	stream.indirect_vreg.scatter.add.s32 [tilespmem:s12], [sflag:$0x1], $0x1, v0, vm0, $0x4038;
	[tilespmem:$0x650] =	vst v63  }
.LBB2_3:
0x36: {  	v0 =	vld.msk [tilespmem:s14+$0x0 ss:$0x1], $0xffff;
	s13 =	sadd.s32 $0x10, s13  }
0x37: {  	p1 =	slt.u32 s13, $0x180;
	_ =	sdelay $0x4  }
0x38: {  	v0 =	vmin.u32 v0, $0x100  }
.Ltmp3:
0x39: {  	(pc) =	sbr.rel @p1 .LBB2_3-.Ltmp3, $3  }
0x3a: {  	_ =	sdelay $0x1  }
0x3b: {  	s14 =	sadd.s32 $0x10, s14;
	s12 =	sadd.s32 $0x10, s12  }
0x3c: {  	[spmem:s9] =	stream.indirect_vreg.scatter.add.s32 [tilespmem:s12], [sflag:$0x1], $0x1, v0, vm0, $0x4038;
	[tilespmem:$0x650] =	vst v63  }
.Ltmp4:
0x3d: {  	(pc) =	sbr.rel .LBB2_5-.Ltmp4, $4  }
0x3e: {  	_ = 	snop  }
0x3f: {  	_ =	swait.ge [sflag:s5], $0x190  }
0x40: {  	[sflag:s5] =	ssyncset.done $0x0  }
0x41: {  	[sflag:s5] =	ssyncadd.s32 $0xFFFFFE70  }
.LBB2_6:
0x42: {  	_ =	sfence.sel $0x180000  }
0x43: {  	s2 =	simm.s32 $0x2;
	[bflag:$0x0] =	sbarrier.arrive $0xFFFF  }
0x44: {  	s30 =	simm.s32 $0x1;
	[sflag:s2] =	ssyncpa.u1 $0x1  }
0x45: {  	[sflag:s30] =	ssyncpa.u1 $0x1  }
0x46: {  	_ =	sfence.stream.spmem  }
0x47: {  	s31 =	simm.s32 $0x3D;
	[bflag:$0x0] =	sbarrier.arrive $0xFFFF  }
0x48: {  	s2 =	simm.s32 @p0 $0x3D;
	[sflag:s31] =	ssyncpa.u1 $0x0  }
0x49: {  	[sflag:s2] =	ssyncpa.u1 @p0 $0x1  }
0x4a: {  	[bflag:$0x0] =	sbarrier.arrive @p0 $0xFFFF  }
0x4b: {  	_ =	strace @p0 $0x90000047  }
0x4c: {  	s3 =	simm.s32 @!p0 $0x1C3D;
	s2 =	simm.s32 @!p0 $0x0;
	[bflag:$0x2] =	sbarrier.arrive @p0 $0xFFFF  }
0x4d: {  	[hbm:s1], [sflag:s3] =	dma.local @!p0 [spmem:s2], $0x20  }
0x4e: {  	s1 =	simm.s32 @!p0 $0x3D  }
0x4f: {  	_ =	swait.ge @!p0 [sflag:s1], $0x20  }
0x50: {  	[sflag:s1] =	ssyncset.done @!p0 $0x0  }
0x51: {  	[sflag:s1] =	ssyncadd.s32 @!p0 $0xFFFFFFE0  }
0x52: {  	[sflag:s1] =	ssyncpa.u1 @!p0 $0x1  }
0x53: {  	[bflag:$0x0] =	sbarrier.arrive @!p0 $0xFFFF  }
0x54: {  	_ =	strace @!p0 $0x90000047  }
0x55: {  	s0 =	sadd.s32 @!p0 $0x100000, s0;
	[bflag:$0x2] =	sbarrier.arrive @!p0 $0xFFFF  }
0x56: {  	[sflag:s0] =	ssyncadd.tile.s32 @!p0 $0x1;
	_ =	shalt  }
.Lfunc_end2:
_tile_overlayer_lowered:
.L_overlay_start_2:
0x57: {  	(tag) =	ssettag $0x2  }
0x58: {  	s0 =	rddreg [dreg:$0x0];
	s2 =	stileid.u32  }
0x59: {  	s1 =	rddreg [dreg:$0x1];
	p0 =	sne.s32 s2, $0x0  }
0x5a: {  	s3 =	rddreg [dreg:$0x2];
	[bflag:$0x3] =	sbarrier.arrive $0xFFFF;
	s2 =	simm.s32 @!p0 $0x1C01  }
0x5b: {  	[timem:s3], [sflag:s2] =	dma.local @!p0 [hbm:s0], s1  }
0x5c: {  	s0 =	simm.s32 @!p0 $0x1  }
0x5d: {  	_ =	swait.ge @!p0 [sflag:s0], s1  }
0x5e: {  	s1 =	ssub.s32 @!p0 $0x0, s1;
	[sflag:s0] =	ssyncset.done @!p0 $0x0  }
0x5f: {  	[sflag:s0] =	ssyncadd.s32 @!p0 s1  }
0x60: {  	[bflag:$0x3] =	sbarrier.arrive $0xFFFF  }
0x61: {  	_ =	shalt  }

</sc_bundles>
